<compile_context>
chip_gen: v7x
topology: tpu7x:2x2x1
jax: 0.10.2.dev20260603
libtpu: 0.0.44.dev20260713+nightly
codegen_flags: <defaults>
</compile_context>

<pallas_src>
import functools

import jax
import jax.numpy as jnp
from jax import lax
from jax.experimental import pallas as pl
from jax.experimental.pallas import tpu as pltpu
from jax.experimental.pallas import tpu_sc as plsc

N = 10000
E = 320000
D = 128
H = 256
L = 4

NC = 2
NS = 16
NW = NC * NS
EPW = E // NW
C = 100
K = EPW // C
NBUF = 3
KTAIL = (K // NBUF) * NBUF
RPT = 624
REM = N - NS * RPT

ROWS_BLK = 1000
NBLK = N // ROWS_BLK


def _seg_sum(h, src_r, dst_r, zeros):
  mesh = plsc.VectorSubcoreMesh(core_axis_name="c", subcore_axis_name="s")

  @functools.partial(
      pl.kernel,
      out_type=jax.ShapeDtypeStruct((NC, N, D), jnp.float32),
      mesh=mesh,
      scratch_types=[
          pltpu.VMEM((NBUF, C), jnp.int32),
          pltpu.VMEM((NBUF, C), jnp.int32),
          pltpu.VMEM((NBUF, C, D), jnp.float32),
          pltpu.VMEM_SHARED((N, D), jnp.float32),
          [pltpu.SemaphoreType.DMA] * NBUF,
          [pltpu.SemaphoreType.DMA] * NBUF,
          [pltpu.SemaphoreType.DMA] * NBUF,
          [pltpu.SemaphoreType.DMA] * NBUF,
      ],
  )
  def k(h_hbm, src_hbm, dst_hbm, z_hbm, out_hbm, sidx, didx, rows_v,
        agg_sh, gsem, ssem, sisem, disem):
    c = lax.axis_index("c")
    s = lax.axis_index("s")
    pltpu.sync_copy(z_hbm.at[pl.ds(s * RPT, RPT)],
                    agg_sh.at[pl.ds(s * RPT, RPT)])

    @pl.when(s == 0)
    def _():
      pltpu.sync_copy(z_hbm.at[pl.ds(NS * RPT, REM)],
                      agg_sh.at[pl.ds(NS * RPT, REM)])

    plsc.subcore_barrier()

    def wait_idx(ref, sem, b):
      pltpu.make_async_copy(src_hbm.at[c, s, 0], ref.at[b], sem[b]).wait()

    def wait_rows(sem, b):
      pltpu.make_async_copy(h_hbm.at[sidx.at[b]], rows_v.at[b],
                            sem[b]).wait()

    for b in range(NBUF):
      pltpu.async_copy(src_hbm.at[c, s, b], sidx.at[b], sisem[b])
      pltpu.async_copy(dst_hbm.at[c, s, b], didx.at[b], disem[b])
    for b in range(NBUF):
      wait_idx(sidx, sisem, b)
      pltpu.async_copy(h_hbm.at[sidx.at[b]], rows_v.at[b], gsem[b])

    def body(jp, carry):
      j0 = jp * NBUF
      for b in range(NBUF):
        wait_rows(gsem, b)

        @pl.when(j0 + b + NBUF < K)
        def _():
          pltpu.async_copy(src_hbm.at[c, s, j0 + b + NBUF], sidx.at[b],
                           sisem[b])

        wait_idx(didx, disem, b)
        pltpu.async_copy(rows_v.at[b], agg_sh.at[didx.at[b]], ssem[b],
                         add=True)
      for b in range(NBUF):
        wait_rows(ssem, b)

        @pl.when(j0 + b + NBUF < K)
        def _():
          pltpu.async_copy(dst_hbm.at[c, s, j0 + b + NBUF], didx.at[b],
                           disem[b])
          wait_idx(sidx, sisem, b)
          pltpu.async_copy(h_hbm.at[sidx.at[b]], rows_v.at[b], gsem[b])

      return carry

    lax.fori_loop(0, K // NBUF, body, 0)
    for j in range(KTAIL, K):
      b = j % NBUF
      wait_rows(gsem, b)
      wait_idx(didx, disem, b)
      pltpu.async_copy(rows_v.at[b], agg_sh.at[didx.at[b]], ssem[b],
                       add=True)
    for j in range(KTAIL, K):
      wait_rows(ssem, j % NBUF)
    plsc.subcore_barrier()
    pltpu.sync_copy(agg_sh.at[pl.ds(s * RPT, RPT)],
                    out_hbm.at[c, pl.ds(s * RPT, RPT)])

    @pl.when(s == 0)
    def _():
      pltpu.sync_copy(agg_sh.at[pl.ds(NS * RPT, REM)],
                      out_hbm.at[c, pl.ds(NS * RPT, REM)])

  return k(h, src_r, dst_r, zeros)


def _lin0(x, W, b):
  def body(x_ref, w_ref, b_ref, o_ref):
    o_ref[...] = jnp.dot(x_ref[...], w_ref[...],
                         preferred_element_type=jnp.float32) + b_ref[...]

  return pl.pallas_call(
      body,
      grid=(NBLK,),
      in_specs=[
          pl.BlockSpec((ROWS_BLK, D), lambda i: (i, 0)),
          pl.BlockSpec((D, D), lambda i: (0, 0)),
          pl.BlockSpec((1, D), lambda i: (0, 0)),
      ],
      out_specs=pl.BlockSpec((ROWS_BLK, D), lambda i: (i, 0)),
      out_shape=jax.ShapeDtypeStruct((N, D), jnp.float32),
  )(x, W, b.reshape(1, D))


def _mlp(h, p0, p1, W1, b1, W2, b2):
  def body(h_ref, p0_ref, p1_ref, w1_ref, b1_ref, w2_ref, b2_ref, o_ref):
    hh = h_ref[...]
    z = hh + p0_ref[...] + p1_ref[...]
    a = jnp.dot(z, w1_ref[...], preferred_element_type=jnp.float32)
    a = jnp.maximum(a + b1_ref[...], 0.0)
    zz = jnp.dot(a, w2_ref[...], preferred_element_type=jnp.float32)
    o_ref[...] = hh + jnp.maximum(zz + b2_ref[...], 0.0)

  return pl.pallas_call(
      body,
      grid=(NBLK,),
      in_specs=[
          pl.BlockSpec((ROWS_BLK, D), lambda i: (i, 0)),
          pl.BlockSpec((ROWS_BLK, D), lambda i: (i, 0)),
          pl.BlockSpec((ROWS_BLK, D), lambda i: (i, 0)),
          pl.BlockSpec((D, H), lambda i: (0, 0)),
          pl.BlockSpec((1, H), lambda i: (0, 0)),
          pl.BlockSpec((H, D), lambda i: (0, 0)),
          pl.BlockSpec((1, D), lambda i: (0, 0)),
      ],
      out_specs=pl.BlockSpec((ROWS_BLK, D), lambda i: (i, 0)),
      out_shape=jax.ShapeDtypeStruct((N, D), jnp.float32),
  )(h, p0, p1, W1, b1.reshape(1, H), W2, b2.reshape(1, D))


def _readout(h, W1, b1, W2, b2):
  def body(h_ref, w1_ref, b1_ref, w2_ref, b2_ref, o_ref, acc_ref):
    i = pl.program_id(0)

    @pl.when(i == 0)
    def _():
      acc_ref[...] = jnp.zeros_like(acc_ref)

    acc_ref[...] += jnp.sum(h_ref[...], axis=0, keepdims=True)

    @pl.when(i == NBLK - 1)
    def _():
      s = acc_ref[...]
      a = jnp.dot(s, w1_ref[...], preferred_element_type=jnp.float32)
      a = jnp.maximum(a + b1_ref[...], 0.0)
      o = jnp.dot(a, w2_ref[...], preferred_element_type=jnp.float32)
      o_ref[...] = o + b2_ref[...]

  return pl.pallas_call(
      body,
      grid=(NBLK,),
      in_specs=[
          pl.BlockSpec((ROWS_BLK, D), lambda i: (i, 0)),
          pl.BlockSpec((D, D), lambda i: (0, 0)),
          pl.BlockSpec((1, D), lambda i: (0, 0)),
          pl.BlockSpec((D, D), lambda i: (0, 0)),
          pl.BlockSpec((1, D), lambda i: (0, 0)),
      ],
      out_specs=pl.BlockSpec((1, D), lambda i: (0, 0)),
      out_shape=jax.ShapeDtypeStruct((1, D), jnp.float32),
      scratch_shapes=[pltpu.VMEM((1, D), jnp.float32)],
  )(h, W1, b1.reshape(1, D), W2, b2.reshape(1, D))


def kernel(x, edge_index, lin0_W, lin0_b, Wm1, bm1, g1, be1, m1, v1,
           Wm2, bm2, g2, be2, m2, v2, lin1_W, lin1_b, lin2_W, lin2_b):
  s1 = g1 / jnp.sqrt(v1 + 1e-5)
  t1 = be1 - m1 * s1
  W1f = Wm1 * s1[:, None, :]
  b1f = bm1 * s1 + t1
  s2 = g2 / jnp.sqrt(v2 + 1e-5)
  t2 = be2 - m2 * s2
  W2f = Wm2 * s2[:, None, :]
  b2f = bm2 * s2 + t2

  src_r = edge_index[0].reshape(NC, NS, K, C)
  dst_r = edge_index[1].reshape(NC, NS, K, C)
  zeros = jnp.zeros((N, D), jnp.float32)

  h = _lin0(x, lin0_W, lin0_b)
  for l in range(L):
    parts = _seg_sum(h, src_r, dst_r, zeros)
    h = _mlp(h, parts[0], parts[1], W1f[l], b1f[l], W2f[l], b2f[l])
  return _readout(h, lin1_W, lin1_b, lin2_W, lin2_b)

# --- scband reference (transcript-rebuilt; emitter-appended) ---
"""Pipeline reference for scband-ginencoder-18047452577893 (READ-ONLY COPY).

The authoritative reference and input builder live on the scoring server;
editing this copy changes nothing except your own understanding.
"""

import jax, jax.numpy as jnp
import numpy as np

N = 10000
E = 320000
D = 128
H = 256
L = 4


def setup_inputs(seed: int = 0) -> dict:
    key = jax.random.key(seed)
    ks = jax.random.split(key, 24)
    s = 0.05
    inp = {
        'x': jax.random.normal(ks[0], (N, D), dtype=jnp.float32),
        'edge_index': jax.random.randint(ks[1], (2, E), 0, N, dtype=jnp.int32),
        'lin0_W': jax.random.normal(ks[2], (D, D), dtype=jnp.float32) * s,
        'lin0_b': jnp.zeros((D,), dtype=jnp.float32),
        'Wm1': jax.random.normal(ks[3], (L, D, H), dtype=jnp.float32) * s,
        'bm1': jnp.zeros((L, H), dtype=jnp.float32),
        'g1': jnp.ones((L, H), dtype=jnp.float32),
        'be1': jnp.zeros((L, H), dtype=jnp.float32),
        'm1': jnp.zeros((L, H), dtype=jnp.float32),
        'v1': jnp.ones((L, H), dtype=jnp.float32),
        'Wm2': jax.random.normal(ks[4], (L, H, D), dtype=jnp.float32) * s,
        'bm2': jnp.zeros((L, D), dtype=jnp.float32),
        'g2': jnp.ones((L, D), dtype=jnp.float32),
        'be2': jnp.zeros((L, D), dtype=jnp.float32),
        'm2': jnp.zeros((L, D), dtype=jnp.float32),
        'v2': jnp.ones((L, D), dtype=jnp.float32),
        'lin1_W': jax.random.normal(ks[5], (D, D), dtype=jnp.float32) * s,
        'lin1_b': jnp.zeros((D,), dtype=jnp.float32),
        'lin2_W': jax.random.normal(ks[6], (D, D), dtype=jnp.float32) * s,
        'lin2_b': jnp.zeros((D,), dtype=jnp.float32),
    }
    return inp


def _bn(h, g, b, m, v):
    # eval-mode BatchNorm1d with running stats
    return (h - m) / jnp.sqrt(v + 1e-5) * g + b


def reference(x, edge_index, lin0_W, lin0_b, Wm1, bm1, g1, be1, m1, v1,
              Wm2, bm2, g2, be2, m2, v2, lin1_W, lin1_b, lin2_W, lin2_b):
    src = edge_index[0]
    dst = edge_index[1]
    h = x @ lin0_W + lin0_b
    for l in range(L):
        # GINConv: (1 + eps) * x + sum_{j in N(i)} x_j, eps = 0
        agg = jax.ops.segment_sum(h[src], dst, num_segments=N)
        z = h + agg
        # mlp: Linear -> BN -> ReLU -> (Dropout, eval no-op) -> Linear
        z = z @ Wm1[l] + bm1[l]
        z = _bn(z, g1[l], be1[l], m1[l], v1[l])
        z = jax.nn.relu(z)
        z = z @ Wm2[l] + bm2[l]
        # layer norm BN(dim) -> ReLU -> Dropout (no-op) -> residual
        z = _bn(z, g2[l], be2[l], m2[l], v2[l])
        z = jax.nn.relu(z)
        h = h + z
    out = h.sum(axis=0, keepdims=True)
    out = jax.nn.relu(out @ lin1_W + lin1_b)
    out = out @ lin2_W + lin2_b
    return out

if __name__ == "__main__":
    import jax
    _d = setup_inputs()
    print(jax.jit(kernel)(*tuple(_d.values())))

</pallas_src>

<mosaic_0001>
#map = affine_map<(d0, d1) -> (0, 0)>
#map1 = affine_map<(d0, d1) -> (0, 0, 0, 0)>
#map2 = affine_map<(d0, d1) -> (0, 0, 0)>
module attributes {stable_mosaic.version = 14 : i64} {
  func.func @k(%arg0: i32, %arg1: i32, %arg2: memref<10000x128xf32, #tpu.memory_space<hbm>>, %arg3: memref<2x16x100x100xi32, #tpu.memory_space<hbm>>, %arg4: memref<2x16x100x100xi32, #tpu.memory_space<hbm>>, %arg5: memref<10000x128xf32, #tpu.memory_space<hbm>>, %arg6: memref<2x10000x128xf32, #tpu.memory_space<hbm>>, %arg7: memref<3x100xi32, #tpu.memory_space<vmem>>, %arg8: memref<3x100xi32, #tpu.memory_space<vmem>>, %arg9: memref<3x100x128xf32, #tpu.memory_space<vmem>>, %arg10: memref<10000x128xf32, #tpu.memory_space<vmem_shared>>, %arg11: memref<!tpu.dma_semaphore, #tpu.memory_space<semaphore_mem>>, %arg12: memref<!tpu.dma_semaphore, #tpu.memory_space<semaphore_mem>>, %arg13: memref<!tpu.dma_semaphore, #tpu.memory_space<semaphore_mem>>, %arg14: memref<!tpu.dma_semaphore, #tpu.memory_space<semaphore_mem>>, %arg15: memref<!tpu.dma_semaphore, #tpu.memory_space<semaphore_mem>>, %arg16: memref<!tpu.dma_semaphore, #tpu.memory_space<semaphore_mem>>, %arg17: memref<!tpu.dma_semaphore, #tpu.memory_space<semaphore_mem>>, %arg18: memref<!tpu.dma_semaphore, #tpu.memory_space<semaphore_mem>>, %arg19: memref<!tpu.dma_semaphore, #tpu.memory_space<semaphore_mem>>, %arg20: memref<!tpu.dma_semaphore, #tpu.memory_space<semaphore_mem>>, %arg21: memref<!tpu.dma_semaphore, #tpu.memory_space<semaphore_mem>>, %arg22: memref<!tpu.dma_semaphore, #tpu.memory_space<semaphore_mem>>) attributes {dimension_semantics = [#tpu.dimension_semantics<core_parallel>, #tpu.dimension_semantics<subcore_parallel>], iteration_bounds = array<i64: 2, 16>, scalar_prefetch = 0 : i64, scratch_operands = 16 : i64, tpu.core_type = #tpu.core_type<sc_vector_subcore>, window_params = [{transform_indices = #map}, {transform_indices = #map1}, {transform_indices = #map1}, {transform_indices = #map}, {transform_indices = #map2}]} {
    %mul3A = arith.constant 624 : i32
    %mul3A_0 = arith.muli %arg1, %mul3A : i32
    %mul3A_1 = arith.constant 624 : i32
    %mul3A_2 = arith.muli %arg1, %mul3A_1 : i32
    "tpu.region"() ({
      %run_scoped3A = tpu.sem_alloc : memref<!tpu.dma_semaphore, #tpu.memory_space<semaphore_mem>>
      %dma_start3A_230 = arith.constant 0 : i32
      %dma_start3A_231 = tpu.memref_slice %arg10[%mul3A_2, %dma_start3A_230] : memref<10000x128xf32, #tpu.memory_space<vmem_shared>> -> memref<624x128xf32, #tpu.memory_space<vmem_shared>>
      %dma_start3A_232 = arith.constant 0 : i32
      %dma_start3A_233 = tpu.memref_slice %arg5[%mul3A_0, %dma_start3A_232] : memref<10000x128xf32, #tpu.memory_space<hbm>> -> memref<624x128xf32, #tpu.memory_space<hbm>>
      tpu.enqueue_dma source(%dma_start3A_233 : memref<624x128xf32, #tpu.memory_space<hbm>>) target(%dma_start3A_231 : memref<624x128xf32, #tpu.memory_space<vmem_shared>>) target_semaphore(%run_scoped3A : memref<!tpu.dma_semaphore, #tpu.memory_space<semaphore_mem>>)
      %dma_wait3A_234 = arith.constant 0 : i32
      %dma_wait3A_235 = tpu.memref_slice %arg10[%mul3A_2, %dma_wait3A_234] : memref<10000x128xf32, #tpu.memory_space<vmem_shared>> -> memref<624x128xf32, #tpu.memory_space<vmem_shared>>
      %dma_wait3A_236 = arith.constant 0 : i32
      %dma_wait3A_237 = tpu.memref_slice %arg5[%mul3A_0, %dma_wait3A_236] : memref<10000x128xf32, #tpu.memory_space<hbm>> -> memref<624x128xf32, #tpu.memory_space<hbm>>
      tpu.wait_dma2 semaphore(%run_scoped3A : memref<!tpu.dma_semaphore, #tpu.memory_space<semaphore_mem>>) src(%dma_wait3A_237 : memref<624x128xf32, #tpu.memory_space<hbm>>) dst(%dma_wait3A_235 : memref<624x128xf32, #tpu.memory_space<vmem_shared>>)
      tpu.yield
    }) : () -> ()
    %eq3A = arith.constant 0 : i32
    %eq3A_3 = arith.cmpi eq, %arg1, %eq3A : i32
    %convert_element_type3A = arith.extui %eq3A_3 : i1 to i32
    %cond3A = arith.constant 0 : i32
    %cond3A_4 = arith.cmpi ne, %convert_element_type3A, %cond3A : i32
    scf.if %cond3A_4 {
      "tpu.region"() ({
        %run_scoped3A = tpu.sem_alloc : memref<!tpu.dma_semaphore, #tpu.memory_space<semaphore_mem>>
        %dma_start3A_230 = arith.constant 9984 : i32
        %dma_start3A_231 = arith.constant 0 : i32
        %dma_start3A_232 = tpu.memref_slice %arg10[%dma_start3A_230, %dma_start3A_231] : memref<10000x128xf32, #tpu.memory_space<vmem_shared>> -> memref<16x128xf32, #tpu.memory_space<vmem_shared>>
        %dma_start3A_233 = arith.constant 9984 : i32
        %dma_start3A_234 = arith.constant 0 : i32
        %dma_start3A_235 = tpu.memref_slice %arg5[%dma_start3A_233, %dma_start3A_234] : memref<10000x128xf32, #tpu.memory_space<hbm>> -> memref<16x128xf32, #tpu.memory_space<hbm>>
        tpu.enqueue_dma source(%dma_start3A_235 : memref<16x128xf32, #tpu.memory_space<hbm>>) target(%dma_start3A_232 : memref<16x128xf32, #tpu.memory_space<vmem_shared>>) target_semaphore(%run_scoped3A : memref<!tpu.dma_semaphore, #tpu.memory_space<semaphore_mem>>)
        %dma_wait3A_236 = arith.constant 9984 : i32
        %dma_wait3A_237 = arith.constant 0 : i32
        %dma_wait3A_238 = tpu.memref_slice %arg10[%dma_wait3A_236, %dma_wait3A_237] : memref<10000x128xf32, #tpu.memory_space<vmem_shared>> -> memref<16x128xf32, #tpu.memory_space<vmem_shared>>
        %dma_wait3A_239 = arith.constant 9984 : i32
        %dma_wait3A_240 = arith.constant 0 : i32
        %dma_wait3A_241 = tpu.memref_slice %arg5[%dma_wait3A_239, %dma_wait3A_240] : memref<10000x128xf32, #tpu.memory_space<hbm>> -> memref<16x128xf32, #tpu.memory_space<hbm>>
        tpu.wait_dma2 semaphore(%run_scoped3A : memref<!tpu.dma_semaphore, #tpu.memory_space<semaphore_mem>>) src(%dma_wait3A_241 : memref<16x128xf32, #tpu.memory_space<hbm>>) dst(%dma_wait3A_238 : memref<16x128xf32, #tpu.memory_space<vmem_shared>>)
        tpu.yield
      }) : () -> ()
    } else {
    }
    %barrier3A = arith.constant 0 : index
    tpu.barrier barrier_id(%barrier3A)
    %dma_start3A = arith.constant 0 : i32
    %dma_start3A_5 = arith.constant 0 : i32
    %dma_start3A_6 = arith.constant 0 : i32
    %dma_start3A_7 = tpu.memref_slice %arg7[%dma_start3A_5, %dma_start3A_6] : memref<3x100xi32, #tpu.memory_space<vmem>> -> memref<1x100xi32, #tpu.memory_space<vmem>>
    %dma_start3A_8 = tpu.memref_squeeze %dma_start3A_7 : memref<1x100xi32, #tpu.memory_space<vmem>> -> memref<100xi32, #tpu.memory_space<vmem>>
    %dma_start3A_9 = arith.constant 0 : i32
    %dma_start3A_10 = tpu.memref_slice %arg3[%arg0, %arg1, %dma_start3A, %dma_start3A_9] : memref<2x16x100x100xi32, #tpu.memory_space<hbm>> -> memref<1x1x1x100xi32, #tpu.memory_space<hbm>>
    %dma_start3A_11 = tpu.memref_squeeze %dma_start3A_10 : memref<1x1x1x100xi32, #tpu.memory_space<hbm>> -> memref<100xi32, #tpu.memory_space<hbm>>
    %dma_start3A_12 = arith.constant 0 : i32
    %dma_start3A_13 = tpu.memref_slice %arg7[%dma_start3A_5, %dma_start3A_12] : memref<3x100xi32, #tpu.memory_space<vmem>> -> memref<1x100xi32, #tpu.memory_space<vmem>>
    %dma_start3A_14 = tpu.memref_squeeze %dma_start3A_13 : memref<1x100xi32, #tpu.memory_space<vmem>> -> memref<100xi32, #tpu.memory_space<vmem>>
    %dma_start3A_15 = arith.constant 0 : i32
    %dma_start3A_16 = tpu.memref_slice %arg3[%arg0, %arg1, %dma_start3A, %dma_start3A_15] : memref<2x16x100x100xi32, #tpu.memory_space<hbm>> -> memref<1x1x1x100xi32, #tpu.memory_space<hbm>>
    %dma_start3A_17 = tpu.memref_squeeze %dma_start3A_16 : memref<1x1x1x100xi32, #tpu.memory_space<hbm>> -> memref<100xi32, #tpu.memory_space<hbm>>
    tpu.enqueue_dma source(%dma_start3A_17 : memref<100xi32, #tpu.memory_space<hbm>>) target(%dma_start3A_14 : memref<100xi32, #tpu.memory_space<vmem>>) target_semaphore(%arg17 : memref<!tpu.dma_semaphore, #tpu.memory_space<semaphore_mem>>)
    %dma_start3A_18 = arith.constant 0 : i32
    %dma_start3A_19 = arith.constant 0 : i32
    %dma_start3A_20 = arith.constant 0 : i32
    %dma_start3A_21 = tpu.memref_slice %arg8[%dma_start3A_19, %dma_start3A_20] : memref<3x100xi32, #tpu.memory_space<vmem>> -> memref<1x100xi32, #tpu.memory_space<vmem>>
    %dma_start3A_22 = tpu.memref_squeeze %dma_start3A_21 : memref<1x100xi32, #tpu.memory_space<vmem>> -> memref<100xi32, #tpu.memory_space<vmem>>
    %dma_start3A_23 = arith.constant 0 : i32
    %dma_start3A_24 = tpu.memref_slice %arg4[%arg0, %arg1, %dma_start3A_18, %dma_start3A_23] : memref<2x16x100x100xi32, #tpu.memory_space<hbm>> -> memref<1x1x1x100xi32, #tpu.memory_space<hbm>>
    %dma_start3A_25 = tpu.memref_squeeze %dma_start3A_24 : memref<1x1x1x100xi32, #tpu.memory_space<hbm>> -> memref<100xi32, #tpu.memory_space<hbm>>
    %dma_start3A_26 = arith.constant 0 : i32
    %dma_start3A_27 = tpu.memref_slice %arg8[%dma_start3A_19, %dma_start3A_26] : memref<3x100xi32, #tpu.memory_space<vmem>> -> memref<1x100xi32, #tpu.memory_space<vmem>>
    %dma_start3A_28 = tpu.memref_squeeze %dma_start3A_27 : memref<1x100xi32, #tpu.memory_space<vmem>> -> memref<100xi32, #tpu.memory_space<vmem>>
    %dma_start3A_29 = arith.constant 0 : i32
    %dma_start3A_30 = tpu.memref_slice %arg4[%arg0, %arg1, %dma_start3A_18, %dma_start3A_29] : memref<2x16x100x100xi32, #tpu.memory_space<hbm>> -> memref<1x1x1x100xi32, #tpu.memory_space<hbm>>
    %dma_start3A_31 = tpu.memref_squeeze %dma_start3A_30 : memref<1x1x1x100xi32, #tpu.memory_space<hbm>> -> memref<100xi32, #tpu.memory_space<hbm>>
    tpu.enqueue_dma source(%dma_start3A_31 : memref<100xi32, #tpu.memory_space<hbm>>) target(%dma_start3A_28 : memref<100xi32, #tpu.memory_space<vmem>>) target_semaphore(%arg20 : memref<!tpu.dma_semaphore, #tpu.memory_space<semaphore_mem>>)
    %dma_start3A_32 = arith.constant 1 : i32
    %dma_start3A_33 = arith.constant 1 : i32
    %dma_start3A_34 = arith.constant 0 : i32
    %dma_start3A_35 = tpu.memref_slice %arg7[%dma_start3A_33, %dma_start3A_34] : memref<3x100xi32, #tpu.memory_space<vmem>> -> memref<1x100xi32, #tpu.memory_space<vmem>>
    %dma_start3A_36 = tpu.memref_squeeze %dma_start3A_35 : memref<1x100xi32, #tpu.memory_space<vmem>> -> memref<100xi32, #tpu.memory_space<vmem>>
    %dma_start3A_37 = arith.constant 0 : i32
    %dma_start3A_38 = tpu.memref_slice %arg3[%arg0, %arg1, %dma_start3A_32, %dma_start3A_37] : memref<2x16x100x100xi32, #tpu.memory_space<hbm>> -> memref<1x1x1x100xi32, #tpu.memory_space<hbm>>
    %dma_start3A_39 = tpu.memref_squeeze %dma_start3A_38 : memref<1x1x1x100xi32, #tpu.memory_space<hbm>> -> memref<100xi32, #tpu.memory_space<hbm>>
    %dma_start3A_40 = arith.constant 0 : i32
    %dma_start3A_41 = tpu.memref_slice %arg7[%dma_start3A_33, %dma_start3A_40] : memref<3x100xi32, #tpu.memory_space<vmem>> -> memref<1x100xi32, #tpu.memory_space<vmem>>
    %dma_start3A_42 = tpu.memref_squeeze %dma_start3A_41 : memref<1x100xi32, #tpu.memory_space<vmem>> -> memref<100xi32, #tpu.memory_space<vmem>>
    %dma_start3A_43 = arith.constant 0 : i32
    %dma_start3A_44 = tpu.memref_slice %arg3[%arg0, %arg1, %dma_start3A_32, %dma_start3A_43] : memref<2x16x100x100xi32, #tpu.memory_space<hbm>> -> memref<1x1x1x100xi32, #tpu.memory_space<hbm>>
    %dma_start3A_45 = tpu.memref_squeeze %dma_start3A_44 : memref<1x1x1x100xi32, #tpu.memory_space<hbm>> -> memref<100xi32, #tpu.memory_space<hbm>>
    tpu.enqueue_dma source(%dma_start3A_45 : memref<100xi32, #tpu.memory_space<hbm>>) target(%dma_start3A_42 : memref<100xi32, #tpu.memory_space<vmem>>) target_semaphore(%arg18 : memref<!tpu.dma_semaphore, #tpu.memory_space<semaphore_mem>>)
    %dma_start3A_46 = arith.constant 1 : i32
    %dma_start3A_47 = arith.constant 1 : i32
    %dma_start3A_48 = arith.constant 0 : i32
    %dma_start3A_49 = tpu.memref_slice %arg8[%dma_start3A_47, %dma_start3A_48] : memref<3x100xi32, #tpu.memory_space<vmem>> -> memref<1x100xi32, #tpu.memory_space<vmem>>
    %dma_start3A_50 = tpu.memref_squeeze %dma_start3A_49 : memref<1x100xi32, #tpu.memory_space<vmem>> -> memref<100xi32, #tpu.memory_space<vmem>>
    %dma_start3A_51 = arith.constant 0 : i32
    %dma_start3A_52 = tpu.memref_slice %arg4[%arg0, %arg1, %dma_start3A_46, %dma_start3A_51] : memref<2x16x100x100xi32, #tpu.memory_space<hbm>> -> memref<1x1x1x100xi32, #tpu.memory_space<hbm>>
    %dma_start3A_53 = tpu.memref_squeeze %dma_start3A_52 : memref<1x1x1x100xi32, #tpu.memory_space<hbm>> -> memref<100xi32, #tpu.memory_space<hbm>>
    %dma_start3A_54 = arith.constant 0 : i32
    %dma_start3A_55 = tpu.memref_slice %arg8[%dma_start3A_47, %dma_start3A_54] : memref<3x100xi32, #tpu.memory_space<vmem>> -> memref<1x100xi32, #tpu.memory_space<vmem>>
    %dma_start3A_56 = tpu.memref_squeeze %dma_start3A_55 : memref<1x100xi32, #tpu.memory_space<vmem>> -> memref<100xi32, #tpu.memory_space<vmem>>
    %dma_start3A_57 = arith.constant 0 : i32
    %dma_start3A_58 = tpu.memref_slice %arg4[%arg0, %arg1, %dma_start3A_46, %dma_start3A_57] : memref<2x16x100x100xi32, #tpu.memory_space<hbm>> -> memref<1x1x1x100xi32, #tpu.memory_space<hbm>>
    %dma_start3A_59 = tpu.memref_squeeze %dma_start3A_58 : memref<1x1x1x100xi32, #tpu.memory_space<hbm>> -> memref<100xi32, #tpu.memory_space<hbm>>
    tpu.enqueue_dma source(%dma_start3A_59 : memref<100xi32, #tpu.memory_space<hbm>>) target(%dma_start3A_56 : memref<100xi32, #tpu.memory_space<vmem>>) target_semaphore(%arg21 : memref<!tpu.dma_semaphore, #tpu.memory_space<semaphore_mem>>)
    %dma_start3A_60 = arith.constant 2 : i32
    %dma_start3A_61 = arith.constant 2 : i32
    %dma_start3A_62 = arith.constant 0 : i32
    %dma_start3A_63 = tpu.memref_slice %arg7[%dma_start3A_61, %dma_start3A_62] : memref<3x100xi32, #tpu.memory_space<vmem>> -> memref<1x100xi32, #tpu.memory_space<vmem>>
    %dma_start3A_64 = tpu.memref_squeeze %dma_start3A_63 : memref<1x100xi32, #tpu.memory_space<vmem>> -> memref<100xi32, #tpu.memory_space<vmem>>
    %dma_start3A_65 = arith.constant 0 : i32
    %dma_start3A_66 = tpu.memref_slice %arg3[%arg0, %arg1, %dma_start3A_60, %dma_start3A_65] : memref<2x16x100x100xi32, #tpu.memory_space<hbm>> -> memref<1x1x1x100xi32, #tpu.memory_space<hbm>>
    %dma_start3A_67 = tpu.memref_squeeze %dma_start3A_66 : memref<1x1x1x100xi32, #tpu.memory_space<hbm>> -> memref<100xi32, #tpu.memory_space<hbm>>
    %dma_start3A_68 = arith.constant 0 : i32
    %dma_start3A_69 = tpu.memref_slice %arg7[%dma_start3A_61, %dma_start3A_68] : memref<3x100xi32, #tpu.memory_space<vmem>> -> memref<1x100xi32, #tpu.memory_space<vmem>>
    %dma_start3A_70 = tpu.memref_squeeze %dma_start3A_69 : memref<1x100xi32, #tpu.memory_space<vmem>> -> memref<100xi32, #tpu.memory_space<vmem>>
    %dma_start3A_71 = arith.constant 0 : i32
    %dma_start3A_72 = tpu.memref_slice %arg3[%arg0, %arg1, %dma_start3A_60, %dma_start3A_71] : memref<2x16x100x100xi32, #tpu.memory_space<hbm>> -> memref<1x1x1x100xi32, #tpu.memory_space<hbm>>
    %dma_start3A_73 = tpu.memref_squeeze %dma_start3A_72 : memref<1x1x1x100xi32, #tpu.memory_space<hbm>> -> memref<100xi32, #tpu.memory_space<hbm>>
    tpu.enqueue_dma source(%dma_start3A_73 : memref<100xi32, #tpu.memory_space<hbm>>) target(%dma_start3A_70 : memref<100xi32, #tpu.memory_space<vmem>>) target_semaphore(%arg19 : memref<!tpu.dma_semaphore, #tpu.memory_space<semaphore_mem>>)
    %dma_start3A_74 = arith.constant 2 : i32
    %dma_start3A_75 = arith.constant 2 : i32
    %dma_start3A_76 = arith.constant 0 : i32
    %dma_start3A_77 = tpu.memref_slice %arg8[%dma_start3A_75, %dma_start3A_76] : memref<3x100xi32, #tpu.memory_space<vmem>> -> memref<1x100xi32, #tpu.memory_space<vmem>>
    %dma_start3A_78 = tpu.memref_squeeze %dma_start3A_77 : memref<1x100xi32, #tpu.memory_space<vmem>> -> memref<100xi32, #tpu.memory_space<vmem>>
    %dma_start3A_79 = arith.constant 0 : i32
    %dma_start3A_80 = tpu.memref_slice %arg4[%arg0, %arg1, %dma_start3A_74, %dma_start3A_79] : memref<2x16x100x100xi32, #tpu.memory_space<hbm>> -> memref<1x1x1x100xi32, #tpu.memory_space<hbm>>
    %dma_start3A_81 = tpu.memref_squeeze %dma_start3A_80 : memref<1x1x1x100xi32, #tpu.memory_space<hbm>> -> memref<100xi32, #tpu.memory_space<hbm>>
    %dma_start3A_82 = arith.constant 0 : i32
    %dma_start3A_83 = tpu.memref_slice %arg8[%dma_start3A_75, %dma_start3A_82] : memref<3x100xi32, #tpu.memory_space<vmem>> -> memref<1x100xi32, #tpu.memory_space<vmem>>
    %dma_start3A_84 = tpu.memref_squeeze %dma_start3A_83 : memref<1x100xi32, #tpu.memory_space<vmem>> -> memref<100xi32, #tpu.memory_space<vmem>>
    %dma_start3A_85 = arith.constant 0 : i32
    %dma_start3A_86 = tpu.memref_slice %arg4[%arg0, %arg1, %dma_start3A_74, %dma_start3A_85] : memref<2x16x100x100xi32, #tpu.memory_space<hbm>> -> memref<1x1x1x100xi32, #tpu.memory_space<hbm>>
    %dma_start3A_87 = tpu.memref_squeeze %dma_start3A_86 : memref<1x1x1x100xi32, #tpu.memory_space<hbm>> -> memref<100xi32, #tpu.memory_space<hbm>>
    tpu.enqueue_dma source(%dma_start3A_87 : memref<100xi32, #tpu.memory_space<hbm>>) target(%dma_start3A_84 : memref<100xi32, #tpu.memory_space<vmem>>) target_semaphore(%arg22 : memref<!tpu.dma_semaphore, #tpu.memory_space<semaphore_mem>>)
    %dma_wait3A = arith.constant 0 : i32
    %dma_wait3A_88 = arith.constant 0 : i32
    %dma_wait3A_89 = arith.constant 0 : i32
    %dma_wait3A_90 = tpu.memref_slice %arg7[%dma_wait3A_88, %dma_wait3A_89] : memref<3x100xi32, #tpu.memory_space<vmem>> -> memref<1x100xi32, #tpu.memory_space<vmem>>
    %dma_wait3A_91 = tpu.memref_squeeze %dma_wait3A_90 : memref<1x100xi32, #tpu.memory_space<vmem>> -> memref<100xi32, #tpu.memory_space<vmem>>
    %dma_wait3A_92 = arith.constant 0 : i32
    %dma_wait3A_93 = tpu.memref_slice %arg3[%arg0, %arg1, %dma_wait3A, %dma_wait3A_92] : memref<2x16x100x100xi32, #tpu.memory_space<hbm>> -> memref<1x1x1x100xi32, #tpu.memory_space<hbm>>
    %dma_wait3A_94 = tpu.memref_squeeze %dma_wait3A_93 : memref<1x1x1x100xi32, #tpu.memory_space<hbm>> -> memref<100xi32, #tpu.memory_space<hbm>>
    %dma_wait3A_95 = arith.constant 0 : i32
    %dma_wait3A_96 = tpu.memref_slice %arg7[%dma_wait3A_88, %dma_wait3A_95] : memref<3x100xi32, #tpu.memory_space<vmem>> -> memref<1x100xi32, #tpu.memory_space<vmem>>
    %dma_wait3A_97 = tpu.memref_squeeze %dma_wait3A_96 : memref<1x100xi32, #tpu.memory_space<vmem>> -> memref<100xi32, #tpu.memory_space<vmem>>
    %dma_wait3A_98 = arith.constant 0 : i32
    %dma_wait3A_99 = tpu.memref_slice %arg3[%arg0, %arg1, %dma_wait3A, %dma_wait3A_98] : memref<2x16x100x100xi32, #tpu.memory_space<hbm>> -> memref<1x1x1x100xi32, #tpu.memory_space<hbm>>
    %dma_wait3A_100 = tpu.memref_squeeze %dma_wait3A_99 : memref<1x1x1x100xi32, #tpu.memory_space<hbm>> -> memref<100xi32, #tpu.memory_space<hbm>>
    tpu.wait_dma2 semaphore(%arg17 : memref<!tpu.dma_semaphore, #tpu.memory_space<semaphore_mem>>) src(%dma_wait3A_100 : memref<100xi32, #tpu.memory_space<hbm>>) dst(%dma_wait3A_97 : memref<100xi32, #tpu.memory_space<vmem>>)
    %dma_start3A_101 = arith.constant 0 : i32
    %dma_start3A_102 = arith.constant 0 : i32
    %dma_start3A_103 = arith.constant 0 : i32
    %dma_start3A_104 = arith.constant 0 : i32
    %dma_start3A_105 = tpu.memref_slice %arg9[%dma_start3A_102, %dma_start3A_103, %dma_start3A_104] : memref<3x100x128xf32, #tpu.memory_space<vmem>> -> memref<1x100x128xf32, #tpu.memory_space<vmem>>
    %dma_start3A_106 = tpu.memref_squeeze %dma_start3A_105 : memref<1x100x128xf32, #tpu.memory_space<vmem>> -> memref<100x128xf32, #tpu.memory_space<vmem>>
    %dma_start3A_107 = arith.constant 0 : i32
    %dma_start3A_108 = tpu.memref_slice %arg7[%dma_start3A_101, %dma_start3A_107] : memref<3x100xi32, #tpu.memory_space<vmem>> -> memref<1x100xi32, #tpu.memory_space<vmem>>
    %dma_start3A_109 = tpu.memref_squeeze %dma_start3A_108 : memref<1x100xi32, #tpu.memory_space<vmem>> -> memref<100xi32, #tpu.memory_space<vmem>>
    %dma_start3A_110 = arith.constant 0 : i32
    %dma_start3A_111 = arith.constant 0 : i32
    %dma_start3A_112 = tpu.memref_slice %arg2[%dma_start3A_110, %dma_start3A_111] : memref<10000x128xf32, #tpu.memory_space<hbm>> -> memref<10000x128xf32, #tpu.memory_space<hbm>>
    tpu.enqueue_indirect_dma source(%dma_start3A_112 : memref<10000x128xf32, #tpu.memory_space<hbm>>) target(%dma_start3A_106 : memref<100x128xf32, #tpu.memory_space<vmem>>) offsets(%dma_start3A_109 : memref<100xi32, #tpu.memory_space<vmem>>) semaphore(%arg11 : memref<!tpu.dma_semaphore, #tpu.memory_space<semaphore_mem>>)
    %dma_wait3A_113 = arith.constant 0 : i32
    %dma_wait3A_114 = arith.constant 1 : i32
    %dma_wait3A_115 = arith.constant 0 : i32
    %dma_wait3A_116 = tpu.memref_slice %arg7[%dma_wait3A_114, %dma_wait3A_115] : memref<3x100xi32, #tpu.memory_space<vmem>> -> memref<1x100xi32, #tpu.memory_space<vmem>>
    %dma_wait3A_117 = tpu.memref_squeeze %dma_wait3A_116 : memref<1x100xi32, #tpu.memory_space<vmem>> -> memref<100xi32, #tpu.memory_space<vmem>>
    %dma_wait3A_118 = arith.constant 0 : i32
    %dma_wait3A_119 = tpu.memref_slice %arg3[%arg0, %arg1, %dma_wait3A_113, %dma_wait3A_118] : memref<2x16x100x100xi32, #tpu.memory_space<hbm>> -> memref<1x1x1x100xi32, #tpu.memory_space<hbm>>
    %dma_wait3A_120 = tpu.memref_squeeze %dma_wait3A_119 : memref<1x1x1x100xi32, #tpu.memory_space<hbm>> -> memref<100xi32, #tpu.memory_space<hbm>>
    %dma_wait3A_121 = arith.constant 0 : i32
    %dma_wait3A_122 = tpu.memref_slice %arg7[%dma_wait3A_114, %dma_wait3A_121] : memref<3x100xi32, #tpu.memory_space<vmem>> -> memref<1x100xi32, #tpu.memory_space<vmem>>
    %dma_wait3A_123 = tpu.memref_squeeze %dma_wait3A_122 : memref<1x100xi32, #tpu.memory_space<vmem>> -> memref<100xi32, #tpu.memory_space<vmem>>
    %dma_wait3A_124 = arith.constant 0 : i32
    %dma_wait3A_125 = tpu.memref_slice %arg3[%arg0, %arg1, %dma_wait3A_113, %dma_wait3A_124] : memref<2x16x100x100xi32, #tpu.memory_space<hbm>> -> memref<1x1x1x100xi32, #tpu.memory_space<hbm>>
    %dma_wait3A_126 = tpu.memref_squeeze %dma_wait3A_125 : memref<1x1x1x100xi32, #tpu.memory_space<hbm>> -> memref<100xi32, #tpu.memory_space<hbm>>
    tpu.wait_dma2 semaphore(%arg18 : memref<!tpu.dma_semaphore, #tpu.memory_space<semaphore_mem>>) src(%dma_wait3A_126 : memref<100xi32, #tpu.memory_space<hbm>>) dst(%dma_wait3A_123 : memref<100xi32, #tpu.memory_space<vmem>>)
    %dma_start3A_127 = arith.constant 1 : i32
    %dma_start3A_128 = arith.constant 1 : i32
    %dma_start3A_129 = arith.constant 0 : i32
    %dma_start3A_130 = arith.constant 0 : i32
    %dma_start3A_131 = tpu.memref_slice %arg9[%dma_start3A_128, %dma_start3A_129, %dma_start3A_130] : memref<3x100x128xf32, #tpu.memory_space<vmem>> -> memref<1x100x128xf32, #tpu.memory_space<vmem>>
    %dma_start3A_132 = tpu.memref_squeeze %dma_start3A_131 : memref<1x100x128xf32, #tpu.memory_space<vmem>> -> memref<100x128xf32, #tpu.memory_space<vmem>>
    %dma_start3A_133 = arith.constant 0 : i32
    %dma_start3A_134 = tpu.memref_slice %arg7[%dma_start3A_127, %dma_start3A_133] : memref<3x100xi32, #tpu.memory_space<vmem>> -> memref<1x100xi32, #tpu.memory_space<vmem>>
    %dma_start3A_135 = tpu.memref_squeeze %dma_start3A_134 : memref<1x100xi32, #tpu.memory_space<vmem>> -> memref<100xi32, #tpu.memory_space<vmem>>
    %dma_start3A_136 = arith.constant 0 : i32
    %dma_start3A_137 = arith.constant 0 : i32
    %dma_start3A_138 = tpu.memref_slice %arg2[%dma_start3A_136, %dma_start3A_137] : memref<10000x128xf32, #tpu.memory_space<hbm>> -> memref<10000x128xf32, #tpu.memory_space<hbm>>
    tpu.enqueue_indirect_dma source(%dma_start3A_138 : memref<10000x128xf32, #tpu.memory_space<hbm>>) target(%dma_start3A_132 : memref<100x128xf32, #tpu.memory_space<vmem>>) offsets(%dma_start3A_135 : memref<100xi32, #tpu.memory_space<vmem>>) semaphore(%arg12 : memref<!tpu.dma_semaphore, #tpu.memory_space<semaphore_mem>>)
    %dma_wait3A_139 = arith.constant 0 : i32
    %dma_wait3A_140 = arith.constant 2 : i32
    %dma_wait3A_141 = arith.constant 0 : i32
    %dma_wait3A_142 = tpu.memref_slice %arg7[%dma_wait3A_140, %dma_wait3A_141] : memref<3x100xi32, #tpu.memory_space<vmem>> -> memref<1x100xi32, #tpu.memory_space<vmem>>
    %dma_wait3A_143 = tpu.memref_squeeze %dma_wait3A_142 : memref<1x100xi32, #tpu.memory_space<vmem>> -> memref<100xi32, #tpu.memory_space<vmem>>
    %dma_wait3A_144 = arith.constant 0 : i32
    %dma_wait3A_145 = tpu.memref_slice %arg3[%arg0, %arg1, %dma_wait3A_139, %dma_wait3A_144] : memref<2x16x100x100xi32, #tpu.memory_space<hbm>> -> memref<1x1x1x100xi32, #tpu.memory_space<hbm>>
    %dma_wait3A_146 = tpu.memref_squeeze %dma_wait3A_145 : memref<1x1x1x100xi32, #tpu.memory_space<hbm>> -> memref<100xi32, #tpu.memory_space<hbm>>
    %dma_wait3A_147 = arith.constant 0 : i32
    %dma_wait3A_148 = tpu.memref_slice %arg7[%dma_wait3A_140, %dma_wait3A_147] : memref<3x100xi32, #tpu.memory_space<vmem>> -> memref<1x100xi32, #tpu.memory_space<vmem>>
    %dma_wait3A_149 = tpu.memref_squeeze %dma_wait3A_148 : memref<1x100xi32, #tpu.memory_space<vmem>> -> memref<100xi32, #tpu.memory_space<vmem>>
    %dma_wait3A_150 = arith.constant 0 : i32
    %dma_wait3A_151 = tpu.memref_slice %arg3[%arg0, %arg1, %dma_wait3A_139, %dma_wait3A_150] : memref<2x16x100x100xi32, #tpu.memory_space<hbm>> -> memref<1x1x1x100xi32, #tpu.memory_space<hbm>>
    %dma_wait3A_152 = tpu.memref_squeeze %dma_wait3A_151 : memref<1x1x1x100xi32, #tpu.memory_space<hbm>> -> memref<100xi32, #tpu.memory_space<hbm>>
    tpu.wait_dma2 semaphore(%arg19 : memref<!tpu.dma_semaphore, #tpu.memory_space<semaphore_mem>>) src(%dma_wait3A_152 : memref<100xi32, #tpu.memory_space<hbm>>) dst(%dma_wait3A_149 : memref<100xi32, #tpu.memory_space<vmem>>)
    %dma_start3A_153 = arith.constant 2 : i32
    %dma_start3A_154 = arith.constant 2 : i32
    %dma_start3A_155 = arith.constant 0 : i32
    %dma_start3A_156 = arith.constant 0 : i32
    %dma_start3A_157 = tpu.memref_slice %arg9[%dma_start3A_154, %dma_start3A_155, %dma_start3A_156] : memref<3x100x128xf32, #tpu.memory_space<vmem>> -> memref<1x100x128xf32, #tpu.memory_space<vmem>>
    %dma_start3A_158 = tpu.memref_squeeze %dma_start3A_157 : memref<1x100x128xf32, #tpu.memory_space<vmem>> -> memref<100x128xf32, #tpu.memory_space<vmem>>
    %dma_start3A_159 = arith.constant 0 : i32
    %dma_start3A_160 = tpu.memref_slice %arg7[%dma_start3A_153, %dma_start3A_159] : memref<3x100xi32, #tpu.memory_space<vmem>> -> memref<1x100xi32, #tpu.memory_space<vmem>>
    %dma_start3A_161 = tpu.memref_squeeze %dma_start3A_160 : memref<1x100xi32, #tpu.memory_space<vmem>> -> memref<100xi32, #tpu.memory_space<vmem>>
    %dma_start3A_162 = arith.constant 0 : i32
    %dma_start3A_163 = arith.constant 0 : i32
    %dma_start3A_164 = tpu.memref_slice %arg2[%dma_start3A_162, %dma_start3A_163] : memref<10000x128xf32, #tpu.memory_space<hbm>> -> memref<10000x128xf32, #tpu.memory_space<hbm>>
    tpu.enqueue_indirect_dma source(%dma_start3A_164 : memref<10000x128xf32, #tpu.memory_space<hbm>>) target(%dma_start3A_158 : memref<100x128xf32, #tpu.memory_space<vmem>>) offsets(%dma_start3A_161 : memref<100xi32, #tpu.memory_space<vmem>>) semaphore(%arg13 : memref<!tpu.dma_semaphore, #tpu.memory_space<semaphore_mem>>)
    %scan3A = arith.constant 0 : i32
    %scan3A_165 = arith.constant 0 : i32
    %scan3A_166 = arith.constant 33 : i32
    %scan3A_167 = arith.addi %scan3A_165, %scan3A_166 : i32
    %scan3A_168 = arith.constant 1 : i32
    scf.for %scan3A_230 = %scan3A_165 to %scan3A_167 step %scan3A_168  : i32 {
      %mul3A_231 = arith.constant 3 : i32
      %mul3A_232 = arith.muli %scan3A_230, %mul3A_231 : i32
      %dma_wait3A_233 = arith.constant 0 : i32
      %dma_wait3A_234 = arith.constant 0 : i32
      %dma_wait3A_235 = arith.constant 0 : i32
      %dma_wait3A_236 = arith.constant 0 : i32
      %dma_wait3A_237 = tpu.memref_slice %arg9[%dma_wait3A_234, %dma_wait3A_235, %dma_wait3A_236] : memref<3x100x128xf32, #tpu.memory_space<vmem>> -> memref<1x100x128xf32, #tpu.memory_space<vmem>>
      %dma_wait3A_238 = tpu.memref_squeeze %dma_wait3A_237 : memref<1x100x128xf32, #tpu.memory_space<vmem>> -> memref<100x128xf32, #tpu.memory_space<vmem>>
      %dma_wait3A_239 = arith.constant 0 : i32
      %dma_wait3A_240 = tpu.memref_slice %arg7[%dma_wait3A_233, %dma_wait3A_239] : memref<3x100xi32, #tpu.memory_space<vmem>> -> memref<1x100xi32, #tpu.memory_space<vmem>>
      %dma_wait3A_241 = tpu.memref_squeeze %dma_wait3A_240 : memref<1x100xi32, #tpu.memory_space<vmem>> -> memref<100xi32, #tpu.memory_space<vmem>>
      %dma_wait3A_242 = arith.constant 0 : i32
      %dma_wait3A_243 = arith.constant 0 : i32
      %dma_wait3A_244 = tpu.memref_slice %arg2[%dma_wait3A_242, %dma_wait3A_243] : memref<10000x128xf32, #tpu.memory_space<hbm>> -> memref<10000x128xf32, #tpu.memory_space<hbm>>
      tpu.wait_indirect_dma semaphore(%arg11 : memref<!tpu.dma_semaphore, #tpu.memory_space<semaphore_mem>>) src(%dma_wait3A_244 : memref<10000x128xf32, #tpu.memory_space<hbm>>) dst(%dma_wait3A_238 : memref<100x128xf32, #tpu.memory_space<vmem>>)
      %add3A = arith.constant 0 : i32
      %add3A_245 = arith.addi %mul3A_232, %add3A : i32
      %add3A_246 = arith.constant 3 : i32
      %add3A_247 = arith.addi %add3A_245, %add3A_246 : i32
      %lt3A = arith.constant 100 : i32
      %lt3A_248 = arith.cmpi slt, %add3A_247, %lt3A : i32
      %convert_element_type3A_249 = arith.extui %lt3A_248 : i1 to i32
      %cond3A_250 = arith.constant 0 : i32
      %cond3A_251 = arith.cmpi ne, %convert_element_type3A_249, %cond3A_250 : i32
      scf.if %cond3A_251 {
        %add3A_435 = arith.constant 0 : i32
        %add3A_436 = arith.addi %mul3A_232, %add3A_435 : i32
        %add3A_437 = arith.constant 3 : i32
        %add3A_438 = arith.addi %add3A_436, %add3A_437 : i32
        %dma_start3A_439 = arith.constant 0 : i32
        %dma_start3A_440 = arith.constant 0 : i32
        %dma_start3A_441 = tpu.memref_slice %arg7[%dma_start3A_439, %dma_start3A_440] : memref<3x100xi32, #tpu.memory_space<vmem>> -> memref<1x100xi32, #tpu.memory_space<vmem>>
        %dma_start3A_442 = tpu.memref_squeeze %dma_start3A_441 : memref<1x100xi32, #tpu.memory_space<vmem>> -> memref<100xi32, #tpu.memory_space<vmem>>
        %dma_start3A_443 = arith.constant 0 : i32
        %dma_start3A_444 = tpu.memref_slice %arg3[%arg0, %arg1, %add3A_438, %dma_start3A_443] : memref<2x16x100x100xi32, #tpu.memory_space<hbm>> -> memref<1x1x1x100xi32, #tpu.memory_space<hbm>>
        %dma_start3A_445 = tpu.memref_squeeze %dma_start3A_444 : memref<1x1x1x100xi32, #tpu.memory_space<hbm>> -> memref<100xi32, #tpu.memory_space<hbm>>
        %dma_start3A_446 = arith.constant 0 : i32
        %dma_start3A_447 = tpu.memref_slice %arg7[%dma_start3A_439, %dma_start3A_446] : memref<3x100xi32, #tpu.memory_space<vmem>> -> memref<1x100xi32, #tpu.memory_space<vmem>>
        %dma_start3A_448 = tpu.memref_squeeze %dma_start3A_447 : memref<1x100xi32, #tpu.memory_space<vmem>> -> memref<100xi32, #tpu.memory_space<vmem>>
        %dma_start3A_449 = arith.constant 0 : i32
        %dma_start3A_450 = tpu.memref_slice %arg3[%arg0, %arg1, %add3A_438, %dma_start3A_449] : memref<2x16x100x100xi32, #tpu.memory_space<hbm>> -> memref<1x1x1x100xi32, #tpu.memory_space<hbm>>
        %dma_start3A_451 = tpu.memref_squeeze %dma_start3A_450 : memref<1x1x1x100xi32, #tpu.memory_space<hbm>> -> memref<100xi32, #tpu.memory_space<hbm>>
        tpu.enqueue_dma source(%dma_start3A_451 : memref<100xi32, #tpu.memory_space<hbm>>) target(%dma_start3A_448 : memref<100xi32, #tpu.memory_space<vmem>>) target_semaphore(%arg17 : memref<!tpu.dma_semaphore, #tpu.memory_space<semaphore_mem>>)
      } else {
      }
      %dma_wait3A_252 = arith.constant 0 : i32
      %dma_wait3A_253 = arith.constant 0 : i32
      %dma_wait3A_254 = arith.constant 0 : i32
      %dma_wait3A_255 = tpu.memref_slice %arg8[%dma_wait3A_253, %dma_wait3A_254] : memref<3x100xi32, #tpu.memory_space<vmem>> -> memref<1x100xi32, #tpu.memory_space<vmem>>
      %dma_wait3A_256 = tpu.memref_squeeze %dma_wait3A_255 : memref<1x100xi32, #tpu.memory_space<vmem>> -> memref<100xi32, #tpu.memory_space<vmem>>
      %dma_wait3A_257 = arith.constant 0 : i32
      %dma_wait3A_258 = tpu.memref_slice %arg3[%arg0, %arg1, %dma_wait3A_252, %dma_wait3A_257] : memref<2x16x100x100xi32, #tpu.memory_space<hbm>> -> memref<1x1x1x100xi32, #tpu.memory_space<hbm>>
      %dma_wait3A_259 = tpu.memref_squeeze %dma_wait3A_258 : memref<1x1x1x100xi32, #tpu.memory_space<hbm>> -> memref<100xi32, #tpu.memory_space<hbm>>
      %dma_wait3A_260 = arith.constant 0 : i32
      %dma_wait3A_261 = tpu.memref_slice %arg8[%dma_wait3A_253, %dma_wait3A_260] : memref<3x100xi32, #tpu.memory_space<vmem>> -> memref<1x100xi32, #tpu.memory_space<vmem>>
      %dma_wait3A_262 = tpu.memref_squeeze %dma_wait3A_261 : memref<1x100xi32, #tpu.memory_space<vmem>> -> memref<100xi32, #tpu.memory_space<vmem>>
      %dma_wait3A_263 = arith.constant 0 : i32
      %dma_wait3A_264 = tpu.memref_slice %arg3[%arg0, %arg1, %dma_wait3A_252, %dma_wait3A_263] : memref<2x16x100x100xi32, #tpu.memory_space<hbm>> -> memref<1x1x1x100xi32, #tpu.memory_space<hbm>>
      %dma_wait3A_265 = tpu.memref_squeeze %dma_wait3A_264 : memref<1x1x1x100xi32, #tpu.memory_space<hbm>> -> memref<100xi32, #tpu.memory_space<hbm>>
      tpu.wait_dma2 semaphore(%arg20 : memref<!tpu.dma_semaphore, #tpu.memory_space<semaphore_mem>>) src(%dma_wait3A_265 : memref<100xi32, #tpu.memory_space<hbm>>) dst(%dma_wait3A_262 : memref<100xi32, #tpu.memory_space<vmem>>)
      %dma_start3A_266 = arith.constant 0 : i32
      %dma_start3A_267 = arith.constant 0 : i32
      %dma_start3A_268 = arith.constant 0 : i32
      %dma_start3A_269 = arith.constant 0 : i32
      %dma_start3A_270 = tpu.memref_slice %arg9[%dma_start3A_266, %dma_start3A_268, %dma_start3A_269] : memref<3x100x128xf32, #tpu.memory_space<vmem>> -> memref<1x100x128xf32, #tpu.memory_space<vmem>>
      %dma_start3A_271 = tpu.memref_squeeze %dma_start3A_270 : memref<1x100x128xf32, #tpu.memory_space<vmem>> -> memref<100x128xf32, #tpu.memory_space<vmem>>
      %dma_start3A_272 = arith.constant 0 : i32
      %dma_start3A_273 = tpu.memref_slice %arg8[%dma_start3A_267, %dma_start3A_272] : memref<3x100xi32, #tpu.memory_space<vmem>> -> memref<1x100xi32, #tpu.memory_space<vmem>>
      %dma_start3A_274 = tpu.memref_squeeze %dma_start3A_273 : memref<1x100xi32, #tpu.memory_space<vmem>> -> memref<100xi32, #tpu.memory_space<vmem>>
      %dma_start3A_275 = arith.constant 0 : i32
      %dma_start3A_276 = arith.constant 0 : i32
      %dma_start3A_277 = tpu.memref_slice %arg10[%dma_start3A_275, %dma_start3A_276] : memref<10000x128xf32, #tpu.memory_space<vmem_shared>> -> memref<10000x128xf32, #tpu.memory_space<vmem_shared>>
      tpu.enqueue_indirect_dma source(%dma_start3A_271 : memref<100x128xf32, #tpu.memory_space<vmem>>) target(%dma_start3A_277 : memref<10000x128xf32, #tpu.memory_space<vmem_shared>>) offsets(%dma_start3A_274 : memref<100xi32, #tpu.memory_space<vmem>>) semaphore(%arg14 : memref<!tpu.dma_semaphore, #tpu.memory_space<semaphore_mem>>) {add = true}
      %dma_wait3A_278 = arith.constant 1 : i32
      %dma_wait3A_279 = arith.constant 1 : i32
      %dma_wait3A_280 = arith.constant 0 : i32
      %dma_wait3A_281 = arith.constant 0 : i32
      %dma_wait3A_282 = tpu.memref_slice %arg9[%dma_wait3A_279, %dma_wait3A_280, %dma_wait3A_281] : memref<3x100x128xf32, #tpu.memory_space<vmem>> -> memref<1x100x128xf32, #tpu.memory_space<vmem>>
      %dma_wait3A_283 = tpu.memref_squeeze %dma_wait3A_282 : memref<1x100x128xf32, #tpu.memory_space<vmem>> -> memref<100x128xf32, #tpu.memory_space<vmem>>
      %dma_wait3A_284 = arith.constant 0 : i32
      %dma_wait3A_285 = tpu.memref_slice %arg7[%dma_wait3A_278, %dma_wait3A_284] : memref<3x100xi32, #tpu.memory_space<vmem>> -> memref<1x100xi32, #tpu.memory_space<vmem>>
      %dma_wait3A_286 = tpu.memref_squeeze %dma_wait3A_285 : memref<1x100xi32, #tpu.memory_space<vmem>> -> memref<100xi32, #tpu.memory_space<vmem>>
      %dma_wait3A_287 = arith.constant 0 : i32
      %dma_wait3A_288 = arith.constant 0 : i32
      %dma_wait3A_289 = tpu.memref_slice %arg2[%dma_wait3A_287, %dma_wait3A_288] : memref<10000x128xf32, #tpu.memory_space<hbm>> -> memref<10000x128xf32, #tpu.memory_space<hbm>>
      tpu.wait_indirect_dma semaphore(%arg12 : memref<!tpu.dma_semaphore, #tpu.memory_space<semaphore_mem>>) src(%dma_wait3A_289 : memref<10000x128xf32, #tpu.memory_space<hbm>>) dst(%dma_wait3A_283 : memref<100x128xf32, #tpu.memory_space<vmem>>)
      %add3A_290 = arith.constant 1 : i32
      %add3A_291 = arith.addi %mul3A_232, %add3A_290 : i32
      %add3A_292 = arith.constant 3 : i32
      %add3A_293 = arith.addi %add3A_291, %add3A_292 : i32
      %lt3A_294 = arith.constant 100 : i32
      %lt3A_295 = arith.cmpi slt, %add3A_293, %lt3A_294 : i32
      %convert_element_type3A_296 = arith.extui %lt3A_295 : i1 to i32
      %cond3A_297 = arith.constant 0 : i32
      %cond3A_298 = arith.cmpi ne, %convert_element_type3A_296, %cond3A_297 : i32
      scf.if %cond3A_298 {
        %add3A_435 = arith.constant 1 : i32
        %add3A_436 = arith.addi %mul3A_232, %add3A_435 : i32
        %add3A_437 = arith.constant 3 : i32
        %add3A_438 = arith.addi %add3A_436, %add3A_437 : i32
        %dma_start3A_439 = arith.constant 1 : i32
        %dma_start3A_440 = arith.constant 0 : i32
        %dma_start3A_441 = tpu.memref_slice %arg7[%dma_start3A_439, %dma_start3A_440] : memref<3x100xi32, #tpu.memory_space<vmem>> -> memref<1x100xi32, #tpu.memory_space<vmem>>
        %dma_start3A_442 = tpu.memref_squeeze %dma_start3A_441 : memref<1x100xi32, #tpu.memory_space<vmem>> -> memref<100xi32, #tpu.memory_space<vmem>>
        %dma_start3A_443 = arith.constant 0 : i32
        %dma_start3A_444 = tpu.memref_slice %arg3[%arg0, %arg1, %add3A_438, %dma_start3A_443] : memref<2x16x100x100xi32, #tpu.memory_space<hbm>> -> memref<1x1x1x100xi32, #tpu.memory_space<hbm>>
        %dma_start3A_445 = tpu.memref_squeeze %dma_start3A_444 : memref<1x1x1x100xi32, #tpu.memory_space<hbm>> -> memref<100xi32, #tpu.memory_space<hbm>>
        %dma_start3A_446 = arith.constant 0 : i32
        %dma_start3A_447 = tpu.memref_slice %arg7[%dma_start3A_439, %dma_start3A_446] : memref<3x100xi32, #tpu.memory_space<vmem>> -> memref<1x100xi32, #tpu.memory_space<vmem>>
        %dma_start3A_448 = tpu.memref_squeeze %dma_start3A_447 : memref<1x100xi32, #tpu.memory_space<vmem>> -> memref<100xi32, #tpu.memory_space<vmem>>
        %dma_start3A_449 = arith.constant 0 : i32
        %dma_start3A_450 = tpu.memref_slice %arg3[%arg0, %arg1, %add3A_438, %dma_start3A_449] : memref<2x16x100x100xi32, #tpu.memory_space<hbm>> -> memref<1x1x1x100xi32, #tpu.memory_space<hbm>>
        %dma_start3A_451 = tpu.memref_squeeze %dma_start3A_450 : memref<1x1x1x100xi32, #tpu.memory_space<hbm>> -> memref<100xi32, #tpu.memory_space<hbm>>
        tpu.enqueue_dma source(%dma_start3A_451 : memref<100xi32, #tpu.memory_space<hbm>>) target(%dma_start3A_448 : memref<100xi32, #tpu.memory_space<vmem>>) target_semaphore(%arg18 : memref<!tpu.dma_semaphore, #tpu.memory_space<semaphore_mem>>)
      } else {
      }
      %dma_wait3A_299 = arith.constant 0 : i32
      %dma_wait3A_300 = arith.constant 1 : i32
      %dma_wait3A_301 = arith.constant 0 : i32
      %dma_wait3A_302 = tpu.memref_slice %arg8[%dma_wait3A_300, %dma_wait3A_301] : memref<3x100xi32, #tpu.memory_space<vmem>> -> memref<1x100xi32, #tpu.memory_space<vmem>>
      %dma_wait3A_303 = tpu.memref_squeeze %dma_wait3A_302 : memref<1x100xi32, #tpu.memory_space<vmem>> -> memref<100xi32, #tpu.memory_space<vmem>>
      %dma_wait3A_304 = arith.constant 0 : i32
      %dma_wait3A_305 = tpu.memref_slice %arg3[%arg0, %arg1, %dma_wait3A_299, %dma_wait3A_304] : memref<2x16x100x100xi32, #tpu.memory_space<hbm>> -> memref<1x1x1x100xi32, #tpu.memory_space<hbm>>
      %dma_wait3A_306 = tpu.memref_squeeze %dma_wait3A_305 : memref<1x1x1x100xi32, #tpu.memory_space<hbm>> -> memref<100xi32, #tpu.memory_space<hbm>>
      %dma_wait3A_307 = arith.constant 0 : i32
      %dma_wait3A_308 = tpu.memref_slice %arg8[%dma_wait3A_300, %dma_wait3A_307] : memref<3x100xi32, #tpu.memory_space<vmem>> -> memref<1x100xi32, #tpu.memory_space<vmem>>
      %dma_wait3A_309 = tpu.memref_squeeze %dma_wait3A_308 : memref<1x100xi32, #tpu.memory_space<vmem>> -> memref<100xi32, #tpu.memory_space<vmem>>
      %dma_wait3A_310 = arith.constant 0 : i32
      %dma_wait3A_311 = tpu.memref_slice %arg3[%arg0, %arg1, %dma_wait3A_299, %dma_wait3A_310] : memref<2x16x100x100xi32, #tpu.memory_space<hbm>> -> memref<1x1x1x100xi32, #tpu.memory_space<hbm>>
      %dma_wait3A_312 = tpu.memref_squeeze %dma_wait3A_311 : memref<1x1x1x100xi32, #tpu.memory_space<hbm>> -> memref<100xi32, #tpu.memory_space<hbm>>
      tpu.wait_dma2 semaphore(%arg21 : memref<!tpu.dma_semaphore, #tpu.memory_space<semaphore_mem>>) src(%dma_wait3A_312 : memref<100xi32, #tpu.memory_space<hbm>>) dst(%dma_wait3A_309 : memref<100xi32, #tpu.memory_space<vmem>>)
      %dma_start3A_313 = arith.constant 1 : i32
      %dma_start3A_314 = arith.constant 1 : i32
      %dma_start3A_315 = arith.constant 0 : i32
      %dma_start3A_316 = arith.constant 0 : i32
      %dma_start3A_317 = tpu.memref_slice %arg9[%dma_start3A_313, %dma_start3A_315, %dma_start3A_316] : memref<3x100x128xf32, #tpu.memory_space<vmem>> -> memref<1x100x128xf32, #tpu.memory_space<vmem>>
      %dma_start3A_318 = tpu.memref_squeeze %dma_start3A_317 : memref<1x100x128xf32, #tpu.memory_space<vmem>> -> memref<100x128xf32, #tpu.memory_space<vmem>>
      %dma_start3A_319 = arith.constant 0 : i32
      %dma_start3A_320 = tpu.memref_slice %arg8[%dma_start3A_314, %dma_start3A_319] : memref<3x100xi32, #tpu.memory_space<vmem>> -> memref<1x100xi32, #tpu.memory_space<vmem>>
      %dma_start3A_321 = tpu.memref_squeeze %dma_start3A_320 : memref<1x100xi32, #tpu.memory_space<vmem>> -> memref<100xi32, #tpu.memory_space<vmem>>
      %dma_start3A_322 = arith.constant 0 : i32
      %dma_start3A_323 = arith.constant 0 : i32
      %dma_start3A_324 = tpu.memref_slice %arg10[%dma_start3A_322, %dma_start3A_323] : memref<10000x128xf32, #tpu.memory_space<vmem_shared>> -> memref<10000x128xf32, #tpu.memory_space<vmem_shared>>
      tpu.enqueue_indirect_dma source(%dma_start3A_318 : memref<100x128xf32, #tpu.memory_space<vmem>>) target(%dma_start3A_324 : memref<10000x128xf32, #tpu.memory_space<vmem_shared>>) offsets(%dma_start3A_321 : memref<100xi32, #tpu.memory_space<vmem>>) semaphore(%arg15 : memref<!tpu.dma_semaphore, #tpu.memory_space<semaphore_mem>>) {add = true}
      %dma_wait3A_325 = arith.constant 2 : i32
      %dma_wait3A_326 = arith.constant 2 : i32
      %dma_wait3A_327 = arith.constant 0 : i32
      %dma_wait3A_328 = arith.constant 0 : i32
      %dma_wait3A_329 = tpu.memref_slice %arg9[%dma_wait3A_326, %dma_wait3A_327, %dma_wait3A_328] : memref<3x100x128xf32, #tpu.memory_space<vmem>> -> memref<1x100x128xf32, #tpu.memory_space<vmem>>
      %dma_wait3A_330 = tpu.memref_squeeze %dma_wait3A_329 : memref<1x100x128xf32, #tpu.memory_space<vmem>> -> memref<100x128xf32, #tpu.memory_space<vmem>>
      %dma_wait3A_331 = arith.constant 0 : i32
      %dma_wait3A_332 = tpu.memref_slice %arg7[%dma_wait3A_325, %dma_wait3A_331] : memref<3x100xi32, #tpu.memory_space<vmem>> -> memref<1x100xi32, #tpu.memory_space<vmem>>
      %dma_wait3A_333 = tpu.memref_squeeze %dma_wait3A_332 : memref<1x100xi32, #tpu.memory_space<vmem>> -> memref<100xi32, #tpu.memory_space<vmem>>
      %dma_wait3A_334 = arith.constant 0 : i32
      %dma_wait3A_335 = arith.constant 0 : i32
      %dma_wait3A_336 = tpu.memref_slice %arg2[%dma_wait3A_334, %dma_wait3A_335] : memref<10000x128xf32, #tpu.memory_space<hbm>> -> memref<10000x128xf32, #tpu.memory_space<hbm>>
      tpu.wait_indirect_dma semaphore(%arg13 : memref<!tpu.dma_semaphore, #tpu.memory_space<semaphore_mem>>) src(%dma_wait3A_336 : memref<10000x128xf32, #tpu.memory_space<hbm>>) dst(%dma_wait3A_330 : memref<100x128xf32, #tpu.memory_space<vmem>>)
      %add3A_337 = arith.constant 2 : i32
      %add3A_338 = arith.addi %mul3A_232, %add3A_337 : i32
      %add3A_339 = arith.constant 3 : i32
      %add3A_340 = arith.addi %add3A_338, %add3A_339 : i32
      %lt3A_341 = arith.constant 100 : i32
      %lt3A_342 = arith.cmpi slt, %add3A_340, %lt3A_341 : i32
      %convert_element_type3A_343 = arith.extui %lt3A_342 : i1 to i32
      %cond3A_344 = arith.constant 0 : i32
      %cond3A_345 = arith.cmpi ne, %convert_element_type3A_343, %cond3A_344 : i32
      scf.if %cond3A_345 {
        %add3A_435 = arith.constant 2 : i32
        %add3A_436 = arith.addi %mul3A_232, %add3A_435 : i32
        %add3A_437 = arith.constant 3 : i32
        %add3A_438 = arith.addi %add3A_436, %add3A_437 : i32
        %dma_start3A_439 = arith.constant 2 : i32
        %dma_start3A_440 = arith.constant 0 : i32
        %dma_start3A_441 = tpu.memref_slice %arg7[%dma_start3A_439, %dma_start3A_440] : memref<3x100xi32, #tpu.memory_space<vmem>> -> memref<1x100xi32, #tpu.memory_space<vmem>>
        %dma_start3A_442 = tpu.memref_squeeze %dma_start3A_441 : memref<1x100xi32, #tpu.memory_space<vmem>> -> memref<100xi32, #tpu.memory_space<vmem>>
        %dma_start3A_443 = arith.constant 0 : i32
        %dma_start3A_444 = tpu.memref_slice %arg3[%arg0, %arg1, %add3A_438, %dma_start3A_443] : memref<2x16x100x100xi32, #tpu.memory_space<hbm>> -> memref<1x1x1x100xi32, #tpu.memory_space<hbm>>
        %dma_start3A_445 = tpu.memref_squeeze %dma_start3A_444 : memref<1x1x1x100xi32, #tpu.memory_space<hbm>> -> memref<100xi32, #tpu.memory_space<hbm>>
        %dma_start3A_446 = arith.constant 0 : i32
        %dma_start3A_447 = tpu.memref_slice %arg7[%dma_start3A_439, %dma_start3A_446] : memref<3x100xi32, #tpu.memory_space<vmem>> -> memref<1x100xi32, #tpu.memory_space<vmem>>
        %dma_start3A_448 = tpu.memref_squeeze %dma_start3A_447 : memref<1x100xi32, #tpu.memory_space<vmem>> -> memref<100xi32, #tpu.memory_space<vmem>>
        %dma_start3A_449 = arith.constant 0 : i32
        %dma_start3A_450 = tpu.memref_slice %arg3[%arg0, %arg1, %add3A_438, %dma_start3A_449] : memref<2x16x100x100xi32, #tpu.memory_space<hbm>> -> memref<1x1x1x100xi32, #tpu.memory_space<hbm>>
        %dma_start3A_451 = tpu.memref_squeeze %dma_start3A_450 : memref<1x1x1x100xi32, #tpu.memory_space<hbm>> -> memref<100xi32, #tpu.memory_space<hbm>>
        tpu.enqueue_dma source(%dma_start3A_451 : memref<100xi32, #tpu.memory_space<hbm>>) target(%dma_start3A_448 : memref<100xi32, #tpu.memory_space<vmem>>) target_semaphore(%arg19 : memref<!tpu.dma_semaphore, #tpu.memory_space<semaphore_mem>>)
      } else {
      }
      %dma_wait3A_346 = arith.constant 0 : i32
      %dma_wait3A_347 = arith.constant 2 : i32
      %dma_wait3A_348 = arith.constant 0 : i32
      %dma_wait3A_349 = tpu.memref_slice %arg8[%dma_wait3A_347, %dma_wait3A_348] : memref<3x100xi32, #tpu.memory_space<vmem>> -> memref<1x100xi32, #tpu.memory_space<vmem>>
      %dma_wait3A_350 = tpu.memref_squeeze %dma_wait3A_349 : memref<1x100xi32, #tpu.memory_space<vmem>> -> memref<100xi32, #tpu.memory_space<vmem>>
      %dma_wait3A_351 = arith.constant 0 : i32
      %dma_wait3A_352 = tpu.memref_slice %arg3[%arg0, %arg1, %dma_wait3A_346, %dma_wait3A_351] : memref<2x16x100x100xi32, #tpu.memory_space<hbm>> -> memref<1x1x1x100xi32, #tpu.memory_space<hbm>>
      %dma_wait3A_353 = tpu.memref_squeeze %dma_wait3A_352 : memref<1x1x1x100xi32, #tpu.memory_space<hbm>> -> memref<100xi32, #tpu.memory_space<hbm>>
      %dma_wait3A_354 = arith.constant 0 : i32
      %dma_wait3A_355 = tpu.memref_slice %arg8[%dma_wait3A_347, %dma_wait3A_354] : memref<3x100xi32, #tpu.memory_space<vmem>> -> memref<1x100xi32, #tpu.memory_space<vmem>>
      %dma_wait3A_356 = tpu.memref_squeeze %dma_wait3A_355 : memref<1x100xi32, #tpu.memory_space<vmem>> -> memref<100xi32, #tpu.memory_space<vmem>>
      %dma_wait3A_357 = arith.constant 0 : i32
      %dma_wait3A_358 = tpu.memref_slice %arg3[%arg0, %arg1, %dma_wait3A_346, %dma_wait3A_357] : memref<2x16x100x100xi32, #tpu.memory_space<hbm>> -> memref<1x1x1x100xi32, #tpu.memory_space<hbm>>
      %dma_wait3A_359 = tpu.memref_squeeze %dma_wait3A_358 : memref<1x1x1x100xi32, #tpu.memory_space<hbm>> -> memref<100xi32, #tpu.memory_space<hbm>>
      tpu.wait_dma2 semaphore(%arg22 : memref<!tpu.dma_semaphore, #tpu.memory_space<semaphore_mem>>) src(%dma_wait3A_359 : memref<100xi32, #tpu.memory_space<hbm>>) dst(%dma_wait3A_356 : memref<100xi32, #tpu.memory_space<vmem>>)
      %dma_start3A_360 = arith.constant 2 : i32
      %dma_start3A_361 = arith.constant 2 : i32
      %dma_start3A_362 = arith.constant 0 : i32
      %dma_start3A_363 = arith.constant 0 : i32
      %dma_start3A_364 = tpu.memref_slice %arg9[%dma_start3A_360, %dma_start3A_362, %dma_start3A_363] : memref<3x100x128xf32, #tpu.memory_space<vmem>> -> memref<1x100x128xf32, #tpu.memory_space<vmem>>
      %dma_start3A_365 = tpu.memref_squeeze %dma_start3A_364 : memref<1x100x128xf32, #tpu.memory_space<vmem>> -> memref<100x128xf32, #tpu.memory_space<vmem>>
      %dma_start3A_366 = arith.constant 0 : i32
      %dma_start3A_367 = tpu.memref_slice %arg8[%dma_start3A_361, %dma_start3A_366] : memref<3x100xi32, #tpu.memory_space<vmem>> -> memref<1x100xi32, #tpu.memory_space<vmem>>
      %dma_start3A_368 = tpu.memref_squeeze %dma_start3A_367 : memref<1x100xi32, #tpu.memory_space<vmem>> -> memref<100xi32, #tpu.memory_space<vmem>>
      %dma_start3A_369 = arith.constant 0 : i32
      %dma_start3A_370 = arith.constant 0 : i32
      %dma_start3A_371 = tpu.memref_slice %arg10[%dma_start3A_369, %dma_start3A_370] : memref<10000x128xf32, #tpu.memory_space<vmem_shared>> -> memref<10000x128xf32, #tpu.memory_space<vmem_shared>>
      tpu.enqueue_indirect_dma source(%dma_start3A_365 : memref<100x128xf32, #tpu.memory_space<vmem>>) target(%dma_start3A_371 : memref<10000x128xf32, #tpu.memory_space<vmem_shared>>) offsets(%dma_start3A_368 : memref<100xi32, #tpu.memory_space<vmem>>) semaphore(%arg16 : memref<!tpu.dma_semaphore, #tpu.memory_space<semaphore_mem>>) {add = true}
      %dma_wait3A_372 = arith.constant 0 : i32
      %dma_wait3A_373 = arith.constant 0 : i32
      %dma_wait3A_374 = arith.constant 0 : i32
      %dma_wait3A_375 = arith.constant 0 : i32
      %dma_wait3A_376 = tpu.memref_slice %arg9[%dma_wait3A_373, %dma_wait3A_374, %dma_wait3A_375] : memref<3x100x128xf32, #tpu.memory_space<vmem>> -> memref<1x100x128xf32, #tpu.memory_space<vmem>>
      %dma_wait3A_377 = tpu.memref_squeeze %dma_wait3A_376 : memref<1x100x128xf32, #tpu.memory_space<vmem>> -> memref<100x128xf32, #tpu.memory_space<vmem>>
      %dma_wait3A_378 = arith.constant 0 : i32
      %dma_wait3A_379 = tpu.memref_slice %arg7[%dma_wait3A_372, %dma_wait3A_378] : memref<3x100xi32, #tpu.memory_space<vmem>> -> memref<1x100xi32, #tpu.memory_space<vmem>>
      %dma_wait3A_380 = tpu.memref_squeeze %dma_wait3A_379 : memref<1x100xi32, #tpu.memory_space<vmem>> -> memref<100xi32, #tpu.memory_space<vmem>>
      %dma_wait3A_381 = arith.constant 0 : i32
      %dma_wait3A_382 = arith.constant 0 : i32
      %dma_wait3A_383 = tpu.memref_slice %arg2[%dma_wait3A_381, %dma_wait3A_382] : memref<10000x128xf32, #tpu.memory_space<hbm>> -> memref<10000x128xf32, #tpu.memory_space<hbm>>
      tpu.wait_indirect_dma semaphore(%arg14 : memref<!tpu.dma_semaphore, #tpu.memory_space<semaphore_mem>>) src(%dma_wait3A_383 : memref<10000x128xf32, #tpu.memory_space<hbm>>) dst(%dma_wait3A_377 : memref<100x128xf32, #tpu.memory_space<vmem>>)
      %add3A_384 = arith.constant 0 : i32
      %add3A_385 = arith.addi %mul3A_232, %add3A_384 : i32
      %add3A_386 = arith.constant 3 : i32
      %add3A_387 = arith.addi %add3A_385, %add3A_386 : i32
      %lt3A_388 = arith.constant 100 : i32
      %lt3A_389 = arith.cmpi slt, %add3A_387, %lt3A_388 : i32
      %convert_element_type3A_390 = arith.extui %lt3A_389 : i1 to i32
      %cond3A_391 = arith.constant 0 : i32
      %cond3A_392 = arith.cmpi ne, %convert_element_type3A_390, %cond3A_391 : i32
      scf.if %cond3A_392 {
        %add3A_435 = arith.constant 0 : i32
        %add3A_436 = arith.addi %mul3A_232, %add3A_435 : i32
        %add3A_437 = arith.constant 3 : i32
        %add3A_438 = arith.addi %add3A_436, %add3A_437 : i32
        %dma_start3A_439 = arith.constant 0 : i32
        %dma_start3A_440 = arith.constant 0 : i32
        %dma_start3A_441 = tpu.memref_slice %arg8[%dma_start3A_439, %dma_start3A_440] : memref<3x100xi32, #tpu.memory_space<vmem>> -> memref<1x100xi32, #tpu.memory_space<vmem>>
        %dma_start3A_442 = tpu.memref_squeeze %dma_start3A_441 : memref<1x100xi32, #tpu.memory_space<vmem>> -> memref<100xi32, #tpu.memory_space<vmem>>
        %dma_start3A_443 = arith.constant 0 : i32
        %dma_start3A_444 = tpu.memref_slice %arg4[%arg0, %arg1, %add3A_438, %dma_start3A_443] : memref<2x16x100x100xi32, #tpu.memory_space<hbm>> -> memref<1x1x1x100xi32, #tpu.memory_space<hbm>>
        %dma_start3A_445 = tpu.memref_squeeze %dma_start3A_444 : memref<1x1x1x100xi32, #tpu.memory_space<hbm>> -> memref<100xi32, #tpu.memory_space<hbm>>
        %dma_start3A_446 = arith.constant 0 : i32
        %dma_start3A_447 = tpu.memref_slice %arg8[%dma_start3A_439, %dma_start3A_446] : memref<3x100xi32, #tpu.memory_space<vmem>> -> memref<1x100xi32, #tpu.memory_space<vmem>>
        %dma_start3A_448 = tpu.memref_squeeze %dma_start3A_447 : memref<1x100xi32, #tpu.memory_space<vmem>> -> memref<100xi32, #tpu.memory_space<vmem>>
        %dma_start3A_449 = arith.constant 0 : i32
        %dma_start3A_450 = tpu.memref_slice %arg4[%arg0, %arg1, %add3A_438, %dma_start3A_449] : memref<2x16x100x100xi32, #tpu.memory_space<hbm>> -> memref<1x1x1x100xi32, #tpu.memory_space<hbm>>
        %dma_start3A_451 = tpu.memref_squeeze %dma_start3A_450 : memref<1x1x1x100xi32, #tpu.memory_space<hbm>> -> memref<100xi32, #tpu.memory_space<hbm>>
        tpu.enqueue_dma source(%dma_start3A_451 : memref<100xi32, #tpu.memory_space<hbm>>) target(%dma_start3A_448 : memref<100xi32, #tpu.memory_space<vmem>>) target_semaphore(%arg20 : memref<!tpu.dma_semaphore, #tpu.memory_space<semaphore_mem>>)
        %dma_wait3A_452 = arith.constant 0 : i32
        %dma_wait3A_453 = arith.constant 0 : i32
        %dma_wait3A_454 = arith.constant 0 : i32
        %dma_wait3A_455 = tpu.memref_slice %arg7[%dma_wait3A_453, %dma_wait3A_454] : memref<3x100xi32, #tpu.memory_space<vmem>> -> memref<1x100xi32, #tpu.memory_space<vmem>>
        %dma_wait3A_456 = tpu.memref_squeeze %dma_wait3A_455 : memref<1x100xi32, #tpu.memory_space<vmem>> -> memref<100xi32, #tpu.memory_space<vmem>>
        %dma_wait3A_457 = arith.constant 0 : i32
        %dma_wait3A_458 = tpu.memref_slice %arg3[%arg0, %arg1, %dma_wait3A_452, %dma_wait3A_457] : memref<2x16x100x100xi32, #tpu.memory_space<hbm>> -> memref<1x1x1x100xi32, #tpu.memory_space<hbm>>
        %dma_wait3A_459 = tpu.memref_squeeze %dma_wait3A_458 : memref<1x1x1x100xi32, #tpu.memory_space<hbm>> -> memref<100xi32, #tpu.memory_space<hbm>>
        %dma_wait3A_460 = arith.constant 0 : i32
        %dma_wait3A_461 = tpu.memref_slice %arg7[%dma_wait3A_453, %dma_wait3A_460] : memref<3x100xi32, #tpu.memory_space<vmem>> -> memref<1x100xi32, #tpu.memory_space<vmem>>
        %dma_wait3A_462 = tpu.memref_squeeze %dma_wait3A_461 : memref<1x100xi32, #tpu.memory_space<vmem>> -> memref<100xi32, #tpu.memory_space<vmem>>
        %dma_wait3A_463 = arith.constant 0 : i32
        %dma_wait3A_464 = tpu.memref_slice %arg3[%arg0, %arg1, %dma_wait3A_452, %dma_wait3A_463] : memref<2x16x100x100xi32, #tpu.memory_space<hbm>> -> memref<1x1x1x100xi32, #tpu.memory_space<hbm>>
        %dma_wait3A_465 = tpu.memref_squeeze %dma_wait3A_464 : memref<1x1x1x100xi32, #tpu.memory_space<hbm>> -> memref<100xi32, #tpu.memory_space<hbm>>
        tpu.wait_dma2 semaphore(%arg17 : memref<!tpu.dma_semaphore, #tpu.memory_space<semaphore_mem>>) src(%dma_wait3A_465 : memref<100xi32, #tpu.memory_space<hbm>>) dst(%dma_wait3A_462 : memref<100xi32, #tpu.memory_space<vmem>>)
        %dma_start3A_466 = arith.constant 0 : i32
        %dma_start3A_467 = arith.constant 0 : i32
        %dma_start3A_468 = arith.constant 0 : i32
        %dma_start3A_469 = arith.constant 0 : i32
        %dma_start3A_470 = tpu.memref_slice %arg9[%dma_start3A_467, %dma_start3A_468, %dma_start3A_469] : memref<3x100x128xf32, #tpu.memory_space<vmem>> -> memref<1x100x128xf32, #tpu.memory_space<vmem>>
        %dma_start3A_471 = tpu.memref_squeeze %dma_start3A_470 : memref<1x100x128xf32, #tpu.memory_space<vmem>> -> memref<100x128xf32, #tpu.memory_space<vmem>>
        %dma_start3A_472 = arith.constant 0 : i32
        %dma_start3A_473 = tpu.memref_slice %arg7[%dma_start3A_466, %dma_start3A_472] : memref<3x100xi32, #tpu.memory_space<vmem>> -> memref<1x100xi32, #tpu.memory_space<vmem>>
        %dma_start3A_474 = tpu.memref_squeeze %dma_start3A_473 : memref<1x100xi32, #tpu.memory_space<vmem>> -> memref<100xi32, #tpu.memory_space<vmem>>
        %dma_start3A_475 = arith.constant 0 : i32
        %dma_start3A_476 = arith.constant 0 : i32
        %dma_start3A_477 = tpu.memref_slice %arg2[%dma_start3A_475, %dma_start3A_476] : memref<10000x128xf32, #tpu.memory_space<hbm>> -> memref<10000x128xf32, #tpu.memory_space<hbm>>
        tpu.enqueue_indirect_dma source(%dma_start3A_477 : memref<10000x128xf32, #tpu.memory_space<hbm>>) target(%dma_start3A_471 : memref<100x128xf32, #tpu.memory_space<vmem>>) offsets(%dma_start3A_474 : memref<100xi32, #tpu.memory_space<vmem>>) semaphore(%arg11 : memref<!tpu.dma_semaphore, #tpu.memory_space<semaphore_mem>>)
      } else {
      }
      %dma_wait3A_393 = arith.constant 1 : i32
      %dma_wait3A_394 = arith.constant 1 : i32
      %dma_wait3A_395 = arith.constant 0 : i32
      %dma_wait3A_396 = arith.constant 0 : i32
      %dma_wait3A_397 = tpu.memref_slice %arg9[%dma_wait3A_394, %dma_wait3A_395, %dma_wait3A_396] : memref<3x100x128xf32, #tpu.memory_space<vmem>> -> memref<1x100x128xf32, #tpu.memory_space<vmem>>
      %dma_wait3A_398 = tpu.memref_squeeze %dma_wait3A_397 : memref<1x100x128xf32, #tpu.memory_space<vmem>> -> memref<100x128xf32, #tpu.memory_space<vmem>>
      %dma_wait3A_399 = arith.constant 0 : i32
      %dma_wait3A_400 = tpu.memref_slice %arg7[%dma_wait3A_393, %dma_wait3A_399] : memref<3x100xi32, #tpu.memory_space<vmem>> -> memref<1x100xi32, #tpu.memory_space<vmem>>
      %dma_wait3A_401 = tpu.memref_squeeze %dma_wait3A_400 : memref<1x100xi32, #tpu.memory_space<vmem>> -> memref<100xi32, #tpu.memory_space<vmem>>
      %dma_wait3A_402 = arith.constant 0 : i32
      %dma_wait3A_403 = arith.constant 0 : i32
      %dma_wait3A_404 = tpu.memref_slice %arg2[%dma_wait3A_402, %dma_wait3A_403] : memref<10000x128xf32, #tpu.memory_space<hbm>> -> memref<10000x128xf32, #tpu.memory_space<hbm>>
      tpu.wait_indirect_dma semaphore(%arg15 : memref<!tpu.dma_semaphore, #tpu.memory_space<semaphore_mem>>) src(%dma_wait3A_404 : memref<10000x128xf32, #tpu.memory_space<hbm>>) dst(%dma_wait3A_398 : memref<100x128xf32, #tpu.memory_space<vmem>>)
      %add3A_405 = arith.constant 1 : i32
      %add3A_406 = arith.addi %mul3A_232, %add3A_405 : i32
      %add3A_407 = arith.constant 3 : i32
      %add3A_408 = arith.addi %add3A_406, %add3A_407 : i32
      %lt3A_409 = arith.constant 100 : i32
      %lt3A_410 = arith.cmpi slt, %add3A_408, %lt3A_409 : i32
      %convert_element_type3A_411 = arith.extui %lt3A_410 : i1 to i32
      %cond3A_412 = arith.constant 0 : i32
      %cond3A_413 = arith.cmpi ne, %convert_element_type3A_411, %cond3A_412 : i32
      scf.if %cond3A_413 {
        %add3A_435 = arith.constant 1 : i32
        %add3A_436 = arith.addi %mul3A_232, %add3A_435 : i32
        %add3A_437 = arith.constant 3 : i32
        %add3A_438 = arith.addi %add3A_436, %add3A_437 : i32
        %dma_start3A_439 = arith.constant 1 : i32
        %dma_start3A_440 = arith.constant 0 : i32
        %dma_start3A_441 = tpu.memref_slice %arg8[%dma_start3A_439, %dma_start3A_440] : memref<3x100xi32, #tpu.memory_space<vmem>> -> memref<1x100xi32, #tpu.memory_space<vmem>>
        %dma_start3A_442 = tpu.memref_squeeze %dma_start3A_441 : memref<1x100xi32, #tpu.memory_space<vmem>> -> memref<100xi32, #tpu.memory_space<vmem>>
        %dma_start3A_443 = arith.constant 0 : i32
        %dma_start3A_444 = tpu.memref_slice %arg4[%arg0, %arg1, %add3A_438, %dma_start3A_443] : memref<2x16x100x100xi32, #tpu.memory_space<hbm>> -> memref<1x1x1x100xi32, #tpu.memory_space<hbm>>
        %dma_start3A_445 = tpu.memref_squeeze %dma_start3A_444 : memref<1x1x1x100xi32, #tpu.memory_space<hbm>> -> memref<100xi32, #tpu.memory_space<hbm>>
        %dma_start3A_446 = arith.constant 0 : i32
        %dma_start3A_447 = tpu.memref_slice %arg8[%dma_start3A_439, %dma_start3A_446] : memref<3x100xi32, #tpu.memory_space<vmem>> -> memref<1x100xi32, #tpu.memory_space<vmem>>
        %dma_start3A_448 = tpu.memref_squeeze %dma_start3A_447 : memref<1x100xi32, #tpu.memory_space<vmem>> -> memref<100xi32, #tpu.memory_space<vmem>>
        %dma_start3A_449 = arith.constant 0 : i32
        %dma_start3A_450 = tpu.memref_slice %arg4[%arg0, %arg1, %add3A_438, %dma_start3A_449] : memref<2x16x100x100xi32, #tpu.memory_space<hbm>> -> memref<1x1x1x100xi32, #tpu.memory_space<hbm>>
        %dma_start3A_451 = tpu.memref_squeeze %dma_start3A_450 : memref<1x1x1x100xi32, #tpu.memory_space<hbm>> -> memref<100xi32, #tpu.memory_space<hbm>>
        tpu.enqueue_dma source(%dma_start3A_451 : memref<100xi32, #tpu.memory_space<hbm>>) target(%dma_start3A_448 : memref<100xi32, #tpu.memory_space<vmem>>) target_semaphore(%arg21 : memref<!tpu.dma_semaphore, #tpu.memory_space<semaphore_mem>>)
        %dma_wait3A_452 = arith.constant 0 : i32
        %dma_wait3A_453 = arith.constant 1 : i32
        %dma_wait3A_454 = arith.constant 0 : i32
        %dma_wait3A_455 = tpu.memref_slice %arg7[%dma_wait3A_453, %dma_wait3A_454] : memref<3x100xi32, #tpu.memory_space<vmem>> -> memref<1x100xi32, #tpu.memory_space<vmem>>
        %dma_wait3A_456 = tpu.memref_squeeze %dma_wait3A_455 : memref<1x100xi32, #tpu.memory_space<vmem>> -> memref<100xi32, #tpu.memory_space<vmem>>
        %dma_wait3A_457 = arith.constant 0 : i32
        %dma_wait3A_458 = tpu.memref_slice %arg3[%arg0, %arg1, %dma_wait3A_452, %dma_wait3A_457] : memref<2x16x100x100xi32, #tpu.memory_space<hbm>> -> memref<1x1x1x100xi32, #tpu.memory_space<hbm>>
        %dma_wait3A_459 = tpu.memref_squeeze %dma_wait3A_458 : memref<1x1x1x100xi32, #tpu.memory_space<hbm>> -> memref<100xi32, #tpu.memory_space<hbm>>
        %dma_wait3A_460 = arith.constant 0 : i32
        %dma_wait3A_461 = tpu.memref_slice %arg7[%dma_wait3A_453, %dma_wait3A_460] : memref<3x100xi32, #tpu.memory_space<vmem>> -> memref<1x100xi32, #tpu.memory_space<vmem>>
        %dma_wait3A_462 = tpu.memref_squeeze %dma_wait3A_461 : memref<1x100xi32, #tpu.memory_space<vmem>> -> memref<100xi32, #tpu.memory_space<vmem>>
        %dma_wait3A_463 = arith.constant 0 : i32
        %dma_wait3A_464 = tpu.memref_slice %arg3[%arg0, %arg1, %dma_wait3A_452, %dma_wait3A_463] : memref<2x16x100x100xi32, #tpu.memory_space<hbm>> -> memref<1x1x1x100xi32, #tpu.memory_space<hbm>>
        %dma_wait3A_465 = tpu.memref_squeeze %dma_wait3A_464 : memref<1x1x1x100xi32, #tpu.memory_space<hbm>> -> memref<100xi32, #tpu.memory_space<hbm>>
        tpu.wait_dma2 semaphore(%arg18 : memref<!tpu.dma_semaphore, #tpu.memory_space<semaphore_mem>>) src(%dma_wait3A_465 : memref<100xi32, #tpu.memory_space<hbm>>) dst(%dma_wait3A_462 : memref<100xi32, #tpu.memory_space<vmem>>)
        %dma_start3A_466 = arith.constant 1 : i32
        %dma_start3A_467 = arith.constant 1 : i32
        %dma_start3A_468 = arith.constant 0 : i32
        %dma_start3A_469 = arith.constant 0 : i32
        %dma_start3A_470 = tpu.memref_slice %arg9[%dma_start3A_467, %dma_start3A_468, %dma_start3A_469] : memref<3x100x128xf32, #tpu.memory_space<vmem>> -> memref<1x100x128xf32, #tpu.memory_space<vmem>>
        %dma_start3A_471 = tpu.memref_squeeze %dma_start3A_470 : memref<1x100x128xf32, #tpu.memory_space<vmem>> -> memref<100x128xf32, #tpu.memory_space<vmem>>
        %dma_start3A_472 = arith.constant 0 : i32
        %dma_start3A_473 = tpu.memref_slice %arg7[%dma_start3A_466, %dma_start3A_472] : memref<3x100xi32, #tpu.memory_space<vmem>> -> memref<1x100xi32, #tpu.memory_space<vmem>>
        %dma_start3A_474 = tpu.memref_squeeze %dma_start3A_473 : memref<1x100xi32, #tpu.memory_space<vmem>> -> memref<100xi32, #tpu.memory_space<vmem>>
        %dma_start3A_475 = arith.constant 0 : i32
        %dma_start3A_476 = arith.constant 0 : i32
        %dma_start3A_477 = tpu.memref_slice %arg2[%dma_start3A_475, %dma_start3A_476] : memref<10000x128xf32, #tpu.memory_space<hbm>> -> memref<10000x128xf32, #tpu.memory_space<hbm>>
        tpu.enqueue_indirect_dma source(%dma_start3A_477 : memref<10000x128xf32, #tpu.memory_space<hbm>>) target(%dma_start3A_471 : memref<100x128xf32, #tpu.memory_space<vmem>>) offsets(%dma_start3A_474 : memref<100xi32, #tpu.memory_space<vmem>>) semaphore(%arg12 : memref<!tpu.dma_semaphore, #tpu.memory_space<semaphore_mem>>)
      } else {
      }
      %dma_wait3A_414 = arith.constant 2 : i32
      %dma_wait3A_415 = arith.constant 2 : i32
      %dma_wait3A_416 = arith.constant 0 : i32
      %dma_wait3A_417 = arith.constant 0 : i32
      %dma_wait3A_418 = tpu.memref_slice %arg9[%dma_wait3A_415, %dma_wait3A_416, %dma_wait3A_417] : memref<3x100x128xf32, #tpu.memory_space<vmem>> -> memref<1x100x128xf32, #tpu.memory_space<vmem>>
      %dma_wait3A_419 = tpu.memref_squeeze %dma_wait3A_418 : memref<1x100x128xf32, #tpu.memory_space<vmem>> -> memref<100x128xf32, #tpu.memory_space<vmem>>
      %dma_wait3A_420 = arith.constant 0 : i32
      %dma_wait3A_421 = tpu.memref_slice %arg7[%dma_wait3A_414, %dma_wait3A_420] : memref<3x100xi32, #tpu.memory_space<vmem>> -> memref<1x100xi32, #tpu.memory_space<vmem>>
      %dma_wait3A_422 = tpu.memref_squeeze %dma_wait3A_421 : memref<1x100xi32, #tpu.memory_space<vmem>> -> memref<100xi32, #tpu.memory_space<vmem>>
      %dma_wait3A_423 = arith.constant 0 : i32
      %dma_wait3A_424 = arith.constant 0 : i32
      %dma_wait3A_425 = tpu.memref_slice %arg2[%dma_wait3A_423, %dma_wait3A_424] : memref<10000x128xf32, #tpu.memory_space<hbm>> -> memref<10000x128xf32, #tpu.memory_space<hbm>>
      tpu.wait_indirect_dma semaphore(%arg16 : memref<!tpu.dma_semaphore, #tpu.memory_space<semaphore_mem>>) src(%dma_wait3A_425 : memref<10000x128xf32, #tpu.memory_space<hbm>>) dst(%dma_wait3A_419 : memref<100x128xf32, #tpu.memory_space<vmem>>)
      %add3A_426 = arith.constant 2 : i32
      %add3A_427 = arith.addi %mul3A_232, %add3A_426 : i32
      %add3A_428 = arith.constant 3 : i32
      %add3A_429 = arith.addi %add3A_427, %add3A_428 : i32
      %lt3A_430 = arith.constant 100 : i32
      %lt3A_431 = arith.cmpi slt, %add3A_429, %lt3A_430 : i32
      %convert_element_type3A_432 = arith.extui %lt3A_431 : i1 to i32
      %cond3A_433 = arith.constant 0 : i32
      %cond3A_434 = arith.cmpi ne, %convert_element_type3A_432, %cond3A_433 : i32
      scf.if %cond3A_434 {
        %add3A_435 = arith.constant 2 : i32
        %add3A_436 = arith.addi %mul3A_232, %add3A_435 : i32
        %add3A_437 = arith.constant 3 : i32
        %add3A_438 = arith.addi %add3A_436, %add3A_437 : i32
        %dma_start3A_439 = arith.constant 2 : i32
        %dma_start3A_440 = arith.constant 0 : i32
        %dma_start3A_441 = tpu.memref_slice %arg8[%dma_start3A_439, %dma_start3A_440] : memref<3x100xi32, #tpu.memory_space<vmem>> -> memref<1x100xi32, #tpu.memory_space<vmem>>
        %dma_start3A_442 = tpu.memref_squeeze %dma_start3A_441 : memref<1x100xi32, #tpu.memory_space<vmem>> -> memref<100xi32, #tpu.memory_space<vmem>>
        %dma_start3A_443 = arith.constant 0 : i32
        %dma_start3A_444 = tpu.memref_slice %arg4[%arg0, %arg1, %add3A_438, %dma_start3A_443] : memref<2x16x100x100xi32, #tpu.memory_space<hbm>> -> memref<1x1x1x100xi32, #tpu.memory_space<hbm>>
        %dma_start3A_445 = tpu.memref_squeeze %dma_start3A_444 : memref<1x1x1x100xi32, #tpu.memory_space<hbm>> -> memref<100xi32, #tpu.memory_space<hbm>>
        %dma_start3A_446 = arith.constant 0 : i32
        %dma_start3A_447 = tpu.memref_slice %arg8[%dma_start3A_439, %dma_start3A_446] : memref<3x100xi32, #tpu.memory_space<vmem>> -> memref<1x100xi32, #tpu.memory_space<vmem>>
        %dma_start3A_448 = tpu.memref_squeeze %dma_start3A_447 : memref<1x100xi32, #tpu.memory_space<vmem>> -> memref<100xi32, #tpu.memory_space<vmem>>
        %dma_start3A_449 = arith.constant 0 : i32
        %dma_start3A_450 = tpu.memref_slice %arg4[%arg0, %arg1, %add3A_438, %dma_start3A_449] : memref<2x16x100x100xi32, #tpu.memory_space<hbm>> -> memref<1x1x1x100xi32, #tpu.memory_space<hbm>>
        %dma_start3A_451 = tpu.memref_squeeze %dma_start3A_450 : memref<1x1x1x100xi32, #tpu.memory_space<hbm>> -> memref<100xi32, #tpu.memory_space<hbm>>
        tpu.enqueue_dma source(%dma_start3A_451 : memref<100xi32, #tpu.memory_space<hbm>>) target(%dma_start3A_448 : memref<100xi32, #tpu.memory_space<vmem>>) target_semaphore(%arg22 : memref<!tpu.dma_semaphore, #tpu.memory_space<semaphore_mem>>)
        %dma_wait3A_452 = arith.constant 0 : i32
        %dma_wait3A_453 = arith.constant 2 : i32
        %dma_wait3A_454 = arith.constant 0 : i32
        %dma_wait3A_455 = tpu.memref_slice %arg7[%dma_wait3A_453, %dma_wait3A_454] : memref<3x100xi32, #tpu.memory_space<vmem>> -> memref<1x100xi32, #tpu.memory_space<vmem>>
        %dma_wait3A_456 = tpu.memref_squeeze %dma_wait3A_455 : memref<1x100xi32, #tpu.memory_space<vmem>> -> memref<100xi32, #tpu.memory_space<vmem>>
        %dma_wait3A_457 = arith.constant 0 : i32
        %dma_wait3A_458 = tpu.memref_slice %arg3[%arg0, %arg1, %dma_wait3A_452, %dma_wait3A_457] : memref<2x16x100x100xi32, #tpu.memory_space<hbm>> -> memref<1x1x1x100xi32, #tpu.memory_space<hbm>>
        %dma_wait3A_459 = tpu.memref_squeeze %dma_wait3A_458 : memref<1x1x1x100xi32, #tpu.memory_space<hbm>> -> memref<100xi32, #tpu.memory_space<hbm>>
        %dma_wait3A_460 = arith.constant 0 : i32
        %dma_wait3A_461 = tpu.memref_slice %arg7[%dma_wait3A_453, %dma_wait3A_460] : memref<3x100xi32, #tpu.memory_space<vmem>> -> memref<1x100xi32, #tpu.memory_space<vmem>>
        %dma_wait3A_462 = tpu.memref_squeeze %dma_wait3A_461 : memref<1x100xi32, #tpu.memory_space<vmem>> -> memref<100xi32, #tpu.memory_space<vmem>>
        %dma_wait3A_463 = arith.constant 0 : i32
        %dma_wait3A_464 = tpu.memref_slice %arg3[%arg0, %arg1, %dma_wait3A_452, %dma_wait3A_463] : memref<2x16x100x100xi32, #tpu.memory_space<hbm>> -> memref<1x1x1x100xi32, #tpu.memory_space<hbm>>
        %dma_wait3A_465 = tpu.memref_squeeze %dma_wait3A_464 : memref<1x1x1x100xi32, #tpu.memory_space<hbm>> -> memref<100xi32, #tpu.memory_space<hbm>>
        tpu.wait_dma2 semaphore(%arg19 : memref<!tpu.dma_semaphore, #tpu.memory_space<semaphore_mem>>) src(%dma_wait3A_465 : memref<100xi32, #tpu.memory_space<hbm>>) dst(%dma_wait3A_462 : memref<100xi32, #tpu.memory_space<vmem>>)
        %dma_start3A_466 = arith.constant 2 : i32
        %dma_start3A_467 = arith.constant 2 : i32
        %dma_start3A_468 = arith.constant 0 : i32
        %dma_start3A_469 = arith.constant 0 : i32
        %dma_start3A_470 = tpu.memref_slice %arg9[%dma_start3A_467, %dma_start3A_468, %dma_start3A_469] : memref<3x100x128xf32, #tpu.memory_space<vmem>> -> memref<1x100x128xf32, #tpu.memory_space<vmem>>
        %dma_start3A_471 = tpu.memref_squeeze %dma_start3A_470 : memref<1x100x128xf32, #tpu.memory_space<vmem>> -> memref<100x128xf32, #tpu.memory_space<vmem>>
        %dma_start3A_472 = arith.constant 0 : i32
        %dma_start3A_473 = tpu.memref_slice %arg7[%dma_start3A_466, %dma_start3A_472] : memref<3x100xi32, #tpu.memory_space<vmem>> -> memref<1x100xi32, #tpu.memory_space<vmem>>
        %dma_start3A_474 = tpu.memref_squeeze %dma_start3A_473 : memref<1x100xi32, #tpu.memory_space<vmem>> -> memref<100xi32, #tpu.memory_space<vmem>>
        %dma_start3A_475 = arith.constant 0 : i32
        %dma_start3A_476 = arith.constant 0 : i32
        %dma_start3A_477 = tpu.memref_slice %arg2[%dma_start3A_475, %dma_start3A_476] : memref<10000x128xf32, #tpu.memory_space<hbm>> -> memref<10000x128xf32, #tpu.memory_space<hbm>>
        tpu.enqueue_indirect_dma source(%dma_start3A_477 : memref<10000x128xf32, #tpu.memory_space<hbm>>) target(%dma_start3A_471 : memref<100x128xf32, #tpu.memory_space<vmem>>) offsets(%dma_start3A_474 : memref<100xi32, #tpu.memory_space<vmem>>) semaphore(%arg13 : memref<!tpu.dma_semaphore, #tpu.memory_space<semaphore_mem>>)
      } else {
      }
    }
    %scan3A_169 = arith.constant 33 : i32
    %dma_wait3A_170 = arith.constant 0 : i32
    %dma_wait3A_171 = arith.constant 0 : i32
    %dma_wait3A_172 = arith.constant 0 : i32
    %dma_wait3A_173 = arith.constant 0 : i32
    %dma_wait3A_174 = tpu.memref_slice %arg9[%dma_wait3A_171, %dma_wait3A_172, %dma_wait3A_173] : memref<3x100x128xf32, #tpu.memory_space<vmem>> -> memref<1x100x128xf32, #tpu.memory_space<vmem>>
    %dma_wait3A_175 = tpu.memref_squeeze %dma_wait3A_174 : memref<1x100x128xf32, #tpu.memory_space<vmem>> -> memref<100x128xf32, #tpu.memory_space<vmem>>
    %dma_wait3A_176 = arith.constant 0 : i32
    %dma_wait3A_177 = tpu.memref_slice %arg7[%dma_wait3A_170, %dma_wait3A_176] : memref<3x100xi32, #tpu.memory_space<vmem>> -> memref<1x100xi32, #tpu.memory_space<vmem>>
    %dma_wait3A_178 = tpu.memref_squeeze %dma_wait3A_177 : memref<1x100xi32, #tpu.memory_space<vmem>> -> memref<100xi32, #tpu.memory_space<vmem>>
    %dma_wait3A_179 = arith.constant 0 : i32
    %dma_wait3A_180 = arith.constant 0 : i32
    %dma_wait3A_181 = tpu.memref_slice %arg2[%dma_wait3A_179, %dma_wait3A_180] : memref<10000x128xf32, #tpu.memory_space<hbm>> -> memref<10000x128xf32, #tpu.memory_space<hbm>>
    tpu.wait_indirect_dma semaphore(%arg11 : memref<!tpu.dma_semaphore, #tpu.memory_space<semaphore_mem>>) src(%dma_wait3A_181 : memref<10000x128xf32, #tpu.memory_space<hbm>>) dst(%dma_wait3A_175 : memref<100x128xf32, #tpu.memory_space<vmem>>)
    %dma_wait3A_182 = arith.constant 0 : i32
    %dma_wait3A_183 = arith.constant 0 : i32
    %dma_wait3A_184 = arith.constant 0 : i32
    %dma_wait3A_185 = tpu.memref_slice %arg8[%dma_wait3A_183, %dma_wait3A_184] : memref<3x100xi32, #tpu.memory_space<vmem>> -> memref<1x100xi32, #tpu.memory_space<vmem>>
    %dma_wait3A_186 = tpu.memref_squeeze %dma_wait3A_185 : memref<1x100xi32, #tpu.memory_space<vmem>> -> memref<100xi32, #tpu.memory_space<vmem>>
    %dma_wait3A_187 = arith.constant 0 : i32
    %dma_wait3A_188 = tpu.memref_slice %arg3[%arg0, %arg1, %dma_wait3A_182, %dma_wait3A_187] : memref<2x16x100x100xi32, #tpu.memory_space<hbm>> -> memref<1x1x1x100xi32, #tpu.memory_space<hbm>>
    %dma_wait3A_189 = tpu.memref_squeeze %dma_wait3A_188 : memref<1x1x1x100xi32, #tpu.memory_space<hbm>> -> memref<100xi32, #tpu.memory_space<hbm>>
    %dma_wait3A_190 = arith.constant 0 : i32
    %dma_wait3A_191 = tpu.memref_slice %arg8[%dma_wait3A_183, %dma_wait3A_190] : memref<3x100xi32, #tpu.memory_space<vmem>> -> memref<1x100xi32, #tpu.memory_space<vmem>>
    %dma_wait3A_192 = tpu.memref_squeeze %dma_wait3A_191 : memref<1x100xi32, #tpu.memory_space<vmem>> -> memref<100xi32, #tpu.memory_space<vmem>>
    %dma_wait3A_193 = arith.constant 0 : i32
    %dma_wait3A_194 = tpu.memref_slice %arg3[%arg0, %arg1, %dma_wait3A_182, %dma_wait3A_193] : memref<2x16x100x100xi32, #tpu.memory_space<hbm>> -> memref<1x1x1x100xi32, #tpu.memory_space<hbm>>
    %dma_wait3A_195 = tpu.memref_squeeze %dma_wait3A_194 : memref<1x1x1x100xi32, #tpu.memory_space<hbm>> -> memref<100xi32, #tpu.memory_space<hbm>>
    tpu.wait_dma2 semaphore(%arg20 : memref<!tpu.dma_semaphore, #tpu.memory_space<semaphore_mem>>) src(%dma_wait3A_195 : memref<100xi32, #tpu.memory_space<hbm>>) dst(%dma_wait3A_192 : memref<100xi32, #tpu.memory_space<vmem>>)
    %dma_start3A_196 = arith.constant 0 : i32
    %dma_start3A_197 = arith.constant 0 : i32
    %dma_start3A_198 = arith.constant 0 : i32
    %dma_start3A_199 = arith.constant 0 : i32
    %dma_start3A_200 = tpu.memref_slice %arg9[%dma_start3A_196, %dma_start3A_198, %dma_start3A_199] : memref<3x100x128xf32, #tpu.memory_space<vmem>> -> memref<1x100x128xf32, #tpu.memory_space<vmem>>
    %dma_start3A_201 = tpu.memref_squeeze %dma_start3A_200 : memref<1x100x128xf32, #tpu.memory_space<vmem>> -> memref<100x128xf32, #tpu.memory_space<vmem>>
    %dma_start3A_202 = arith.constant 0 : i32
    %dma_start3A_203 = tpu.memref_slice %arg8[%dma_start3A_197, %dma_start3A_202] : memref<3x100xi32, #tpu.memory_space<vmem>> -> memref<1x100xi32, #tpu.memory_space<vmem>>
    %dma_start3A_204 = tpu.memref_squeeze %dma_start3A_203 : memref<1x100xi32, #tpu.memory_space<vmem>> -> memref<100xi32, #tpu.memory_space<vmem>>
    %dma_start3A_205 = arith.constant 0 : i32
    %dma_start3A_206 = arith.constant 0 : i32
    %dma_start3A_207 = tpu.memref_slice %arg10[%dma_start3A_205, %dma_start3A_206] : memref<10000x128xf32, #tpu.memory_space<vmem_shared>> -> memref<10000x128xf32, #tpu.memory_space<vmem_shared>>
    tpu.enqueue_indirect_dma source(%dma_start3A_201 : memref<100x128xf32, #tpu.memory_space<vmem>>) target(%dma_start3A_207 : memref<10000x128xf32, #tpu.memory_space<vmem_shared>>) offsets(%dma_start3A_204 : memref<100xi32, #tpu.memory_space<vmem>>) semaphore(%arg14 : memref<!tpu.dma_semaphore, #tpu.memory_space<semaphore_mem>>) {add = true}
    %dma_wait3A_208 = arith.constant 0 : i32
    %dma_wait3A_209 = arith.constant 0 : i32
    %dma_wait3A_210 = arith.constant 0 : i32
    %dma_wait3A_211 = arith.constant 0 : i32
    %dma_wait3A_212 = tpu.memref_slice %arg9[%dma_wait3A_209, %dma_wait3A_210, %dma_wait3A_211] : memref<3x100x128xf32, #tpu.memory_space<vmem>> -> memref<1x100x128xf32, #tpu.memory_space<vmem>>
    %dma_wait3A_213 = tpu.memref_squeeze %dma_wait3A_212 : memref<1x100x128xf32, #tpu.memory_space<vmem>> -> memref<100x128xf32, #tpu.memory_space<vmem>>
    %dma_wait3A_214 = arith.constant 0 : i32
    %dma_wait3A_215 = tpu.memref_slice %arg7[%dma_wait3A_208, %dma_wait3A_214] : memref<3x100xi32, #tpu.memory_space<vmem>> -> memref<1x100xi32, #tpu.memory_space<vmem>>
    %dma_wait3A_216 = tpu.memref_squeeze %dma_wait3A_215 : memref<1x100xi32, #tpu.memory_space<vmem>> -> memref<100xi32, #tpu.memory_space<vmem>>
    %dma_wait3A_217 = arith.constant 0 : i32
    %dma_wait3A_218 = arith.constant 0 : i32
    %dma_wait3A_219 = tpu.memref_slice %arg2[%dma_wait3A_217, %dma_wait3A_218] : memref<10000x128xf32, #tpu.memory_space<hbm>> -> memref<10000x128xf32, #tpu.memory_space<hbm>>
    tpu.wait_indirect_dma semaphore(%arg14 : memref<!tpu.dma_semaphore, #tpu.memory_space<semaphore_mem>>) src(%dma_wait3A_219 : memref<10000x128xf32, #tpu.memory_space<hbm>>) dst(%dma_wait3A_213 : memref<100x128xf32, #tpu.memory_space<vmem>>)
    %barrier3A_220 = arith.constant 0 : index
    tpu.barrier barrier_id(%barrier3A_220)
    %mul3A_221 = arith.constant 624 : i32
    %mul3A_222 = arith.muli %arg1, %mul3A_221 : i32
    %mul3A_223 = arith.constant 624 : i32
    %mul3A_224 = arith.muli %arg1, %mul3A_223 : i32
    "tpu.region"() ({
      %run_scoped3A = tpu.sem_alloc : memref<!tpu.dma_semaphore, #tpu.memory_space<semaphore_mem>>
      %dma_start3A_230 = arith.constant 0 : i32
      %dma_start3A_231 = tpu.memref_slice %arg6[%arg0, %mul3A_224, %dma_start3A_230] : memref<2x10000x128xf32, #tpu.memory_space<hbm>> -> memref<1x624x128xf32, #tpu.memory_space<hbm>>
      %dma_start3A_232 = tpu.memref_squeeze %dma_start3A_231 : memref<1x624x128xf32, #tpu.memory_space<hbm>> -> memref<624x128xf32, #tpu.memory_space<hbm>>
      %dma_start3A_233 = arith.constant 0 : i32
      %dma_start3A_234 = tpu.memref_slice %arg10[%mul3A_222, %dma_start3A_233] : memref<10000x128xf32, #tpu.memory_space<vmem_shared>> -> memref<624x128xf32, #tpu.memory_space<vmem_shared>>
      tpu.enqueue_dma source(%dma_start3A_234 : memref<624x128xf32, #tpu.memory_space<vmem_shared>>) target(%dma_start3A_232 : memref<624x128xf32, #tpu.memory_space<hbm>>) target_semaphore(%run_scoped3A : memref<!tpu.dma_semaphore, #tpu.memory_space<semaphore_mem>>)
      %dma_wait3A_235 = arith.constant 0 : i32
      %dma_wait3A_236 = tpu.memref_slice %arg6[%arg0, %mul3A_224, %dma_wait3A_235] : memref<2x10000x128xf32, #tpu.memory_space<hbm>> -> memref<1x624x128xf32, #tpu.memory_space<hbm>>
      %dma_wait3A_237 = tpu.memref_squeeze %dma_wait3A_236 : memref<1x624x128xf32, #tpu.memory_space<hbm>> -> memref<624x128xf32, #tpu.memory_space<hbm>>
      %dma_wait3A_238 = arith.constant 0 : i32
      %dma_wait3A_239 = tpu.memref_slice %arg10[%mul3A_222, %dma_wait3A_238] : memref<10000x128xf32, #tpu.memory_space<vmem_shared>> -> memref<624x128xf32, #tpu.memory_space<vmem_shared>>
      tpu.wait_dma2 semaphore(%run_scoped3A : memref<!tpu.dma_semaphore, #tpu.memory_space<semaphore_mem>>) src(%dma_wait3A_239 : memref<624x128xf32, #tpu.memory_space<vmem_shared>>) dst(%dma_wait3A_237 : memref<624x128xf32, #tpu.memory_space<hbm>>)
      tpu.yield
    }) : () -> ()
    %eq3A_225 = arith.constant 0 : i32
    %eq3A_226 = arith.cmpi eq, %arg1, %eq3A_225 : i32
    %convert_element_type3A_227 = arith.extui %eq3A_226 : i1 to i32
    %cond3A_228 = arith.constant 0 : i32
    %cond3A_229 = arith.cmpi ne, %convert_element_type3A_227, %cond3A_228 : i32
    scf.if %cond3A_229 {
      "tpu.region"() ({
        %run_scoped3A = tpu.sem_alloc : memref<!tpu.dma_semaphore, #tpu.memory_space<semaphore_mem>>
        %dma_start3A_230 = arith.constant 9984 : i32
        %dma_start3A_231 = arith.constant 0 : i32
        %dma_start3A_232 = tpu.memref_slice %arg6[%arg0, %dma_start3A_230, %dma_start3A_231] : memref<2x10000x128xf32, #tpu.memory_space<hbm>> -> memref<1x16x128xf32, #tpu.memory_space<hbm>>
        %dma_start3A_233 = tpu.memref_squeeze %dma_start3A_232 : memref<1x16x128xf32, #tpu.memory_space<hbm>> -> memref<16x128xf32, #tpu.memory_space<hbm>>
        %dma_start3A_234 = arith.constant 9984 : i32
        %dma_start3A_235 = arith.constant 0 : i32
        %dma_start3A_236 = tpu.memref_slice %arg10[%dma_start3A_234, %dma_start3A_235] : memref<10000x128xf32, #tpu.memory_space<vmem_shared>> -> memref<16x128xf32, #tpu.memory_space<vmem_shared>>
        tpu.enqueue_dma source(%dma_start3A_236 : memref<16x128xf32, #tpu.memory_space<vmem_shared>>) target(%dma_start3A_233 : memref<16x128xf32, #tpu.memory_space<hbm>>) target_semaphore(%run_scoped3A : memref<!tpu.dma_semaphore, #tpu.memory_space<semaphore_mem>>)
        %dma_wait3A_237 = arith.constant 9984 : i32
        %dma_wait3A_238 = arith.constant 0 : i32
        %dma_wait3A_239 = tpu.memref_slice %arg6[%arg0, %dma_wait3A_237, %dma_wait3A_238] : memref<2x10000x128xf32, #tpu.memory_space<hbm>> -> memref<1x16x128xf32, #tpu.memory_space<hbm>>
        %dma_wait3A_240 = tpu.memref_squeeze %dma_wait3A_239 : memref<1x16x128xf32, #tpu.memory_space<hbm>> -> memref<16x128xf32, #tpu.memory_space<hbm>>
        %dma_wait3A_241 = arith.constant 9984 : i32
        %dma_wait3A_242 = arith.constant 0 : i32
        %dma_wait3A_243 = tpu.memref_slice %arg10[%dma_wait3A_241, %dma_wait3A_242] : memref<10000x128xf32, #tpu.memory_space<vmem_shared>> -> memref<16x128xf32, #tpu.memory_space<vmem_shared>>
        tpu.wait_dma2 semaphore(%run_scoped3A : memref<!tpu.dma_semaphore, #tpu.memory_space<semaphore_mem>>) src(%dma_wait3A_243 : memref<16x128xf32, #tpu.memory_space<vmem_shared>>) dst(%dma_wait3A_240 : memref<16x128xf32, #tpu.memory_space<hbm>>)
        tpu.yield
      }) : () -> ()
    } else {
    }
    return
  }
}

#map = affine_map<(d0, d1) -> (0, 0)>
#map1 = affine_map<(d0, d1) -> (0, 0, 0, 0)>
#map2 = affine_map<(d0, d1) -> (0, 0, 0)>
module attributes {stable_mosaic.version = 14 : i64} {
  func.func @k(%arg0: i32, %arg1: i32, %arg2: memref<10000x128xf32, #tpu.memory_space<hbm>>, %arg3: memref<2x16x100x100xi32, #tpu.memory_space<hbm>>, %arg4: memref<2x16x100x100xi32, #tpu.memory_space<hbm>>, %arg5: memref<10000x128xf32, #tpu.memory_space<hbm>>, %arg6: memref<2x10000x128xf32, #tpu.memory_space<hbm>>, %arg7: memref<3x100xi32, #tpu.memory_space<vmem>>, %arg8: memref<3x100xi32, #tpu.memory_space<vmem>>, %arg9: memref<3x100x128xf32, #tpu.memory_space<vmem>>, %arg10: memref<10000x128xf32, #tpu.memory_space<vmem_shared>>, %arg11: memref<!tpu.dma_semaphore, #tpu.memory_space<semaphore_mem>>, %arg12: memref<!tpu.dma_semaphore, #tpu.memory_space<semaphore_mem>>, %arg13: memref<!tpu.dma_semaphore, #tpu.memory_space<semaphore_mem>>, %arg14: memref<!tpu.dma_semaphore, #tpu.memory_space<semaphore_mem>>, %arg15: memref<!tpu.dma_semaphore, #tpu.memory_space<semaphore_mem>>, %arg16: memref<!tpu.dma_semaphore, #tpu.memory_space<semaphore_mem>>, %arg17: memref<!tpu.dma_semaphore, #tpu.memory_space<semaphore_mem>>, %arg18: memref<!tpu.dma_semaphore, #tpu.memory_space<semaphore_mem>>, %arg19: memref<!tpu.dma_semaphore, #tpu.memory_space<semaphore_mem>>, %arg20: memref<!tpu.dma_semaphore, #tpu.memory_space<semaphore_mem>>, %arg21: memref<!tpu.dma_semaphore, #tpu.memory_space<semaphore_mem>>, %arg22: memref<!tpu.dma_semaphore, #tpu.memory_space<semaphore_mem>>) attributes {dimension_semantics = [#tpu.dimension_semantics<core_parallel>, #tpu.dimension_semantics<subcore_parallel>], iteration_bounds = array<i64: 2, 16>, scalar_prefetch = 0 : i64, scratch_operands = 16 : i64, tpu.core_type = #tpu.core_type<sc_vector_subcore>, window_params = [{transform_indices = #map}, {transform_indices = #map1}, {transform_indices = #map1}, {transform_indices = #map}, {transform_indices = #map2}]} {
    %mul3A = arith.constant 624 : i32
    %mul3A_0 = arith.muli %arg1, %mul3A : i32
    %mul3A_1 = arith.constant 624 : i32
    %mul3A_2 = arith.muli %arg1, %mul3A_1 : i32
    "tpu.region"() ({
      %run_scoped3A = tpu.sem_alloc : memref<!tpu.dma_semaphore, #tpu.memory_space<semaphore_mem>>
      %dma_start3A_230 = arith.constant 0 : i32
      %dma_start3A_231 = tpu.memref_slice %arg10[%mul3A_2, %dma_start3A_230] : memref<10000x128xf32, #tpu.memory_space<vmem_shared>> -> memref<624x128xf32, #tpu.memory_space<vmem_shared>>
      %dma_start3A_232 = arith.constant 0 : i32
      %dma_start3A_233 = tpu.memref_slice %arg5[%mul3A_0, %dma_start3A_232] : memref<10000x128xf32, #tpu.memory_space<hbm>> -> memref<624x128xf32, #tpu.memory_space<hbm>>
      tpu.enqueue_dma source(%dma_start3A_233 : memref<624x128xf32, #tpu.memory_space<hbm>>) target(%dma_start3A_231 : memref<624x128xf32, #tpu.memory_space<vmem_shared>>) target_semaphore(%run_scoped3A : memref<!tpu.dma_semaphore, #tpu.memory_space<semaphore_mem>>)
      %dma_wait3A_234 = arith.constant 0 : i32
      %dma_wait3A_235 = tpu.memref_slice %arg10[%mul3A_2, %dma_wait3A_234] : memref<10000x128xf32, #tpu.memory_space<vmem_shared>> -> memref<624x128xf32, #tpu.memory_space<vmem_shared>>
      %dma_wait3A_236 = arith.constant 0 : i32
      %dma_wait3A_237 = tpu.memref_slice %arg5[%mul3A_0, %dma_wait3A_236] : memref<10000x128xf32, #tpu.memory_space<hbm>> -> memref<624x128xf32, #tpu.memory_space<hbm>>
      tpu.wait_dma2 semaphore(%run_scoped3A : memref<!tpu.dma_semaphore, #tpu.memory_space<semaphore_mem>>) src(%dma_wait3A_237 : memref<624x128xf32, #tpu.memory_space<hbm>>) dst(%dma_wait3A_235 : memref<624x128xf32, #tpu.memory_space<vmem_shared>>)
      tpu.yield
    }) : () -> ()
    %eq3A = arith.constant 0 : i32
    %eq3A_3 = arith.cmpi eq, %arg1, %eq3A : i32
    %convert_element_type3A = arith.extui %eq3A_3 : i1 to i32
    %cond3A = arith.constant 0 : i32
    %cond3A_4 = arith.cmpi ne, %convert_element_type3A, %cond3A : i32
    scf.if %cond3A_4 {
      "tpu.region"() ({
        %run_scoped3A = tpu.sem_alloc : memref<!tpu.dma_semaphore, #tpu.memory_space<semaphore_mem>>
        %dma_start3A_230 = arith.constant 9984 : i32
        %dma_start3A_231 = arith.constant 0 : i32
        %dma_start3A_232 = tpu.memref_slice %arg10[%dma_start3A_230, %dma_start3A_231] : memref<10000x128xf32, #tpu.memory_space<vmem_shared>> -> memref<16x128xf32, #tpu.memory_space<vmem_shared>>
        %dma_start3A_233 = arith.constant 9984 : i32
        %dma_start3A_234 = arith.constant 0 : i32
        %dma_start3A_235 = tpu.memref_slice %arg5[%dma_start3A_233, %dma_start3A_234] : memref<10000x128xf32, #tpu.memory_space<hbm>> -> memref<16x128xf32, #tpu.memory_space<hbm>>
        tpu.enqueue_dma source(%dma_start3A_235 : memref<16x128xf32, #tpu.memory_space<hbm>>) target(%dma_start3A_232 : memref<16x128xf32, #tpu.memory_space<vmem_shared>>) target_semaphore(%run_scoped3A : memref<!tpu.dma_semaphore, #tpu.memory_space<semaphore_mem>>)
        %dma_wait3A_236 = arith.constant 9984 : i32
        %dma_wait3A_237 = arith.constant 0 : i32
        %dma_wait3A_238 = tpu.memref_slice %arg10[%dma_wait3A_236, %dma_wait3A_237] : memref<10000x128xf32, #tpu.memory_space<vmem_shared>> -> memref<16x128xf32, #tpu.memory_space<vmem_shared>>
        %dma_wait3A_239 = arith.constant 9984 : i32
        %dma_wait3A_240 = arith.constant 0 : i32
        %dma_wait3A_241 = tpu.memref_slice %arg5[%dma_wait3A_239, %dma_wait3A_240] : memref<10000x128xf32, #tpu.memory_space<hbm>> -> memref<16x128xf32, #tpu.memory_space<hbm>>
        tpu.wait_dma2 semaphore(%run_scoped3A : memref<!tpu.dma_semaphore, #tpu.memory_space<semaphore_mem>>) src(%dma_wait3A_241 : memref<16x128xf32, #tpu.memory_space<hbm>>) dst(%dma_wait3A_238 : memref<16x128xf32, #tpu.memory_space<vmem_shared>>)
        tpu.yield
      }) : () -> ()
    } else {
    }
    %barrier3A = arith.constant 0 : index
    tpu.barrier barrier_id(%barrier3A)
    %dma_start3A = arith.constant 0 : i32
    %dma_start3A_5 = arith.constant 0 : i32
    %dma_start3A_6 = arith.constant 0 : i32
    %dma_start3A_7 = tpu.memref_slice %arg7[%dma_start3A_5, %dma_start3A_6] : memref<3x100xi32, #tpu.memory_space<vmem>> -> memref<1x100xi32, #tpu.memory_space<vmem>>
    %dma_start3A_8 = tpu.memref_squeeze %dma_start3A_7 : memref<1x100xi32, #tpu.memory_space<vmem>> -> memref<100xi32, #tpu.memory_space<vmem>>
    %dma_start3A_9 = arith.constant 0 : i32
    %dma_start3A_10 = tpu.memref_slice %arg3[%arg0, %arg1, %dma_start3A, %dma_start3A_9] : memref<2x16x100x100xi32, #tpu.memory_space<hbm>> -> memref<1x1x1x100xi32, #tpu.memory_space<hbm>>
    %dma_start3A_11 = tpu.memref_squeeze %dma_start3A_10 : memref<1x1x1x100xi32, #tpu.memory_space<hbm>> -> memref<100xi32, #tpu.memory_space<hbm>>
    %dma_start3A_12 = arith.constant 0 : i32
    %dma_start3A_13 = tpu.memref_slice %arg7[%dma_start3A_5, %dma_start3A_12] : memref<3x100xi32, #tpu.memory_space<vmem>> -> memref<1x100xi32, #tpu.memory_space<vmem>>
    %dma_start3A_14 = tpu.memref_squeeze %dma_start3A_13 : memref<1x100xi32, #tpu.memory_space<vmem>> -> memref<100xi32, #tpu.memory_space<vmem>>
    %dma_start3A_15 = arith.constant 0 : i32
    %dma_start3A_16 = tpu.memref_slice %arg3[%arg0, %arg1, %dma_start3A, %dma_start3A_15] : memref<2x16x100x100xi32, #tpu.memory_space<hbm>> -> memref<1x1x1x100xi32, #tpu.memory_space<hbm>>
    %dma_start3A_17 = tpu.memref_squeeze %dma_start3A_16 : memref<1x1x1x100xi32, #tpu.memory_space<hbm>> -> memref<100xi32, #tpu.memory_space<hbm>>
    tpu.enqueue_dma source(%dma_start3A_17 : memref<100xi32, #tpu.memory_space<hbm>>) target(%dma_start3A_14 : memref<100xi32, #tpu.memory_space<vmem>>) target_semaphore(%arg17 : memref<!tpu.dma_semaphore, #tpu.memory_space<semaphore_mem>>)
    %dma_start3A_18 = arith.constant 0 : i32
    %dma_start3A_19 = arith.constant 0 : i32
    %dma_start3A_20 = arith.constant 0 : i32
    %dma_start3A_21 = tpu.memref_slice %arg8[%dma_start3A_19, %dma_start3A_20] : memref<3x100xi32, #tpu.memory_space<vmem>> -> memref<1x100xi32, #tpu.memory_space<vmem>>
    %dma_start3A_22 = tpu.memref_squeeze %dma_start3A_21 : memref<1x100xi32, #tpu.memory_space<vmem>> -> memref<100xi32, #tpu.memory_space<vmem>>
    %dma_start3A_23 = arith.constant 0 : i32
    %dma_start3A_24 = tpu.memref_slice %arg4[%arg0, %arg1, %dma_start3A_18, %dma_start3A_23] : memref<2x16x100x100xi32, #tpu.memory_space<hbm>> -> memref<1x1x1x100xi32, #tpu.memory_space<hbm>>
    %dma_start3A_25 = tpu.memref_squeeze %dma_start3A_24 : memref<1x1x1x100xi32, #tpu.memory_space<hbm>> -> memref<100xi32, #tpu.memory_space<hbm>>
    %dma_start3A_26 = arith.constant 0 : i32
    %dma_start3A_27 = tpu.memref_slice %arg8[%dma_start3A_19, %dma_start3A_26] : memref<3x100xi32, #tpu.memory_space<vmem>> -> memref<1x100xi32, #tpu.memory_space<vmem>>
    %dma_start3A_28 = tpu.memref_squeeze %dma_start3A_27 : memref<1x100xi32, #tpu.memory_space<vmem>> -> memref<100xi32, #tpu.memory_space<vmem>>
    %dma_start3A_29 = arith.constant 0 : i32
    %dma_start3A_30 = tpu.memref_slice %arg4[%arg0, %arg1, %dma_start3A_18, %dma_start3A_29] : memref<2x16x100x100xi32, #tpu.memory_space<hbm>> -> memref<1x1x1x100xi32, #tpu.memory_space<hbm>>
    %dma_start3A_31 = tpu.memref_squeeze %dma_start3A_30 : memref<1x1x1x100xi32, #tpu.memory_space<hbm>> -> memref<100xi32, #tpu.memory_space<hbm>>
    tpu.enqueue_dma source(%dma_start3A_31 : memref<100xi32, #tpu.memory_space<hbm>>) target(%dma_start3A_28 : memref<100xi32, #tpu.memory_space<vmem>>) target_semaphore(%arg20 : memref<!tpu.dma_semaphore, #tpu.memory_space<semaphore_mem>>)
    %dma_start3A_32 = arith.constant 1 : i32
    %dma_start3A_33 = arith.constant 1 : i32
    %dma_start3A_34 = arith.constant 0 : i32
    %dma_start3A_35 = tpu.memref_slice %arg7[%dma_start3A_33, %dma_start3A_34] : memref<3x100xi32, #tpu.memory_space<vmem>> -> memref<1x100xi32, #tpu.memory_space<vmem>>
    %dma_start3A_36 = tpu.memref_squeeze %dma_start3A_35 : memref<1x100xi32, #tpu.memory_space<vmem>> -> memref<100xi32, #tpu.memory_space<vmem>>
    %dma_start3A_37 = arith.constant 0 : i32
    %dma_start3A_38 = tpu.memref_slice %arg3[%arg0, %arg1, %dma_start3A_32, %dma_start3A_37] : memref<2x16x100x100xi32, #tpu.memory_space<hbm>> -> memref<1x1x1x100xi32, #tpu.memory_space<hbm>>
    %dma_start3A_39 = tpu.memref_squeeze %dma_start3A_38 : memref<1x1x1x100xi32, #tpu.memory_space<hbm>> -> memref<100xi32, #tpu.memory_space<hbm>>
    %dma_start3A_40 = arith.constant 0 : i32
    %dma_start3A_41 = tpu.memref_slice %arg7[%dma_start3A_33, %dma_start3A_40] : memref<3x100xi32, #tpu.memory_space<vmem>> -> memref<1x100xi32, #tpu.memory_space<vmem>>
    %dma_start3A_42 = tpu.memref_squeeze %dma_start3A_41 : memref<1x100xi32, #tpu.memory_space<vmem>> -> memref<100xi32, #tpu.memory_space<vmem>>
    %dma_start3A_43 = arith.constant 0 : i32
    %dma_start3A_44 = tpu.memref_slice %arg3[%arg0, %arg1, %dma_start3A_32, %dma_start3A_43] : memref<2x16x100x100xi32, #tpu.memory_space<hbm>> -> memref<1x1x1x100xi32, #tpu.memory_space<hbm>>
    %dma_start3A_45 = tpu.memref_squeeze %dma_start3A_44 : memref<1x1x1x100xi32, #tpu.memory_space<hbm>> -> memref<100xi32, #tpu.memory_space<hbm>>
    tpu.enqueue_dma source(%dma_start3A_45 : memref<100xi32, #tpu.memory_space<hbm>>) target(%dma_start3A_42 : memref<100xi32, #tpu.memory_space<vmem>>) target_semaphore(%arg18 : memref<!tpu.dma_semaphore, #tpu.memory_space<semaphore_mem>>)
    %dma_start3A_46 = arith.constant 1 : i32
    %dma_start3A_47 = arith.constant 1 : i32
    %dma_start3A_48 = arith.constant 0 : i32
    %dma_start3A_49 = tpu.memref_slice %arg8[%dma_start3A_47, %dma_start3A_48] : memref<3x100xi32, #tpu.memory_space<vmem>> -> memref<1x100xi32, #tpu.memory_space<vmem>>
    %dma_start3A_50 = tpu.memref_squeeze %dma_start3A_49 : memref<1x100xi32, #tpu.memory_space<vmem>> -> memref<100xi32, #tpu.memory_space<vmem>>
    %dma_start3A_51 = arith.constant 0 : i32
    %dma_start3A_52 = tpu.memref_slice %arg4[%arg0, %arg1, %dma_start3A_46, %dma_start3A_51] : memref<2x16x100x100xi32, #tpu.memory_space<hbm>> -> memref<1x1x1x100xi32, #tpu.memory_space<hbm>>
    %dma_start3A_53 = tpu.memref_squeeze %dma_start3A_52 : memref<1x1x1x100xi32, #tpu.memory_space<hbm>> -> memref<100xi32, #tpu.memory_space<hbm>>
    %dma_start3A_54 = arith.constant 0 : i32
    %dma_start3A_55 = tpu.memref_slice %arg8[%dma_start3A_47, %dma_start3A_54] : memref<3x100xi32, #tpu.memory_space<vmem>> -> memref<1x100xi32, #tpu.memory_space<vmem>>
    %dma_start3A_56 = tpu.memref_squeeze %dma_start3A_55 : memref<1x100xi32, #tpu.memory_space<vmem>> -> memref<100xi32, #tpu.memory_space<vmem>>
    %dma_start3A_57 = arith.constant 0 : i32
    %dma_start3A_58 = tpu.memref_slice %arg4[%arg0, %arg1, %dma_start3A_46, %dma_start3A_57] : memref<2x16x100x100xi32, #tpu.memory_space<hbm>> -> memref<1x1x1x100xi32, #tpu.memory_space<hbm>>
    %dma_start3A_59 = tpu.memref_squeeze %dma_start3A_58 : memref<1x1x1x100xi32, #tpu.memory_space<hbm>> -> memref<100xi32, #tpu.memory_space<hbm>>
    tpu.enqueue_dma source(%dma_start3A_59 : memref<100xi32, #tpu.memory_space<hbm>>) target(%dma_start3A_56 : memref<100xi32, #tpu.memory_space<vmem>>) target_semaphore(%arg21 : memref<!tpu.dma_semaphore, #tpu.memory_space<semaphore_mem>>)
    %dma_start3A_60 = arith.constant 2 : i32
    %dma_start3A_61 = arith.constant 2 : i32
    %dma_start3A_62 = arith.constant 0 : i32
    %dma_start3A_63 = tpu.memref_slice %arg7[%dma_start3A_61, %dma_start3A_62] : memref<3x100xi32, #tpu.memory_space<vmem>> -> memref<1x100xi32, #tpu.memory_space<vmem>>
    %dma_start3A_64 = tpu.memref_squeeze %dma_start3A_63 : memref<1x100xi32, #tpu.memory_space<vmem>> -> memref<100xi32, #tpu.memory_space<vmem>>
    %dma_start3A_65 = arith.constant 0 : i32
    %dma_start3A_66 = tpu.memref_slice %arg3[%arg0, %arg1, %dma_start3A_60, %dma_start3A_65] : memref<2x16x100x100xi32, #tpu.memory_space<hbm>> -> memref<1x1x1x100xi32, #tpu.memory_space<hbm>>
    %dma_start3A_67 = tpu.memref_squeeze %dma_start3A_66 : memref<1x1x1x100xi32, #tpu.memory_space<hbm>> -> memref<100xi32, #tpu.memory_space<hbm>>
    %dma_start3A_68 = arith.constant 0 : i32
    %dma_start3A_69 = tpu.memref_slice %arg7[%dma_start3A_61, %dma_start3A_68] : memref<3x100xi32, #tpu.memory_space<vmem>> -> memref<1x100xi32, #tpu.memory_space<vmem>>
    %dma_start3A_70 = tpu.memref_squeeze %dma_start3A_69 : memref<1x100xi32, #tpu.memory_space<vmem>> -> memref<100xi32, #tpu.memory_space<vmem>>
    %dma_start3A_71 = arith.constant 0 : i32
    %dma_start3A_72 = tpu.memref_slice %arg3[%arg0, %arg1, %dma_start3A_60, %dma_start3A_71] : memref<2x16x100x100xi32, #tpu.memory_space<hbm>> -> memref<1x1x1x100xi32, #tpu.memory_space<hbm>>
    %dma_start3A_73 = tpu.memref_squeeze %dma_start3A_72 : memref<1x1x1x100xi32, #tpu.memory_space<hbm>> -> memref<100xi32, #tpu.memory_space<hbm>>
    tpu.enqueue_dma source(%dma_start3A_73 : memref<100xi32, #tpu.memory_space<hbm>>) target(%dma_start3A_70 : memref<100xi32, #tpu.memory_space<vmem>>) target_semaphore(%arg19 : memref<!tpu.dma_semaphore, #tpu.memory_space<semaphore_mem>>)
    %dma_start3A_74 = arith.constant 2 : i32
    %dma_start3A_75 = arith.constant 2 : i32
    %dma_start3A_76 = arith.constant 0 : i32
    %dma_start3A_77 = tpu.memref_slice %arg8[%dma_start3A_75, %dma_start3A_76] : memref<3x100xi32, #tpu.memory_space<vmem>> -> memref<1x100xi32, #tpu.memory_space<vmem>>
    %dma_start3A_78 = tpu.memref_squeeze %dma_start3A_77 : memref<1x100xi32, #tpu.memory_space<vmem>> -> memref<100xi32, #tpu.memory_space<vmem>>
    %dma_start3A_79 = arith.constant 0 : i32
    %dma_start3A_80 = tpu.memref_slice %arg4[%arg0, %arg1, %dma_start3A_74, %dma_start3A_79] : memref<2x16x100x100xi32, #tpu.memory_space<hbm>> -> memref<1x1x1x100xi32, #tpu.memory_space<hbm>>
    %dma_start3A_81 = tpu.memref_squeeze %dma_start3A_80 : memref<1x1x1x100xi32, #tpu.memory_space<hbm>> -> memref<100xi32, #tpu.memory_space<hbm>>
    %dma_start3A_82 = arith.constant 0 : i32
    %dma_start3A_83 = tpu.memref_slice %arg8[%dma_start3A_75, %dma_start3A_82] : memref<3x100xi32, #tpu.memory_space<vmem>> -> memref<1x100xi32, #tpu.memory_space<vmem>>
    %dma_start3A_84 = tpu.memref_squeeze %dma_start3A_83 : memref<1x100xi32, #tpu.memory_space<vmem>> -> memref<100xi32, #tpu.memory_space<vmem>>
    %dma_start3A_85 = arith.constant 0 : i32
    %dma_start3A_86 = tpu.memref_slice %arg4[%arg0, %arg1, %dma_start3A_74, %dma_start3A_85] : memref<2x16x100x100xi32, #tpu.memory_space<hbm>> -> memref<1x1x1x100xi32, #tpu.memory_space<hbm>>
    %dma_start3A_87 = tpu.memref_squeeze %dma_start3A_86 : memref<1x1x1x100xi32, #tpu.memory_space<hbm>> -> memref<100xi32, #tpu.memory_space<hbm>>
    tpu.enqueue_dma source(%dma_start3A_87 : memref<100xi32, #tpu.memory_space<hbm>>) target(%dma_start3A_84 : memref<100xi32, #tpu.memory_space<vmem>>) target_semaphore(%arg22 : memref<!tpu.dma_semaphore, #tpu.memory_space<semaphore_mem>>)
    %dma_wait3A = arith.constant 0 : i32
    %dma_wait3A_88 = arith.constant 0 : i32
    %dma_wait3A_89 = arith.constant 0 : i32
    %dma_wait3A_90 = tpu.memref_slice %arg7[%dma_wait3A_88, %dma_wait3A_89] : memref<3x100xi32, #tpu.memory_space<vmem>> -> memref<1x100xi32, #tpu.memory_space<vmem>>
    %dma_wait3A_91 = tpu.memref_squeeze %dma_wait3A_90 : memref<1x100xi32, #tpu.memory_space<vmem>> -> memref<100xi32, #tpu.memory_space<vmem>>
    %dma_wait3A_92 = arith.constant 0 : i32
    %dma_wait3A_93 = tpu.memref_slice %arg3[%arg0, %arg1, %dma_wait3A, %dma_wait3A_92] : memref<2x16x100x100xi32, #tpu.memory_space<hbm>> -> memref<1x1x1x100xi32, #tpu.memory_space<hbm>>
    %dma_wait3A_94 = tpu.memref_squeeze %dma_wait3A_93 : memref<1x1x1x100xi32, #tpu.memory_space<hbm>> -> memref<100xi32, #tpu.memory_space<hbm>>
    %dma_wait3A_95 = arith.constant 0 : i32
    %dma_wait3A_96 = tpu.memref_slice %arg7[%dma_wait3A_88, %dma_wait3A_95] : memref<3x100xi32, #tpu.memory_space<vmem>> -> memref<1x100xi32, #tpu.memory_space<vmem>>
    %dma_wait3A_97 = tpu.memref_squeeze %dma_wait3A_96 : memref<1x100xi32, #tpu.memory_space<vmem>> -> memref<100xi32, #tpu.memory_space<vmem>>
    %dma_wait3A_98 = arith.constant 0 : i32
    %dma_wait3A_99 = tpu.memref_slice %arg3[%arg0, %arg1, %dma_wait3A, %dma_wait3A_98] : memref<2x16x100x100xi32, #tpu.memory_space<hbm>> -> memref<1x1x1x100xi32, #tpu.memory_space<hbm>>
    %dma_wait3A_100 = tpu.memref_squeeze %dma_wait3A_99 : memref<1x1x1x100xi32, #tpu.memory_space<hbm>> -> memref<100xi32, #tpu.memory_space<hbm>>
    tpu.wait_dma2 semaphore(%arg17 : memref<!tpu.dma_semaphore, #tpu.memory_space<semaphore_mem>>) src(%dma_wait3A_100 : memref<100xi32, #tpu.memory_space<hbm>>) dst(%dma_wait3A_97 : memref<100xi32, #tpu.memory_space<vmem>>)
    %dma_start3A_101 = arith.constant 0 : i32
    %dma_start3A_102 = arith.constant 0 : i32
    %dma_start3A_103 = arith.constant 0 : i32
    %dma_start3A_104 = arith.constant 0 : i32
    %dma_start3A_105 = tpu.memref_slice %arg9[%dma_start3A_102, %dma_start3A_103, %dma_start3A_104] : memref<3x100x128xf32, #tpu.memory_space<vmem>> -> memref<1x100x128xf32, #tpu.memory_space<vmem>>
    %dma_start3A_106 = tpu.memref_squeeze %dma_start3A_105 : memref<1x100x128xf32, #tpu.memory_space<vmem>> -> memref<100x128xf32, #tpu.memory_space<vmem>>
    %dma_start3A_107 = arith.constant 0 : i32
    %dma_start3A_108 = tpu.memref_slice %arg7[%dma_start3A_101, %dma_start3A_107] : memref<3x100xi32, #tpu.memory_space<vmem>> -> memref<1x100xi32, #tpu.memory_space<vmem>>
    %dma_start3A_109 = tpu.memref_squeeze %dma_start3A_108 : memref<1x100xi32, #tpu.memory_space<vmem>> -> memref<100xi32, #tpu.memory_space<vmem>>
    %dma_start3A_110 = arith.constant 0 : i32
    %dma_start3A_111 = arith.constant 0 : i32
    %dma_start3A_112 = tpu.memref_slice %arg2[%dma_start3A_110, %dma_start3A_111] : memref<10000x128xf32, #tpu.memory_space<hbm>> -> memref<10000x128xf32, #tpu.memory_space<hbm>>
    tpu.enqueue_indirect_dma source(%dma_start3A_112 : memref<10000x128xf32, #tpu.memory_space<hbm>>) target(%dma_start3A_106 : memref<100x128xf32, #tpu.memory_space<vmem>>) offsets(%dma_start3A_109 : memref<100xi32, #tpu.memory_space<vmem>>) semaphore(%arg11 : memref<!tpu.dma_semaphore, #tpu.memory_space<semaphore_mem>>)
    %dma_wait3A_113 = arith.constant 0 : i32
    %dma_wait3A_114 = arith.constant 1 : i32
    %dma_wait3A_115 = arith.constant 0 : i32
    %dma_wait3A_116 = tpu.memref_slice %arg7[%dma_wait3A_114, %dma_wait3A_115] : memref<3x100xi32, #tpu.memory_space<vmem>> -> memref<1x100xi32, #tpu.memory_space<vmem>>
    %dma_wait3A_117 = tpu.memref_squeeze %dma_wait3A_116 : memref<1x100xi32, #tpu.memory_space<vmem>> -> memref<100xi32, #tpu.memory_space<vmem>>
    %dma_wait3A_118 = arith.constant 0 : i32
    %dma_wait3A_119 = tpu.memref_slice %arg3[%arg0, %arg1, %dma_wait3A_113, %dma_wait3A_118] : memref<2x16x100x100xi32, #tpu.memory_space<hbm>> -> memref<1x1x1x100xi32, #tpu.memory_space<hbm>>
    %dma_wait3A_120 = tpu.memref_squeeze %dma_wait3A_119 : memref<1x1x1x100xi32, #tpu.memory_space<hbm>> -> memref<100xi32, #tpu.memory_space<hbm>>
    %dma_wait3A_121 = arith.constant 0 : i32
    %dma_wait3A_122 = tpu.memref_slice %arg7[%dma_wait3A_114, %dma_wait3A_121] : memref<3x100xi32, #tpu.memory_space<vmem>> -> memref<1x100xi32, #tpu.memory_space<vmem>>
    %dma_wait3A_123 = tpu.memref_squeeze %dma_wait3A_122 : memref<1x100xi32, #tpu.memory_space<vmem>> -> memref<100xi32, #tpu.memory_space<vmem>>
    %dma_wait3A_124 = arith.constant 0 : i32
    %dma_wait3A_125 = tpu.memref_slice %arg3[%arg0, %arg1, %dma_wait3A_113, %dma_wait3A_124] : memref<2x16x100x100xi32, #tpu.memory_space<hbm>> -> memref<1x1x1x100xi32, #tpu.memory_space<hbm>>
    %dma_wait3A_126 = tpu.memref_squeeze %dma_wait3A_125 : memref<1x1x1x100xi32, #tpu.memory_space<hbm>> -> memref<100xi32, #tpu.memory_space<hbm>>
    tpu.wait_dma2 semaphore(%arg18 : memref<!tpu.dma_semaphore, #tpu.memory_space<semaphore_mem>>) src(%dma_wait3A_126 : memref<100xi32, #tpu.memory_space<hbm>>) dst(%dma_wait3A_123 : memref<100xi32, #tpu.memory_space<vmem>>)
    %dma_start3A_127 = arith.constant 1 : i32
    %dma_start3A_128 = arith.constant 1 : i32
    %dma_start3A_129 = arith.constant 0 : i32
    %dma_start3A_130 = arith.constant 0 : i32
    %dma_start3A_131 = tpu.memref_slice %arg9[%dma_start3A_128, %dma_start3A_129, %dma_start3A_130] : memref<3x100x128xf32, #tpu.memory_space<vmem>> -> memref<1x100x128xf32, #tpu.memory_space<vmem>>
    %dma_start3A_132 = tpu.memref_squeeze %dma_start3A_131 : memref<1x100x128xf32, #tpu.memory_space<vmem>> -> memref<100x128xf32, #tpu.memory_space<vmem>>
    %dma_start3A_133 = arith.constant 0 : i32
    %dma_start3A_134 = tpu.memref_slice %arg7[%dma_start3A_127, %dma_start3A_133] : memref<3x100xi32, #tpu.memory_space<vmem>> -> memref<1x100xi32, #tpu.memory_space<vmem>>
    %dma_start3A_135 = tpu.memref_squeeze %dma_start3A_134 : memref<1x100xi32, #tpu.memory_space<vmem>> -> memref<100xi32, #tpu.memory_space<vmem>>
    %dma_start3A_136 = arith.constant 0 : i32
    %dma_start3A_137 = arith.constant 0 : i32
    %dma_start3A_138 = tpu.memref_slice %arg2[%dma_start3A_136, %dma_start3A_137] : memref<10000x128xf32, #tpu.memory_space<hbm>> -> memref<10000x128xf32, #tpu.memory_space<hbm>>
    tpu.enqueue_indirect_dma source(%dma_start3A_138 : memref<10000x128xf32, #tpu.memory_space<hbm>>) target(%dma_start3A_132 : memref<100x128xf32, #tpu.memory_space<vmem>>) offsets(%dma_start3A_135 : memref<100xi32, #tpu.memory_space<vmem>>) semaphore(%arg12 : memref<!tpu.dma_semaphore, #tpu.memory_space<semaphore_mem>>)
    %dma_wait3A_139 = arith.constant 0 : i32
    %dma_wait3A_140 = arith.constant 2 : i32
    %dma_wait3A_141 = arith.constant 0 : i32
    %dma_wait3A_142 = tpu.memref_slice %arg7[%dma_wait3A_140, %dma_wait3A_141] : memref<3x100xi32, #tpu.memory_space<vmem>> -> memref<1x100xi32, #tpu.memory_space<vmem>>
    %dma_wait3A_143 = tpu.memref_squeeze %dma_wait3A_142 : memref<1x100xi32, #tpu.memory_space<vmem>> -> memref<100xi32, #tpu.memory_space<vmem>>
    %dma_wait3A_144 = arith.constant 0 : i32
    %dma_wait3A_145 = tpu.memref_slice %arg3[%arg0, %arg1, %dma_wait3A_139, %dma_wait3A_144] : memref<2x16x100x100xi32, #tpu.memory_space<hbm>> -> memref<1x1x1x100xi32, #tpu.memory_space<hbm>>
    %dma_wait3A_146 = tpu.memref_squeeze %dma_wait3A_145 : memref<1x1x1x100xi32, #tpu.memory_space<hbm>> -> memref<100xi32, #tpu.memory_space<hbm>>
    %dma_wait3A_147 = arith.constant 0 : i32
    %dma_wait3A_148 = tpu.memref_slice %arg7[%dma_wait3A_140, %dma_wait3A_147] : memref<3x100xi32, #tpu.memory_space<vmem>> -> memref<1x100xi32, #tpu.memory_space<vmem>>
    %dma_wait3A_149 = tpu.memref_squeeze %dma_wait3A_148 : memref<1x100xi32, #tpu.memory_space<vmem>> -> memref<100xi32, #tpu.memory_space<vmem>>
    %dma_wait3A_150 = arith.constant 0 : i32
    %dma_wait3A_151 = tpu.memref_slice %arg3[%arg0, %arg1, %dma_wait3A_139, %dma_wait3A_150] : memref<2x16x100x100xi32, #tpu.memory_space<hbm>> -> memref<1x1x1x100xi32, #tpu.memory_space<hbm>>
    %dma_wait3A_152 = tpu.memref_squeeze %dma_wait3A_151 : memref<1x1x1x100xi32, #tpu.memory_space<hbm>> -> memref<100xi32, #tpu.memory_space<hbm>>
    tpu.wait_dma2 semaphore(%arg19 : memref<!tpu.dma_semaphore, #tpu.memory_space<semaphore_mem>>) src(%dma_wait3A_152 : memref<100xi32, #tpu.memory_space<hbm>>) dst(%dma_wait3A_149 : memref<100xi32, #tpu.memory_space<vmem>>)
    %dma_start3A_153 = arith.constant 2 : i32
    %dma_start3A_154 = arith.constant 2 : i32
    %dma_start3A_155 = arith.constant 0 : i32
    %dma_start3A_156 = arith.constant 0 : i32
    %dma_start3A_157 = tpu.memref_slice %arg9[%dma_start3A_154, %dma_start3A_155, %dma_start3A_156] : memref<3x100x128xf32, #tpu.memory_space<vmem>> -> memref<1x100x128xf32, #tpu.memory_space<vmem>>
    %dma_start3A_158 = tpu.memref_squeeze %dma_start3A_157 : memref<1x100x128xf32, #tpu.memory_space<vmem>> -> memref<100x128xf32, #tpu.memory_space<vmem>>
    %dma_start3A_159 = arith.constant 0 : i32
    %dma_start3A_160 = tpu.memref_slice %arg7[%dma_start3A_153, %dma_start3A_159] : memref<3x100xi32, #tpu.memory_space<vmem>> -> memref<1x100xi32, #tpu.memory_space<vmem>>
    %dma_start3A_161 = tpu.memref_squeeze %dma_start3A_160 : memref<1x100xi32, #tpu.memory_space<vmem>> -> memref<100xi32, #tpu.memory_space<vmem>>
    %dma_start3A_162 = arith.constant 0 : i32
    %dma_start3A_163 = arith.constant 0 : i32
    %dma_start3A_164 = tpu.memref_slice %arg2[%dma_start3A_162, %dma_start3A_163] : memref<10000x128xf32, #tpu.memory_space<hbm>> -> memref<10000x128xf32, #tpu.memory_space<hbm>>
    tpu.enqueue_indirect_dma source(%dma_start3A_164 : memref<10000x128xf32, #tpu.memory_space<hbm>>) target(%dma_start3A_158 : memref<100x128xf32, #tpu.memory_space<vmem>>) offsets(%dma_start3A_161 : memref<100xi32, #tpu.memory_space<vmem>>) semaphore(%arg13 : memref<!tpu.dma_semaphore, #tpu.memory_space<semaphore_mem>>)
    %scan3A = arith.constant 0 : i32
    %scan3A_165 = arith.constant 0 : i32
    %scan3A_166 = arith.constant 33 : i32
    %scan3A_167 = arith.addi %scan3A_165, %scan3A_166 : i32
    %scan3A_168 = arith.constant 1 : i32
    scf.for %scan3A_230 = %scan3A_165 to %scan3A_167 step %scan3A_168  : i32 {
      %mul3A_231 = arith.constant 3 : i32
      %mul3A_232 = arith.muli %scan3A_230, %mul3A_231 : i32
      %dma_wait3A_233 = arith.constant 0 : i32
      %dma_wait3A_234 = arith.constant 0 : i32
      %dma_wait3A_235 = arith.constant 0 : i32
      %dma_wait3A_236 = arith.constant 0 : i32
      %dma_wait3A_237 = tpu.memref_slice %arg9[%dma_wait3A_234, %dma_wait3A_235, %dma_wait3A_236] : memref<3x100x128xf32, #tpu.memory_space<vmem>> -> memref<1x100x128xf32, #tpu.memory_space<vmem>>
      %dma_wait3A_238 = tpu.memref_squeeze %dma_wait3A_237 : memref<1x100x128xf32, #tpu.memory_space<vmem>> -> memref<100x128xf32, #tpu.memory_space<vmem>>
      %dma_wait3A_239 = arith.constant 0 : i32
      %dma_wait3A_240 = tpu.memref_slice %arg7[%dma_wait3A_233, %dma_wait3A_239] : memref<3x100xi32, #tpu.memory_space<vmem>> -> memref<1x100xi32, #tpu.memory_space<vmem>>
      %dma_wait3A_241 = tpu.memref_squeeze %dma_wait3A_240 : memref<1x100xi32, #tpu.memory_space<vmem>> -> memref<100xi32, #tpu.memory_space<vmem>>
      %dma_wait3A_242 = arith.constant 0 : i32
      %dma_wait3A_243 = arith.constant 0 : i32
      %dma_wait3A_244 = tpu.memref_slice %arg2[%dma_wait3A_242, %dma_wait3A_243] : memref<10000x128xf32, #tpu.memory_space<hbm>> -> memref<10000x128xf32, #tpu.memory_space<hbm>>
      tpu.wait_indirect_dma semaphore(%arg11 : memref<!tpu.dma_semaphore, #tpu.memory_space<semaphore_mem>>) src(%dma_wait3A_244 : memref<10000x128xf32, #tpu.memory_space<hbm>>) dst(%dma_wait3A_238 : memref<100x128xf32, #tpu.memory_space<vmem>>)
      %add3A = arith.constant 0 : i32
      %add3A_245 = arith.addi %mul3A_232, %add3A : i32
      %add3A_246 = arith.constant 3 : i32
      %add3A_247 = arith.addi %add3A_245, %add3A_246 : i32
      %lt3A = arith.constant 100 : i32
      %lt3A_248 = arith.cmpi slt, %add3A_247, %lt3A : i32
      %convert_element_type3A_249 = arith.extui %lt3A_248 : i1 to i32
      %cond3A_250 = arith.constant 0 : i32
      %cond3A_251 = arith.cmpi ne, %convert_element_type3A_249, %cond3A_250 : i32
      scf.if %cond3A_251 {
        %add3A_435 = arith.constant 0 : i32
        %add3A_436 = arith.addi %mul3A_232, %add3A_435 : i32
        %add3A_437 = arith.constant 3 : i32
        %add3A_438 = arith.addi %add3A_436, %add3A_437 : i32
        %dma_start3A_439 = arith.constant 0 : i32
        %dma_start3A_440 = arith.constant 0 : i32
        %dma_start3A_441 = tpu.memref_slice %arg7[%dma_start3A_439, %dma_start3A_440] : memref<3x100xi32, #tpu.memory_space<vmem>> -> memref<1x100xi32, #tpu.memory_space<vmem>>
        %dma_start3A_442 = tpu.memref_squeeze %dma_start3A_441 : memref<1x100xi32, #tpu.memory_space<vmem>> -> memref<100xi32, #tpu.memory_space<vmem>>
        %dma_start3A_443 = arith.constant 0 : i32
        %dma_start3A_444 = tpu.memref_slice %arg3[%arg0, %arg1, %add3A_438, %dma_start3A_443] : memref<2x16x100x100xi32, #tpu.memory_space<hbm>> -> memref<1x1x1x100xi32, #tpu.memory_space<hbm>>
        %dma_start3A_445 = tpu.memref_squeeze %dma_start3A_444 : memref<1x1x1x100xi32, #tpu.memory_space<hbm>> -> memref<100xi32, #tpu.memory_space<hbm>>
        %dma_start3A_446 = arith.constant 0 : i32
        %dma_start3A_447 = tpu.memref_slice %arg7[%dma_start3A_439, %dma_start3A_446] : memref<3x100xi32, #tpu.memory_space<vmem>> -> memref<1x100xi32, #tpu.memory_space<vmem>>
        %dma_start3A_448 = tpu.memref_squeeze %dma_start3A_447 : memref<1x100xi32, #tpu.memory_space<vmem>> -> memref<100xi32, #tpu.memory_space<vmem>>
        %dma_start3A_449 = arith.constant 0 : i32
        %dma_start3A_450 = tpu.memref_slice %arg3[%arg0, %arg1, %add3A_438, %dma_start3A_449] : memref<2x16x100x100xi32, #tpu.memory_space<hbm>> -> memref<1x1x1x100xi32, #tpu.memory_space<hbm>>
        %dma_start3A_451 = tpu.memref_squeeze %dma_start3A_450 : memref<1x1x1x100xi32, #tpu.memory_space<hbm>> -> memref<100xi32, #tpu.memory_space<hbm>>
        tpu.enqueue_dma source(%dma_start3A_451 : memref<100xi32, #tpu.memory_space<hbm>>) target(%dma_start3A_448 : memref<100xi32, #tpu.memory_space<vmem>>) target_semaphore(%arg17 : memref<!tpu.dma_semaphore, #tpu.memory_space<semaphore_mem>>)
      } else {
      }
      %dma_wait3A_252 = arith.constant 0 : i32
      %dma_wait3A_253 = arith.constant 0 : i32
      %dma_wait3A_254 = arith.constant 0 : i32
      %dma_wait3A_255 = tpu.memref_slice %arg8[%dma_wait3A_253, %dma_wait3A_254] : memref<3x100xi32, #tpu.memory_space<vmem>> -> memref<1x100xi32, #tpu.memory_space<vmem>>
      %dma_wait3A_256 = tpu.memref_squeeze %dma_wait3A_255 : memref<1x100xi32, #tpu.memory_space<vmem>> -> memref<100xi32, #tpu.memory_space<vmem>>
      %dma_wait3A_257 = arith.constant 0 : i32
      %dma_wait3A_258 = tpu.memref_slice %arg3[%arg0, %arg1, %dma_wait3A_252, %dma_wait3A_257] : memref<2x16x100x100xi32, #tpu.memory_space<hbm>> -> memref<1x1x1x100xi32, #tpu.memory_space<hbm>>
      %dma_wait3A_259 = tpu.memref_squeeze %dma_wait3A_258 : memref<1x1x1x100xi32, #tpu.memory_space<hbm>> -> memref<100xi32, #tpu.memory_space<hbm>>
      %dma_wait3A_260 = arith.constant 0 : i32
      %dma_wait3A_261 = tpu.memref_slice %arg8[%dma_wait3A_253, %dma_wait3A_260] : memref<3x100xi32, #tpu.memory_space<vmem>> -> memref<1x100xi32, #tpu.memory_space<vmem>>
      %dma_wait3A_262 = tpu.memref_squeeze %dma_wait3A_261 : memref<1x100xi32, #tpu.memory_space<vmem>> -> memref<100xi32, #tpu.memory_space<vmem>>
      %dma_wait3A_263 = arith.constant 0 : i32
      %dma_wait3A_264 = tpu.memref_slice %arg3[%arg0, %arg1, %dma_wait3A_252, %dma_wait3A_263] : memref<2x16x100x100xi32, #tpu.memory_space<hbm>> -> memref<1x1x1x100xi32, #tpu.memory_space<hbm>>
      %dma_wait3A_265 = tpu.memref_squeeze %dma_wait3A_264 : memref<1x1x1x100xi32, #tpu.memory_space<hbm>> -> memref<100xi32, #tpu.memory_space<hbm>>
      tpu.wait_dma2 semaphore(%arg20 : memref<!tpu.dma_semaphore, #tpu.memory_space<semaphore_mem>>) src(%dma_wait3A_265 : memref<100xi32, #tpu.memory_space<hbm>>) dst(%dma_wait3A_262 : memref<100xi32, #tpu.memory_space<vmem>>)
      %dma_start3A_266 = arith.constant 0 : i32
      %dma_start3A_267 = arith.constant 0 : i32
      %dma_start3A_268 = arith.constant 0 : i32
      %dma_start3A_269 = arith.constant 0 : i32
      %dma_start3A_270 = tpu.memref_slice %arg9[%dma_start3A_266, %dma_start3A_268, %dma_start3A_269] : memref<3x100x128xf32, #tpu.memory_space<vmem>> -> memref<1x100x128xf32, #tpu.memory_space<vmem>>
      %dma_start3A_271 = tpu.memref_squeeze %dma_start3A_270 : memref<1x100x128xf32, #tpu.memory_space<vmem>> -> memref<100x128xf32, #tpu.memory_space<vmem>>
      %dma_start3A_272 = arith.constant 0 : i32
      %dma_start3A_273 = tpu.memref_slice %arg8[%dma_start3A_267, %dma_start3A_272] : memref<3x100xi32, #tpu.memory_space<vmem>> -> memref<1x100xi32, #tpu.memory_space<vmem>>
      %dma_start3A_274 = tpu.memref_squeeze %dma_start3A_273 : memref<1x100xi32, #tpu.memory_space<vmem>> -> memref<100xi32, #tpu.memory_space<vmem>>
      %dma_start3A_275 = arith.constant 0 : i32
      %dma_start3A_276 = arith.constant 0 : i32
      %dma_start3A_277 = tpu.memref_slice %arg10[%dma_start3A_275, %dma_start3A_276] : memref<10000x128xf32, #tpu.memory_space<vmem_shared>> -> memref<10000x128xf32, #tpu.memory_space<vmem_shared>>
      tpu.enqueue_indirect_dma source(%dma_start3A_271 : memref<100x128xf32, #tpu.memory_space<vmem>>) target(%dma_start3A_277 : memref<10000x128xf32, #tpu.memory_space<vmem_shared>>) offsets(%dma_start3A_274 : memref<100xi32, #tpu.memory_space<vmem>>) semaphore(%arg14 : memref<!tpu.dma_semaphore, #tpu.memory_space<semaphore_mem>>) {add = true}
      %dma_wait3A_278 = arith.constant 1 : i32
      %dma_wait3A_279 = arith.constant 1 : i32
      %dma_wait3A_280 = arith.constant 0 : i32
      %dma_wait3A_281 = arith.constant 0 : i32
      %dma_wait3A_282 = tpu.memref_slice %arg9[%dma_wait3A_279, %dma_wait3A_280, %dma_wait3A_281] : memref<3x100x128xf32, #tpu.memory_space<vmem>> -> memref<1x100x128xf32, #tpu.memory_space<vmem>>
      %dma_wait3A_283 = tpu.memref_squeeze %dma_wait3A_282 : memref<1x100x128xf32, #tpu.memory_space<vmem>> -> memref<100x128xf32, #tpu.memory_space<vmem>>
      %dma_wait3A_284 = arith.constant 0 : i32
      %dma_wait3A_285 = tpu.memref_slice %arg7[%dma_wait3A_278, %dma_wait3A_284] : memref<3x100xi32, #tpu.memory_space<vmem>> -> memref<1x100xi32, #tpu.memory_space<vmem>>
      %dma_wait3A_286 = tpu.memref_squeeze %dma_wait3A_285 : memref<1x100xi32, #tpu.memory_space<vmem>> -> memref<100xi32, #tpu.memory_space<vmem>>
      %dma_wait3A_287 = arith.constant 0 : i32
      %dma_wait3A_288 = arith.constant 0 : i32
      %dma_wait3A_289 = tpu.memref_slice %arg2[%dma_wait3A_287, %dma_wait3A_288] : memref<10000x128xf32, #tpu.memory_space<hbm>> -> memref<10000x128xf32, #tpu.memory_space<hbm>>
      tpu.wait_indirect_dma semaphore(%arg12 : memref<!tpu.dma_semaphore, #tpu.memory_space<semaphore_mem>>) src(%dma_wait3A_289 : memref<10000x128xf32, #tpu.memory_space<hbm>>) dst(%dma_wait3A_283 : memref<100x128xf32, #tpu.memory_space<vmem>>)
      %add3A_290 = arith.constant 1 : i32
      %add3A_291 = arith.addi %mul3A_232, %add3A_290 : i32
      %add3A_292 = arith.constant 3 : i32
      %add3A_293 = arith.addi %add3A_291, %add3A_292 : i32
      %lt3A_294 = arith.constant 100 : i32
      %lt3A_295 = arith.cmpi slt, %add3A_293, %lt3A_294 : i32
      %convert_element_type3A_296 = arith.extui %lt3A_295 : i1 to i32
      %cond3A_297 = arith.constant 0 : i32
      %cond3A_298 = arith.cmpi ne, %convert_element_type3A_296, %cond3A_297 : i32
      scf.if %cond3A_298 {
        %add3A_435 = arith.constant 1 : i32
        %add3A_436 = arith.addi %mul3A_232, %add3A_435 : i32
        %add3A_437 = arith.constant 3 : i32
        %add3A_438 = arith.addi %add3A_436, %add3A_437 : i32
        %dma_start3A_439 = arith.constant 1 : i32
        %dma_start3A_440 = arith.constant 0 : i32
        %dma_start3A_441 = tpu.memref_slice %arg7[%dma_start3A_439, %dma_start3A_440] : memref<3x100xi32, #tpu.memory_space<vmem>> -> memref<1x100xi32, #tpu.memory_space<vmem>>
        %dma_start3A_442 = tpu.memref_squeeze %dma_start3A_441 : memref<1x100xi32, #tpu.memory_space<vmem>> -> memref<100xi32, #tpu.memory_space<vmem>>
        %dma_start3A_443 = arith.constant 0 : i32
        %dma_start3A_444 = tpu.memref_slice %arg3[%arg0, %arg1, %add3A_438, %dma_start3A_443] : memref<2x16x100x100xi32, #tpu.memory_space<hbm>> -> memref<1x1x1x100xi32, #tpu.memory_space<hbm>>
        %dma_start3A_445 = tpu.memref_squeeze %dma_start3A_444 : memref<1x1x1x100xi32, #tpu.memory_space<hbm>> -> memref<100xi32, #tpu.memory_space<hbm>>
        %dma_start3A_446 = arith.constant 0 : i32
        %dma_start3A_447 = tpu.memref_slice %arg7[%dma_start3A_439, %dma_start3A_446] : memref<3x100xi32, #tpu.memory_space<vmem>> -> memref<1x100xi32, #tpu.memory_space<vmem>>
        %dma_start3A_448 = tpu.memref_squeeze %dma_start3A_447 : memref<1x100xi32, #tpu.memory_space<vmem>> -> memref<100xi32, #tpu.memory_space<vmem>>
        %dma_start3A_449 = arith.constant 0 : i32
        %dma_start3A_450 = tpu.memref_slice %arg3[%arg0, %arg1, %add3A_438, %dma_start3A_449] : memref<2x16x100x100xi32, #tpu.memory_space<hbm>> -> memref<1x1x1x100xi32, #tpu.memory_space<hbm>>
        %dma_start3A_451 = tpu.memref_squeeze %dma_start3A_450 : memref<1x1x1x100xi32, #tpu.memory_space<hbm>> -> memref<100xi32, #tpu.memory_space<hbm>>
        tpu.enqueue_dma source(%dma_start3A_451 : memref<100xi32, #tpu.memory_space<hbm>>) target(%dma_start3A_448 : memref<100xi32, #tpu.memory_space<vmem>>) target_semaphore(%arg18 : memref<!tpu.dma_semaphore, #tpu.memory_space<semaphore_mem>>)
      } else {
      }
      %dma_wait3A_299 = arith.constant 0 : i32
      %dma_wait3A_300 = arith.constant 1 : i32
      %dma_wait3A_301 = arith.constant 0 : i32
      %dma_wait3A_302 = tpu.memref_slice %arg8[%dma_wait3A_300, %dma_wait3A_301] : memref<3x100xi32, #tpu.memory_space<vmem>> -> memref<1x100xi32, #tpu.memory_space<vmem>>
      %dma_wait3A_303 = tpu.memref_squeeze %dma_wait3A_302 : memref<1x100xi32, #tpu.memory_space<vmem>> -> memref<100xi32, #tpu.memory_space<vmem>>
      %dma_wait3A_304 = arith.constant 0 : i32
      %dma_wait3A_305 = tpu.memref_slice %arg3[%arg0, %arg1, %dma_wait3A_299, %dma_wait3A_304] : memref<2x16x100x100xi32, #tpu.memory_space<hbm>> -> memref<1x1x1x100xi32, #tpu.memory_space<hbm>>
      %dma_wait3A_306 = tpu.memref_squeeze %dma_wait3A_305 : memref<1x1x1x100xi32, #tpu.memory_space<hbm>> -> memref<100xi32, #tpu.memory_space<hbm>>
      %dma_wait3A_307 = arith.constant 0 : i32
      %dma_wait3A_308 = tpu.memref_slice %arg8[%dma_wait3A_300, %dma_wait3A_307] : memref<3x100xi32, #tpu.memory_space<vmem>> -> memref<1x100xi32, #tpu.memory_space<vmem>>
      %dma_wait3A_309 = tpu.memref_squeeze %dma_wait3A_308 : memref<1x100xi32, #tpu.memory_space<vmem>> -> memref<100xi32, #tpu.memory_space<vmem>>
      %dma_wait3A_310 = arith.constant 0 : i32
      %dma_wait3A_311 = tpu.memref_slice %arg3[%arg0, %arg1, %dma_wait3A_299, %dma_wait3A_310] : memref<2x16x100x100xi32, #tpu.memory_space<hbm>> -> memref<1x1x1x100xi32, #tpu.memory_space<hbm>>
      %dma_wait3A_312 = tpu.memref_squeeze %dma_wait3A_311 : memref<1x1x1x100xi32, #tpu.memory_space<hbm>> -> memref<100xi32, #tpu.memory_space<hbm>>
      tpu.wait_dma2 semaphore(%arg21 : memref<!tpu.dma_semaphore, #tpu.memory_space<semaphore_mem>>) src(%dma_wait3A_312 : memref<100xi32, #tpu.memory_space<hbm>>) dst(%dma_wait3A_309 : memref<100xi32, #tpu.memory_space<vmem>>)
      %dma_start3A_313 = arith.constant 1 : i32
      %dma_start3A_314 = arith.constant 1 : i32
      %dma_start3A_315 = arith.constant 0 : i32
      %dma_start3A_316 = arith.constant 0 : i32
      %dma_start3A_317 = tpu.memref_slice %arg9[%dma_start3A_313, %dma_start3A_315, %dma_start3A_316] : memref<3x100x128xf32, #tpu.memory_space<vmem>> -> memref<1x100x128xf32, #tpu.memory_space<vmem>>
      %dma_start3A_318 = tpu.memref_squeeze %dma_start3A_317 : memref<1x100x128xf32, #tpu.memory_space<vmem>> -> memref<100x128xf32, #tpu.memory_space<vmem>>
      %dma_start3A_319 = arith.constant 0 : i32
      %dma_start3A_320 = tpu.memref_slice %arg8[%dma_start3A_314, %dma_start3A_319] : memref<3x100xi32, #tpu.memory_space<vmem>> -> memref<1x100xi32, #tpu.memory_space<vmem>>
      %dma_start3A_321 = tpu.memref_squeeze %dma_start3A_320 : memref<1x100xi32, #tpu.memory_space<vmem>> -> memref<100xi32, #tpu.memory_space<vmem>>
      %dma_start3A_322 = arith.constant 0 : i32
      %dma_start3A_323 = arith.constant 0 : i32
      %dma_start3A_324 = tpu.memref_slice %arg10[%dma_start3A_322, %dma_start3A_323] : memref<10000x128xf32, #tpu.memory_space<vmem_shared>> -> memref<10000x128xf32, #tpu.memory_space<vmem_shared>>
      tpu.enqueue_indirect_dma source(%dma_start3A_318 : memref<100x128xf32, #tpu.memory_space<vmem>>) target(%dma_start3A_324 : memref<10000x128xf32, #tpu.memory_space<vmem_shared>>) offsets(%dma_start3A_321 : memref<100xi32, #tpu.memory_space<vmem>>) semaphore(%arg15 : memref<!tpu.dma_semaphore, #tpu.memory_space<semaphore_mem>>) {add = true}
      %dma_wait3A_325 = arith.constant 2 : i32
      %dma_wait3A_326 = arith.constant 2 : i32
      %dma_wait3A_327 = arith.constant 0 : i32
      %dma_wait3A_328 = arith.constant 0 : i32
      %dma_wait3A_329 = tpu.memref_slice %arg9[%dma_wait3A_326, %dma_wait3A_327, %dma_wait3A_328] : memref<3x100x128xf32, #tpu.memory_space<vmem>> -> memref<1x100x128xf32, #tpu.memory_space<vmem>>
      %dma_wait3A_330 = tpu.memref_squeeze %dma_wait3A_329 : memref<1x100x128xf32, #tpu.memory_space<vmem>> -> memref<100x128xf32, #tpu.memory_space<vmem>>
      %dma_wait3A_331 = arith.constant 0 : i32
      %dma_wait3A_332 = tpu.memref_slice %arg7[%dma_wait3A_325, %dma_wait3A_331] : memref<3x100xi32, #tpu.memory_space<vmem>> -> memref<1x100xi32, #tpu.memory_space<vmem>>
      %dma_wait3A_333 = tpu.memref_squeeze %dma_wait3A_332 : memref<1x100xi32, #tpu.memory_space<vmem>> -> memref<100xi32, #tpu.memory_space<vmem>>
      %dma_wait3A_334 = arith.constant 0 : i32
      %dma_wait3A_335 = arith.constant 0 : i32
      %dma_wait3A_336 = tpu.memref_slice %arg2[%dma_wait3A_334, %dma_wait3A_335] : memref<10000x128xf32, #tpu.memory_space<hbm>> -> memref<10000x128xf32, #tpu.memory_space<hbm>>
      tpu.wait_indirect_dma semaphore(%arg13 : memref<!tpu.dma_semaphore, #tpu.memory_space<semaphore_mem>>) src(%dma_wait3A_336 : memref<10000x128xf32, #tpu.memory_space<hbm>>) dst(%dma_wait3A_330 : memref<100x128xf32, #tpu.memory_space<vmem>>)
      %add3A_337 = arith.constant 2 : i32
      %add3A_338 = arith.addi %mul3A_232, %add3A_337 : i32
      %add3A_339 = arith.constant 3 : i32
      %add3A_340 = arith.addi %add3A_338, %add3A_339 : i32
      %lt3A_341 = arith.constant 100 : i32
      %lt3A_342 = arith.cmpi slt, %add3A_340, %lt3A_341 : i32
      %convert_element_type3A_343 = arith.extui %lt3A_342 : i1 to i32
      %cond3A_344 = arith.constant 0 : i32
      %cond3A_345 = arith.cmpi ne, %convert_element_type3A_343, %cond3A_344 : i32
      scf.if %cond3A_345 {
        %add3A_435 = arith.constant 2 : i32
        %add3A_436 = arith.addi %mul3A_232, %add3A_435 : i32
        %add3A_437 = arith.constant 3 : i32
        %add3A_438 = arith.addi %add3A_436, %add3A_437 : i32
        %dma_start3A_439 = arith.constant 2 : i32
        %dma_start3A_440 = arith.constant 0 : i32
        %dma_start3A_441 = tpu.memref_slice %arg7[%dma_start3A_439, %dma_start3A_440] : memref<3x100xi32, #tpu.memory_space<vmem>> -> memref<1x100xi32, #tpu.memory_space<vmem>>
        %dma_start3A_442 = tpu.memref_squeeze %dma_start3A_441 : memref<1x100xi32, #tpu.memory_space<vmem>> -> memref<100xi32, #tpu.memory_space<vmem>>
        %dma_start3A_443 = arith.constant 0 : i32
        %dma_start3A_444 = tpu.memref_slice %arg3[%arg0, %arg1, %add3A_438, %dma_start3A_443] : memref<2x16x100x100xi32, #tpu.memory_space<hbm>> -> memref<1x1x1x100xi32, #tpu.memory_space<hbm>>
        %dma_start3A_445 = tpu.memref_squeeze %dma_start3A_444 : memref<1x1x1x100xi32, #tpu.memory_space<hbm>> -> memref<100xi32, #tpu.memory_space<hbm>>
        %dma_start3A_446 = arith.constant 0 : i32
        %dma_start3A_447 = tpu.memref_slice %arg7[%dma_start3A_439, %dma_start3A_446] : memref<3x100xi32, #tpu.memory_space<vmem>> -> memref<1x100xi32, #tpu.memory_space<vmem>>
        %dma_start3A_448 = tpu.memref_squeeze %dma_start3A_447 : memref<1x100xi32, #tpu.memory_space<vmem>> -> memref<100xi32, #tpu.memory_space<vmem>>
        %dma_start3A_449 = arith.constant 0 : i32
        %dma_start3A_450 = tpu.memref_slice %arg3[%arg0, %arg1, %add3A_438, %dma_start3A_449] : memref<2x16x100x100xi32, #tpu.memory_space<hbm>> -> memref<1x1x1x100xi32, #tpu.memory_space<hbm>>
        %dma_start3A_451 = tpu.memref_squeeze %dma_start3A_450 : memref<1x1x1x100xi32, #tpu.memory_space<hbm>> -> memref<100xi32, #tpu.memory_space<hbm>>
        tpu.enqueue_dma source(%dma_start3A_451 : memref<100xi32, #tpu.memory_space<hbm>>) target(%dma_start3A_448 : memref<100xi32, #tpu.memory_space<vmem>>) target_semaphore(%arg19 : memref<!tpu.dma_semaphore, #tpu.memory_space<semaphore_mem>>)
      } else {
      }
      %dma_wait3A_346 = arith.constant 0 : i32
      %dma_wait3A_347 = arith.constant 2 : i32
      %dma_wait3A_348 = arith.constant 0 : i32
      %dma_wait3A_349 = tpu.memref_slice %arg8[%dma_wait3A_347, %dma_wait3A_348] : memref<3x100xi32, #tpu.memory_space<vmem>> -> memref<1x100xi32, #tpu.memory_space<vmem>>
      %dma_wait3A_350 = tpu.memref_squeeze %dma_wait3A_349 : memref<1x100xi32, #tpu.memory_space<vmem>> -> memref<100xi32, #tpu.memory_space<vmem>>
      %dma_wait3A_351 = arith.constant 0 : i32
      %dma_wait3A_352 = tpu.memref_slice %arg3[%arg0, %arg1, %dma_wait3A_346, %dma_wait3A_351] : memref<2x16x100x100xi32, #tpu.memory_space<hbm>> -> memref<1x1x1x100xi32, #tpu.memory_space<hbm>>
      %dma_wait3A_353 = tpu.memref_squeeze %dma_wait3A_352 : memref<1x1x1x100xi32, #tpu.memory_space<hbm>> -> memref<100xi32, #tpu.memory_space<hbm>>
      %dma_wait3A_354 = arith.constant 0 : i32
      %dma_wait3A_355 = tpu.memref_slice %arg8[%dma_wait3A_347, %dma_wait3A_354] : memref<3x100xi32, #tpu.memory_space<vmem>> -> memref<1x100xi32, #tpu.memory_space<vmem>>
      %dma_wait3A_356 = tpu.memref_squeeze %dma_wait3A_355 : memref<1x100xi32, #tpu.memory_space<vmem>> -> memref<100xi32, #tpu.memory_space<vmem>>
      %dma_wait3A_357 = arith.constant 0 : i32
      %dma_wait3A_358 = tpu.memref_slice %arg3[%arg0, %arg1, %dma_wait3A_346, %dma_wait3A_357] : memref<2x16x100x100xi32, #tpu.memory_space<hbm>> -> memref<1x1x1x100xi32, #tpu.memory_space<hbm>>
      %dma_wait3A_359 = tpu.memref_squeeze %dma_wait3A_358 : memref<1x1x1x100xi32, #tpu.memory_space<hbm>> -> memref<100xi32, #tpu.memory_space<hbm>>
      tpu.wait_dma2 semaphore(%arg22 : memref<!tpu.dma_semaphore, #tpu.memory_space<semaphore_mem>>) src(%dma_wait3A_359 : memref<100xi32, #tpu.memory_space<hbm>>) dst(%dma_wait3A_356 : memref<100xi32, #tpu.memory_space<vmem>>)
      %dma_start3A_360 = arith.constant 2 : i32
      %dma_start3A_361 = arith.constant 2 : i32
      %dma_start3A_362 = arith.constant 0 : i32
      %dma_start3A_363 = arith.constant 0 : i32
      %dma_start3A_364 = tpu.memref_slice %arg9[%dma_start3A_360, %dma_start3A_362, %dma_start3A_363] : memref<3x100x128xf32, #tpu.memory_space<vmem>> -> memref<1x100x128xf32, #tpu.memory_space<vmem>>
      %dma_start3A_365 = tpu.memref_squeeze %dma_start3A_364 : memref<1x100x128xf32, #tpu.memory_space<vmem>> -> memref<100x128xf32, #tpu.memory_space<vmem>>
      %dma_start3A_366 = arith.constant 0 : i32
      %dma_start3A_367 = tpu.memref_slice %arg8[%dma_start3A_361, %dma_start3A_366] : memref<3x100xi32, #tpu.memory_space<vmem>> -> memref<1x100xi32, #tpu.memory_space<vmem>>
      %dma_start3A_368 = tpu.memref_squeeze %dma_start3A_367 : memref<1x100xi32, #tpu.memory_space<vmem>> -> memref<100xi32, #tpu.memory_space<vmem>>
      %dma_start3A_369 = arith.constant 0 : i32
      %dma_start3A_370 = arith.constant 0 : i32
      %dma_start3A_371 = tpu.memref_slice %arg10[%dma_start3A_369, %dma_start3A_370] : memref<10000x128xf32, #tpu.memory_space<vmem_shared>> -> memref<10000x128xf32, #tpu.memory_space<vmem_shared>>
      tpu.enqueue_indirect_dma source(%dma_start3A_365 : memref<100x128xf32, #tpu.memory_space<vmem>>) target(%dma_start3A_371 : memref<10000x128xf32, #tpu.memory_space<vmem_shared>>) offsets(%dma_start3A_368 : memref<100xi32, #tpu.memory_space<vmem>>) semaphore(%arg16 : memref<!tpu.dma_semaphore, #tpu.memory_space<semaphore_mem>>) {add = true}
      %dma_wait3A_372 = arith.constant 0 : i32
      %dma_wait3A_373 = arith.constant 0 : i32
      %dma_wait3A_374 = arith.constant 0 : i32
      %dma_wait3A_375 = arith.constant 0 : i32
      %dma_wait3A_376 = tpu.memref_slice %arg9[%dma_wait3A_373, %dma_wait3A_374, %dma_wait3A_375] : memref<3x100x128xf32, #tpu.memory_space<vmem>> -> memref<1x100x128xf32, #tpu.memory_space<vmem>>
      %dma_wait3A_377 = tpu.memref_squeeze %dma_wait3A_376 : memref<1x100x128xf32, #tpu.memory_space<vmem>> -> memref<100x128xf32, #tpu.memory_space<vmem>>
      %dma_wait3A_378 = arith.constant 0 : i32
      %dma_wait3A_379 = tpu.memref_slice %arg7[%dma_wait3A_372, %dma_wait3A_378] : memref<3x100xi32, #tpu.memory_space<vmem>> -> memref<1x100xi32, #tpu.memory_space<vmem>>
      %dma_wait3A_380 = tpu.memref_squeeze %dma_wait3A_379 : memref<1x100xi32, #tpu.memory_space<vmem>> -> memref<100xi32, #tpu.memory_space<vmem>>
      %dma_wait3A_381 = arith.constant 0 : i32
      %dma_wait3A_382 = arith.constant 0 : i32
      %dma_wait3A_383 = tpu.memref_slice %arg2[%dma_wait3A_381, %dma_wait3A_382] : memref<10000x128xf32, #tpu.memory_space<hbm>> -> memref<10000x128xf32, #tpu.memory_space<hbm>>
      tpu.wait_indirect_dma semaphore(%arg14 : memref<!tpu.dma_semaphore, #tpu.memory_space<semaphore_mem>>) src(%dma_wait3A_383 : memref<10000x128xf32, #tpu.memory_space<hbm>>) dst(%dma_wait3A_377 : memref<100x128xf32, #tpu.memory_space<vmem>>)
      %add3A_384 = arith.constant 0 : i32
      %add3A_385 = arith.addi %mul3A_232, %add3A_384 : i32
      %add3A_386 = arith.constant 3 : i32
      %add3A_387 = arith.addi %add3A_385, %add3A_386 : i32
      %lt3A_388 = arith.constant 100 : i32
      %lt3A_389 = arith.cmpi slt, %add3A_387, %lt3A_388 : i32
      %convert_element_type3A_390 = arith.extui %lt3A_389 : i1 to i32
      %cond3A_391 = arith.constant 0 : i32
      %cond3A_392 = arith.cmpi ne, %convert_element_type3A_390, %cond3A_391 : i32
      scf.if %cond3A_392 {
        %add3A_435 = arith.constant 0 : i32
        %add3A_436 = arith.addi %mul3A_232, %add3A_435 : i32
        %add3A_437 = arith.constant 3 : i32
        %add3A_438 = arith.addi %add3A_436, %add3A_437 : i32
        %dma_start3A_439 = arith.constant 0 : i32
        %dma_start3A_440 = arith.constant 0 : i32
        %dma_start3A_441 = tpu.memref_slice %arg8[%dma_start3A_439, %dma_start3A_440] : memref<3x100xi32, #tpu.memory_space<vmem>> -> memref<1x100xi32, #tpu.memory_space<vmem>>
        %dma_start3A_442 = tpu.memref_squeeze %dma_start3A_441 : memref<1x100xi32, #tpu.memory_space<vmem>> -> memref<100xi32, #tpu.memory_space<vmem>>
        %dma_start3A_443 = arith.constant 0 : i32
        %dma_start3A_444 = tpu.memref_slice %arg4[%arg0, %arg1, %add3A_438, %dma_start3A_443] : memref<2x16x100x100xi32, #tpu.memory_space<hbm>> -> memref<1x1x1x100xi32, #tpu.memory_space<hbm>>
        %dma_start3A_445 = tpu.memref_squeeze %dma_start3A_444 : memref<1x1x1x100xi32, #tpu.memory_space<hbm>> -> memref<100xi32, #tpu.memory_space<hbm>>
        %dma_start3A_446 = arith.constant 0 : i32
        %dma_start3A_447 = tpu.memref_slice %arg8[%dma_start3A_439, %dma_start3A_446] : memref<3x100xi32, #tpu.memory_space<vmem>> -> memref<1x100xi32, #tpu.memory_space<vmem>>
        %dma_start3A_448 = tpu.memref_squeeze %dma_start3A_447 : memref<1x100xi32, #tpu.memory_space<vmem>> -> memref<100xi32, #tpu.memory_space<vmem>>
        %dma_start3A_449 = arith.constant 0 : i32
        %dma_start3A_450 = tpu.memref_slice %arg4[%arg0, %arg1, %add3A_438, %dma_start3A_449] : memref<2x16x100x100xi32, #tpu.memory_space<hbm>> -> memref<1x1x1x100xi32, #tpu.memory_space<hbm>>
        %dma_start3A_451 = tpu.memref_squeeze %dma_start3A_450 : memref<1x1x1x100xi32, #tpu.memory_space<hbm>> -> memref<100xi32, #tpu.memory_space<hbm>>
        tpu.enqueue_dma source(%dma_start3A_451 : memref<100xi32, #tpu.memory_space<hbm>>) target(%dma_start3A_448 : memref<100xi32, #tpu.memory_space<vmem>>) target_semaphore(%arg20 : memref<!tpu.dma_semaphore, #tpu.memory_space<semaphore_mem>>)
        %dma_wait3A_452 = arith.constant 0 : i32
        %dma_wait3A_453 = arith.constant 0 : i32
        %dma_wait3A_454 = arith.constant 0 : i32
        %dma_wait3A_455 = tpu.memref_slice %arg7[%dma_wait3A_453, %dma_wait3A_454] : memref<3x100xi32, #tpu.memory_space<vmem>> -> memref<1x100xi32, #tpu.memory_space<vmem>>
        %dma_wait3A_456 = tpu.memref_squeeze %dma_wait3A_455 : memref<1x100xi32, #tpu.memory_space<vmem>> -> memref<100xi32, #tpu.memory_space<vmem>>
        %dma_wait3A_457 = arith.constant 0 : i32
        %dma_wait3A_458 = tpu.memref_slice %arg3[%arg0, %arg1, %dma_wait3A_452, %dma_wait3A_457] : memref<2x16x100x100xi32, #tpu.memory_space<hbm>> -> memref<1x1x1x100xi32, #tpu.memory_space<hbm>>
        %dma_wait3A_459 = tpu.memref_squeeze %dma_wait3A_458 : memref<1x1x1x100xi32, #tpu.memory_space<hbm>> -> memref<100xi32, #tpu.memory_space<hbm>>
        %dma_wait3A_460 = arith.constant 0 : i32
        %dma_wait3A_461 = tpu.memref_slice %arg7[%dma_wait3A_453, %dma_wait3A_460] : memref<3x100xi32, #tpu.memory_space<vmem>> -> memref<1x100xi32, #tpu.memory_space<vmem>>
        %dma_wait3A_462 = tpu.memref_squeeze %dma_wait3A_461 : memref<1x100xi32, #tpu.memory_space<vmem>> -> memref<100xi32, #tpu.memory_space<vmem>>
        %dma_wait3A_463 = arith.constant 0 : i32
        %dma_wait3A_464 = tpu.memref_slice %arg3[%arg0, %arg1, %dma_wait3A_452, %dma_wait3A_463] : memref<2x16x100x100xi32, #tpu.memory_space<hbm>> -> memref<1x1x1x100xi32, #tpu.memory_space<hbm>>
        %dma_wait3A_465 = tpu.memref_squeeze %dma_wait3A_464 : memref<1x1x1x100xi32, #tpu.memory_space<hbm>> -> memref<100xi32, #tpu.memory_space<hbm>>
        tpu.wait_dma2 semaphore(%arg17 : memref<!tpu.dma_semaphore, #tpu.memory_space<semaphore_mem>>) src(%dma_wait3A_465 : memref<100xi32, #tpu.memory_space<hbm>>) dst(%dma_wait3A_462 : memref<100xi32, #tpu.memory_space<vmem>>)
        %dma_start3A_466 = arith.constant 0 : i32
        %dma_start3A_467 = arith.constant 0 : i32
        %dma_start3A_468 = arith.constant 0 : i32
        %dma_start3A_469 = arith.constant 0 : i32
        %dma_start3A_470 = tpu.memref_slice %arg9[%dma_start3A_467, %dma_start3A_468, %dma_start3A_469] : memref<3x100x128xf32, #tpu.memory_space<vmem>> -> memref<1x100x128xf32, #tpu.memory_space<vmem>>
        %dma_start3A_471 = tpu.memref_squeeze %dma_start3A_470 : memref<1x100x128xf32, #tpu.memory_space<vmem>> -> memref<100x128xf32, #tpu.memory_space<vmem>>
        %dma_start3A_472 = arith.constant 0 : i32
        %dma_start3A_473 = tpu.memref_slice %arg7[%dma_start3A_466, %dma_start3A_472] : memref<3x100xi32, #tpu.memory_space<vmem>> -> memref<1x100xi32, #tpu.memory_space<vmem>>
        %dma_start3A_474 = tpu.memref_squeeze %dma_start3A_473 : memref<1x100xi32, #tpu.memory_space<vmem>> -> memref<100xi32, #tpu.memory_space<vmem>>
        %dma_start3A_475 = arith.constant 0 : i32
        %dma_start3A_476 = arith.constant 0 : i32
        %dma_start3A_477 = tpu.memref_slice %arg2[%dma_start3A_475, %dma_start3A_476] : memref<10000x128xf32, #tpu.memory_space<hbm>> -> memref<10000x128xf32, #tpu.memory_space<hbm>>
        tpu.enqueue_indirect_dma source(%dma_start3A_477 : memref<10000x128xf32, #tpu.memory_space<hbm>>) target(%dma_start3A_471 : memref<100x128xf32, #tpu.memory_space<vmem>>) offsets(%dma_start3A_474 : memref<100xi32, #tpu.memory_space<vmem>>) semaphore(%arg11 : memref<!tpu.dma_semaphore, #tpu.memory_space<semaphore_mem>>)
      } else {
      }
      %dma_wait3A_393 = arith.constant 1 : i32
      %dma_wait3A_394 = arith.constant 1 : i32
      %dma_wait3A_395 = arith.constant 0 : i32
      %dma_wait3A_396 = arith.constant 0 : i32
      %dma_wait3A_397 = tpu.memref_slice %arg9[%dma_wait3A_394, %dma_wait3A_395, %dma_wait3A_396] : memref<3x100x128xf32, #tpu.memory_space<vmem>> -> memref<1x100x128xf32, #tpu.memory_space<vmem>>
      %dma_wait3A_398 = tpu.memref_squeeze %dma_wait3A_397 : memref<1x100x128xf32, #tpu.memory_space<vmem>> -> memref<100x128xf32, #tpu.memory_space<vmem>>
      %dma_wait3A_399 = arith.constant 0 : i32
      %dma_wait3A_400 = tpu.memref_slice %arg7[%dma_wait3A_393, %dma_wait3A_399] : memref<3x100xi32, #tpu.memory_space<vmem>> -> memref<1x100xi32, #tpu.memory_space<vmem>>
      %dma_wait3A_401 = tpu.memref_squeeze %dma_wait3A_400 : memref<1x100xi32, #tpu.memory_space<vmem>> -> memref<100xi32, #tpu.memory_space<vmem>>
      %dma_wait3A_402 = arith.constant 0 : i32
      %dma_wait3A_403 = arith.constant 0 : i32
      %dma_wait3A_404 = tpu.memref_slice %arg2[%dma_wait3A_402, %dma_wait3A_403] : memref<10000x128xf32, #tpu.memory_space<hbm>> -> memref<10000x128xf32, #tpu.memory_space<hbm>>
      tpu.wait_indirect_dma semaphore(%arg15 : memref<!tpu.dma_semaphore, #tpu.memory_space<semaphore_mem>>) src(%dma_wait3A_404 : memref<10000x128xf32, #tpu.memory_space<hbm>>) dst(%dma_wait3A_398 : memref<100x128xf32, #tpu.memory_space<vmem>>)
      %add3A_405 = arith.constant 1 : i32
      %add3A_406 = arith.addi %mul3A_232, %add3A_405 : i32
      %add3A_407 = arith.constant 3 : i32
      %add3A_408 = arith.addi %add3A_406, %add3A_407 : i32
      %lt3A_409 = arith.constant 100 : i32
      %lt3A_410 = arith.cmpi slt, %add3A_408, %lt3A_409 : i32
      %convert_element_type3A_411 = arith.extui %lt3A_410 : i1 to i32
      %cond3A_412 = arith.constant 0 : i32
      %cond3A_413 = arith.cmpi ne, %convert_element_type3A_411, %cond3A_412 : i32
      scf.if %cond3A_413 {
        %add3A_435 = arith.constant 1 : i32
        %add3A_436 = arith.addi %mul3A_232, %add3A_435 : i32
        %add3A_437 = arith.constant 3 : i32
        %add3A_438 = arith.addi %add3A_436, %add3A_437 : i32
        %dma_start3A_439 = arith.constant 1 : i32
        %dma_start3A_440 = arith.constant 0 : i32
        %dma_start3A_441 = tpu.memref_slice %arg8[%dma_start3A_439, %dma_start3A_440] : memref<3x100xi32, #tpu.memory_space<vmem>> -> memref<1x100xi32, #tpu.memory_space<vmem>>
        %dma_start3A_442 = tpu.memref_squeeze %dma_start3A_441 : memref<1x100xi32, #tpu.memory_space<vmem>> -> memref<100xi32, #tpu.memory_space<vmem>>
        %dma_start3A_443 = arith.constant 0 : i32
        %dma_start3A_444 = tpu.memref_slice %arg4[%arg0, %arg1, %add3A_438, %dma_start3A_443] : memref<2x16x100x100xi32, #tpu.memory_space<hbm>> -> memref<1x1x1x100xi32, #tpu.memory_space<hbm>>
        %dma_start3A_445 = tpu.memref_squeeze %dma_start3A_444 : memref<1x1x1x100xi32, #tpu.memory_space<hbm>> -> memref<100xi32, #tpu.memory_space<hbm>>
        %dma_start3A_446 = arith.constant 0 : i32
        %dma_start3A_447 = tpu.memref_slice %arg8[%dma_start3A_439, %dma_start3A_446] : memref<3x100xi32, #tpu.memory_space<vmem>> -> memref<1x100xi32, #tpu.memory_space<vmem>>
        %dma_start3A_448 = tpu.memref_squeeze %dma_start3A_447 : memref<1x100xi32, #tpu.memory_space<vmem>> -> memref<100xi32, #tpu.memory_space<vmem>>
        %dma_start3A_449 = arith.constant 0 : i32
        %dma_start3A_450 = tpu.memref_slice %arg4[%arg0, %arg1, %add3A_438, %dma_start3A_449] : memref<2x16x100x100xi32, #tpu.memory_space<hbm>> -> memref<1x1x1x100xi32, #tpu.memory_space<hbm>>
        %dma_start3A_451 = tpu.memref_squeeze %dma_start3A_450 : memref<1x1x1x100xi32, #tpu.memory_space<hbm>> -> memref<100xi32, #tpu.memory_space<hbm>>
        tpu.enqueue_dma source(%dma_start3A_451 : memref<100xi32, #tpu.memory_space<hbm>>) target(%dma_start3A_448 : memref<100xi32, #tpu.memory_space<vmem>>) target_semaphore(%arg21 : memref<!tpu.dma_semaphore, #tpu.memory_space<semaphore_mem>>)
        %dma_wait3A_452 = arith.constant 0 : i32
        %dma_wait3A_453 = arith.constant 1 : i32
        %dma_wait3A_454 = arith.constant 0 : i32
        %dma_wait3A_455 = tpu.memref_slice %arg7[%dma_wait3A_453, %dma_wait3A_454] : memref<3x100xi32, #tpu.memory_space<vmem>> -> memref<1x100xi32, #tpu.memory_space<vmem>>
        %dma_wait3A_456 = tpu.memref_squeeze %dma_wait3A_455 : memref<1x100xi32, #tpu.memory_space<vmem>> -> memref<100xi32, #tpu.memory_space<vmem>>
        %dma_wait3A_457 = arith.constant 0 : i32
        %dma_wait3A_458 = tpu.memref_slice %arg3[%arg0, %arg1, %dma_wait3A_452, %dma_wait3A_457] : memref<2x16x100x100xi32, #tpu.memory_space<hbm>> -> memref<1x1x1x100xi32, #tpu.memory_space<hbm>>
        %dma_wait3A_459 = tpu.memref_squeeze %dma_wait3A_458 : memref<1x1x1x100xi32, #tpu.memory_space<hbm>> -> memref<100xi32, #tpu.memory_space<hbm>>
        %dma_wait3A_460 = arith.constant 0 : i32
        %dma_wait3A_461 = tpu.memref_slice %arg7[%dma_wait3A_453, %dma_wait3A_460] : memref<3x100xi32, #tpu.memory_space<vmem>> -> memref<1x100xi32, #tpu.memory_space<vmem>>
        %dma_wait3A_462 = tpu.memref_squeeze %dma_wait3A_461 : memref<1x100xi32, #tpu.memory_space<vmem>> -> memref<100xi32, #tpu.memory_space<vmem>>
        %dma_wait3A_463 = arith.constant 0 : i32
        %dma_wait3A_464 = tpu.memref_slice %arg3[%arg0, %arg1, %dma_wait3A_452, %dma_wait3A_463] : memref<2x16x100x100xi32, #tpu.memory_space<hbm>> -> memref<1x1x1x100xi32, #tpu.memory_space<hbm>>
        %dma_wait3A_465 = tpu.memref_squeeze %dma_wait3A_464 : memref<1x1x1x100xi32, #tpu.memory_space<hbm>> -> memref<100xi32, #tpu.memory_space<hbm>>
        tpu.wait_dma2 semaphore(%arg18 : memref<!tpu.dma_semaphore, #tpu.memory_space<semaphore_mem>>) src(%dma_wait3A_465 : memref<100xi32, #tpu.memory_space<hbm>>) dst(%dma_wait3A_462 : memref<100xi32, #tpu.memory_space<vmem>>)
        %dma_start3A_466 = arith.constant 1 : i32
        %dma_start3A_467 = arith.constant 1 : i32
        %dma_start3A_468 = arith.constant 0 : i32
        %dma_start3A_469 = arith.constant 0 : i32
        %dma_start3A_470 = tpu.memref_slice %arg9[%dma_start3A_467, %dma_start3A_468, %dma_start3A_469] : memref<3x100x128xf32, #tpu.memory_space<vmem>> -> memref<1x100x128xf32, #tpu.memory_space<vmem>>
        %dma_start3A_471 = tpu.memref_squeeze %dma_start3A_470 : memref<1x100x128xf32, #tpu.memory_space<vmem>> -> memref<100x128xf32, #tpu.memory_space<vmem>>
        %dma_start3A_472 = arith.constant 0 : i32
        %dma_start3A_473 = tpu.memref_slice %arg7[%dma_start3A_466, %dma_start3A_472] : memref<3x100xi32, #tpu.memory_space<vmem>> -> memref<1x100xi32, #tpu.memory_space<vmem>>
        %dma_start3A_474 = tpu.memref_squeeze %dma_start3A_473 : memref<1x100xi32, #tpu.memory_space<vmem>> -> memref<100xi32, #tpu.memory_space<vmem>>
        %dma_start3A_475 = arith.constant 0 : i32
        %dma_start3A_476 = arith.constant 0 : i32
        %dma_start3A_477 = tpu.memref_slice %arg2[%dma_start3A_475, %dma_start3A_476] : memref<10000x128xf32, #tpu.memory_space<hbm>> -> memref<10000x128xf32, #tpu.memory_space<hbm>>
        tpu.enqueue_indirect_dma source(%dma_start3A_477 : memref<10000x128xf32, #tpu.memory_space<hbm>>) target(%dma_start3A_471 : memref<100x128xf32, #tpu.memory_space<vmem>>) offsets(%dma_start3A_474 : memref<100xi32, #tpu.memory_space<vmem>>) semaphore(%arg12 : memref<!tpu.dma_semaphore, #tpu.memory_space<semaphore_mem>>)
      } else {
      }
      %dma_wait3A_414 = arith.constant 2 : i32
      %dma_wait3A_415 = arith.constant 2 : i32
      %dma_wait3A_416 = arith.constant 0 : i32
      %dma_wait3A_417 = arith.constant 0 : i32
      %dma_wait3A_418 = tpu.memref_slice %arg9[%dma_wait3A_415, %dma_wait3A_416, %dma_wait3A_417] : memref<3x100x128xf32, #tpu.memory_space<vmem>> -> memref<1x100x128xf32, #tpu.memory_space<vmem>>
      %dma_wait3A_419 = tpu.memref_squeeze %dma_wait3A_418 : memref<1x100x128xf32, #tpu.memory_space<vmem>> -> memref<100x128xf32, #tpu.memory_space<vmem>>
      %dma_wait3A_420 = arith.constant 0 : i32
      %dma_wait3A_421 = tpu.memref_slice %arg7[%dma_wait3A_414, %dma_wait3A_420] : memref<3x100xi32, #tpu.memory_space<vmem>> -> memref<1x100xi32, #tpu.memory_space<vmem>>
      %dma_wait3A_422 = tpu.memref_squeeze %dma_wait3A_421 : memref<1x100xi32, #tpu.memory_space<vmem>> -> memref<100xi32, #tpu.memory_space<vmem>>
      %dma_wait3A_423 = arith.constant 0 : i32
      %dma_wait3A_424 = arith.constant 0 : i32
      %dma_wait3A_425 = tpu.memref_slice %arg2[%dma_wait3A_423, %dma_wait3A_424] : memref<10000x128xf32, #tpu.memory_space<hbm>> -> memref<10000x128xf32, #tpu.memory_space<hbm>>
      tpu.wait_indirect_dma semaphore(%arg16 : memref<!tpu.dma_semaphore, #tpu.memory_space<semaphore_mem>>) src(%dma_wait3A_425 : memref<10000x128xf32, #tpu.memory_space<hbm>>) dst(%dma_wait3A_419 : memref<100x128xf32, #tpu.memory_space<vmem>>)
      %add3A_426 = arith.constant 2 : i32
      %add3A_427 = arith.addi %mul3A_232, %add3A_426 : i32
      %add3A_428 = arith.constant 3 : i32
      %add3A_429 = arith.addi %add3A_427, %add3A_428 : i32
      %lt3A_430 = arith.constant 100 : i32
      %lt3A_431 = arith.cmpi slt, %add3A_429, %lt3A_430 : i32
      %convert_element_type3A_432 = arith.extui %lt3A_431 : i1 to i32
      %cond3A_433 = arith.constant 0 : i32
      %cond3A_434 = arith.cmpi ne, %convert_element_type3A_432, %cond3A_433 : i32
      scf.if %cond3A_434 {
        %add3A_435 = arith.constant 2 : i32
        %add3A_436 = arith.addi %mul3A_232, %add3A_435 : i32
        %add3A_437 = arith.constant 3 : i32
        %add3A_438 = arith.addi %add3A_436, %add3A_437 : i32
        %dma_start3A_439 = arith.constant 2 : i32
        %dma_start3A_440 = arith.constant 0 : i32
        %dma_start3A_441 = tpu.memref_slice %arg8[%dma_start3A_439, %dma_start3A_440] : memref<3x100xi32, #tpu.memory_space<vmem>> -> memref<1x100xi32, #tpu.memory_space<vmem>>
        %dma_start3A_442 = tpu.memref_squeeze %dma_start3A_441 : memref<1x100xi32, #tpu.memory_space<vmem>> -> memref<100xi32, #tpu.memory_space<vmem>>
        %dma_start3A_443 = arith.constant 0 : i32
        %dma_start3A_444 = tpu.memref_slice %arg4[%arg0, %arg1, %add3A_438, %dma_start3A_443] : memref<2x16x100x100xi32, #tpu.memory_space<hbm>> -> memref<1x1x1x100xi32, #tpu.memory_space<hbm>>
        %dma_start3A_445 = tpu.memref_squeeze %dma_start3A_444 : memref<1x1x1x100xi32, #tpu.memory_space<hbm>> -> memref<100xi32, #tpu.memory_space<hbm>>
        %dma_start3A_446 = arith.constant 0 : i32
        %dma_start3A_447 = tpu.memref_slice %arg8[%dma_start3A_439, %dma_start3A_446] : memref<3x100xi32, #tpu.memory_space<vmem>> -> memref<1x100xi32, #tpu.memory_space<vmem>>
        %dma_start3A_448 = tpu.memref_squeeze %dma_start3A_447 : memref<1x100xi32, #tpu.memory_space<vmem>> -> memref<100xi32, #tpu.memory_space<vmem>>
        %dma_start3A_449 = arith.constant 0 : i32
        %dma_start3A_450 = tpu.memref_slice %arg4[%arg0, %arg1, %add3A_438, %dma_start3A_449] : memref<2x16x100x100xi32, #tpu.memory_space<hbm>> -> memref<1x1x1x100xi32, #tpu.memory_space<hbm>>
        %dma_start3A_451 = tpu.memref_squeeze %dma_start3A_450 : memref<1x1x1x100xi32, #tpu.memory_space<hbm>> -> memref<100xi32, #tpu.memory_space<hbm>>
        tpu.enqueue_dma source(%dma_start3A_451 : memref<100xi32, #tpu.memory_space<hbm>>) target(%dma_start3A_448 : memref<100xi32, #tpu.memory_space<vmem>>) target_semaphore(%arg22 : memref<!tpu.dma_semaphore, #tpu.memory_space<semaphore_mem>>)
        %dma_wait3A_452 = arith.constant 0 : i32
        %dma_wait3A_453 = arith.constant 2 : i32
        %dma_wait3A_454 = arith.constant 0 : i32
        %dma_wait3A_455 = tpu.memref_slice %arg7[%dma_wait3A_453, %dma_wait3A_454] : memref<3x100xi32, #tpu.memory_space<vmem>> -> memref<1x100xi32, #tpu.memory_space<vmem>>
        %dma_wait3A_456 = tpu.memref_squeeze %dma_wait3A_455 : memref<1x100xi32, #tpu.memory_space<vmem>> -> memref<100xi32, #tpu.memory_space<vmem>>
        %dma_wait3A_457 = arith.constant 0 : i32
        %dma_wait3A_458 = tpu.memref_slice %arg3[%arg0, %arg1, %dma_wait3A_452, %dma_wait3A_457] : memref<2x16x100x100xi32, #tpu.memory_space<hbm>> -> memref<1x1x1x100xi32, #tpu.memory_space<hbm>>
        %dma_wait3A_459 = tpu.memref_squeeze %dma_wait3A_458 : memref<1x1x1x100xi32, #tpu.memory_space<hbm>> -> memref<100xi32, #tpu.memory_space<hbm>>
        %dma_wait3A_460 = arith.constant 0 : i32
        %dma_wait3A_461 = tpu.memref_slice %arg7[%dma_wait3A_453, %dma_wait3A_460] : memref<3x100xi32, #tpu.memory_space<vmem>> -> memref<1x100xi32, #tpu.memory_space<vmem>>
        %dma_wait3A_462 = tpu.memref_squeeze %dma_wait3A_461 : memref<1x100xi32, #tpu.memory_space<vmem>> -> memref<100xi32, #tpu.memory_space<vmem>>
        %dma_wait3A_463 = arith.constant 0 : i32
        %dma_wait3A_464 = tpu.memref_slice %arg3[%arg0, %arg1, %dma_wait3A_452, %dma_wait3A_463] : memref<2x16x100x100xi32, #tpu.memory_space<hbm>> -> memref<1x1x1x100xi32, #tpu.memory_space<hbm>>
        %dma_wait3A_465 = tpu.memref_squeeze %dma_wait3A_464 : memref<1x1x1x100xi32, #tpu.memory_space<hbm>> -> memref<100xi32, #tpu.memory_space<hbm>>
        tpu.wait_dma2 semaphore(%arg19 : memref<!tpu.dma_semaphore, #tpu.memory_space<semaphore_mem>>) src(%dma_wait3A_465 : memref<100xi32, #tpu.memory_space<hbm>>) dst(%dma_wait3A_462 : memref<100xi32, #tpu.memory_space<vmem>>)
        %dma_start3A_466 = arith.constant 2 : i32
        %dma_start3A_467 = arith.constant 2 : i32
        %dma_start3A_468 = arith.constant 0 : i32
        %dma_start3A_469 = arith.constant 0 : i32
        %dma_start3A_470 = tpu.memref_slice %arg9[%dma_start3A_467, %dma_start3A_468, %dma_start3A_469] : memref<3x100x128xf32, #tpu.memory_space<vmem>> -> memref<1x100x128xf32, #tpu.memory_space<vmem>>
        %dma_start3A_471 = tpu.memref_squeeze %dma_start3A_470 : memref<1x100x128xf32, #tpu.memory_space<vmem>> -> memref<100x128xf32, #tpu.memory_space<vmem>>
        %dma_start3A_472 = arith.constant 0 : i32
        %dma_start3A_473 = tpu.memref_slice %arg7[%dma_start3A_466, %dma_start3A_472] : memref<3x100xi32, #tpu.memory_space<vmem>> -> memref<1x100xi32, #tpu.memory_space<vmem>>
        %dma_start3A_474 = tpu.memref_squeeze %dma_start3A_473 : memref<1x100xi32, #tpu.memory_space<vmem>> -> memref<100xi32, #tpu.memory_space<vmem>>
        %dma_start3A_475 = arith.constant 0 : i32
        %dma_start3A_476 = arith.constant 0 : i32
        %dma_start3A_477 = tpu.memref_slice %arg2[%dma_start3A_475, %dma_start3A_476] : memref<10000x128xf32, #tpu.memory_space<hbm>> -> memref<10000x128xf32, #tpu.memory_space<hbm>>
        tpu.enqueue_indirect_dma source(%dma_start3A_477 : memref<10000x128xf32, #tpu.memory_space<hbm>>) target(%dma_start3A_471 : memref<100x128xf32, #tpu.memory_space<vmem>>) offsets(%dma_start3A_474 : memref<100xi32, #tpu.memory_space<vmem>>) semaphore(%arg13 : memref<!tpu.dma_semaphore, #tpu.memory_space<semaphore_mem>>)
      } else {
      }
    }
    %scan3A_169 = arith.constant 33 : i32
    %dma_wait3A_170 = arith.constant 0 : i32
    %dma_wait3A_171 = arith.constant 0 : i32
    %dma_wait3A_172 = arith.constant 0 : i32
    %dma_wait3A_173 = arith.constant 0 : i32
    %dma_wait3A_174 = tpu.memref_slice %arg9[%dma_wait3A_171, %dma_wait3A_172, %dma_wait3A_173] : memref<3x100x128xf32, #tpu.memory_space<vmem>> -> memref<1x100x128xf32, #tpu.memory_space<vmem>>
    %dma_wait3A_175 = tpu.memref_squeeze %dma_wait3A_174 : memref<1x100x128xf32, #tpu.memory_space<vmem>> -> memref<100x128xf32, #tpu.memory_space<vmem>>
    %dma_wait3A_176 = arith.constant 0 : i32
    %dma_wait3A_177 = tpu.memref_slice %arg7[%dma_wait3A_170, %dma_wait3A_176] : memref<3x100xi32, #tpu.memory_space<vmem>> -> memref<1x100xi32, #tpu.memory_space<vmem>>
    %dma_wait3A_178 = tpu.memref_squeeze %dma_wait3A_177 : memref<1x100xi32, #tpu.memory_space<vmem>> -> memref<100xi32, #tpu.memory_space<vmem>>
    %dma_wait3A_179 = arith.constant 0 : i32
    %dma_wait3A_180 = arith.constant 0 : i32
    %dma_wait3A_181 = tpu.memref_slice %arg2[%dma_wait3A_179, %dma_wait3A_180] : memref<10000x128xf32, #tpu.memory_space<hbm>> -> memref<10000x128xf32, #tpu.memory_space<hbm>>
    tpu.wait_indirect_dma semaphore(%arg11 : memref<!tpu.dma_semaphore, #tpu.memory_space<semaphore_mem>>) src(%dma_wait3A_181 : memref<10000x128xf32, #tpu.memory_space<hbm>>) dst(%dma_wait3A_175 : memref<100x128xf32, #tpu.memory_space<vmem>>)
    %dma_wait3A_182 = arith.constant 0 : i32
    %dma_wait3A_183 = arith.constant 0 : i32
    %dma_wait3A_184 = arith.constant 0 : i32
    %dma_wait3A_185 = tpu.memref_slice %arg8[%dma_wait3A_183, %dma_wait3A_184] : memref<3x100xi32, #tpu.memory_space<vmem>> -> memref<1x100xi32, #tpu.memory_space<vmem>>
    %dma_wait3A_186 = tpu.memref_squeeze %dma_wait3A_185 : memref<1x100xi32, #tpu.memory_space<vmem>> -> memref<100xi32, #tpu.memory_space<vmem>>
    %dma_wait3A_187 = arith.constant 0 : i32
    %dma_wait3A_188 = tpu.memref_slice %arg3[%arg0, %arg1, %dma_wait3A_182, %dma_wait3A_187] : memref<2x16x100x100xi32, #tpu.memory_space<hbm>> -> memref<1x1x1x100xi32, #tpu.memory_space<hbm>>
    %dma_wait3A_189 = tpu.memref_squeeze %dma_wait3A_188 : memref<1x1x1x100xi32, #tpu.memory_space<hbm>> -> memref<100xi32, #tpu.memory_space<hbm>>
    %dma_wait3A_190 = arith.constant 0 : i32
    %dma_wait3A_191 = tpu.memref_slice %arg8[%dma_wait3A_183, %dma_wait3A_190] : memref<3x100xi32, #tpu.memory_space<vmem>> -> memref<1x100xi32, #tpu.memory_space<vmem>>
    %dma_wait3A_192 = tpu.memref_squeeze %dma_wait3A_191 : memref<1x100xi32, #tpu.memory_space<vmem>> -> memref<100xi32, #tpu.memory_space<vmem>>
    %dma_wait3A_193 = arith.constant 0 : i32
    %dma_wait3A_194 = tpu.memref_slice %arg3[%arg0, %arg1, %dma_wait3A_182, %dma_wait3A_193] : memref<2x16x100x100xi32, #tpu.memory_space<hbm>> -> memref<1x1x1x100xi32, #tpu.memory_space<hbm>>
    %dma_wait3A_195 = tpu.memref_squeeze %dma_wait3A_194 : memref<1x1x1x100xi32, #tpu.memory_space<hbm>> -> memref<100xi32, #tpu.memory_space<hbm>>
    tpu.wait_dma2 semaphore(%arg20 : memref<!tpu.dma_semaphore, #tpu.memory_space<semaphore_mem>>) src(%dma_wait3A_195 : memref<100xi32, #tpu.memory_space<hbm>>) dst(%dma_wait3A_192 : memref<100xi32, #tpu.memory_space<vmem>>)
    %dma_start3A_196 = arith.constant 0 : i32
    %dma_start3A_197 = arith.constant 0 : i32
    %dma_start3A_198 = arith.constant 0 : i32
    %dma_start3A_199 = arith.constant 0 : i32
    %dma_start3A_200 = tpu.memref_slice %arg9[%dma_start3A_196, %dma_start3A_198, %dma_start3A_199] : memref<3x100x128xf32, #tpu.memory_space<vmem>> -> memref<1x100x128xf32, #tpu.memory_space<vmem>>
    %dma_start3A_201 = tpu.memref_squeeze %dma_start3A_200 : memref<1x100x128xf32, #tpu.memory_space<vmem>> -> memref<100x128xf32, #tpu.memory_space<vmem>>
    %dma_start3A_202 = arith.constant 0 : i32
    %dma_start3A_203 = tpu.memref_slice %arg8[%dma_start3A_197, %dma_start3A_202] : memref<3x100xi32, #tpu.memory_space<vmem>> -> memref<1x100xi32, #tpu.memory_space<vmem>>
    %dma_start3A_204 = tpu.memref_squeeze %dma_start3A_203 : memref<1x100xi32, #tpu.memory_space<vmem>> -> memref<100xi32, #tpu.memory_space<vmem>>
    %dma_start3A_205 = arith.constant 0 : i32
    %dma_start3A_206 = arith.constant 0 : i32
    %dma_start3A_207 = tpu.memref_slice %arg10[%dma_start3A_205, %dma_start3A_206] : memref<10000x128xf32, #tpu.memory_space<vmem_shared>> -> memref<10000x128xf32, #tpu.memory_space<vmem_shared>>
    tpu.enqueue_indirect_dma source(%dma_start3A_201 : memref<100x128xf32, #tpu.memory_space<vmem>>) target(%dma_start3A_207 : memref<10000x128xf32, #tpu.memory_space<vmem_shared>>) offsets(%dma_start3A_204 : memref<100xi32, #tpu.memory_space<vmem>>) semaphore(%arg14 : memref<!tpu.dma_semaphore, #tpu.memory_space<semaphore_mem>>) {add = true}
    %dma_wait3A_208 = arith.constant 0 : i32
    %dma_wait3A_209 = arith.constant 0 : i32
    %dma_wait3A_210 = arith.constant 0 : i32
    %dma_wait3A_211 = arith.constant 0 : i32
    %dma_wait3A_212 = tpu.memref_slice %arg9[%dma_wait3A_209, %dma_wait3A_210, %dma_wait3A_211] : memref<3x100x128xf32, #tpu.memory_space<vmem>> -> memref<1x100x128xf32, #tpu.memory_space<vmem>>
    %dma_wait3A_213 = tpu.memref_squeeze %dma_wait3A_212 : memref<1x100x128xf32, #tpu.memory_space<vmem>> -> memref<100x128xf32, #tpu.memory_space<vmem>>
    %dma_wait3A_214 = arith.constant 0 : i32
    %dma_wait3A_215 = tpu.memref_slice %arg7[%dma_wait3A_208, %dma_wait3A_214] : memref<3x100xi32, #tpu.memory_space<vmem>> -> memref<1x100xi32, #tpu.memory_space<vmem>>
    %dma_wait3A_216 = tpu.memref_squeeze %dma_wait3A_215 : memref<1x100xi32, #tpu.memory_space<vmem>> -> memref<100xi32, #tpu.memory_space<vmem>>
    %dma_wait3A_217 = arith.constant 0 : i32
    %dma_wait3A_218 = arith.constant 0 : i32
    %dma_wait3A_219 = tpu.memref_slice %arg2[%dma_wait3A_217, %dma_wait3A_218] : memref<10000x128xf32, #tpu.memory_space<hbm>> -> memref<10000x128xf32, #tpu.memory_space<hbm>>
    tpu.wait_indirect_dma semaphore(%arg14 : memref<!tpu.dma_semaphore, #tpu.memory_space<semaphore_mem>>) src(%dma_wait3A_219 : memref<10000x128xf32, #tpu.memory_space<hbm>>) dst(%dma_wait3A_213 : memref<100x128xf32, #tpu.memory_space<vmem>>)
    %barrier3A_220 = arith.constant 0 : index
    tpu.barrier barrier_id(%barrier3A_220)
    %mul3A_221 = arith.constant 624 : i32
    %mul3A_222 = arith.muli %arg1, %mul3A_221 : i32
    %mul3A_223 = arith.constant 624 : i32
    %mul3A_224 = arith.muli %arg1, %mul3A_223 : i32
    "tpu.region"() ({
      %run_scoped3A = tpu.sem_alloc : memref<!tpu.dma_semaphore, #tpu.memory_space<semaphore_mem>>
      %dma_start3A_230 = arith.constant 0 : i32
      %dma_start3A_231 = tpu.memref_slice %arg6[%arg0, %mul3A_224, %dma_start3A_230] : memref<2x10000x128xf32, #tpu.memory_space<hbm>> -> memref<1x624x128xf32, #tpu.memory_space<hbm>>
      %dma_start3A_232 = tpu.memref_squeeze %dma_start3A_231 : memref<1x624x128xf32, #tpu.memory_space<hbm>> -> memref<624x128xf32, #tpu.memory_space<hbm>>
      %dma_start3A_233 = arith.constant 0 : i32
      %dma_start3A_234 = tpu.memref_slice %arg10[%mul3A_222, %dma_start3A_233] : memref<10000x128xf32, #tpu.memory_space<vmem_shared>> -> memref<624x128xf32, #tpu.memory_space<vmem_shared>>
      tpu.enqueue_dma source(%dma_start3A_234 : memref<624x128xf32, #tpu.memory_space<vmem_shared>>) target(%dma_start3A_232 : memref<624x128xf32, #tpu.memory_space<hbm>>) target_semaphore(%run_scoped3A : memref<!tpu.dma_semaphore, #tpu.memory_space<semaphore_mem>>)
      %dma_wait3A_235 = arith.constant 0 : i32
      %dma_wait3A_236 = tpu.memref_slice %arg6[%arg0, %mul3A_224, %dma_wait3A_235] : memref<2x10000x128xf32, #tpu.memory_space<hbm>> -> memref<1x624x128xf32, #tpu.memory_space<hbm>>
      %dma_wait3A_237 = tpu.memref_squeeze %dma_wait3A_236 : memref<1x624x128xf32, #tpu.memory_space<hbm>> -> memref<624x128xf32, #tpu.memory_space<hbm>>
      %dma_wait3A_238 = arith.constant 0 : i32
      %dma_wait3A_239 = tpu.memref_slice %arg10[%mul3A_222, %dma_wait3A_238] : memref<10000x128xf32, #tpu.memory_space<vmem_shared>> -> memref<624x128xf32, #tpu.memory_space<vmem_shared>>
      tpu.wait_dma2 semaphore(%run_scoped3A : memref<!tpu.dma_semaphore, #tpu.memory_space<semaphore_mem>>) src(%dma_wait3A_239 : memref<624x128xf32, #tpu.memory_space<vmem_shared>>) dst(%dma_wait3A_237 : memref<624x128xf32, #tpu.memory_space<hbm>>)
      tpu.yield
    }) : () -> ()
    %eq3A_225 = arith.constant 0 : i32
    %eq3A_226 = arith.cmpi eq, %arg1, %eq3A_225 : i32
    %convert_element_type3A_227 = arith.extui %eq3A_226 : i1 to i32
    %cond3A_228 = arith.constant 0 : i32
    %cond3A_229 = arith.cmpi ne, %convert_element_type3A_227, %cond3A_228 : i32
    scf.if %cond3A_229 {
      "tpu.region"() ({
        %run_scoped3A = tpu.sem_alloc : memref<!tpu.dma_semaphore, #tpu.memory_space<semaphore_mem>>
        %dma_start3A_230 = arith.constant 9984 : i32
        %dma_start3A_231 = arith.constant 0 : i32
        %dma_start3A_232 = tpu.memref_slice %arg6[%arg0, %dma_start3A_230, %dma_start3A_231] : memref<2x10000x128xf32, #tpu.memory_space<hbm>> -> memref<1x16x128xf32, #tpu.memory_space<hbm>>
        %dma_start3A_233 = tpu.memref_squeeze %dma_start3A_232 : memref<1x16x128xf32, #tpu.memory_space<hbm>> -> memref<16x128xf32, #tpu.memory_space<hbm>>
        %dma_start3A_234 = arith.constant 9984 : i32
        %dma_start3A_235 = arith.constant 0 : i32
        %dma_start3A_236 = tpu.memref_slice %arg10[%dma_start3A_234, %dma_start3A_235] : memref<10000x128xf32, #tpu.memory_space<vmem_shared>> -> memref<16x128xf32, #tpu.memory_space<vmem_shared>>
        tpu.enqueue_dma source(%dma_start3A_236 : memref<16x128xf32, #tpu.memory_space<vmem_shared>>) target(%dma_start3A_233 : memref<16x128xf32, #tpu.memory_space<hbm>>) target_semaphore(%run_scoped3A : memref<!tpu.dma_semaphore, #tpu.memory_space<semaphore_mem>>)
        %dma_wait3A_237 = arith.constant 9984 : i32
        %dma_wait3A_238 = arith.constant 0 : i32
        %dma_wait3A_239 = tpu.memref_slice %arg6[%arg0, %dma_wait3A_237, %dma_wait3A_238] : memref<2x10000x128xf32, #tpu.memory_space<hbm>> -> memref<1x16x128xf32, #tpu.memory_space<hbm>>
        %dma_wait3A_240 = tpu.memref_squeeze %dma_wait3A_239 : memref<1x16x128xf32, #tpu.memory_space<hbm>> -> memref<16x128xf32, #tpu.memory_space<hbm>>
        %dma_wait3A_241 = arith.constant 9984 : i32
        %dma_wait3A_242 = arith.constant 0 : i32
        %dma_wait3A_243 = tpu.memref_slice %arg10[%dma_wait3A_241, %dma_wait3A_242] : memref<10000x128xf32, #tpu.memory_space<vmem_shared>> -> memref<16x128xf32, #tpu.memory_space<vmem_shared>>
        tpu.wait_dma2 semaphore(%run_scoped3A : memref<!tpu.dma_semaphore, #tpu.memory_space<semaphore_mem>>) src(%dma_wait3A_243 : memref<16x128xf32, #tpu.memory_space<vmem_shared>>) dst(%dma_wait3A_240 : memref<16x128xf32, #tpu.memory_space<hbm>>)
        tpu.yield
      }) : () -> ()
    } else {
    }
    return
  }
}

#map = affine_map<(d0, d1) -> (0, 0)>
#map1 = affine_map<(d0, d1) -> (0, 0, 0, 0)>
#map2 = affine_map<(d0, d1) -> (0, 0, 0)>
module attributes {stable_mosaic.version = 14 : i64} {
  func.func @k(%arg0: i32, %arg1: i32, %arg2: memref<10000x128xf32, #tpu.memory_space<hbm>>, %arg3: memref<2x16x100x100xi32, #tpu.memory_space<hbm>>, %arg4: memref<2x16x100x100xi32, #tpu.memory_space<hbm>>, %arg5: memref<10000x128xf32, #tpu.memory_space<hbm>>, %arg6: memref<2x10000x128xf32, #tpu.memory_space<hbm>>, %arg7: memref<3x100xi32, #tpu.memory_space<vmem>>, %arg8: memref<3x100xi32, #tpu.memory_space<vmem>>, %arg9: memref<3x100x128xf32, #tpu.memory_space<vmem>>, %arg10: memref<10000x128xf32, #tpu.memory_space<vmem_shared>>, %arg11: memref<!tpu.dma_semaphore, #tpu.memory_space<semaphore_mem>>, %arg12: memref<!tpu.dma_semaphore, #tpu.memory_space<semaphore_mem>>, %arg13: memref<!tpu.dma_semaphore, #tpu.memory_space<semaphore_mem>>, %arg14: memref<!tpu.dma_semaphore, #tpu.memory_space<semaphore_mem>>, %arg15: memref<!tpu.dma_semaphore, #tpu.memory_space<semaphore_mem>>, %arg16: memref<!tpu.dma_semaphore, #tpu.memory_space<semaphore_mem>>, %arg17: memref<!tpu.dma_semaphore, #tpu.memory_space<semaphore_mem>>, %arg18: memref<!tpu.dma_semaphore, #tpu.memory_space<semaphore_mem>>, %arg19: memref<!tpu.dma_semaphore, #tpu.memory_space<semaphore_mem>>, %arg20: memref<!tpu.dma_semaphore, #tpu.memory_space<semaphore_mem>>, %arg21: memref<!tpu.dma_semaphore, #tpu.memory_space<semaphore_mem>>, %arg22: memref<!tpu.dma_semaphore, #tpu.memory_space<semaphore_mem>>) attributes {dimension_semantics = [#tpu.dimension_semantics<core_parallel>, #tpu.dimension_semantics<subcore_parallel>], iteration_bounds = array<i64: 2, 16>, scalar_prefetch = 0 : i64, scratch_operands = 16 : i64, tpu.core_type = #tpu.core_type<sc_vector_subcore>, window_params = [{transform_indices = #map}, {transform_indices = #map1}, {transform_indices = #map1}, {transform_indices = #map}, {transform_indices = #map2}]} {
    %mul3A = arith.constant 624 : i32
    %mul3A_0 = arith.muli %arg1, %mul3A : i32
    %mul3A_1 = arith.constant 624 : i32
    %mul3A_2 = arith.muli %arg1, %mul3A_1 : i32
    "tpu.region"() ({
      %run_scoped3A = tpu.sem_alloc : memref<!tpu.dma_semaphore, #tpu.memory_space<semaphore_mem>>
      %dma_start3A_230 = arith.constant 0 : i32
      %dma_start3A_231 = tpu.memref_slice %arg10[%mul3A_2, %dma_start3A_230] : memref<10000x128xf32, #tpu.memory_space<vmem_shared>> -> memref<624x128xf32, #tpu.memory_space<vmem_shared>>
      %dma_start3A_232 = arith.constant 0 : i32
      %dma_start3A_233 = tpu.memref_slice %arg5[%mul3A_0, %dma_start3A_232] : memref<10000x128xf32, #tpu.memory_space<hbm>> -> memref<624x128xf32, #tpu.memory_space<hbm>>
      tpu.enqueue_dma source(%dma_start3A_233 : memref<624x128xf32, #tpu.memory_space<hbm>>) target(%dma_start3A_231 : memref<624x128xf32, #tpu.memory_space<vmem_shared>>) target_semaphore(%run_scoped3A : memref<!tpu.dma_semaphore, #tpu.memory_space<semaphore_mem>>)
      %dma_wait3A_234 = arith.constant 0 : i32
      %dma_wait3A_235 = tpu.memref_slice %arg10[%mul3A_2, %dma_wait3A_234] : memref<10000x128xf32, #tpu.memory_space<vmem_shared>> -> memref<624x128xf32, #tpu.memory_space<vmem_shared>>
      %dma_wait3A_236 = arith.constant 0 : i32
      %dma_wait3A_237 = tpu.memref_slice %arg5[%mul3A_0, %dma_wait3A_236] : memref<10000x128xf32, #tpu.memory_space<hbm>> -> memref<624x128xf32, #tpu.memory_space<hbm>>
      tpu.wait_dma2 semaphore(%run_scoped3A : memref<!tpu.dma_semaphore, #tpu.memory_space<semaphore_mem>>) src(%dma_wait3A_237 : memref<624x128xf32, #tpu.memory_space<hbm>>) dst(%dma_wait3A_235 : memref<624x128xf32, #tpu.memory_space<vmem_shared>>)
      tpu.yield
    }) : () -> ()
    %eq3A = arith.constant 0 : i32
    %eq3A_3 = arith.cmpi eq, %arg1, %eq3A : i32
    %convert_element_type3A = arith.extui %eq3A_3 : i1 to i32
    %cond3A = arith.constant 0 : i32
    %cond3A_4 = arith.cmpi ne, %convert_element_type3A, %cond3A : i32
    scf.if %cond3A_4 {
      "tpu.region"() ({
        %run_scoped3A = tpu.sem_alloc : memref<!tpu.dma_semaphore, #tpu.memory_space<semaphore_mem>>
        %dma_start3A_230 = arith.constant 9984 : i32
        %dma_start3A_231 = arith.constant 0 : i32
        %dma_start3A_232 = tpu.memref_slice %arg10[%dma_start3A_230, %dma_start3A_231] : memref<10000x128xf32, #tpu.memory_space<vmem_shared>> -> memref<16x128xf32, #tpu.memory_space<vmem_shared>>
        %dma_start3A_233 = arith.constant 9984 : i32
        %dma_start3A_234 = arith.constant 0 : i32
        %dma_start3A_235 = tpu.memref_slice %arg5[%dma_start3A_233, %dma_start3A_234] : memref<10000x128xf32, #tpu.memory_space<hbm>> -> memref<16x128xf32, #tpu.memory_space<hbm>>
        tpu.enqueue_dma source(%dma_start3A_235 : memref<16x128xf32, #tpu.memory_space<hbm>>) target(%dma_start3A_232 : memref<16x128xf32, #tpu.memory_space<vmem_shared>>) target_semaphore(%run_scoped3A : memref<!tpu.dma_semaphore, #tpu.memory_space<semaphore_mem>>)
        %dma_wait3A_236 = arith.constant 9984 : i32
        %dma_wait3A_237 = arith.constant 0 : i32
        %dma_wait3A_238 = tpu.memref_slice %arg10[%dma_wait3A_236, %dma_wait3A_237] : memref<10000x128xf32, #tpu.memory_space<vmem_shared>> -> memref<16x128xf32, #tpu.memory_space<vmem_shared>>
        %dma_wait3A_239 = arith.constant 9984 : i32
        %dma_wait3A_240 = arith.constant 0 : i32
        %dma_wait3A_241 = tpu.memref_slice %arg5[%dma_wait3A_239, %dma_wait3A_240] : memref<10000x128xf32, #tpu.memory_space<hbm>> -> memref<16x128xf32, #tpu.memory_space<hbm>>
        tpu.wait_dma2 semaphore(%run_scoped3A : memref<!tpu.dma_semaphore, #tpu.memory_space<semaphore_mem>>) src(%dma_wait3A_241 : memref<16x128xf32, #tpu.memory_space<hbm>>) dst(%dma_wait3A_238 : memref<16x128xf32, #tpu.memory_space<vmem_shared>>)
        tpu.yield
      }) : () -> ()
    } else {
    }
    %barrier3A = arith.constant 0 : index
    tpu.barrier barrier_id(%barrier3A)
    %dma_start3A = arith.constant 0 : i32
    %dma_start3A_5 = arith.constant 0 : i32
    %dma_start3A_6 = arith.constant 0 : i32
    %dma_start3A_7 = tpu.memref_slice %arg7[%dma_start3A_5, %dma_start3A_6] : memref<3x100xi32, #tpu.memory_space<vmem>> -> memref<1x100xi32, #tpu.memory_space<vmem>>
    %dma_start3A_8 = tpu.memref_squeeze %dma_start3A_7 : memref<1x100xi32, #tpu.memory_space<vmem>> -> memref<100xi32, #tpu.memory_space<vmem>>
    %dma_start3A_9 = arith.constant 0 : i32
    %dma_start3A_10 = tpu.memref_slice %arg3[%arg0, %arg1, %dma_start3A, %dma_start3A_9] : memref<2x16x100x100xi32, #tpu.memory_space<hbm>> -> memref<1x1x1x100xi32, #tpu.memory_space<hbm>>
    %dma_start3A_11 = tpu.memref_squeeze %dma_start3A_10 : memref<1x1x1x100xi32, #tpu.memory_space<hbm>> -> memref<100xi32, #tpu.memory_space<hbm>>
    %dma_start3A_12 = arith.constant 0 : i32
    %dma_start3A_13 = tpu.memref_slice %arg7[%dma_start3A_5, %dma_start3A_12] : memref<3x100xi32, #tpu.memory_space<vmem>> -> memref<1x100xi32, #tpu.memory_space<vmem>>
    %dma_start3A_14 = tpu.memref_squeeze %dma_start3A_13 : memref<1x100xi32, #tpu.memory_space<vmem>> -> memref<100xi32, #tpu.memory_space<vmem>>
    %dma_start3A_15 = arith.constant 0 : i32
    %dma_start3A_16 = tpu.memref_slice %arg3[%arg0, %arg1, %dma_start3A, %dma_start3A_15] : memref<2x16x100x100xi32, #tpu.memory_space<hbm>> -> memref<1x1x1x100xi32, #tpu.memory_space<hbm>>
    %dma_start3A_17 = tpu.memref_squeeze %dma_start3A_16 : memref<1x1x1x100xi32, #tpu.memory_space<hbm>> -> memref<100xi32, #tpu.memory_space<hbm>>
    tpu.enqueue_dma source(%dma_start3A_17 : memref<100xi32, #tpu.memory_space<hbm>>) target(%dma_start3A_14 : memref<100xi32, #tpu.memory_space<vmem>>) target_semaphore(%arg17 : memref<!tpu.dma_semaphore, #tpu.memory_space<semaphore_mem>>)
    %dma_start3A_18 = arith.constant 0 : i32
    %dma_start3A_19 = arith.constant 0 : i32
    %dma_start3A_20 = arith.constant 0 : i32
    %dma_start3A_21 = tpu.memref_slice %arg8[%dma_start3A_19, %dma_start3A_20] : memref<3x100xi32, #tpu.memory_space<vmem>> -> memref<1x100xi32, #tpu.memory_space<vmem>>
    %dma_start3A_22 = tpu.memref_squeeze %dma_start3A_21 : memref<1x100xi32, #tpu.memory_space<vmem>> -> memref<100xi32, #tpu.memory_space<vmem>>
    %dma_start3A_23 = arith.constant 0 : i32
    %dma_start3A_24 = tpu.memref_slice %arg4[%arg0, %arg1, %dma_start3A_18, %dma_start3A_23] : memref<2x16x100x100xi32, #tpu.memory_space<hbm>> -> memref<1x1x1x100xi32, #tpu.memory_space<hbm>>
    %dma_start3A_25 = tpu.memref_squeeze %dma_start3A_24 : memref<1x1x1x100xi32, #tpu.memory_space<hbm>> -> memref<100xi32, #tpu.memory_space<hbm>>
    %dma_start3A_26 = arith.constant 0 : i32
    %dma_start3A_27 = tpu.memref_slice %arg8[%dma_start3A_19, %dma_start3A_26] : memref<3x100xi32, #tpu.memory_space<vmem>> -> memref<1x100xi32, #tpu.memory_space<vmem>>
    %dma_start3A_28 = tpu.memref_squeeze %dma_start3A_27 : memref<1x100xi32, #tpu.memory_space<vmem>> -> memref<100xi32, #tpu.memory_space<vmem>>
    %dma_start3A_29 = arith.constant 0 : i32
    %dma_start3A_30 = tpu.memref_slice %arg4[%arg0, %arg1, %dma_start3A_18, %dma_start3A_29] : memref<2x16x100x100xi32, #tpu.memory_space<hbm>> -> memref<1x1x1x100xi32, #tpu.memory_space<hbm>>
    %dma_start3A_31 = tpu.memref_squeeze %dma_start3A_30 : memref<1x1x1x100xi32, #tpu.memory_space<hbm>> -> memref<100xi32, #tpu.memory_space<hbm>>
    tpu.enqueue_dma source(%dma_start3A_31 : memref<100xi32, #tpu.memory_space<hbm>>) target(%dma_start3A_28 : memref<100xi32, #tpu.memory_space<vmem>>) target_semaphore(%arg20 : memref<!tpu.dma_semaphore, #tpu.memory_space<semaphore_mem>>)
    %dma_start3A_32 = arith.constant 1 : i32
    %dma_start3A_33 = arith.constant 1 : i32
    %dma_start3A_34 = arith.constant 0 : i32
    %dma_start3A_35 = tpu.memref_slice %arg7[%dma_start3A_33, %dma_start3A_34] : memref<3x100xi32, #tpu.memory_space<vmem>> -> memref<1x100xi32, #tpu.memory_space<vmem>>
    %dma_start3A_36 = tpu.memref_squeeze %dma_start3A_35 : memref<1x100xi32, #tpu.memory_space<vmem>> -> memref<100xi32, #tpu.memory_space<vmem>>
    %dma_start3A_37 = arith.constant 0 : i32
    %dma_start3A_38 = tpu.memref_slice %arg3[%arg0, %arg1, %dma_start3A_32, %dma_start3A_37] : memref<2x16x100x100xi32, #tpu.memory_space<hbm>> -> memref<1x1x1x100xi32, #tpu.memory_space<hbm>>
    %dma_start3A_39 = tpu.memref_squeeze %dma_start3A_38 : memref<1x1x1x100xi32, #tpu.memory_space<hbm>> -> memref<100xi32, #tpu.memory_space<hbm>>
    %dma_start3A_40 = arith.constant 0 : i32
    %dma_start3A_41 = tpu.memref_slice %arg7[%dma_start3A_33, %dma_start3A_40] : memref<3x100xi32, #tpu.memory_space<vmem>> -> memref<1x100xi32, #tpu.memory_space<vmem>>
    %dma_start3A_42 = tpu.memref_squeeze %dma_start3A_41 : memref<1x100xi32, #tpu.memory_space<vmem>> -> memref<100xi32, #tpu.memory_space<vmem>>
    %dma_start3A_43 = arith.constant 0 : i32
    %dma_start3A_44 = tpu.memref_slice %arg3[%arg0, %arg1, %dma_start3A_32, %dma_start3A_43] : memref<2x16x100x100xi32, #tpu.memory_space<hbm>> -> memref<1x1x1x100xi32, #tpu.memory_space<hbm>>
    %dma_start3A_45 = tpu.memref_squeeze %dma_start3A_44 : memref<1x1x1x100xi32, #tpu.memory_space<hbm>> -> memref<100xi32, #tpu.memory_space<hbm>>
    tpu.enqueue_dma source(%dma_start3A_45 : memref<100xi32, #tpu.memory_space<hbm>>) target(%dma_start3A_42 : memref<100xi32, #tpu.memory_space<vmem>>) target_semaphore(%arg18 : memref<!tpu.dma_semaphore, #tpu.memory_space<semaphore_mem>>)
    %dma_start3A_46 = arith.constant 1 : i32
    %dma_start3A_47 = arith.constant 1 : i32
    %dma_start3A_48 = arith.constant 0 : i32
    %dma_start3A_49 = tpu.memref_slice %arg8[%dma_start3A_47, %dma_start3A_48] : memref<3x100xi32, #tpu.memory_space<vmem>> -> memref<1x100xi32, #tpu.memory_space<vmem>>
    %dma_start3A_50 = tpu.memref_squeeze %dma_start3A_49 : memref<1x100xi32, #tpu.memory_space<vmem>> -> memref<100xi32, #tpu.memory_space<vmem>>
    %dma_start3A_51 = arith.constant 0 : i32
    %dma_start3A_52 = tpu.memref_slice %arg4[%arg0, %arg1, %dma_start3A_46, %dma_start3A_51] : memref<2x16x100x100xi32, #tpu.memory_space<hbm>> -> memref<1x1x1x100xi32, #tpu.memory_space<hbm>>
    %dma_start3A_53 = tpu.memref_squeeze %dma_start3A_52 : memref<1x1x1x100xi32, #tpu.memory_space<hbm>> -> memref<100xi32, #tpu.memory_space<hbm>>
    %dma_start3A_54 = arith.constant 0 : i32
    %dma_start3A_55 = tpu.memref_slice %arg8[%dma_start3A_47, %dma_start3A_54] : memref<3x100xi32, #tpu.memory_space<vmem>> -> memref<1x100xi32, #tpu.memory_space<vmem>>
    %dma_start3A_56 = tpu.memref_squeeze %dma_start3A_55 : memref<1x100xi32, #tpu.memory_space<vmem>> -> memref<100xi32, #tpu.memory_space<vmem>>
    %dma_start3A_57 = arith.constant 0 : i32
    %dma_start3A_58 = tpu.memref_slice %arg4[%arg0, %arg1, %dma_start3A_46, %dma_start3A_57] : memref<2x16x100x100xi32, #tpu.memory_space<hbm>> -> memref<1x1x1x100xi32, #tpu.memory_space<hbm>>
    %dma_start3A_59 = tpu.memref_squeeze %dma_start3A_58 : memref<1x1x1x100xi32, #tpu.memory_space<hbm>> -> memref<100xi32, #tpu.memory_space<hbm>>
    tpu.enqueue_dma source(%dma_start3A_59 : memref<100xi32, #tpu.memory_space<hbm>>) target(%dma_start3A_56 : memref<100xi32, #tpu.memory_space<vmem>>) target_semaphore(%arg21 : memref<!tpu.dma_semaphore, #tpu.memory_space<semaphore_mem>>)
    %dma_start3A_60 = arith.constant 2 : i32
    %dma_start3A_61 = arith.constant 2 : i32
    %dma_start3A_62 = arith.constant 0 : i32
    %dma_start3A_63 = tpu.memref_slice %arg7[%dma_start3A_61, %dma_start3A_62] : memref<3x100xi32, #tpu.memory_space<vmem>> -> memref<1x100xi32, #tpu.memory_space<vmem>>
    %dma_start3A_64 = tpu.memref_squeeze %dma_start3A_63 : memref<1x100xi32, #tpu.memory_space<vmem>> -> memref<100xi32, #tpu.memory_space<vmem>>
    %dma_start3A_65 = arith.constant 0 : i32
    %dma_start3A_66 = tpu.memref_slice %arg3[%arg0, %arg1, %dma_start3A_60, %dma_start3A_65] : memref<2x16x100x100xi32, #tpu.memory_space<hbm>> -> memref<1x1x1x100xi32, #tpu.memory_space<hbm>>
    %dma_start3A_67 = tpu.memref_squeeze %dma_start3A_66 : memref<1x1x1x100xi32, #tpu.memory_space<hbm>> -> memref<100xi32, #tpu.memory_space<hbm>>
    %dma_start3A_68 = arith.constant 0 : i32
    %dma_start3A_69 = tpu.memref_slice %arg7[%dma_start3A_61, %dma_start3A_68] : memref<3x100xi32, #tpu.memory_space<vmem>> -> memref<1x100xi32, #tpu.memory_space<vmem>>
    %dma_start3A_70 = tpu.memref_squeeze %dma_start3A_69 : memref<1x100xi32, #tpu.memory_space<vmem>> -> memref<100xi32, #tpu.memory_space<vmem>>
    %dma_start3A_71 = arith.constant 0 : i32
    %dma_start3A_72 = tpu.memref_slice %arg3[%arg0, %arg1, %dma_start3A_60, %dma_start3A_71] : memref<2x16x100x100xi32, #tpu.memory_space<hbm>> -> memref<1x1x1x100xi32, #tpu.memory_space<hbm>>
    %dma_start3A_73 = tpu.memref_squeeze %dma_start3A_72 : memref<1x1x1x100xi32, #tpu.memory_space<hbm>> -> memref<100xi32, #tpu.memory_space<hbm>>
    tpu.enqueue_dma source(%dma_start3A_73 : memref<100xi32, #tpu.memory_space<hbm>>) target(%dma_start3A_70 : memref<100xi32, #tpu.memory_space<vmem>>) target_semaphore(%arg19 : memref<!tpu.dma_semaphore, #tpu.memory_space<semaphore_mem>>)
    %dma_start3A_74 = arith.constant 2 : i32
    %dma_start3A_75 = arith.constant 2 : i32
    %dma_start3A_76 = arith.constant 0 : i32
    %dma_start3A_77 = tpu.memref_slice %arg8[%dma_start3A_75, %dma_start3A_76] : memref<3x100xi32, #tpu.memory_space<vmem>> -> memref<1x100xi32, #tpu.memory_space<vmem>>
    %dma_start3A_78 = tpu.memref_squeeze %dma_start3A_77 : memref<1x100xi32, #tpu.memory_space<vmem>> -> memref<100xi32, #tpu.memory_space<vmem>>
    %dma_start3A_79 = arith.constant 0 : i32
    %dma_start3A_80 = tpu.memref_slice %arg4[%arg0, %arg1, %dma_start3A_74, %dma_start3A_79] : memref<2x16x100x100xi32, #tpu.memory_space<hbm>> -> memref<1x1x1x100xi32, #tpu.memory_space<hbm>>
    %dma_start3A_81 = tpu.memref_squeeze %dma_start3A_80 : memref<1x1x1x100xi32, #tpu.memory_space<hbm>> -> memref<100xi32, #tpu.memory_space<hbm>>
    %dma_start3A_82 = arith.constant 0 : i32
    %dma_start3A_83 = tpu.memref_slice %arg8[%dma_start3A_75, %dma_start3A_82] : memref<3x100xi32, #tpu.memory_space<vmem>> -> memref<1x100xi32, #tpu.memory_space<vmem>>
    %dma_start3A_84 = tpu.memref_squeeze %dma_start3A_83 : memref<1x100xi32, #tpu.memory_space<vmem>> -> memref<100xi32, #tpu.memory_space<vmem>>
    %dma_start3A_85 = arith.constant 0 : i32
    %dma_start3A_86 = tpu.memref_slice %arg4[%arg0, %arg1, %dma_start3A_74, %dma_start3A_85] : memref<2x16x100x100xi32, #tpu.memory_space<hbm>> -> memref<1x1x1x100xi32, #tpu.memory_space<hbm>>
    %dma_start3A_87 = tpu.memref_squeeze %dma_start3A_86 : memref<1x1x1x100xi32, #tpu.memory_space<hbm>> -> memref<100xi32, #tpu.memory_space<hbm>>
    tpu.enqueue_dma source(%dma_start3A_87 : memref<100xi32, #tpu.memory_space<hbm>>) target(%dma_start3A_84 : memref<100xi32, #tpu.memory_space<vmem>>) target_semaphore(%arg22 : memref<!tpu.dma_semaphore, #tpu.memory_space<semaphore_mem>>)
    %dma_wait3A = arith.constant 0 : i32
    %dma_wait3A_88 = arith.constant 0 : i32
    %dma_wait3A_89 = arith.constant 0 : i32
    %dma_wait3A_90 = tpu.memref_slice %arg7[%dma_wait3A_88, %dma_wait3A_89] : memref<3x100xi32, #tpu.memory_space<vmem>> -> memref<1x100xi32, #tpu.memory_space<vmem>>
    %dma_wait3A_91 = tpu.memref_squeeze %dma_wait3A_90 : memref<1x100xi32, #tpu.memory_space<vmem>> -> memref<100xi32, #tpu.memory_space<vmem>>
    %dma_wait3A_92 = arith.constant 0 : i32
    %dma_wait3A_93 = tpu.memref_slice %arg3[%arg0, %arg1, %dma_wait3A, %dma_wait3A_92] : memref<2x16x100x100xi32, #tpu.memory_space<hbm>> -> memref<1x1x1x100xi32, #tpu.memory_space<hbm>>
    %dma_wait3A_94 = tpu.memref_squeeze %dma_wait3A_93 : memref<1x1x1x100xi32, #tpu.memory_space<hbm>> -> memref<100xi32, #tpu.memory_space<hbm>>
    %dma_wait3A_95 = arith.constant 0 : i32
    %dma_wait3A_96 = tpu.memref_slice %arg7[%dma_wait3A_88, %dma_wait3A_95] : memref<3x100xi32, #tpu.memory_space<vmem>> -> memref<1x100xi32, #tpu.memory_space<vmem>>
    %dma_wait3A_97 = tpu.memref_squeeze %dma_wait3A_96 : memref<1x100xi32, #tpu.memory_space<vmem>> -> memref<100xi32, #tpu.memory_space<vmem>>
    %dma_wait3A_98 = arith.constant 0 : i32
    %dma_wait3A_99 = tpu.memref_slice %arg3[%arg0, %arg1, %dma_wait3A, %dma_wait3A_98] : memref<2x16x100x100xi32, #tpu.memory_space<hbm>> -> memref<1x1x1x100xi32, #tpu.memory_space<hbm>>
    %dma_wait3A_100 = tpu.memref_squeeze %dma_wait3A_99 : memref<1x1x1x100xi32, #tpu.memory_space<hbm>> -> memref<100xi32, #tpu.memory_space<hbm>>
    tpu.wait_dma2 semaphore(%arg17 : memref<!tpu.dma_semaphore, #tpu.memory_space<semaphore_mem>>) src(%dma_wait3A_100 : memref<100xi32, #tpu.memory_space<hbm>>) dst(%dma_wait3A_97 : memref<100xi32, #tpu.memory_space<vmem>>)
    %dma_start3A_101 = arith.constant 0 : i32
    %dma_start3A_102 = arith.constant 0 : i32
    %dma_start3A_103 = arith.constant 0 : i32
    %dma_start3A_104 = arith.constant 0 : i32
    %dma_start3A_105 = tpu.memref_slice %arg9[%dma_start3A_102, %dma_start3A_103, %dma_start3A_104] : memref<3x100x128xf32, #tpu.memory_space<vmem>> -> memref<1x100x128xf32, #tpu.memory_space<vmem>>
    %dma_start3A_106 = tpu.memref_squeeze %dma_start3A_105 : memref<1x100x128xf32, #tpu.memory_space<vmem>> -> memref<100x128xf32, #tpu.memory_space<vmem>>
    %dma_start3A_107 = arith.constant 0 : i32
    %dma_start3A_108 = tpu.memref_slice %arg7[%dma_start3A_101, %dma_start3A_107] : memref<3x100xi32, #tpu.memory_space<vmem>> -> memref<1x100xi32, #tpu.memory_space<vmem>>
    %dma_start3A_109 = tpu.memref_squeeze %dma_start3A_108 : memref<1x100xi32, #tpu.memory_space<vmem>> -> memref<100xi32, #tpu.memory_space<vmem>>
    %dma_start3A_110 = arith.constant 0 : i32
    %dma_start3A_111 = arith.constant 0 : i32
    %dma_start3A_112 = tpu.memref_slice %arg2[%dma_start3A_110, %dma_start3A_111] : memref<10000x128xf32, #tpu.memory_space<hbm>> -> memref<10000x128xf32, #tpu.memory_space<hbm>>
    tpu.enqueue_indirect_dma source(%dma_start3A_112 : memref<10000x128xf32, #tpu.memory_space<hbm>>) target(%dma_start3A_106 : memref<100x128xf32, #tpu.memory_space<vmem>>) offsets(%dma_start3A_109 : memref<100xi32, #tpu.memory_space<vmem>>) semaphore(%arg11 : memref<!tpu.dma_semaphore, #tpu.memory_space<semaphore_mem>>)
    %dma_wait3A_113 = arith.constant 0 : i32
    %dma_wait3A_114 = arith.constant 1 : i32
    %dma_wait3A_115 = arith.constant 0 : i32
    %dma_wait3A_116 = tpu.memref_slice %arg7[%dma_wait3A_114, %dma_wait3A_115] : memref<3x100xi32, #tpu.memory_space<vmem>> -> memref<1x100xi32, #tpu.memory_space<vmem>>
    %dma_wait3A_117 = tpu.memref_squeeze %dma_wait3A_116 : memref<1x100xi32, #tpu.memory_space<vmem>> -> memref<100xi32, #tpu.memory_space<vmem>>
    %dma_wait3A_118 = arith.constant 0 : i32
    %dma_wait3A_119 = tpu.memref_slice %arg3[%arg0, %arg1, %dma_wait3A_113, %dma_wait3A_118] : memref<2x16x100x100xi32, #tpu.memory_space<hbm>> -> memref<1x1x1x100xi32, #tpu.memory_space<hbm>>
    %dma_wait3A_120 = tpu.memref_squeeze %dma_wait3A_119 : memref<1x1x1x100xi32, #tpu.memory_space<hbm>> -> memref<100xi32, #tpu.memory_space<hbm>>
    %dma_wait3A_121 = arith.constant 0 : i32
    %dma_wait3A_122 = tpu.memref_slice %arg7[%dma_wait3A_114, %dma_wait3A_121] : memref<3x100xi32, #tpu.memory_space<vmem>> -> memref<1x100xi32, #tpu.memory_space<vmem>>
    %dma_wait3A_123 = tpu.memref_squeeze %dma_wait3A_122 : memref<1x100xi32, #tpu.memory_space<vmem>> -> memref<100xi32, #tpu.memory_space<vmem>>
    %dma_wait3A_124 = arith.constant 0 : i32
    %dma_wait3A_125 = tpu.memref_slice %arg3[%arg0, %arg1, %dma_wait3A_113, %dma_wait3A_124] : memref<2x16x100x100xi32, #tpu.memory_space<hbm>> -> memref<1x1x1x100xi32, #tpu.memory_space<hbm>>
    %dma_wait3A_126 = tpu.memref_squeeze %dma_wait3A_125 : memref<1x1x1x100xi32, #tpu.memory_space<hbm>> -> memref<100xi32, #tpu.memory_space<hbm>>
    tpu.wait_dma2 semaphore(%arg18 : memref<!tpu.dma_semaphore, #tpu.memory_space<semaphore_mem>>) src(%dma_wait3A_126 : memref<100xi32, #tpu.memory_space<hbm>>) dst(%dma_wait3A_123 : memref<100xi32, #tpu.memory_space<vmem>>)
    %dma_start3A_127 = arith.constant 1 : i32
    %dma_start3A_128 = arith.constant 1 : i32
    %dma_start3A_129 = arith.constant 0 : i32
    %dma_start3A_130 = arith.constant 0 : i32
    %dma_start3A_131 = tpu.memref_slice %arg9[%dma_start3A_128, %dma_start3A_129, %dma_start3A_130] : memref<3x100x128xf32, #tpu.memory_space<vmem>> -> memref<1x100x128xf32, #tpu.memory_space<vmem>>
    %dma_start3A_132 = tpu.memref_squeeze %dma_start3A_131 : memref<1x100x128xf32, #tpu.memory_space<vmem>> -> memref<100x128xf32, #tpu.memory_space<vmem>>
    %dma_start3A_133 = arith.constant 0 : i32
    %dma_start3A_134 = tpu.memref_slice %arg7[%dma_start3A_127, %dma_start3A_133] : memref<3x100xi32, #tpu.memory_space<vmem>> -> memref<1x100xi32, #tpu.memory_space<vmem>>
    %dma_start3A_135 = tpu.memref_squeeze %dma_start3A_134 : memref<1x100xi32, #tpu.memory_space<vmem>> -> memref<100xi32, #tpu.memory_space<vmem>>
    %dma_start3A_136 = arith.constant 0 : i32
    %dma_start3A_137 = arith.constant 0 : i32
    %dma_start3A_138 = tpu.memref_slice %arg2[%dma_start3A_136, %dma_start3A_137] : memref<10000x128xf32, #tpu.memory_space<hbm>> -> memref<10000x128xf32, #tpu.memory_space<hbm>>
    tpu.enqueue_indirect_dma source(%dma_start3A_138 : memref<10000x128xf32, #tpu.memory_space<hbm>>) target(%dma_start3A_132 : memref<100x128xf32, #tpu.memory_space<vmem>>) offsets(%dma_start3A_135 : memref<100xi32, #tpu.memory_space<vmem>>) semaphore(%arg12 : memref<!tpu.dma_semaphore, #tpu.memory_space<semaphore_mem>>)
    %dma_wait3A_139 = arith.constant 0 : i32
    %dma_wait3A_140 = arith.constant 2 : i32
    %dma_wait3A_141 = arith.constant 0 : i32
    %dma_wait3A_142 = tpu.memref_slice %arg7[%dma_wait3A_140, %dma_wait3A_141] : memref<3x100xi32, #tpu.memory_space<vmem>> -> memref<1x100xi32, #tpu.memory_space<vmem>>
    %dma_wait3A_143 = tpu.memref_squeeze %dma_wait3A_142 : memref<1x100xi32, #tpu.memory_space<vmem>> -> memref<100xi32, #tpu.memory_space<vmem>>
    %dma_wait3A_144 = arith.constant 0 : i32
    %dma_wait3A_145 = tpu.memref_slice %arg3[%arg0, %arg1, %dma_wait3A_139, %dma_wait3A_144] : memref<2x16x100x100xi32, #tpu.memory_space<hbm>> -> memref<1x1x1x100xi32, #tpu.memory_space<hbm>>
    %dma_wait3A_146 = tpu.memref_squeeze %dma_wait3A_145 : memref<1x1x1x100xi32, #tpu.memory_space<hbm>> -> memref<100xi32, #tpu.memory_space<hbm>>
    %dma_wait3A_147 = arith.constant 0 : i32
    %dma_wait3A_148 = tpu.memref_slice %arg7[%dma_wait3A_140, %dma_wait3A_147] : memref<3x100xi32, #tpu.memory_space<vmem>> -> memref<1x100xi32, #tpu.memory_space<vmem>>
    %dma_wait3A_149 = tpu.memref_squeeze %dma_wait3A_148 : memref<1x100xi32, #tpu.memory_space<vmem>> -> memref<100xi32, #tpu.memory_space<vmem>>
    %dma_wait3A_150 = arith.constant 0 : i32
    %dma_wait3A_151 = tpu.memref_slice %arg3[%arg0, %arg1, %dma_wait3A_139, %dma_wait3A_150] : memref<2x16x100x100xi32, #tpu.memory_space<hbm>> -> memref<1x1x1x100xi32, #tpu.memory_space<hbm>>
    %dma_wait3A_152 = tpu.memref_squeeze %dma_wait3A_151 : memref<1x1x1x100xi32, #tpu.memory_space<hbm>> -> memref<100xi32, #tpu.memory_space<hbm>>
    tpu.wait_dma2 semaphore(%arg19 : memref<!tpu.dma_semaphore, #tpu.memory_space<semaphore_mem>>) src(%dma_wait3A_152 : memref<100xi32, #tpu.memory_space<hbm>>) dst(%dma_wait3A_149 : memref<100xi32, #tpu.memory_space<vmem>>)
    %dma_start3A_153 = arith.constant 2 : i32
    %dma_start3A_154 = arith.constant 2 : i32
    %dma_start3A_155 = arith.constant 0 : i32
    %dma_start3A_156 = arith.constant 0 : i32
    %dma_start3A_157 = tpu.memref_slice %arg9[%dma_start3A_154, %dma_start3A_155, %dma_start3A_156] : memref<3x100x128xf32, #tpu.memory_space<vmem>> -> memref<1x100x128xf32, #tpu.memory_space<vmem>>
    %dma_start3A_158 = tpu.memref_squeeze %dma_start3A_157 : memref<1x100x128xf32, #tpu.memory_space<vmem>> -> memref<100x128xf32, #tpu.memory_space<vmem>>
    %dma_start3A_159 = arith.constant 0 : i32
    %dma_start3A_160 = tpu.memref_slice %arg7[%dma_start3A_153, %dma_start3A_159] : memref<3x100xi32, #tpu.memory_space<vmem>> -> memref<1x100xi32, #tpu.memory_space<vmem>>
    %dma_start3A_161 = tpu.memref_squeeze %dma_start3A_160 : memref<1x100xi32, #tpu.memory_space<vmem>> -> memref<100xi32, #tpu.memory_space<vmem>>
    %dma_start3A_162 = arith.constant 0 : i32
    %dma_start3A_163 = arith.constant 0 : i32
    %dma_start3A_164 = tpu.memref_slice %arg2[%dma_start3A_162, %dma_start3A_163] : memref<10000x128xf32, #tpu.memory_space<hbm>> -> memref<10000x128xf32, #tpu.memory_space<hbm>>
    tpu.enqueue_indirect_dma source(%dma_start3A_164 : memref<10000x128xf32, #tpu.memory_space<hbm>>) target(%dma_start3A_158 : memref<100x128xf32, #tpu.memory_space<vmem>>) offsets(%dma_start3A_161 : memref<100xi32, #tpu.memory_space<vmem>>) semaphore(%arg13 : memref<!tpu.dma_semaphore, #tpu.memory_space<semaphore_mem>>)
    %scan3A = arith.constant 0 : i32
    %scan3A_165 = arith.constant 0 : i32
    %scan3A_166 = arith.constant 33 : i32
    %scan3A_167 = arith.addi %scan3A_165, %scan3A_166 : i32
    %scan3A_168 = arith.constant 1 : i32
    scf.for %scan3A_230 = %scan3A_165 to %scan3A_167 step %scan3A_168  : i32 {
      %mul3A_231 = arith.constant 3 : i32
      %mul3A_232 = arith.muli %scan3A_230, %mul3A_231 : i32
      %dma_wait3A_233 = arith.constant 0 : i32
      %dma_wait3A_234 = arith.constant 0 : i32
      %dma_wait3A_235 = arith.constant 0 : i32
      %dma_wait3A_236 = arith.constant 0 : i32
      %dma_wait3A_237 = tpu.memref_slice %arg9[%dma_wait3A_234, %dma_wait3A_235, %dma_wait3A_236] : memref<3x100x128xf32, #tpu.memory_space<vmem>> -> memref<1x100x128xf32, #tpu.memory_space<vmem>>
      %dma_wait3A_238 = tpu.memref_squeeze %dma_wait3A_237 : memref<1x100x128xf32, #tpu.memory_space<vmem>> -> memref<100x128xf32, #tpu.memory_space<vmem>>
      %dma_wait3A_239 = arith.constant 0 : i32
      %dma_wait3A_240 = tpu.memref_slice %arg7[%dma_wait3A_233, %dma_wait3A_239] : memref<3x100xi32, #tpu.memory_space<vmem>> -> memref<1x100xi32, #tpu.memory_space<vmem>>
      %dma_wait3A_241 = tpu.memref_squeeze %dma_wait3A_240 : memref<1x100xi32, #tpu.memory_space<vmem>> -> memref<100xi32, #tpu.memory_space<vmem>>
      %dma_wait3A_242 = arith.constant 0 : i32
      %dma_wait3A_243 = arith.constant 0 : i32
      %dma_wait3A_244 = tpu.memref_slice %arg2[%dma_wait3A_242, %dma_wait3A_243] : memref<10000x128xf32, #tpu.memory_space<hbm>> -> memref<10000x128xf32, #tpu.memory_space<hbm>>
      tpu.wait_indirect_dma semaphore(%arg11 : memref<!tpu.dma_semaphore, #tpu.memory_space<semaphore_mem>>) src(%dma_wait3A_244 : memref<10000x128xf32, #tpu.memory_space<hbm>>) dst(%dma_wait3A_238 : memref<100x128xf32, #tpu.memory_space<vmem>>)
      %add3A = arith.constant 0 : i32
      %add3A_245 = arith.addi %mul3A_232, %add3A : i32
      %add3A_246 = arith.constant 3 : i32
      %add3A_247 = arith.addi %add3A_245, %add3A_246 : i32
      %lt3A = arith.constant 100 : i32
      %lt3A_248 = arith.cmpi slt, %add3A_247, %lt3A : i32
      %convert_element_type3A_249 = arith.extui %lt3A_248 : i1 to i32
      %cond3A_250 = arith.constant 0 : i32
      %cond3A_251 = arith.cmpi ne, %convert_element_type3A_249, %cond3A_250 : i32
      scf.if %cond3A_251 {
        %add3A_435 = arith.constant 0 : i32
        %add3A_436 = arith.addi %mul3A_232, %add3A_435 : i32
        %add3A_437 = arith.constant 3 : i32
        %add3A_438 = arith.addi %add3A_436, %add3A_437 : i32
        %dma_start3A_439 = arith.constant 0 : i32
        %dma_start3A_440 = arith.constant 0 : i32
        %dma_start3A_441 = tpu.memref_slice %arg7[%dma_start3A_439, %dma_start3A_440] : memref<3x100xi32, #tpu.memory_space<vmem>> -> memref<1x100xi32, #tpu.memory_space<vmem>>
        %dma_start3A_442 = tpu.memref_squeeze %dma_start3A_441 : memref<1x100xi32, #tpu.memory_space<vmem>> -> memref<100xi32, #tpu.memory_space<vmem>>
        %dma_start3A_443 = arith.constant 0 : i32
        %dma_start3A_444 = tpu.memref_slice %arg3[%arg0, %arg1, %add3A_438, %dma_start3A_443] : memref<2x16x100x100xi32, #tpu.memory_space<hbm>> -> memref<1x1x1x100xi32, #tpu.memory_space<hbm>>
        %dma_start3A_445 = tpu.memref_squeeze %dma_start3A_444 : memref<1x1x1x100xi32, #tpu.memory_space<hbm>> -> memref<100xi32, #tpu.memory_space<hbm>>
        %dma_start3A_446 = arith.constant 0 : i32
        %dma_start3A_447 = tpu.memref_slice %arg7[%dma_start3A_439, %dma_start3A_446] : memref<3x100xi32, #tpu.memory_space<vmem>> -> memref<1x100xi32, #tpu.memory_space<vmem>>
        %dma_start3A_448 = tpu.memref_squeeze %dma_start3A_447 : memref<1x100xi32, #tpu.memory_space<vmem>> -> memref<100xi32, #tpu.memory_space<vmem>>
        %dma_start3A_449 = arith.constant 0 : i32
        %dma_start3A_450 = tpu.memref_slice %arg3[%arg0, %arg1, %add3A_438, %dma_start3A_449] : memref<2x16x100x100xi32, #tpu.memory_space<hbm>> -> memref<1x1x1x100xi32, #tpu.memory_space<hbm>>
        %dma_start3A_451 = tpu.memref_squeeze %dma_start3A_450 : memref<1x1x1x100xi32, #tpu.memory_space<hbm>> -> memref<100xi32, #tpu.memory_space<hbm>>
        tpu.enqueue_dma source(%dma_start3A_451 : memref<100xi32, #tpu.memory_space<hbm>>) target(%dma_start3A_448 : memref<100xi32, #tpu.memory_space<vmem>>) target_semaphore(%arg17 : memref<!tpu.dma_semaphore, #tpu.memory_space<semaphore_mem>>)
      } else {
      }
      %dma_wait3A_252 = arith.constant 0 : i32
      %dma_wait3A_253 = arith.constant 0 : i32
      %dma_wait3A_254 = arith.constant 0 : i32
      %dma_wait3A_255 = tpu.memref_slice %arg8[%dma_wait3A_253, %dma_wait3A_254] : memref<3x100xi32, #tpu.memory_space<vmem>> -> memref<1x100xi32, #tpu.memory_space<vmem>>
      %dma_wait3A_256 = tpu.memref_squeeze %dma_wait3A_255 : memref<1x100xi32, #tpu.memory_space<vmem>> -> memref<100xi32, #tpu.memory_space<vmem>>
      %dma_wait3A_257 = arith.constant 0 : i32
      %dma_wait3A_258 = tpu.memref_slice %arg3[%arg0, %arg1, %dma_wait3A_252, %dma_wait3A_257] : memref<2x16x100x100xi32, #tpu.memory_space<hbm>> -> memref<1x1x1x100xi32, #tpu.memory_space<hbm>>
      %dma_wait3A_259 = tpu.memref_squeeze %dma_wait3A_258 : memref<1x1x1x100xi32, #tpu.memory_space<hbm>> -> memref<100xi32, #tpu.memory_space<hbm>>
      %dma_wait3A_260 = arith.constant 0 : i32
      %dma_wait3A_261 = tpu.memref_slice %arg8[%dma_wait3A_253, %dma_wait3A_260] : memref<3x100xi32, #tpu.memory_space<vmem>> -> memref<1x100xi32, #tpu.memory_space<vmem>>
      %dma_wait3A_262 = tpu.memref_squeeze %dma_wait3A_261 : memref<1x100xi32, #tpu.memory_space<vmem>> -> memref<100xi32, #tpu.memory_space<vmem>>
      %dma_wait3A_263 = arith.constant 0 : i32
      %dma_wait3A_264 = tpu.memref_slice %arg3[%arg0, %arg1, %dma_wait3A_252, %dma_wait3A_263] : memref<2x16x100x100xi32, #tpu.memory_space<hbm>> -> memref<1x1x1x100xi32, #tpu.memory_space<hbm>>
      %dma_wait3A_265 = tpu.memref_squeeze %dma_wait3A_264 : memref<1x1x1x100xi32, #tpu.memory_space<hbm>> -> memref<100xi32, #tpu.memory_space<hbm>>
      tpu.wait_dma2 semaphore(%arg20 : memref<!tpu.dma_semaphore, #tpu.memory_space<semaphore_mem>>) src(%dma_wait3A_265 : memref<100xi32, #tpu.memory_space<hbm>>) dst(%dma_wait3A_262 : memref<100xi32, #tpu.memory_space<vmem>>)
      %dma_start3A_266 = arith.constant 0 : i32
      %dma_start3A_267 = arith.constant 0 : i32
      %dma_start3A_268 = arith.constant 0 : i32
      %dma_start3A_269 = arith.constant 0 : i32
      %dma_start3A_270 = tpu.memref_slice %arg9[%dma_start3A_266, %dma_start3A_268, %dma_start3A_269] : memref<3x100x128xf32, #tpu.memory_space<vmem>> -> memref<1x100x128xf32, #tpu.memory_space<vmem>>
      %dma_start3A_271 = tpu.memref_squeeze %dma_start3A_270 : memref<1x100x128xf32, #tpu.memory_space<vmem>> -> memref<100x128xf32, #tpu.memory_space<vmem>>
      %dma_start3A_272 = arith.constant 0 : i32
      %dma_start3A_273 = tpu.memref_slice %arg8[%dma_start3A_267, %dma_start3A_272] : memref<3x100xi32, #tpu.memory_space<vmem>> -> memref<1x100xi32, #tpu.memory_space<vmem>>
      %dma_start3A_274 = tpu.memref_squeeze %dma_start3A_273 : memref<1x100xi32, #tpu.memory_space<vmem>> -> memref<100xi32, #tpu.memory_space<vmem>>
      %dma_start3A_275 = arith.constant 0 : i32
      %dma_start3A_276 = arith.constant 0 : i32
      %dma_start3A_277 = tpu.memref_slice %arg10[%dma_start3A_275, %dma_start3A_276] : memref<10000x128xf32, #tpu.memory_space<vmem_shared>> -> memref<10000x128xf32, #tpu.memory_space<vmem_shared>>
      tpu.enqueue_indirect_dma source(%dma_start3A_271 : memref<100x128xf32, #tpu.memory_space<vmem>>) target(%dma_start3A_277 : memref<10000x128xf32, #tpu.memory_space<vmem_shared>>) offsets(%dma_start3A_274 : memref<100xi32, #tpu.memory_space<vmem>>) semaphore(%arg14 : memref<!tpu.dma_semaphore, #tpu.memory_space<semaphore_mem>>) {add = true}
      %dma_wait3A_278 = arith.constant 1 : i32
      %dma_wait3A_279 = arith.constant 1 : i32
      %dma_wait3A_280 = arith.constant 0 : i32
      %dma_wait3A_281 = arith.constant 0 : i32
      %dma_wait3A_282 = tpu.memref_slice %arg9[%dma_wait3A_279, %dma_wait3A_280, %dma_wait3A_281] : memref<3x100x128xf32, #tpu.memory_space<vmem>> -> memref<1x100x128xf32, #tpu.memory_space<vmem>>
      %dma_wait3A_283 = tpu.memref_squeeze %dma_wait3A_282 : memref<1x100x128xf32, #tpu.memory_space<vmem>> -> memref<100x128xf32, #tpu.memory_space<vmem>>
      %dma_wait3A_284 = arith.constant 0 : i32
      %dma_wait3A_285 = tpu.memref_slice %arg7[%dma_wait3A_278, %dma_wait3A_284] : memref<3x100xi32, #tpu.memory_space<vmem>> -> memref<1x100xi32, #tpu.memory_space<vmem>>
      %dma_wait3A_286 = tpu.memref_squeeze %dma_wait3A_285 : memref<1x100xi32, #tpu.memory_space<vmem>> -> memref<100xi32, #tpu.memory_space<vmem>>
      %dma_wait3A_287 = arith.constant 0 : i32
      %dma_wait3A_288 = arith.constant 0 : i32
      %dma_wait3A_289 = tpu.memref_slice %arg2[%dma_wait3A_287, %dma_wait3A_288] : memref<10000x128xf32, #tpu.memory_space<hbm>> -> memref<10000x128xf32, #tpu.memory_space<hbm>>
      tpu.wait_indirect_dma semaphore(%arg12 : memref<!tpu.dma_semaphore, #tpu.memory_space<semaphore_mem>>) src(%dma_wait3A_289 : memref<10000x128xf32, #tpu.memory_space<hbm>>) dst(%dma_wait3A_283 : memref<100x128xf32, #tpu.memory_space<vmem>>)
      %add3A_290 = arith.constant 1 : i32
      %add3A_291 = arith.addi %mul3A_232, %add3A_290 : i32
      %add3A_292 = arith.constant 3 : i32
      %add3A_293 = arith.addi %add3A_291, %add3A_292 : i32
      %lt3A_294 = arith.constant 100 : i32
      %lt3A_295 = arith.cmpi slt, %add3A_293, %lt3A_294 : i32
      %convert_element_type3A_296 = arith.extui %lt3A_295 : i1 to i32
      %cond3A_297 = arith.constant 0 : i32
      %cond3A_298 = arith.cmpi ne, %convert_element_type3A_296, %cond3A_297 : i32
      scf.if %cond3A_298 {
        %add3A_435 = arith.constant 1 : i32
        %add3A_436 = arith.addi %mul3A_232, %add3A_435 : i32
        %add3A_437 = arith.constant 3 : i32
        %add3A_438 = arith.addi %add3A_436, %add3A_437 : i32
        %dma_start3A_439 = arith.constant 1 : i32
        %dma_start3A_440 = arith.constant 0 : i32
        %dma_start3A_441 = tpu.memref_slice %arg7[%dma_start3A_439, %dma_start3A_440] : memref<3x100xi32, #tpu.memory_space<vmem>> -> memref<1x100xi32, #tpu.memory_space<vmem>>
        %dma_start3A_442 = tpu.memref_squeeze %dma_start3A_441 : memref<1x100xi32, #tpu.memory_space<vmem>> -> memref<100xi32, #tpu.memory_space<vmem>>
        %dma_start3A_443 = arith.constant 0 : i32
        %dma_start3A_444 = tpu.memref_slice %arg3[%arg0, %arg1, %add3A_438, %dma_start3A_443] : memref<2x16x100x100xi32, #tpu.memory_space<hbm>> -> memref<1x1x1x100xi32, #tpu.memory_space<hbm>>
        %dma_start3A_445 = tpu.memref_squeeze %dma_start3A_444 : memref<1x1x1x100xi32, #tpu.memory_space<hbm>> -> memref<100xi32, #tpu.memory_space<hbm>>
        %dma_start3A_446 = arith.constant 0 : i32
        %dma_start3A_447 = tpu.memref_slice %arg7[%dma_start3A_439, %dma_start3A_446] : memref<3x100xi32, #tpu.memory_space<vmem>> -> memref<1x100xi32, #tpu.memory_space<vmem>>
        %dma_start3A_448 = tpu.memref_squeeze %dma_start3A_447 : memref<1x100xi32, #tpu.memory_space<vmem>> -> memref<100xi32, #tpu.memory_space<vmem>>
        %dma_start3A_449 = arith.constant 0 : i32
        %dma_start3A_450 = tpu.memref_slice %arg3[%arg0, %arg1, %add3A_438, %dma_start3A_449] : memref<2x16x100x100xi32, #tpu.memory_space<hbm>> -> memref<1x1x1x100xi32, #tpu.memory_space<hbm>>
        %dma_start3A_451 = tpu.memref_squeeze %dma_start3A_450 : memref<1x1x1x100xi32, #tpu.memory_space<hbm>> -> memref<100xi32, #tpu.memory_space<hbm>>
        tpu.enqueue_dma source(%dma_start3A_451 : memref<100xi32, #tpu.memory_space<hbm>>) target(%dma_start3A_448 : memref<100xi32, #tpu.memory_space<vmem>>) target_semaphore(%arg18 : memref<!tpu.dma_semaphore, #tpu.memory_space<semaphore_mem>>)
      } else {
      }
      %dma_wait3A_299 = arith.constant 0 : i32
      %dma_wait3A_300 = arith.constant 1 : i32
      %dma_wait3A_301 = arith.constant 0 : i32
      %dma_wait3A_302 = tpu.memref_slice %arg8[%dma_wait3A_300, %dma_wait3A_301] : memref<3x100xi32, #tpu.memory_space<vmem>> -> memref<1x100xi32, #tpu.memory_space<vmem>>
      %dma_wait3A_303 = tpu.memref_squeeze %dma_wait3A_302 : memref<1x100xi32, #tpu.memory_space<vmem>> -> memref<100xi32, #tpu.memory_space<vmem>>
      %dma_wait3A_304 = arith.constant 0 : i32
      %dma_wait3A_305 = tpu.memref_slice %arg3[%arg0, %arg1, %dma_wait3A_299, %dma_wait3A_304] : memref<2x16x100x100xi32, #tpu.memory_space<hbm>> -> memref<1x1x1x100xi32, #tpu.memory_space<hbm>>
      %dma_wait3A_306 = tpu.memref_squeeze %dma_wait3A_305 : memref<1x1x1x100xi32, #tpu.memory_space<hbm>> -> memref<100xi32, #tpu.memory_space<hbm>>
      %dma_wait3A_307 = arith.constant 0 : i32
      %dma_wait3A_308 = tpu.memref_slice %arg8[%dma_wait3A_300, %dma_wait3A_307] : memref<3x100xi32, #tpu.memory_space<vmem>> -> memref<1x100xi32, #tpu.memory_space<vmem>>
      %dma_wait3A_309 = tpu.memref_squeeze %dma_wait3A_308 : memref<1x100xi32, #tpu.memory_space<vmem>> -> memref<100xi32, #tpu.memory_space<vmem>>
      %dma_wait3A_310 = arith.constant 0 : i32
      %dma_wait3A_311 = tpu.memref_slice %arg3[%arg0, %arg1, %dma_wait3A_299, %dma_wait3A_310] : memref<2x16x100x100xi32, #tpu.memory_space<hbm>> -> memref<1x1x1x100xi32, #tpu.memory_space<hbm>>
      %dma_wait3A_312 = tpu.memref_squeeze %dma_wait3A_311 : memref<1x1x1x100xi32, #tpu.memory_space<hbm>> -> memref<100xi32, #tpu.memory_space<hbm>>
      tpu.wait_dma2 semaphore(%arg21 : memref<!tpu.dma_semaphore, #tpu.memory_space<semaphore_mem>>) src(%dma_wait3A_312 : memref<100xi32, #tpu.memory_space<hbm>>) dst(%dma_wait3A_309 : memref<100xi32, #tpu.memory_space<vmem>>)
      %dma_start3A_313 = arith.constant 1 : i32
      %dma_start3A_314 = arith.constant 1 : i32
      %dma_start3A_315 = arith.constant 0 : i32
      %dma_start3A_316 = arith.constant 0 : i32
      %dma_start3A_317 = tpu.memref_slice %arg9[%dma_start3A_313, %dma_start3A_315, %dma_start3A_316] : memref<3x100x128xf32, #tpu.memory_space<vmem>> -> memref<1x100x128xf32, #tpu.memory_space<vmem>>
      %dma_start3A_318 = tpu.memref_squeeze %dma_start3A_317 : memref<1x100x128xf32, #tpu.memory_space<vmem>> -> memref<100x128xf32, #tpu.memory_space<vmem>>
      %dma_start3A_319 = arith.constant 0 : i32
      %dma_start3A_320 = tpu.memref_slice %arg8[%dma_start3A_314, %dma_start3A_319] : memref<3x100xi32, #tpu.memory_space<vmem>> -> memref<1x100xi32, #tpu.memory_space<vmem>>
      %dma_start3A_321 = tpu.memref_squeeze %dma_start3A_320 : memref<1x100xi32, #tpu.memory_space<vmem>> -> memref<100xi32, #tpu.memory_space<vmem>>
      %dma_start3A_322 = arith.constant 0 : i32
      %dma_start3A_323 = arith.constant 0 : i32
      %dma_start3A_324 = tpu.memref_slice %arg10[%dma_start3A_322, %dma_start3A_323] : memref<10000x128xf32, #tpu.memory_space<vmem_shared>> -> memref<10000x128xf32, #tpu.memory_space<vmem_shared>>
      tpu.enqueue_indirect_dma source(%dma_start3A_318 : memref<100x128xf32, #tpu.memory_space<vmem>>) target(%dma_start3A_324 : memref<10000x128xf32, #tpu.memory_space<vmem_shared>>) offsets(%dma_start3A_321 : memref<100xi32, #tpu.memory_space<vmem>>) semaphore(%arg15 : memref<!tpu.dma_semaphore, #tpu.memory_space<semaphore_mem>>) {add = true}
      %dma_wait3A_325 = arith.constant 2 : i32
      %dma_wait3A_326 = arith.constant 2 : i32
      %dma_wait3A_327 = arith.constant 0 : i32
      %dma_wait3A_328 = arith.constant 0 : i32
      %dma_wait3A_329 = tpu.memref_slice %arg9[%dma_wait3A_326, %dma_wait3A_327, %dma_wait3A_328] : memref<3x100x128xf32, #tpu.memory_space<vmem>> -> memref<1x100x128xf32, #tpu.memory_space<vmem>>
      %dma_wait3A_330 = tpu.memref_squeeze %dma_wait3A_329 : memref<1x100x128xf32, #tpu.memory_space<vmem>> -> memref<100x128xf32, #tpu.memory_space<vmem>>
      %dma_wait3A_331 = arith.constant 0 : i32
      %dma_wait3A_332 = tpu.memref_slice %arg7[%dma_wait3A_325, %dma_wait3A_331] : memref<3x100xi32, #tpu.memory_space<vmem>> -> memref<1x100xi32, #tpu.memory_space<vmem>>
      %dma_wait3A_333 = tpu.memref_squeeze %dma_wait3A_332 : memref<1x100xi32, #tpu.memory_space<vmem>> -> memref<100xi32, #tpu.memory_space<vmem>>
      %dma_wait3A_334 = arith.constant 0 : i32
      %dma_wait3A_335 = arith.constant 0 : i32
      %dma_wait3A_336 = tpu.memref_slice %arg2[%dma_wait3A_334, %dma_wait3A_335] : memref<10000x128xf32, #tpu.memory_space<hbm>> -> memref<10000x128xf32, #tpu.memory_space<hbm>>
      tpu.wait_indirect_dma semaphore(%arg13 : memref<!tpu.dma_semaphore, #tpu.memory_space<semaphore_mem>>) src(%dma_wait3A_336 : memref<10000x128xf32, #tpu.memory_space<hbm>>) dst(%dma_wait3A_330 : memref<100x128xf32, #tpu.memory_space<vmem>>)
      %add3A_337 = arith.constant 2 : i32
      %add3A_338 = arith.addi %mul3A_232, %add3A_337 : i32
      %add3A_339 = arith.constant 3 : i32
      %add3A_340 = arith.addi %add3A_338, %add3A_339 : i32
      %lt3A_341 = arith.constant 100 : i32
      %lt3A_342 = arith.cmpi slt, %add3A_340, %lt3A_341 : i32
      %convert_element_type3A_343 = arith.extui %lt3A_342 : i1 to i32
      %cond3A_344 = arith.constant 0 : i32
      %cond3A_345 = arith.cmpi ne, %convert_element_type3A_343, %cond3A_344 : i32
      scf.if %cond3A_345 {
        %add3A_435 = arith.constant 2 : i32
        %add3A_436 = arith.addi %mul3A_232, %add3A_435 : i32
        %add3A_437 = arith.constant 3 : i32
        %add3A_438 = arith.addi %add3A_436, %add3A_437 : i32
        %dma_start3A_439 = arith.constant 2 : i32
        %dma_start3A_440 = arith.constant 0 : i32
        %dma_start3A_441 = tpu.memref_slice %arg7[%dma_start3A_439, %dma_start3A_440] : memref<3x100xi32, #tpu.memory_space<vmem>> -> memref<1x100xi32, #tpu.memory_space<vmem>>
        %dma_start3A_442 = tpu.memref_squeeze %dma_start3A_441 : memref<1x100xi32, #tpu.memory_space<vmem>> -> memref<100xi32, #tpu.memory_space<vmem>>
        %dma_start3A_443 = arith.constant 0 : i32
        %dma_start3A_444 = tpu.memref_slice %arg3[%arg0, %arg1, %add3A_438, %dma_start3A_443] : memref<2x16x100x100xi32, #tpu.memory_space<hbm>> -> memref<1x1x1x100xi32, #tpu.memory_space<hbm>>
        %dma_start3A_445 = tpu.memref_squeeze %dma_start3A_444 : memref<1x1x1x100xi32, #tpu.memory_space<hbm>> -> memref<100xi32, #tpu.memory_space<hbm>>
        %dma_start3A_446 = arith.constant 0 : i32
        %dma_start3A_447 = tpu.memref_slice %arg7[%dma_start3A_439, %dma_start3A_446] : memref<3x100xi32, #tpu.memory_space<vmem>> -> memref<1x100xi32, #tpu.memory_space<vmem>>
        %dma_start3A_448 = tpu.memref_squeeze %dma_start3A_447 : memref<1x100xi32, #tpu.memory_space<vmem>> -> memref<100xi32, #tpu.memory_space<vmem>>
        %dma_start3A_449 = arith.constant 0 : i32
        %dma_start3A_450 = tpu.memref_slice %arg3[%arg0, %arg1, %add3A_438, %dma_start3A_449] : memref<2x16x100x100xi32, #tpu.memory_space<hbm>> -> memref<1x1x1x100xi32, #tpu.memory_space<hbm>>
        %dma_start3A_451 = tpu.memref_squeeze %dma_start3A_450 : memref<1x1x1x100xi32, #tpu.memory_space<hbm>> -> memref<100xi32, #tpu.memory_space<hbm>>
        tpu.enqueue_dma source(%dma_start3A_451 : memref<100xi32, #tpu.memory_space<hbm>>) target(%dma_start3A_448 : memref<100xi32, #tpu.memory_space<vmem>>) target_semaphore(%arg19 : memref<!tpu.dma_semaphore, #tpu.memory_space<semaphore_mem>>)
      } else {
      }
      %dma_wait3A_346 = arith.constant 0 : i32
      %dma_wait3A_347 = arith.constant 2 : i32
      %dma_wait3A_348 = arith.constant 0 : i32
      %dma_wait3A_349 = tpu.memref_slice %arg8[%dma_wait3A_347, %dma_wait3A_348] : memref<3x100xi32, #tpu.memory_space<vmem>> -> memref<1x100xi32, #tpu.memory_space<vmem>>
      %dma_wait3A_350 = tpu.memref_squeeze %dma_wait3A_349 : memref<1x100xi32, #tpu.memory_space<vmem>> -> memref<100xi32, #tpu.memory_space<vmem>>
      %dma_wait3A_351 = arith.constant 0 : i32
      %dma_wait3A_352 = tpu.memref_slice %arg3[%arg0, %arg1, %dma_wait3A_346, %dma_wait3A_351] : memref<2x16x100x100xi32, #tpu.memory_space<hbm>> -> memref<1x1x1x100xi32, #tpu.memory_space<hbm>>
      %dma_wait3A_353 = tpu.memref_squeeze %dma_wait3A_352 : memref<1x1x1x100xi32, #tpu.memory_space<hbm>> -> memref<100xi32, #tpu.memory_space<hbm>>
      %dma_wait3A_354 = arith.constant 0 : i32
      %dma_wait3A_355 = tpu.memref_slice %arg8[%dma_wait3A_347, %dma_wait3A_354] : memref<3x100xi32, #tpu.memory_space<vmem>> -> memref<1x100xi32, #tpu.memory_space<vmem>>
      %dma_wait3A_356 = tpu.memref_squeeze %dma_wait3A_355 : memref<1x100xi32, #tpu.memory_space<vmem>> -> memref<100xi32, #tpu.memory_space<vmem>>
      %dma_wait3A_357 = arith.constant 0 : i32
      %dma_wait3A_358 = tpu.memref_slice %arg3[%arg0, %arg1, %dma_wait3A_346, %dma_wait3A_357] : memref<2x16x100x100xi32, #tpu.memory_space<hbm>> -> memref<1x1x1x100xi32, #tpu.memory_space<hbm>>
      %dma_wait3A_359 = tpu.memref_squeeze %dma_wait3A_358 : memref<1x1x1x100xi32, #tpu.memory_space<hbm>> -> memref<100xi32, #tpu.memory_space<hbm>>
      tpu.wait_dma2 semaphore(%arg22 : memref<!tpu.dma_semaphore, #tpu.memory_space<semaphore_mem>>) src(%dma_wait3A_359 : memref<100xi32, #tpu.memory_space<hbm>>) dst(%dma_wait3A_356 : memref<100xi32, #tpu.memory_space<vmem>>)
      %dma_start3A_360 = arith.constant 2 : i32
      %dma_start3A_361 = arith.constant 2 : i32
      %dma_start3A_362 = arith.constant 0 : i32
      %dma_start3A_363 = arith.constant 0 : i32
      %dma_start3A_364 = tpu.memref_slice %arg9[%dma_start3A_360, %dma_start3A_362, %dma_start3A_363] : memref<3x100x128xf32, #tpu.memory_space<vmem>> -> memref<1x100x128xf32, #tpu.memory_space<vmem>>
      %dma_start3A_365 = tpu.memref_squeeze %dma_start3A_364 : memref<1x100x128xf32, #tpu.memory_space<vmem>> -> memref<100x128xf32, #tpu.memory_space<vmem>>
      %dma_start3A_366 = arith.constant 0 : i32
      %dma_start3A_367 = tpu.memref_slice %arg8[%dma_start3A_361, %dma_start3A_366] : memref<3x100xi32, #tpu.memory_space<vmem>> -> memref<1x100xi32, #tpu.memory_space<vmem>>
      %dma_start3A_368 = tpu.memref_squeeze %dma_start3A_367 : memref<1x100xi32, #tpu.memory_space<vmem>> -> memref<100xi32, #tpu.memory_space<vmem>>
      %dma_start3A_369 = arith.constant 0 : i32
      %dma_start3A_370 = arith.constant 0 : i32
      %dma_start3A_371 = tpu.memref_slice %arg10[%dma_start3A_369, %dma_start3A_370] : memref<10000x128xf32, #tpu.memory_space<vmem_shared>> -> memref<10000x128xf32, #tpu.memory_space<vmem_shared>>
      tpu.enqueue_indirect_dma source(%dma_start3A_365 : memref<100x128xf32, #tpu.memory_space<vmem>>) target(%dma_start3A_371 : memref<10000x128xf32, #tpu.memory_space<vmem_shared>>) offsets(%dma_start3A_368 : memref<100xi32, #tpu.memory_space<vmem>>) semaphore(%arg16 : memref<!tpu.dma_semaphore, #tpu.memory_space<semaphore_mem>>) {add = true}
      %dma_wait3A_372 = arith.constant 0 : i32
      %dma_wait3A_373 = arith.constant 0 : i32
      %dma_wait3A_374 = arith.constant 0 : i32
      %dma_wait3A_375 = arith.constant 0 : i32
      %dma_wait3A_376 = tpu.memref_slice %arg9[%dma_wait3A_373, %dma_wait3A_374, %dma_wait3A_375] : memref<3x100x128xf32, #tpu.memory_space<vmem>> -> memref<1x100x128xf32, #tpu.memory_space<vmem>>
      %dma_wait3A_377 = tpu.memref_squeeze %dma_wait3A_376 : memref<1x100x128xf32, #tpu.memory_space<vmem>> -> memref<100x128xf32, #tpu.memory_space<vmem>>
      %dma_wait3A_378 = arith.constant 0 : i32
      %dma_wait3A_379 = tpu.memref_slice %arg7[%dma_wait3A_372, %dma_wait3A_378] : memref<3x100xi32, #tpu.memory_space<vmem>> -> memref<1x100xi32, #tpu.memory_space<vmem>>
      %dma_wait3A_380 = tpu.memref_squeeze %dma_wait3A_379 : memref<1x100xi32, #tpu.memory_space<vmem>> -> memref<100xi32, #tpu.memory_space<vmem>>
      %dma_wait3A_381 = arith.constant 0 : i32
      %dma_wait3A_382 = arith.constant 0 : i32
      %dma_wait3A_383 = tpu.memref_slice %arg2[%dma_wait3A_381, %dma_wait3A_382] : memref<10000x128xf32, #tpu.memory_space<hbm>> -> memref<10000x128xf32, #tpu.memory_space<hbm>>
      tpu.wait_indirect_dma semaphore(%arg14 : memref<!tpu.dma_semaphore, #tpu.memory_space<semaphore_mem>>) src(%dma_wait3A_383 : memref<10000x128xf32, #tpu.memory_space<hbm>>) dst(%dma_wait3A_377 : memref<100x128xf32, #tpu.memory_space<vmem>>)
      %add3A_384 = arith.constant 0 : i32
      %add3A_385 = arith.addi %mul3A_232, %add3A_384 : i32
      %add3A_386 = arith.constant 3 : i32
      %add3A_387 = arith.addi %add3A_385, %add3A_386 : i32
      %lt3A_388 = arith.constant 100 : i32
      %lt3A_389 = arith.cmpi slt, %add3A_387, %lt3A_388 : i32
      %convert_element_type3A_390 = arith.extui %lt3A_389 : i1 to i32
      %cond3A_391 = arith.constant 0 : i32
      %cond3A_392 = arith.cmpi ne, %convert_element_type3A_390, %cond3A_391 : i32
      scf.if %cond3A_392 {
        %add3A_435 = arith.constant 0 : i32
        %add3A_436 = arith.addi %mul3A_232, %add3A_435 : i32
        %add3A_437 = arith.constant 3 : i32
        %add3A_438 = arith.addi %add3A_436, %add3A_437 : i32
        %dma_start3A_439 = arith.constant 0 : i32
        %dma_start3A_440 = arith.constant 0 : i32
        %dma_start3A_441 = tpu.memref_slice %arg8[%dma_start3A_439, %dma_start3A_440] : memref<3x100xi32, #tpu.memory_space<vmem>> -> memref<1x100xi32, #tpu.memory_space<vmem>>
        %dma_start3A_442 = tpu.memref_squeeze %dma_start3A_441 : memref<1x100xi32, #tpu.memory_space<vmem>> -> memref<100xi32, #tpu.memory_space<vmem>>
        %dma_start3A_443 = arith.constant 0 : i32
        %dma_start3A_444 = tpu.memref_slice %arg4[%arg0, %arg1, %add3A_438, %dma_start3A_443] : memref<2x16x100x100xi32, #tpu.memory_space<hbm>> -> memref<1x1x1x100xi32, #tpu.memory_space<hbm>>
        %dma_start3A_445 = tpu.memref_squeeze %dma_start3A_444 : memref<1x1x1x100xi32, #tpu.memory_space<hbm>> -> memref<100xi32, #tpu.memory_space<hbm>>
        %dma_start3A_446 = arith.constant 0 : i32
        %dma_start3A_447 = tpu.memref_slice %arg8[%dma_start3A_439, %dma_start3A_446] : memref<3x100xi32, #tpu.memory_space<vmem>> -> memref<1x100xi32, #tpu.memory_space<vmem>>
        %dma_start3A_448 = tpu.memref_squeeze %dma_start3A_447 : memref<1x100xi32, #tpu.memory_space<vmem>> -> memref<100xi32, #tpu.memory_space<vmem>>
        %dma_start3A_449 = arith.constant 0 : i32
        %dma_start3A_450 = tpu.memref_slice %arg4[%arg0, %arg1, %add3A_438, %dma_start3A_449] : memref<2x16x100x100xi32, #tpu.memory_space<hbm>> -> memref<1x1x1x100xi32, #tpu.memory_space<hbm>>
        %dma_start3A_451 = tpu.memref_squeeze %dma_start3A_450 : memref<1x1x1x100xi32, #tpu.memory_space<hbm>> -> memref<100xi32, #tpu.memory_space<hbm>>
        tpu.enqueue_dma source(%dma_start3A_451 : memref<100xi32, #tpu.memory_space<hbm>>) target(%dma_start3A_448 : memref<100xi32, #tpu.memory_space<vmem>>) target_semaphore(%arg20 : memref<!tpu.dma_semaphore, #tpu.memory_space<semaphore_mem>>)
        %dma_wait3A_452 = arith.constant 0 : i32
        %dma_wait3A_453 = arith.constant 0 : i32
        %dma_wait3A_454 = arith.constant 0 : i32
        %dma_wait3A_455 = tpu.memref_slice %arg7[%dma_wait3A_453, %dma_wait3A_454] : memref<3x100xi32, #tpu.memory_space<vmem>> -> memref<1x100xi32, #tpu.memory_space<vmem>>
        %dma_wait3A_456 = tpu.memref_squeeze %dma_wait3A_455 : memref<1x100xi32, #tpu.memory_space<vmem>> -> memref<100xi32, #tpu.memory_space<vmem>>
        %dma_wait3A_457 = arith.constant 0 : i32
        %dma_wait3A_458 = tpu.memref_slice %arg3[%arg0, %arg1, %dma_wait3A_452, %dma_wait3A_457] : memref<2x16x100x100xi32, #tpu.memory_space<hbm>> -> memref<1x1x1x100xi32, #tpu.memory_space<hbm>>
        %dma_wait3A_459 = tpu.memref_squeeze %dma_wait3A_458 : memref<1x1x1x100xi32, #tpu.memory_space<hbm>> -> memref<100xi32, #tpu.memory_space<hbm>>
        %dma_wait3A_460 = arith.constant 0 : i32
        %dma_wait3A_461 = tpu.memref_slice %arg7[%dma_wait3A_453, %dma_wait3A_460] : memref<3x100xi32, #tpu.memory_space<vmem>> -> memref<1x100xi32, #tpu.memory_space<vmem>>
        %dma_wait3A_462 = tpu.memref_squeeze %dma_wait3A_461 : memref<1x100xi32, #tpu.memory_space<vmem>> -> memref<100xi32, #tpu.memory_space<vmem>>
        %dma_wait3A_463 = arith.constant 0 : i32
        %dma_wait3A_464 = tpu.memref_slice %arg3[%arg0, %arg1, %dma_wait3A_452, %dma_wait3A_463] : memref<2x16x100x100xi32, #tpu.memory_space<hbm>> -> memref<1x1x1x100xi32, #tpu.memory_space<hbm>>
        %dma_wait3A_465 = tpu.memref_squeeze %dma_wait3A_464 : memref<1x1x1x100xi32, #tpu.memory_space<hbm>> -> memref<100xi32, #tpu.memory_space<hbm>>
        tpu.wait_dma2 semaphore(%arg17 : memref<!tpu.dma_semaphore, #tpu.memory_space<semaphore_mem>>) src(%dma_wait3A_465 : memref<100xi32, #tpu.memory_space<hbm>>) dst(%dma_wait3A_462 : memref<100xi32, #tpu.memory_space<vmem>>)
        %dma_start3A_466 = arith.constant 0 : i32
        %dma_start3A_467 = arith.constant 0 : i32
        %dma_start3A_468 = arith.constant 0 : i32
        %dma_start3A_469 = arith.constant 0 : i32
        %dma_start3A_470 = tpu.memref_slice %arg9[%dma_start3A_467, %dma_start3A_468, %dma_start3A_469] : memref<3x100x128xf32, #tpu.memory_space<vmem>> -> memref<1x100x128xf32, #tpu.memory_space<vmem>>
        %dma_start3A_471 = tpu.memref_squeeze %dma_start3A_470 : memref<1x100x128xf32, #tpu.memory_space<vmem>> -> memref<100x128xf32, #tpu.memory_space<vmem>>
        %dma_start3A_472 = arith.constant 0 : i32
        %dma_start3A_473 = tpu.memref_slice %arg7[%dma_start3A_466, %dma_start3A_472] : memref<3x100xi32, #tpu.memory_space<vmem>> -> memref<1x100xi32, #tpu.memory_space<vmem>>
        %dma_start3A_474 = tpu.memref_squeeze %dma_start3A_473 : memref<1x100xi32, #tpu.memory_space<vmem>> -> memref<100xi32, #tpu.memory_space<vmem>>
        %dma_start3A_475 = arith.constant 0 : i32
        %dma_start3A_476 = arith.constant 0 : i32
        %dma_start3A_477 = tpu.memref_slice %arg2[%dma_start3A_475, %dma_start3A_476] : memref<10000x128xf32, #tpu.memory_space<hbm>> -> memref<10000x128xf32, #tpu.memory_space<hbm>>
        tpu.enqueue_indirect_dma source(%dma_start3A_477 : memref<10000x128xf32, #tpu.memory_space<hbm>>) target(%dma_start3A_471 : memref<100x128xf32, #tpu.memory_space<vmem>>) offsets(%dma_start3A_474 : memref<100xi32, #tpu.memory_space<vmem>>) semaphore(%arg11 : memref<!tpu.dma_semaphore, #tpu.memory_space<semaphore_mem>>)
      } else {
      }
      %dma_wait3A_393 = arith.constant 1 : i32
      %dma_wait3A_394 = arith.constant 1 : i32
      %dma_wait3A_395 = arith.constant 0 : i32
      %dma_wait3A_396 = arith.constant 0 : i32
      %dma_wait3A_397 = tpu.memref_slice %arg9[%dma_wait3A_394, %dma_wait3A_395, %dma_wait3A_396] : memref<3x100x128xf32, #tpu.memory_space<vmem>> -> memref<1x100x128xf32, #tpu.memory_space<vmem>>
      %dma_wait3A_398 = tpu.memref_squeeze %dma_wait3A_397 : memref<1x100x128xf32, #tpu.memory_space<vmem>> -> memref<100x128xf32, #tpu.memory_space<vmem>>
      %dma_wait3A_399 = arith.constant 0 : i32
      %dma_wait3A_400 = tpu.memref_slice %arg7[%dma_wait3A_393, %dma_wait3A_399] : memref<3x100xi32, #tpu.memory_space<vmem>> -> memref<1x100xi32, #tpu.memory_space<vmem>>
      %dma_wait3A_401 = tpu.memref_squeeze %dma_wait3A_400 : memref<1x100xi32, #tpu.memory_space<vmem>> -> memref<100xi32, #tpu.memory_space<vmem>>
      %dma_wait3A_402 = arith.constant 0 : i32
      %dma_wait3A_403 = arith.constant 0 : i32
      %dma_wait3A_404 = tpu.memref_slice %arg2[%dma_wait3A_402, %dma_wait3A_403] : memref<10000x128xf32, #tpu.memory_space<hbm>> -> memref<10000x128xf32, #tpu.memory_space<hbm>>
      tpu.wait_indirect_dma semaphore(%arg15 : memref<!tpu.dma_semaphore, #tpu.memory_space<semaphore_mem>>) src(%dma_wait3A_404 : memref<10000x128xf32, #tpu.memory_space<hbm>>) dst(%dma_wait3A_398 : memref<100x128xf32, #tpu.memory_space<vmem>>)
      %add3A_405 = arith.constant 1 : i32
      %add3A_406 = arith.addi %mul3A_232, %add3A_405 : i32
      %add3A_407 = arith.constant 3 : i32
      %add3A_408 = arith.addi %add3A_406, %add3A_407 : i32
      %lt3A_409 = arith.constant 100 : i32
      %lt3A_410 = arith.cmpi slt, %add3A_408, %lt3A_409 : i32
      %convert_element_type3A_411 = arith.extui %lt3A_410 : i1 to i32
      %cond3A_412 = arith.constant 0 : i32
      %cond3A_413 = arith.cmpi ne, %convert_element_type3A_411, %cond3A_412 : i32
      scf.if %cond3A_413 {
        %add3A_435 = arith.constant 1 : i32
        %add3A_436 = arith.addi %mul3A_232, %add3A_435 : i32
        %add3A_437 = arith.constant 3 : i32
        %add3A_438 = arith.addi %add3A_436, %add3A_437 : i32
        %dma_start3A_439 = arith.constant 1 : i32
        %dma_start3A_440 = arith.constant 0 : i32
        %dma_start3A_441 = tpu.memref_slice %arg8[%dma_start3A_439, %dma_start3A_440] : memref<3x100xi32, #tpu.memory_space<vmem>> -> memref<1x100xi32, #tpu.memory_space<vmem>>
        %dma_start3A_442 = tpu.memref_squeeze %dma_start3A_441 : memref<1x100xi32, #tpu.memory_space<vmem>> -> memref<100xi32, #tpu.memory_space<vmem>>
        %dma_start3A_443 = arith.constant 0 : i32
        %dma_start3A_444 = tpu.memref_slice %arg4[%arg0, %arg1, %add3A_438, %dma_start3A_443] : memref<2x16x100x100xi32, #tpu.memory_space<hbm>> -> memref<1x1x1x100xi32, #tpu.memory_space<hbm>>
        %dma_start3A_445 = tpu.memref_squeeze %dma_start3A_444 : memref<1x1x1x100xi32, #tpu.memory_space<hbm>> -> memref<100xi32, #tpu.memory_space<hbm>>
        %dma_start3A_446 = arith.constant 0 : i32
        %dma_start3A_447 = tpu.memref_slice %arg8[%dma_start3A_439, %dma_start3A_446] : memref<3x100xi32, #tpu.memory_space<vmem>> -> memref<1x100xi32, #tpu.memory_space<vmem>>
        %dma_start3A_448 = tpu.memref_squeeze %dma_start3A_447 : memref<1x100xi32, #tpu.memory_space<vmem>> -> memref<100xi32, #tpu.memory_space<vmem>>
        %dma_start3A_449 = arith.constant 0 : i32
        %dma_start3A_450 = tpu.memref_slice %arg4[%arg0, %arg1, %add3A_438, %dma_start3A_449] : memref<2x16x100x100xi32, #tpu.memory_space<hbm>> -> memref<1x1x1x100xi32, #tpu.memory_space<hbm>>
        %dma_start3A_451 = tpu.memref_squeeze %dma_start3A_450 : memref<1x1x1x100xi32, #tpu.memory_space<hbm>> -> memref<100xi32, #tpu.memory_space<hbm>>
        tpu.enqueue_dma source(%dma_start3A_451 : memref<100xi32, #tpu.memory_space<hbm>>) target(%dma_start3A_448 : memref<100xi32, #tpu.memory_space<vmem>>) target_semaphore(%arg21 : memref<!tpu.dma_semaphore, #tpu.memory_space<semaphore_mem>>)
        %dma_wait3A_452 = arith.constant 0 : i32
        %dma_wait3A_453 = arith.constant 1 : i32
        %dma_wait3A_454 = arith.constant 0 : i32
        %dma_wait3A_455 = tpu.memref_slice %arg7[%dma_wait3A_453, %dma_wait3A_454] : memref<3x100xi32, #tpu.memory_space<vmem>> -> memref<1x100xi32, #tpu.memory_space<vmem>>
        %dma_wait3A_456 = tpu.memref_squeeze %dma_wait3A_455 : memref<1x100xi32, #tpu.memory_space<vmem>> -> memref<100xi32, #tpu.memory_space<vmem>>
        %dma_wait3A_457 = arith.constant 0 : i32
        %dma_wait3A_458 = tpu.memref_slice %arg3[%arg0, %arg1, %dma_wait3A_452, %dma_wait3A_457] : memref<2x16x100x100xi32, #tpu.memory_space<hbm>> -> memref<1x1x1x100xi32, #tpu.memory_space<hbm>>
        %dma_wait3A_459 = tpu.memref_squeeze %dma_wait3A_458 : memref<1x1x1x100xi32, #tpu.memory_space<hbm>> -> memref<100xi32, #tpu.memory_space<hbm>>
        %dma_wait3A_460 = arith.constant 0 : i32
        %dma_wait3A_461 = tpu.memref_slice %arg7[%dma_wait3A_453, %dma_wait3A_460] : memref<3x100xi32, #tpu.memory_space<vmem>> -> memref<1x100xi32, #tpu.memory_space<vmem>>
        %dma_wait3A_462 = tpu.memref_squeeze %dma_wait3A_461 : memref<1x100xi32, #tpu.memory_space<vmem>> -> memref<100xi32, #tpu.memory_space<vmem>>
        %dma_wait3A_463 = arith.constant 0 : i32
        %dma_wait3A_464 = tpu.memref_slice %arg3[%arg0, %arg1, %dma_wait3A_452, %dma_wait3A_463] : memref<2x16x100x100xi32, #tpu.memory_space<hbm>> -> memref<1x1x1x100xi32, #tpu.memory_space<hbm>>
        %dma_wait3A_465 = tpu.memref_squeeze %dma_wait3A_464 : memref<1x1x1x100xi32, #tpu.memory_space<hbm>> -> memref<100xi32, #tpu.memory_space<hbm>>
        tpu.wait_dma2 semaphore(%arg18 : memref<!tpu.dma_semaphore, #tpu.memory_space<semaphore_mem>>) src(%dma_wait3A_465 : memref<100xi32, #tpu.memory_space<hbm>>) dst(%dma_wait3A_462 : memref<100xi32, #tpu.memory_space<vmem>>)
        %dma_start3A_466 = arith.constant 1 : i32
        %dma_start3A_467 = arith.constant 1 : i32
        %dma_start3A_468 = arith.constant 0 : i32
        %dma_start3A_469 = arith.constant 0 : i32
        %dma_start3A_470 = tpu.memref_slice %arg9[%dma_start3A_467, %dma_start3A_468, %dma_start3A_469] : memref<3x100x128xf32, #tpu.memory_space<vmem>> -> memref<1x100x128xf32, #tpu.memory_space<vmem>>
        %dma_start3A_471 = tpu.memref_squeeze %dma_start3A_470 : memref<1x100x128xf32, #tpu.memory_space<vmem>> -> memref<100x128xf32, #tpu.memory_space<vmem>>
        %dma_start3A_472 = arith.constant 0 : i32
        %dma_start3A_473 = tpu.memref_slice %arg7[%dma_start3A_466, %dma_start3A_472] : memref<3x100xi32, #tpu.memory_space<vmem>> -> memref<1x100xi32, #tpu.memory_space<vmem>>
        %dma_start3A_474 = tpu.memref_squeeze %dma_start3A_473 : memref<1x100xi32, #tpu.memory_space<vmem>> -> memref<100xi32, #tpu.memory_space<vmem>>
        %dma_start3A_475 = arith.constant 0 : i32
        %dma_start3A_476 = arith.constant 0 : i32
        %dma_start3A_477 = tpu.memref_slice %arg2[%dma_start3A_475, %dma_start3A_476] : memref<10000x128xf32, #tpu.memory_space<hbm>> -> memref<10000x128xf32, #tpu.memory_space<hbm>>
        tpu.enqueue_indirect_dma source(%dma_start3A_477 : memref<10000x128xf32, #tpu.memory_space<hbm>>) target(%dma_start3A_471 : memref<100x128xf32, #tpu.memory_space<vmem>>) offsets(%dma_start3A_474 : memref<100xi32, #tpu.memory_space<vmem>>) semaphore(%arg12 : memref<!tpu.dma_semaphore, #tpu.memory_space<semaphore_mem>>)
      } else {
      }
      %dma_wait3A_414 = arith.constant 2 : i32
      %dma_wait3A_415 = arith.constant 2 : i32
      %dma_wait3A_416 = arith.constant 0 : i32
      %dma_wait3A_417 = arith.constant 0 : i32
      %dma_wait3A_418 = tpu.memref_slice %arg9[%dma_wait3A_415, %dma_wait3A_416, %dma_wait3A_417] : memref<3x100x128xf32, #tpu.memory_space<vmem>> -> memref<1x100x128xf32, #tpu.memory_space<vmem>>
      %dma_wait3A_419 = tpu.memref_squeeze %dma_wait3A_418 : memref<1x100x128xf32, #tpu.memory_space<vmem>> -> memref<100x128xf32, #tpu.memory_space<vmem>>
      %dma_wait3A_420 = arith.constant 0 : i32
      %dma_wait3A_421 = tpu.memref_slice %arg7[%dma_wait3A_414, %dma_wait3A_420] : memref<3x100xi32, #tpu.memory_space<vmem>> -> memref<1x100xi32, #tpu.memory_space<vmem>>
      %dma_wait3A_422 = tpu.memref_squeeze %dma_wait3A_421 : memref<1x100xi32, #tpu.memory_space<vmem>> -> memref<100xi32, #tpu.memory_space<vmem>>
      %dma_wait3A_423 = arith.constant 0 : i32
      %dma_wait3A_424 = arith.constant 0 : i32
      %dma_wait3A_425 = tpu.memref_slice %arg2[%dma_wait3A_423, %dma_wait3A_424] : memref<10000x128xf32, #tpu.memory_space<hbm>> -> memref<10000x128xf32, #tpu.memory_space<hbm>>
      tpu.wait_indirect_dma semaphore(%arg16 : memref<!tpu.dma_semaphore, #tpu.memory_space<semaphore_mem>>) src(%dma_wait3A_425 : memref<10000x128xf32, #tpu.memory_space<hbm>>) dst(%dma_wait3A_419 : memref<100x128xf32, #tpu.memory_space<vmem>>)
      %add3A_426 = arith.constant 2 : i32
      %add3A_427 = arith.addi %mul3A_232, %add3A_426 : i32
      %add3A_428 = arith.constant 3 : i32
      %add3A_429 = arith.addi %add3A_427, %add3A_428 : i32
      %lt3A_430 = arith.constant 100 : i32
      %lt3A_431 = arith.cmpi slt, %add3A_429, %lt3A_430 : i32
      %convert_element_type3A_432 = arith.extui %lt3A_431 : i1 to i32
      %cond3A_433 = arith.constant 0 : i32
      %cond3A_434 = arith.cmpi ne, %convert_element_type3A_432, %cond3A_433 : i32
      scf.if %cond3A_434 {
        %add3A_435 = arith.constant 2 : i32
        %add3A_436 = arith.addi %mul3A_232, %add3A_435 : i32
        %add3A_437 = arith.constant 3 : i32
        %add3A_438 = arith.addi %add3A_436, %add3A_437 : i32
        %dma_start3A_439 = arith.constant 2 : i32
        %dma_start3A_440 = arith.constant 0 : i32
        %dma_start3A_441 = tpu.memref_slice %arg8[%dma_start3A_439, %dma_start3A_440] : memref<3x100xi32, #tpu.memory_space<vmem>> -> memref<1x100xi32, #tpu.memory_space<vmem>>
        %dma_start3A_442 = tpu.memref_squeeze %dma_start3A_441 : memref<1x100xi32, #tpu.memory_space<vmem>> -> memref<100xi32, #tpu.memory_space<vmem>>
        %dma_start3A_443 = arith.constant 0 : i32
        %dma_start3A_444 = tpu.memref_slice %arg4[%arg0, %arg1, %add3A_438, %dma_start3A_443] : memref<2x16x100x100xi32, #tpu.memory_space<hbm>> -> memref<1x1x1x100xi32, #tpu.memory_space<hbm>>
        %dma_start3A_445 = tpu.memref_squeeze %dma_start3A_444 : memref<1x1x1x100xi32, #tpu.memory_space<hbm>> -> memref<100xi32, #tpu.memory_space<hbm>>
        %dma_start3A_446 = arith.constant 0 : i32
        %dma_start3A_447 = tpu.memref_slice %arg8[%dma_start3A_439, %dma_start3A_446] : memref<3x100xi32, #tpu.memory_space<vmem>> -> memref<1x100xi32, #tpu.memory_space<vmem>>
        %dma_start3A_448 = tpu.memref_squeeze %dma_start3A_447 : memref<1x100xi32, #tpu.memory_space<vmem>> -> memref<100xi32, #tpu.memory_space<vmem>>
        %dma_start3A_449 = arith.constant 0 : i32
        %dma_start3A_450 = tpu.memref_slice %arg4[%arg0, %arg1, %add3A_438, %dma_start3A_449] : memref<2x16x100x100xi32, #tpu.memory_space<hbm>> -> memref<1x1x1x100xi32, #tpu.memory_space<hbm>>
        %dma_start3A_451 = tpu.memref_squeeze %dma_start3A_450 : memref<1x1x1x100xi32, #tpu.memory_space<hbm>> -> memref<100xi32, #tpu.memory_space<hbm>>
        tpu.enqueue_dma source(%dma_start3A_451 : memref<100xi32, #tpu.memory_space<hbm>>) target(%dma_start3A_448 : memref<100xi32, #tpu.memory_space<vmem>>) target_semaphore(%arg22 : memref<!tpu.dma_semaphore, #tpu.memory_space<semaphore_mem>>)
        %dma_wait3A_452 = arith.constant 0 : i32
        %dma_wait3A_453 = arith.constant 2 : i32
        %dma_wait3A_454 = arith.constant 0 : i32
        %dma_wait3A_455 = tpu.memref_slice %arg7[%dma_wait3A_453, %dma_wait3A_454] : memref<3x100xi32, #tpu.memory_space<vmem>> -> memref<1x100xi32, #tpu.memory_space<vmem>>
        %dma_wait3A_456 = tpu.memref_squeeze %dma_wait3A_455 : memref<1x100xi32, #tpu.memory_space<vmem>> -> memref<100xi32, #tpu.memory_space<vmem>>
        %dma_wait3A_457 = arith.constant 0 : i32
        %dma_wait3A_458 = tpu.memref_slice %arg3[%arg0, %arg1, %dma_wait3A_452, %dma_wait3A_457] : memref<2x16x100x100xi32, #tpu.memory_space<hbm>> -> memref<1x1x1x100xi32, #tpu.memory_space<hbm>>
        %dma_wait3A_459 = tpu.memref_squeeze %dma_wait3A_458 : memref<1x1x1x100xi32, #tpu.memory_space<hbm>> -> memref<100xi32, #tpu.memory_space<hbm>>
        %dma_wait3A_460 = arith.constant 0 : i32
        %dma_wait3A_461 = tpu.memref_slice %arg7[%dma_wait3A_453, %dma_wait3A_460] : memref<3x100xi32, #tpu.memory_space<vmem>> -> memref<1x100xi32, #tpu.memory_space<vmem>>
        %dma_wait3A_462 = tpu.memref_squeeze %dma_wait3A_461 : memref<1x100xi32, #tpu.memory_space<vmem>> -> memref<100xi32, #tpu.memory_space<vmem>>
        %dma_wait3A_463 = arith.constant 0 : i32
        %dma_wait3A_464 = tpu.memref_slice %arg3[%arg0, %arg1, %dma_wait3A_452, %dma_wait3A_463] : memref<2x16x100x100xi32, #tpu.memory_space<hbm>> -> memref<1x1x1x100xi32, #tpu.memory_space<hbm>>
        %dma_wait3A_465 = tpu.memref_squeeze %dma_wait3A_464 : memref<1x1x1x100xi32, #tpu.memory_space<hbm>> -> memref<100xi32, #tpu.memory_space<hbm>>
        tpu.wait_dma2 semaphore(%arg19 : memref<!tpu.dma_semaphore, #tpu.memory_space<semaphore_mem>>) src(%dma_wait3A_465 : memref<100xi32, #tpu.memory_space<hbm>>) dst(%dma_wait3A_462 : memref<100xi32, #tpu.memory_space<vmem>>)
        %dma_start3A_466 = arith.constant 2 : i32
        %dma_start3A_467 = arith.constant 2 : i32
        %dma_start3A_468 = arith.constant 0 : i32
        %dma_start3A_469 = arith.constant 0 : i32
        %dma_start3A_470 = tpu.memref_slice %arg9[%dma_start3A_467, %dma_start3A_468, %dma_start3A_469] : memref<3x100x128xf32, #tpu.memory_space<vmem>> -> memref<1x100x128xf32, #tpu.memory_space<vmem>>
        %dma_start3A_471 = tpu.memref_squeeze %dma_start3A_470 : memref<1x100x128xf32, #tpu.memory_space<vmem>> -> memref<100x128xf32, #tpu.memory_space<vmem>>
        %dma_start3A_472 = arith.constant 0 : i32
        %dma_start3A_473 = tpu.memref_slice %arg7[%dma_start3A_466, %dma_start3A_472] : memref<3x100xi32, #tpu.memory_space<vmem>> -> memref<1x100xi32, #tpu.memory_space<vmem>>
        %dma_start3A_474 = tpu.memref_squeeze %dma_start3A_473 : memref<1x100xi32, #tpu.memory_space<vmem>> -> memref<100xi32, #tpu.memory_space<vmem>>
        %dma_start3A_475 = arith.constant 0 : i32
        %dma_start3A_476 = arith.constant 0 : i32
        %dma_start3A_477 = tpu.memref_slice %arg2[%dma_start3A_475, %dma_start3A_476] : memref<10000x128xf32, #tpu.memory_space<hbm>> -> memref<10000x128xf32, #tpu.memory_space<hbm>>
        tpu.enqueue_indirect_dma source(%dma_start3A_477 : memref<10000x128xf32, #tpu.memory_space<hbm>>) target(%dma_start3A_471 : memref<100x128xf32, #tpu.memory_space<vmem>>) offsets(%dma_start3A_474 : memref<100xi32, #tpu.memory_space<vmem>>) semaphore(%arg13 : memref<!tpu.dma_semaphore, #tpu.memory_space<semaphore_mem>>)
      } else {
      }
    }
    %scan3A_169 = arith.constant 33 : i32
    %dma_wait3A_170 = arith.constant 0 : i32
    %dma_wait3A_171 = arith.constant 0 : i32
    %dma_wait3A_172 = arith.constant 0 : i32
    %dma_wait3A_173 = arith.constant 0 : i32
    %dma_wait3A_174 = tpu.memref_slice %arg9[%dma_wait3A_171, %dma_wait3A_172, %dma_wait3A_173] : memref<3x100x128xf32, #tpu.memory_space<vmem>> -> memref<1x100x128xf32, #tpu.memory_space<vmem>>
    %dma_wait3A_175 = tpu.memref_squeeze %dma_wait3A_174 : memref<1x100x128xf32, #tpu.memory_space<vmem>> -> memref<100x128xf32, #tpu.memory_space<vmem>>
    %dma_wait3A_176 = arith.constant 0 : i32
    %dma_wait3A_177 = tpu.memref_slice %arg7[%dma_wait3A_170, %dma_wait3A_176] : memref<3x100xi32, #tpu.memory_space<vmem>> -> memref<1x100xi32, #tpu.memory_space<vmem>>
    %dma_wait3A_178 = tpu.memref_squeeze %dma_wait3A_177 : memref<1x100xi32, #tpu.memory_space<vmem>> -> memref<100xi32, #tpu.memory_space<vmem>>
    %dma_wait3A_179 = arith.constant 0 : i32
    %dma_wait3A_180 = arith.constant 0 : i32
    %dma_wait3A_181 = tpu.memref_slice %arg2[%dma_wait3A_179, %dma_wait3A_180] : memref<10000x128xf32, #tpu.memory_space<hbm>> -> memref<10000x128xf32, #tpu.memory_space<hbm>>
    tpu.wait_indirect_dma semaphore(%arg11 : memref<!tpu.dma_semaphore, #tpu.memory_space<semaphore_mem>>) src(%dma_wait3A_181 : memref<10000x128xf32, #tpu.memory_space<hbm>>) dst(%dma_wait3A_175 : memref<100x128xf32, #tpu.memory_space<vmem>>)
    %dma_wait3A_182 = arith.constant 0 : i32
    %dma_wait3A_183 = arith.constant 0 : i32
    %dma_wait3A_184 = arith.constant 0 : i32
    %dma_wait3A_185 = tpu.memref_slice %arg8[%dma_wait3A_183, %dma_wait3A_184] : memref<3x100xi32, #tpu.memory_space<vmem>> -> memref<1x100xi32, #tpu.memory_space<vmem>>
    %dma_wait3A_186 = tpu.memref_squeeze %dma_wait3A_185 : memref<1x100xi32, #tpu.memory_space<vmem>> -> memref<100xi32, #tpu.memory_space<vmem>>
    %dma_wait3A_187 = arith.constant 0 : i32
    %dma_wait3A_188 = tpu.memref_slice %arg3[%arg0, %arg1, %dma_wait3A_182, %dma_wait3A_187] : memref<2x16x100x100xi32, #tpu.memory_space<hbm>> -> memref<1x1x1x100xi32, #tpu.memory_space<hbm>>
    %dma_wait3A_189 = tpu.memref_squeeze %dma_wait3A_188 : memref<1x1x1x100xi32, #tpu.memory_space<hbm>> -> memref<100xi32, #tpu.memory_space<hbm>>
    %dma_wait3A_190 = arith.constant 0 : i32
    %dma_wait3A_191 = tpu.memref_slice %arg8[%dma_wait3A_183, %dma_wait3A_190] : memref<3x100xi32, #tpu.memory_space<vmem>> -> memref<1x100xi32, #tpu.memory_space<vmem>>
    %dma_wait3A_192 = tpu.memref_squeeze %dma_wait3A_191 : memref<1x100xi32, #tpu.memory_space<vmem>> -> memref<100xi32, #tpu.memory_space<vmem>>
    %dma_wait3A_193 = arith.constant 0 : i32
    %dma_wait3A_194 = tpu.memref_slice %arg3[%arg0, %arg1, %dma_wait3A_182, %dma_wait3A_193] : memref<2x16x100x100xi32, #tpu.memory_space<hbm>> -> memref<1x1x1x100xi32, #tpu.memory_space<hbm>>
    %dma_wait3A_195 = tpu.memref_squeeze %dma_wait3A_194 : memref<1x1x1x100xi32, #tpu.memory_space<hbm>> -> memref<100xi32, #tpu.memory_space<hbm>>
    tpu.wait_dma2 semaphore(%arg20 : memref<!tpu.dma_semaphore, #tpu.memory_space<semaphore_mem>>) src(%dma_wait3A_195 : memref<100xi32, #tpu.memory_space<hbm>>) dst(%dma_wait3A_192 : memref<100xi32, #tpu.memory_space<vmem>>)
    %dma_start3A_196 = arith.constant 0 : i32
    %dma_start3A_197 = arith.constant 0 : i32
    %dma_start3A_198 = arith.constant 0 : i32
    %dma_start3A_199 = arith.constant 0 : i32
    %dma_start3A_200 = tpu.memref_slice %arg9[%dma_start3A_196, %dma_start3A_198, %dma_start3A_199] : memref<3x100x128xf32, #tpu.memory_space<vmem>> -> memref<1x100x128xf32, #tpu.memory_space<vmem>>
    %dma_start3A_201 = tpu.memref_squeeze %dma_start3A_200 : memref<1x100x128xf32, #tpu.memory_space<vmem>> -> memref<100x128xf32, #tpu.memory_space<vmem>>
    %dma_start3A_202 = arith.constant 0 : i32
    %dma_start3A_203 = tpu.memref_slice %arg8[%dma_start3A_197, %dma_start3A_202] : memref<3x100xi32, #tpu.memory_space<vmem>> -> memref<1x100xi32, #tpu.memory_space<vmem>>
    %dma_start3A_204 = tpu.memref_squeeze %dma_start3A_203 : memref<1x100xi32, #tpu.memory_space<vmem>> -> memref<100xi32, #tpu.memory_space<vmem>>
    %dma_start3A_205 = arith.constant 0 : i32
    %dma_start3A_206 = arith.constant 0 : i32
    %dma_start3A_207 = tpu.memref_slice %arg10[%dma_start3A_205, %dma_start3A_206] : memref<10000x128xf32, #tpu.memory_space<vmem_shared>> -> memref<10000x128xf32, #tpu.memory_space<vmem_shared>>
    tpu.enqueue_indirect_dma source(%dma_start3A_201 : memref<100x128xf32, #tpu.memory_space<vmem>>) target(%dma_start3A_207 : memref<10000x128xf32, #tpu.memory_space<vmem_shared>>) offsets(%dma_start3A_204 : memref<100xi32, #tpu.memory_space<vmem>>) semaphore(%arg14 : memref<!tpu.dma_semaphore, #tpu.memory_space<semaphore_mem>>) {add = true}
    %dma_wait3A_208 = arith.constant 0 : i32
    %dma_wait3A_209 = arith.constant 0 : i32
    %dma_wait3A_210 = arith.constant 0 : i32
    %dma_wait3A_211 = arith.constant 0 : i32
    %dma_wait3A_212 = tpu.memref_slice %arg9[%dma_wait3A_209, %dma_wait3A_210, %dma_wait3A_211] : memref<3x100x128xf32, #tpu.memory_space<vmem>> -> memref<1x100x128xf32, #tpu.memory_space<vmem>>
    %dma_wait3A_213 = tpu.memref_squeeze %dma_wait3A_212 : memref<1x100x128xf32, #tpu.memory_space<vmem>> -> memref<100x128xf32, #tpu.memory_space<vmem>>
    %dma_wait3A_214 = arith.constant 0 : i32
    %dma_wait3A_215 = tpu.memref_slice %arg7[%dma_wait3A_208, %dma_wait3A_214] : memref<3x100xi32, #tpu.memory_space<vmem>> -> memref<1x100xi32, #tpu.memory_space<vmem>>
    %dma_wait3A_216 = tpu.memref_squeeze %dma_wait3A_215 : memref<1x100xi32, #tpu.memory_space<vmem>> -> memref<100xi32, #tpu.memory_space<vmem>>
    %dma_wait3A_217 = arith.constant 0 : i32
    %dma_wait3A_218 = arith.constant 0 : i32
    %dma_wait3A_219 = tpu.memref_slice %arg2[%dma_wait3A_217, %dma_wait3A_218] : memref<10000x128xf32, #tpu.memory_space<hbm>> -> memref<10000x128xf32, #tpu.memory_space<hbm>>
    tpu.wait_indirect_dma semaphore(%arg14 : memref<!tpu.dma_semaphore, #tpu.memory_space<semaphore_mem>>) src(%dma_wait3A_219 : memref<10000x128xf32, #tpu.memory_space<hbm>>) dst(%dma_wait3A_213 : memref<100x128xf32, #tpu.memory_space<vmem>>)
    %barrier3A_220 = arith.constant 0 : index
    tpu.barrier barrier_id(%barrier3A_220)
    %mul3A_221 = arith.constant 624 : i32
    %mul3A_222 = arith.muli %arg1, %mul3A_221 : i32
    %mul3A_223 = arith.constant 624 : i32
    %mul3A_224 = arith.muli %arg1, %mul3A_223 : i32
    "tpu.region"() ({
      %run_scoped3A = tpu.sem_alloc : memref<!tpu.dma_semaphore, #tpu.memory_space<semaphore_mem>>
      %dma_start3A_230 = arith.constant 0 : i32
      %dma_start3A_231 = tpu.memref_slice %arg6[%arg0, %mul3A_224, %dma_start3A_230] : memref<2x10000x128xf32, #tpu.memory_space<hbm>> -> memref<1x624x128xf32, #tpu.memory_space<hbm>>
      %dma_start3A_232 = tpu.memref_squeeze %dma_start3A_231 : memref<1x624x128xf32, #tpu.memory_space<hbm>> -> memref<624x128xf32, #tpu.memory_space<hbm>>
      %dma_start3A_233 = arith.constant 0 : i32
      %dma_start3A_234 = tpu.memref_slice %arg10[%mul3A_222, %dma_start3A_233] : memref<10000x128xf32, #tpu.memory_space<vmem_shared>> -> memref<624x128xf32, #tpu.memory_space<vmem_shared>>
      tpu.enqueue_dma source(%dma_start3A_234 : memref<624x128xf32, #tpu.memory_space<vmem_shared>>) target(%dma_start3A_232 : memref<624x128xf32, #tpu.memory_space<hbm>>) target_semaphore(%run_scoped3A : memref<!tpu.dma_semaphore, #tpu.memory_space<semaphore_mem>>)
      %dma_wait3A_235 = arith.constant 0 : i32
      %dma_wait3A_236 = tpu.memref_slice %arg6[%arg0, %mul3A_224, %dma_wait3A_235] : memref<2x10000x128xf32, #tpu.memory_space<hbm>> -> memref<1x624x128xf32, #tpu.memory_space<hbm>>
      %dma_wait3A_237 = tpu.memref_squeeze %dma_wait3A_236 : memref<1x624x128xf32, #tpu.memory_space<hbm>> -> memref<624x128xf32, #tpu.memory_space<hbm>>
      %dma_wait3A_238 = arith.constant 0 : i32
      %dma_wait3A_239 = tpu.memref_slice %arg10[%mul3A_222, %dma_wait3A_238] : memref<10000x128xf32, #tpu.memory_space<vmem_shared>> -> memref<624x128xf32, #tpu.memory_space<vmem_shared>>
      tpu.wait_dma2 semaphore(%run_scoped3A : memref<!tpu.dma_semaphore, #tpu.memory_space<semaphore_mem>>) src(%dma_wait3A_239 : memref<624x128xf32, #tpu.memory_space<vmem_shared>>) dst(%dma_wait3A_237 : memref<624x128xf32, #tpu.memory_space<hbm>>)
      tpu.yield
    }) : () -> ()
    %eq3A_225 = arith.constant 0 : i32
    %eq3A_226 = arith.cmpi eq, %arg1, %eq3A_225 : i32
    %convert_element_type3A_227 = arith.extui %eq3A_226 : i1 to i32
    %cond3A_228 = arith.constant 0 : i32
    %cond3A_229 = arith.cmpi ne, %convert_element_type3A_227, %cond3A_228 : i32
    scf.if %cond3A_229 {
      "tpu.region"() ({
        %run_scoped3A = tpu.sem_alloc : memref<!tpu.dma_semaphore, #tpu.memory_space<semaphore_mem>>
        %dma_start3A_230 = arith.constant 9984 : i32
        %dma_start3A_231 = arith.constant 0 : i32
        %dma_start3A_232 = tpu.memref_slice %arg6[%arg0, %dma_start3A_230, %dma_start3A_231] : memref<2x10000x128xf32, #tpu.memory_space<hbm>> -> memref<1x16x128xf32, #tpu.memory_space<hbm>>
        %dma_start3A_233 = tpu.memref_squeeze %dma_start3A_232 : memref<1x16x128xf32, #tpu.memory_space<hbm>> -> memref<16x128xf32, #tpu.memory_space<hbm>>
        %dma_start3A_234 = arith.constant 9984 : i32
        %dma_start3A_235 = arith.constant 0 : i32
        %dma_start3A_236 = tpu.memref_slice %arg10[%dma_start3A_234, %dma_start3A_235] : memref<10000x128xf32, #tpu.memory_space<vmem_shared>> -> memref<16x128xf32, #tpu.memory_space<vmem_shared>>
        tpu.enqueue_dma source(%dma_start3A_236 : memref<16x128xf32, #tpu.memory_space<vmem_shared>>) target(%dma_start3A_233 : memref<16x128xf32, #tpu.memory_space<hbm>>) target_semaphore(%run_scoped3A : memref<!tpu.dma_semaphore, #tpu.memory_space<semaphore_mem>>)
        %dma_wait3A_237 = arith.constant 9984 : i32
        %dma_wait3A_238 = arith.constant 0 : i32
        %dma_wait3A_239 = tpu.memref_slice %arg6[%arg0, %dma_wait3A_237, %dma_wait3A_238] : memref<2x10000x128xf32, #tpu.memory_space<hbm>> -> memref<1x16x128xf32, #tpu.memory_space<hbm>>
        %dma_wait3A_240 = tpu.memref_squeeze %dma_wait3A_239 : memref<1x16x128xf32, #tpu.memory_space<hbm>> -> memref<16x128xf32, #tpu.memory_space<hbm>>
        %dma_wait3A_241 = arith.constant 9984 : i32
        %dma_wait3A_242 = arith.constant 0 : i32
        %dma_wait3A_243 = tpu.memref_slice %arg10[%dma_wait3A_241, %dma_wait3A_242] : memref<10000x128xf32, #tpu.memory_space<vmem_shared>> -> memref<16x128xf32, #tpu.memory_space<vmem_shared>>
        tpu.wait_dma2 semaphore(%run_scoped3A : memref<!tpu.dma_semaphore, #tpu.memory_space<semaphore_mem>>) src(%dma_wait3A_243 : memref<16x128xf32, #tpu.memory_space<vmem_shared>>) dst(%dma_wait3A_240 : memref<16x128xf32, #tpu.memory_space<hbm>>)
        tpu.yield
      }) : () -> ()
    } else {
    }
    return
  }
}

#map = affine_map<(d0, d1) -> (0, 0)>
#map1 = affine_map<(d0, d1) -> (0, 0, 0, 0)>
#map2 = affine_map<(d0, d1) -> (0, 0, 0)>
module attributes {stable_mosaic.version = 14 : i64} {
  func.func @k(%arg0: i32, %arg1: i32, %arg2: memref<10000x128xf32, #tpu.memory_space<hbm>>, %arg3: memref<2x16x100x100xi32, #tpu.memory_space<hbm>>, %arg4: memref<2x16x100x100xi32, #tpu.memory_space<hbm>>, %arg5: memref<10000x128xf32, #tpu.memory_space<hbm>>, %arg6: memref<2x10000x128xf32, #tpu.memory_space<hbm>>, %arg7: memref<3x100xi32, #tpu.memory_space<vmem>>, %arg8: memref<3x100xi32, #tpu.memory_space<vmem>>, %arg9: memref<3x100x128xf32, #tpu.memory_space<vmem>>, %arg10: memref<10000x128xf32, #tpu.memory_space<vmem_shared>>, %arg11: memref<!tpu.dma_semaphore, #tpu.memory_space<semaphore_mem>>, %arg12: memref<!tpu.dma_semaphore, #tpu.memory_space<semaphore_mem>>, %arg13: memref<!tpu.dma_semaphore, #tpu.memory_space<semaphore_mem>>, %arg14: memref<!tpu.dma_semaphore, #tpu.memory_space<semaphore_mem>>, %arg15: memref<!tpu.dma_semaphore, #tpu.memory_space<semaphore_mem>>, %arg16: memref<!tpu.dma_semaphore, #tpu.memory_space<semaphore_mem>>, %arg17: memref<!tpu.dma_semaphore, #tpu.memory_space<semaphore_mem>>, %arg18: memref<!tpu.dma_semaphore, #tpu.memory_space<semaphore_mem>>, %arg19: memref<!tpu.dma_semaphore, #tpu.memory_space<semaphore_mem>>, %arg20: memref<!tpu.dma_semaphore, #tpu.memory_space<semaphore_mem>>, %arg21: memref<!tpu.dma_semaphore, #tpu.memory_space<semaphore_mem>>, %arg22: memref<!tpu.dma_semaphore, #tpu.memory_space<semaphore_mem>>) attributes {dimension_semantics = [#tpu.dimension_semantics<core_parallel>, #tpu.dimension_semantics<subcore_parallel>], iteration_bounds = array<i64: 2, 16>, scalar_prefetch = 0 : i64, scratch_operands = 16 : i64, tpu.core_type = #tpu.core_type<sc_vector_subcore>, window_params = [{transform_indices = #map}, {transform_indices = #map1}, {transform_indices = #map1}, {transform_indices = #map}, {transform_indices = #map2}]} {
    %mul3A = arith.constant 624 : i32
    %mul3A_0 = arith.muli %arg1, %mul3A : i32
    %mul3A_1 = arith.constant 624 : i32
    %mul3A_2 = arith.muli %arg1, %mul3A_1 : i32
    "tpu.region"() ({
      %run_scoped3A = tpu.sem_alloc : memref<!tpu.dma_semaphore, #tpu.memory_space<semaphore_mem>>
      %dma_start3A_230 = arith.constant 0 : i32
      %dma_start3A_231 = tpu.memref_slice %arg10[%mul3A_2, %dma_start3A_230] : memref<10000x128xf32, #tpu.memory_space<vmem_shared>> -> memref<624x128xf32, #tpu.memory_space<vmem_shared>>
      %dma_start3A_232 = arith.constant 0 : i32
      %dma_start3A_233 = tpu.memref_slice %arg5[%mul3A_0, %dma_start3A_232] : memref<10000x128xf32, #tpu.memory_space<hbm>> -> memref<624x128xf32, #tpu.memory_space<hbm>>
      tpu.enqueue_dma source(%dma_start3A_233 : memref<624x128xf32, #tpu.memory_space<hbm>>) target(%dma_start3A_231 : memref<624x128xf32, #tpu.memory_space<vmem_shared>>) target_semaphore(%run_scoped3A : memref<!tpu.dma_semaphore, #tpu.memory_space<semaphore_mem>>)
      %dma_wait3A_234 = arith.constant 0 : i32
      %dma_wait3A_235 = tpu.memref_slice %arg10[%mul3A_2, %dma_wait3A_234] : memref<10000x128xf32, #tpu.memory_space<vmem_shared>> -> memref<624x128xf32, #tpu.memory_space<vmem_shared>>
      %dma_wait3A_236 = arith.constant 0 : i32
      %dma_wait3A_237 = tpu.memref_slice %arg5[%mul3A_0, %dma_wait3A_236] : memref<10000x128xf32, #tpu.memory_space<hbm>> -> memref<624x128xf32, #tpu.memory_space<hbm>>
      tpu.wait_dma2 semaphore(%run_scoped3A : memref<!tpu.dma_semaphore, #tpu.memory_space<semaphore_mem>>) src(%dma_wait3A_237 : memref<624x128xf32, #tpu.memory_space<hbm>>) dst(%dma_wait3A_235 : memref<624x128xf32, #tpu.memory_space<vmem_shared>>)
      tpu.yield
    }) : () -> ()
    %eq3A = arith.constant 0 : i32
    %eq3A_3 = arith.cmpi eq, %arg1, %eq3A : i32
    %convert_element_type3A = arith.extui %eq3A_3 : i1 to i32
    %cond3A = arith.constant 0 : i32
    %cond3A_4 = arith.cmpi ne, %convert_element_type3A, %cond3A : i32
    scf.if %cond3A_4 {
      "tpu.region"() ({
        %run_scoped3A = tpu.sem_alloc : memref<!tpu.dma_semaphore, #tpu.memory_space<semaphore_mem>>
        %dma_start3A_230 = arith.constant 9984 : i32
        %dma_start3A_231 = arith.constant 0 : i32
        %dma_start3A_232 = tpu.memref_slice %arg10[%dma_start3A_230, %dma_start3A_231] : memref<10000x128xf32, #tpu.memory_space<vmem_shared>> -> memref<16x128xf32, #tpu.memory_space<vmem_shared>>
        %dma_start3A_233 = arith.constant 9984 : i32
        %dma_start3A_234 = arith.constant 0 : i32
        %dma_start3A_235 = tpu.memref_slice %arg5[%dma_start3A_233, %dma_start3A_234] : memref<10000x128xf32, #tpu.memory_space<hbm>> -> memref<16x128xf32, #tpu.memory_space<hbm>>
        tpu.enqueue_dma source(%dma_start3A_235 : memref<16x128xf32, #tpu.memory_space<hbm>>) target(%dma_start3A_232 : memref<16x128xf32, #tpu.memory_space<vmem_shared>>) target_semaphore(%run_scoped3A : memref<!tpu.dma_semaphore, #tpu.memory_space<semaphore_mem>>)
        %dma_wait3A_236 = arith.constant 9984 : i32
        %dma_wait3A_237 = arith.constant 0 : i32
        %dma_wait3A_238 = tpu.memref_slice %arg10[%dma_wait3A_236, %dma_wait3A_237] : memref<10000x128xf32, #tpu.memory_space<vmem_shared>> -> memref<16x128xf32, #tpu.memory_space<vmem_shared>>
        %dma_wait3A_239 = arith.constant 9984 : i32
        %dma_wait3A_240 = arith.constant 0 : i32
        %dma_wait3A_241 = tpu.memref_slice %arg5[%dma_wait3A_239, %dma_wait3A_240] : memref<10000x128xf32, #tpu.memory_space<hbm>> -> memref<16x128xf32, #tpu.memory_space<hbm>>
        tpu.wait_dma2 semaphore(%run_scoped3A : memref<!tpu.dma_semaphore, #tpu.memory_space<semaphore_mem>>) src(%dma_wait3A_241 : memref<16x128xf32, #tpu.memory_space<hbm>>) dst(%dma_wait3A_238 : memref<16x128xf32, #tpu.memory_space<vmem_shared>>)
        tpu.yield
      }) : () -> ()
    } else {
    }
    %barrier3A = arith.constant 0 : index
    tpu.barrier barrier_id(%barrier3A)
    %dma_start3A = arith.constant 0 : i32
    %dma_start3A_5 = arith.constant 0 : i32
    %dma_start3A_6 = arith.constant 0 : i32
    %dma_start3A_7 = tpu.memref_slice %arg7[%dma_start3A_5, %dma_start3A_6] : memref<3x100xi32, #tpu.memory_space<vmem>> -> memref<1x100xi32, #tpu.memory_space<vmem>>
    %dma_start3A_8 = tpu.memref_squeeze %dma_start3A_7 : memref<1x100xi32, #tpu.memory_space<vmem>> -> memref<100xi32, #tpu.memory_space<vmem>>
    %dma_start3A_9 = arith.constant 0 : i32
    %dma_start3A_10 = tpu.memref_slice %arg3[%arg0, %arg1, %dma_start3A, %dma_start3A_9] : memref<2x16x100x100xi32, #tpu.memory_space<hbm>> -> memref<1x1x1x100xi32, #tpu.memory_space<hbm>>
    %dma_start3A_11 = tpu.memref_squeeze %dma_start3A_10 : memref<1x1x1x100xi32, #tpu.memory_space<hbm>> -> memref<100xi32, #tpu.memory_space<hbm>>
    %dma_start3A_12 = arith.constant 0 : i32
    %dma_start3A_13 = tpu.memref_slice %arg7[%dma_start3A_5, %dma_start3A_12] : memref<3x100xi32, #tpu.memory_space<vmem>> -> memref<1x100xi32, #tpu.memory_space<vmem>>
    %dma_start3A_14 = tpu.memref_squeeze %dma_start3A_13 : memref<1x100xi32, #tpu.memory_space<vmem>> -> memref<100xi32, #tpu.memory_space<vmem>>
    %dma_start3A_15 = arith.constant 0 : i32
    %dma_start3A_16 = tpu.memref_slice %arg3[%arg0, %arg1, %dma_start3A, %dma_start3A_15] : memref<2x16x100x100xi32, #tpu.memory_space<hbm>> -> memref<1x1x1x100xi32, #tpu.memory_space<hbm>>
    %dma_start3A_17 = tpu.memref_squeeze %dma_start3A_16 : memref<1x1x1x100xi32, #tpu.memory_space<hbm>> -> memref<100xi32, #tpu.memory_space<hbm>>
    tpu.enqueue_dma source(%dma_start3A_17 : memref<100xi32, #tpu.memory_space<hbm>>) target(%dma_start3A_14 : memref<100xi32, #tpu.memory_space<vmem>>) target_semaphore(%arg17 : memref<!tpu.dma_semaphore, #tpu.memory_space<semaphore_mem>>)
    %dma_start3A_18 = arith.constant 0 : i32
    %dma_start3A_19 = arith.constant 0 : i32
    %dma_start3A_20 = arith.constant 0 : i32
    %dma_start3A_21 = tpu.memref_slice %arg8[%dma_start3A_19, %dma_start3A_20] : memref<3x100xi32, #tpu.memory_space<vmem>> -> memref<1x100xi32, #tpu.memory_space<vmem>>
    %dma_start3A_22 = tpu.memref_squeeze %dma_start3A_21 : memref<1x100xi32, #tpu.memory_space<vmem>> -> memref<100xi32, #tpu.memory_space<vmem>>
    %dma_start3A_23 = arith.constant 0 : i32
    %dma_start3A_24 = tpu.memref_slice %arg4[%arg0, %arg1, %dma_start3A_18, %dma_start3A_23] : memref<2x16x100x100xi32, #tpu.memory_space<hbm>> -> memref<1x1x1x100xi32, #tpu.memory_space<hbm>>
    %dma_start3A_25 = tpu.memref_squeeze %dma_start3A_24 : memref<1x1x1x100xi32, #tpu.memory_space<hbm>> -> memref<100xi32, #tpu.memory_space<hbm>>
    %dma_start3A_26 = arith.constant 0 : i32
    %dma_start3A_27 = tpu.memref_slice %arg8[%dma_start3A_19, %dma_start3A_26] : memref<3x100xi32, #tpu.memory_space<vmem>> -> memref<1x100xi32, #tpu.memory_space<vmem>>
    %dma_start3A_28 = tpu.memref_squeeze %dma_start3A_27 : memref<1x100xi32, #tpu.memory_space<vmem>> -> memref<100xi32, #tpu.memory_space<vmem>>
    %dma_start3A_29 = arith.constant 0 : i32
    %dma_start3A_30 = tpu.memref_slice %arg4[%arg0, %arg1, %dma_start3A_18, %dma_start3A_29] : memref<2x16x100x100xi32, #tpu.memory_space<hbm>> -> memref<1x1x1x100xi32, #tpu.memory_space<hbm>>
    %dma_start3A_31 = tpu.memref_squeeze %dma_start3A_30 : memref<1x1x1x100xi32, #tpu.memory_space<hbm>> -> memref<100xi32, #tpu.memory_space<hbm>>
    tpu.enqueue_dma source(%dma_start3A_31 : memref<100xi32, #tpu.memory_space<hbm>>) target(%dma_start3A_28 : memref<100xi32, #tpu.memory_space<vmem>>) target_semaphore(%arg20 : memref<!tpu.dma_semaphore, #tpu.memory_space<semaphore_mem>>)
    %dma_start3A_32 = arith.constant 1 : i32
    %dma_start3A_33 = arith.constant 1 : i32
    %dma_start3A_34 = arith.constant 0 : i32
    %dma_start3A_35 = tpu.memref_slice %arg7[%dma_start3A_33, %dma_start3A_34] : memref<3x100xi32, #tpu.memory_space<vmem>> -> memref<1x100xi32, #tpu.memory_space<vmem>>
    %dma_start3A_36 = tpu.memref_squeeze %dma_start3A_35 : memref<1x100xi32, #tpu.memory_space<vmem>> -> memref<100xi32, #tpu.memory_space<vmem>>
    %dma_start3A_37 = arith.constant 0 : i32
    %dma_start3A_38 = tpu.memref_slice %arg3[%arg0, %arg1, %dma_start3A_32, %dma_start3A_37] : memref<2x16x100x100xi32, #tpu.memory_space<hbm>> -> memref<1x1x1x100xi32, #tpu.memory_space<hbm>>
    %dma_start3A_39 = tpu.memref_squeeze %dma_start3A_38 : memref<1x1x1x100xi32, #tpu.memory_space<hbm>> -> memref<100xi32, #tpu.memory_space<hbm>>
    %dma_start3A_40 = arith.constant 0 : i32
    %dma_start3A_41 = tpu.memref_slice %arg7[%dma_start3A_33, %dma_start3A_40] : memref<3x100xi32, #tpu.memory_space<vmem>> -> memref<1x100xi32, #tpu.memory_space<vmem>>
    %dma_start3A_42 = tpu.memref_squeeze %dma_start3A_41 : memref<1x100xi32, #tpu.memory_space<vmem>> -> memref<100xi32, #tpu.memory_space<vmem>>
    %dma_start3A_43 = arith.constant 0 : i32
    %dma_start3A_44 = tpu.memref_slice %arg3[%arg0, %arg1, %dma_start3A_32, %dma_start3A_43] : memref<2x16x100x100xi32, #tpu.memory_space<hbm>> -> memref<1x1x1x100xi32, #tpu.memory_space<hbm>>
    %dma_start3A_45 = tpu.memref_squeeze %dma_start3A_44 : memref<1x1x1x100xi32, #tpu.memory_space<hbm>> -> memref<100xi32, #tpu.memory_space<hbm>>
    tpu.enqueue_dma source(%dma_start3A_45 : memref<100xi32, #tpu.memory_space<hbm>>) target(%dma_start3A_42 : memref<100xi32, #tpu.memory_space<vmem>>) target_semaphore(%arg18 : memref<!tpu.dma_semaphore, #tpu.memory_space<semaphore_mem>>)
    %dma_start3A_46 = arith.constant 1 : i32
    %dma_start3A_47 = arith.constant 1 : i32
    %dma_start3A_48 = arith.constant 0 : i32
    %dma_start3A_49 = tpu.memref_slice %arg8[%dma_start3A_47, %dma_start3A_48] : memref<3x100xi32, #tpu.memory_space<vmem>> -> memref<1x100xi32, #tpu.memory_space<vmem>>
    %dma_start3A_50 = tpu.memref_squeeze %dma_start3A_49 : memref<1x100xi32, #tpu.memory_space<vmem>> -> memref<100xi32, #tpu.memory_space<vmem>>
    %dma_start3A_51 = arith.constant 0 : i32
    %dma_start3A_52 = tpu.memref_slice %arg4[%arg0, %arg1, %dma_start3A_46, %dma_start3A_51] : memref<2x16x100x100xi32, #tpu.memory_space<hbm>> -> memref<1x1x1x100xi32, #tpu.memory_space<hbm>>
    %dma_start3A_53 = tpu.memref_squeeze %dma_start3A_52 : memref<1x1x1x100xi32, #tpu.memory_space<hbm>> -> memref<100xi32, #tpu.memory_space<hbm>>
    %dma_start3A_54 = arith.constant 0 : i32
    %dma_start3A_55 = tpu.memref_slice %arg8[%dma_start3A_47, %dma_start3A_54] : memref<3x100xi32, #tpu.memory_space<vmem>> -> memref<1x100xi32, #tpu.memory_space<vmem>>
    %dma_start3A_56 = tpu.memref_squeeze %dma_start3A_55 : memref<1x100xi32, #tpu.memory_space<vmem>> -> memref<100xi32, #tpu.memory_space<vmem>>
    %dma_start3A_57 = arith.constant 0 : i32
    %dma_start3A_58 = tpu.memref_slice %arg4[%arg0, %arg1, %dma_start3A_46, %dma_start3A_57] : memref<2x16x100x100xi32, #tpu.memory_space<hbm>> -> memref<1x1x1x100xi32, #tpu.memory_space<hbm>>
    %dma_start3A_59 = tpu.memref_squeeze %dma_start3A_58 : memref<1x1x1x100xi32, #tpu.memory_space<hbm>> -> memref<100xi32, #tpu.memory_space<hbm>>
    tpu.enqueue_dma source(%dma_start3A_59 : memref<100xi32, #tpu.memory_space<hbm>>) target(%dma_start3A_56 : memref<100xi32, #tpu.memory_space<vmem>>) target_semaphore(%arg21 : memref<!tpu.dma_semaphore, #tpu.memory_space<semaphore_mem>>)
    %dma_start3A_60 = arith.constant 2 : i32
    %dma_start3A_61 = arith.constant 2 : i32
    %dma_start3A_62 = arith.constant 0 : i32
    %dma_start3A_63 = tpu.memref_slice %arg7[%dma_start3A_61, %dma_start3A_62] : memref<3x100xi32, #tpu.memory_space<vmem>> -> memref<1x100xi32, #tpu.memory_space<vmem>>
    %dma_start3A_64 = tpu.memref_squeeze %dma_start3A_63 : memref<1x100xi32, #tpu.memory_space<vmem>> -> memref<100xi32, #tpu.memory_space<vmem>>
    %dma_start3A_65 = arith.constant 0 : i32
    %dma_start3A_66 = tpu.memref_slice %arg3[%arg0, %arg1, %dma_start3A_60, %dma_start3A_65] : memref<2x16x100x100xi32, #tpu.memory_space<hbm>> -> memref<1x1x1x100xi32, #tpu.memory_space<hbm>>
    %dma_start3A_67 = tpu.memref_squeeze %dma_start3A_66 : memref<1x1x1x100xi32, #tpu.memory_space<hbm>> -> memref<100xi32, #tpu.memory_space<hbm>>
    %dma_start3A_68 = arith.constant 0 : i32
    %dma_start3A_69 = tpu.memref_slice %arg7[%dma_start3A_61, %dma_start3A_68] : memref<3x100xi32, #tpu.memory_space<vmem>> -> memref<1x100xi32, #tpu.memory_space<vmem>>
    %dma_start3A_70 = tpu.memref_squeeze %dma_start3A_69 : memref<1x100xi32, #tpu.memory_space<vmem>> -> memref<100xi32, #tpu.memory_space<vmem>>
    %dma_start3A_71 = arith.constant 0 : i32
    %dma_start3A_72 = tpu.memref_slice %arg3[%arg0, %arg1, %dma_start3A_60, %dma_start3A_71] : memref<2x16x100x100xi32, #tpu.memory_space<hbm>> -> memref<1x1x1x100xi32, #tpu.memory_space<hbm>>
    %dma_start3A_73 = tpu.memref_squeeze %dma_start3A_72 : memref<1x1x1x100xi32, #tpu.memory_space<hbm>> -> memref<100xi32, #tpu.memory_space<hbm>>
    tpu.enqueue_dma source(%dma_start3A_73 : memref<100xi32, #tpu.memory_space<hbm>>) target(%dma_start3A_70 : memref<100xi32, #tpu.memory_space<vmem>>) target_semaphore(%arg19 : memref<!tpu.dma_semaphore, #tpu.memory_space<semaphore_mem>>)
    %dma_start3A_74 = arith.constant 2 : i32
    %dma_start3A_75 = arith.constant 2 : i32
    %dma_start3A_76 = arith.constant 0 : i32
    %dma_start3A_77 = tpu.memref_slice %arg8[%dma_start3A_75, %dma_start3A_76] : memref<3x100xi32, #tpu.memory_space<vmem>> -> memref<1x100xi32, #tpu.memory_space<vmem>>
    %dma_start3A_78 = tpu.memref_squeeze %dma_start3A_77 : memref<1x100xi32, #tpu.memory_space<vmem>> -> memref<100xi32, #tpu.memory_space<vmem>>
    %dma_start3A_79 = arith.constant 0 : i32
    %dma_start3A_80 = tpu.memref_slice %arg4[%arg0, %arg1, %dma_start3A_74, %dma_start3A_79] : memref<2x16x100x100xi32, #tpu.memory_space<hbm>> -> memref<1x1x1x100xi32, #tpu.memory_space<hbm>>
    %dma_start3A_81 = tpu.memref_squeeze %dma_start3A_80 : memref<1x1x1x100xi32, #tpu.memory_space<hbm>> -> memref<100xi32, #tpu.memory_space<hbm>>
    %dma_start3A_82 = arith.constant 0 : i32
    %dma_start3A_83 = tpu.memref_slice %arg8[%dma_start3A_75, %dma_start3A_82] : memref<3x100xi32, #tpu.memory_space<vmem>> -> memref<1x100xi32, #tpu.memory_space<vmem>>
    %dma_start3A_84 = tpu.memref_squeeze %dma_start3A_83 : memref<1x100xi32, #tpu.memory_space<vmem>> -> memref<100xi32, #tpu.memory_space<vmem>>
    %dma_start3A_85 = arith.constant 0 : i32
    %dma_start3A_86 = tpu.memref_slice %arg4[%arg0, %arg1, %dma_start3A_74, %dma_start3A_85] : memref<2x16x100x100xi32, #tpu.memory_space<hbm>> -> memref<1x1x1x100xi32, #tpu.memory_space<hbm>>
    %dma_start3A_87 = tpu.memref_squeeze %dma_start3A_86 : memref<1x1x1x100xi32, #tpu.memory_space<hbm>> -> memref<100xi32, #tpu.memory_space<hbm>>
    tpu.enqueue_dma source(%dma_start3A_87 : memref<100xi32, #tpu.memory_space<hbm>>) target(%dma_start3A_84 : memref<100xi32, #tpu.memory_space<vmem>>) target_semaphore(%arg22 : memref<!tpu.dma_semaphore, #tpu.memory_space<semaphore_mem>>)
    %dma_wait3A = arith.constant 0 : i32
    %dma_wait3A_88 = arith.constant 0 : i32
    %dma_wait3A_89 = arith.constant 0 : i32
    %dma_wait3A_90 = tpu.memref_slice %arg7[%dma_wait3A_88, %dma_wait3A_89] : memref<3x100xi32, #tpu.memory_space<vmem>> -> memref<1x100xi32, #tpu.memory_space<vmem>>
    %dma_wait3A_91 = tpu.memref_squeeze %dma_wait3A_90 : memref<1x100xi32, #tpu.memory_space<vmem>> -> memref<100xi32, #tpu.memory_space<vmem>>
    %dma_wait3A_92 = arith.constant 0 : i32
    %dma_wait3A_93 = tpu.memref_slice %arg3[%arg0, %arg1, %dma_wait3A, %dma_wait3A_92] : memref<2x16x100x100xi32, #tpu.memory_space<hbm>> -> memref<1x1x1x100xi32, #tpu.memory_space<hbm>>
    %dma_wait3A_94 = tpu.memref_squeeze %dma_wait3A_93 : memref<1x1x1x100xi32, #tpu.memory_space<hbm>> -> memref<100xi32, #tpu.memory_space<hbm>>
    %dma_wait3A_95 = arith.constant 0 : i32
    %dma_wait3A_96 = tpu.memref_slice %arg7[%dma_wait3A_88, %dma_wait3A_95] : memref<3x100xi32, #tpu.memory_space<vmem>> -> memref<1x100xi32, #tpu.memory_space<vmem>>
    %dma_wait3A_97 = tpu.memref_squeeze %dma_wait3A_96 : memref<1x100xi32, #tpu.memory_space<vmem>> -> memref<100xi32, #tpu.memory_space<vmem>>
    %dma_wait3A_98 = arith.constant 0 : i32
    %dma_wait3A_99 = tpu.memref_slice %arg3[%arg0, %arg1, %dma_wait3A, %dma_wait3A_98] : memref<2x16x100x100xi32, #tpu.memory_space<hbm>> -> memref<1x1x1x100xi32, #tpu.memory_space<hbm>>
    %dma_wait3A_100 = tpu.memref_squeeze %dma_wait3A_99 : memref<1x1x1x100xi32, #tpu.memory_space<hbm>> -> memref<100xi32, #tpu.memory_space<hbm>>
    tpu.wait_dma2 semaphore(%arg17 : memref<!tpu.dma_semaphore, #tpu.memory_space<semaphore_mem>>) src(%dma_wait3A_100 : memref<100xi32, #tpu.memory_space<hbm>>) dst(%dma_wait3A_97 : memref<100xi32, #tpu.memory_space<vmem>>)
    %dma_start3A_101 = arith.constant 0 : i32
    %dma_start3A_102 = arith.constant 0 : i32
    %dma_start3A_103 = arith.constant 0 : i32
    %dma_start3A_104 = arith.constant 0 : i32
    %dma_start3A_105 = tpu.memref_slice %arg9[%dma_start3A_102, %dma_start3A_103, %dma_start3A_104] : memref<3x100x128xf32, #tpu.memory_space<vmem>> -> memref<1x100x128xf32, #tpu.memory_space<vmem>>
    %dma_start3A_106 = tpu.memref_squeeze %dma_start3A_105 : memref<1x100x128xf32, #tpu.memory_space<vmem>> -> memref<100x128xf32, #tpu.memory_space<vmem>>
    %dma_start3A_107 = arith.constant 0 : i32
    %dma_start3A_108 = tpu.memref_slice %arg7[%dma_start3A_101, %dma_start3A_107] : memref<3x100xi32, #tpu.memory_space<vmem>> -> memref<1x100xi32, #tpu.memory_space<vmem>>
    %dma_start3A_109 = tpu.memref_squeeze %dma_start3A_108 : memref<1x100xi32, #tpu.memory_space<vmem>> -> memref<100xi32, #tpu.memory_space<vmem>>
    %dma_start3A_110 = arith.constant 0 : i32
    %dma_start3A_111 = arith.constant 0 : i32
    %dma_start3A_112 = tpu.memref_slice %arg2[%dma_start3A_110, %dma_start3A_111] : memref<10000x128xf32, #tpu.memory_space<hbm>> -> memref<10000x128xf32, #tpu.memory_space<hbm>>
    tpu.enqueue_indirect_dma source(%dma_start3A_112 : memref<10000x128xf32, #tpu.memory_space<hbm>>) target(%dma_start3A_106 : memref<100x128xf32, #tpu.memory_space<vmem>>) offsets(%dma_start3A_109 : memref<100xi32, #tpu.memory_space<vmem>>) semaphore(%arg11 : memref<!tpu.dma_semaphore, #tpu.memory_space<semaphore_mem>>)
    %dma_wait3A_113 = arith.constant 0 : i32
    %dma_wait3A_114 = arith.constant 1 : i32
    %dma_wait3A_115 = arith.constant 0 : i32
    %dma_wait3A_116 = tpu.memref_slice %arg7[%dma_wait3A_114, %dma_wait3A_115] : memref<3x100xi32, #tpu.memory_space<vmem>> -> memref<1x100xi32, #tpu.memory_space<vmem>>
    %dma_wait3A_117 = tpu.memref_squeeze %dma_wait3A_116 : memref<1x100xi32, #tpu.memory_space<vmem>> -> memref<100xi32, #tpu.memory_space<vmem>>
    %dma_wait3A_118 = arith.constant 0 : i32
    %dma_wait3A_119 = tpu.memref_slice %arg3[%arg0, %arg1, %dma_wait3A_113, %dma_wait3A_118] : memref<2x16x100x100xi32, #tpu.memory_space<hbm>> -> memref<1x1x1x100xi32, #tpu.memory_space<hbm>>
    %dma_wait3A_120 = tpu.memref_squeeze %dma_wait3A_119 : memref<1x1x1x100xi32, #tpu.memory_space<hbm>> -> memref<100xi32, #tpu.memory_space<hbm>>
    %dma_wait3A_121 = arith.constant 0 : i32
    %dma_wait3A_122 = tpu.memref_slice %arg7[%dma_wait3A_114, %dma_wait3A_121] : memref<3x100xi32, #tpu.memory_space<vmem>> -> memref<1x100xi32, #tpu.memory_space<vmem>>
    %dma_wait3A_123 = tpu.memref_squeeze %dma_wait3A_122 : memref<1x100xi32, #tpu.memory_space<vmem>> -> memref<100xi32, #tpu.memory_space<vmem>>
    %dma_wait3A_124 = arith.constant 0 : i32
    %dma_wait3A_125 = tpu.memref_slice %arg3[%arg0, %arg1, %dma_wait3A_113, %dma_wait3A_124] : memref<2x16x100x100xi32, #tpu.memory_space<hbm>> -> memref<1x1x1x100xi32, #tpu.memory_space<hbm>>
    %dma_wait3A_126 = tpu.memref_squeeze %dma_wait3A_125 : memref<1x1x1x100xi32, #tpu.memory_space<hbm>> -> memref<100xi32, #tpu.memory_space<hbm>>
    tpu.wait_dma2 semaphore(%arg18 : memref<!tpu.dma_semaphore, #tpu.memory_space<semaphore_mem>>) src(%dma_wait3A_126 : memref<100xi32, #tpu.memory_space<hbm>>) dst(%dma_wait3A_123 : memref<100xi32, #tpu.memory_space<vmem>>)
    %dma_start3A_127 = arith.constant 1 : i32
    %dma_start3A_128 = arith.constant 1 : i32
    %dma_start3A_129 = arith.constant 0 : i32
    %dma_start3A_130 = arith.constant 0 : i32
    %dma_start3A_131 = tpu.memref_slice %arg9[%dma_start3A_128, %dma_start3A_129, %dma_start3A_130] : memref<3x100x128xf32, #tpu.memory_space<vmem>> -> memref<1x100x128xf32, #tpu.memory_space<vmem>>
    %dma_start3A_132 = tpu.memref_squeeze %dma_start3A_131 : memref<1x100x128xf32, #tpu.memory_space<vmem>> -> memref<100x128xf32, #tpu.memory_space<vmem>>
    %dma_start3A_133 = arith.constant 0 : i32
    %dma_start3A_134 = tpu.memref_slice %arg7[%dma_start3A_127, %dma_start3A_133] : memref<3x100xi32, #tpu.memory_space<vmem>> -> memref<1x100xi32, #tpu.memory_space<vmem>>
    %dma_start3A_135 = tpu.memref_squeeze %dma_start3A_134 : memref<1x100xi32, #tpu.memory_space<vmem>> -> memref<100xi32, #tpu.memory_space<vmem>>
    %dma_start3A_136 = arith.constant 0 : i32
    %dma_start3A_137 = arith.constant 0 : i32
    %dma_start3A_138 = tpu.memref_slice %arg2[%dma_start3A_136, %dma_start3A_137] : memref<10000x128xf32, #tpu.memory_space<hbm>> -> memref<10000x128xf32, #tpu.memory_space<hbm>>
    tpu.enqueue_indirect_dma source(%dma_start3A_138 : memref<10000x128xf32, #tpu.memory_space<hbm>>) target(%dma_start3A_132 : memref<100x128xf32, #tpu.memory_space<vmem>>) offsets(%dma_start3A_135 : memref<100xi32, #tpu.memory_space<vmem>>) semaphore(%arg12 : memref<!tpu.dma_semaphore, #tpu.memory_space<semaphore_mem>>)
    %dma_wait3A_139 = arith.constant 0 : i32
    %dma_wait3A_140 = arith.constant 2 : i32
    %dma_wait3A_141 = arith.constant 0 : i32
    %dma_wait3A_142 = tpu.memref_slice %arg7[%dma_wait3A_140, %dma_wait3A_141] : memref<3x100xi32, #tpu.memory_space<vmem>> -> memref<1x100xi32, #tpu.memory_space<vmem>>
    %dma_wait3A_143 = tpu.memref_squeeze %dma_wait3A_142 : memref<1x100xi32, #tpu.memory_space<vmem>> -> memref<100xi32, #tpu.memory_space<vmem>>
    %dma_wait3A_144 = arith.constant 0 : i32
    %dma_wait3A_145 = tpu.memref_slice %arg3[%arg0, %arg1, %dma_wait3A_139, %dma_wait3A_144] : memref<2x16x100x100xi32, #tpu.memory_space<hbm>> -> memref<1x1x1x100xi32, #tpu.memory_space<hbm>>
    %dma_wait3A_146 = tpu.memref_squeeze %dma_wait3A_145 : memref<1x1x1x100xi32, #tpu.memory_space<hbm>> -> memref<100xi32, #tpu.memory_space<hbm>>
    %dma_wait3A_147 = arith.constant 0 : i32
    %dma_wait3A_148 = tpu.memref_slice %arg7[%dma_wait3A_140, %dma_wait3A_147] : memref<3x100xi32, #tpu.memory_space<vmem>> -> memref<1x100xi32, #tpu.memory_space<vmem>>
    %dma_wait3A_149 = tpu.memref_squeeze %dma_wait3A_148 : memref<1x100xi32, #tpu.memory_space<vmem>> -> memref<100xi32, #tpu.memory_space<vmem>>
    %dma_wait3A_150 = arith.constant 0 : i32
    %dma_wait3A_151 = tpu.memref_slice %arg3[%arg0, %arg1, %dma_wait3A_139, %dma_wait3A_150] : memref<2x16x100x100xi32, #tpu.memory_space<hbm>> -> memref<1x1x1x100xi32, #tpu.memory_space<hbm>>
    %dma_wait3A_152 = tpu.memref_squeeze %dma_wait3A_151 : memref<1x1x1x100xi32, #tpu.memory_space<hbm>> -> memref<100xi32, #tpu.memory_space<hbm>>
    tpu.wait_dma2 semaphore(%arg19 : memref<!tpu.dma_semaphore, #tpu.memory_space<semaphore_mem>>) src(%dma_wait3A_152 : memref<100xi32, #tpu.memory_space<hbm>>) dst(%dma_wait3A_149 : memref<100xi32, #tpu.memory_space<vmem>>)
    %dma_start3A_153 = arith.constant 2 : i32
    %dma_start3A_154 = arith.constant 2 : i32
    %dma_start3A_155 = arith.constant 0 : i32
    %dma_start3A_156 = arith.constant 0 : i32
    %dma_start3A_157 = tpu.memref_slice %arg9[%dma_start3A_154, %dma_start3A_155, %dma_start3A_156] : memref<3x100x128xf32, #tpu.memory_space<vmem>> -> memref<1x100x128xf32, #tpu.memory_space<vmem>>
    %dma_start3A_158 = tpu.memref_squeeze %dma_start3A_157 : memref<1x100x128xf32, #tpu.memory_space<vmem>> -> memref<100x128xf32, #tpu.memory_space<vmem>>
    %dma_start3A_159 = arith.constant 0 : i32
    %dma_start3A_160 = tpu.memref_slice %arg7[%dma_start3A_153, %dma_start3A_159] : memref<3x100xi32, #tpu.memory_space<vmem>> -> memref<1x100xi32, #tpu.memory_space<vmem>>
    %dma_start3A_161 = tpu.memref_squeeze %dma_start3A_160 : memref<1x100xi32, #tpu.memory_space<vmem>> -> memref<100xi32, #tpu.memory_space<vmem>>
    %dma_start3A_162 = arith.constant 0 : i32
    %dma_start3A_163 = arith.constant 0 : i32
    %dma_start3A_164 = tpu.memref_slice %arg2[%dma_start3A_162, %dma_start3A_163] : memref<10000x128xf32, #tpu.memory_space<hbm>> -> memref<10000x128xf32, #tpu.memory_space<hbm>>
    tpu.enqueue_indirect_dma source(%dma_start3A_164 : memref<10000x128xf32, #tpu.memory_space<hbm>>) target(%dma_start3A_158 : memref<100x128xf32, #tpu.memory_space<vmem>>) offsets(%dma_start3A_161 : memref<100xi32, #tpu.memory_space<vmem>>) semaphore(%arg13 : memref<!tpu.dma_semaphore, #tpu.memory_space<semaphore_mem>>)
    %scan3A = arith.constant 0 : i32
    %scan3A_165 = arith.constant 0 : i32
    %scan3A_166 = arith.constant 33 : i32
    %scan3A_167 = arith.addi %scan3A_165, %scan3A_166 : i32
    %scan3A_168 = arith.constant 1 : i32
    scf.for %scan3A_230 = %scan3A_165 to %scan3A_167 step %scan3A_168  : i32 {
      %mul3A_231 = arith.constant 3 : i32
      %mul3A_232 = arith.muli %scan3A_230, %mul3A_231 : i32
      %dma_wait3A_233 = arith.constant 0 : i32
      %dma_wait3A_234 = arith.constant 0 : i32
      %dma_wait3A_235 = arith.constant 0 : i32
      %dma_wait3A_236 = arith.constant 0 : i32
      %dma_wait3A_237 = tpu.memref_slice %arg9[%dma_wait3A_234, %dma_wait3A_235, %dma_wait3A_236] : memref<3x100x128xf32, #tpu.memory_space<vmem>> -> memref<1x100x128xf32, #tpu.memory_space<vmem>>
      %dma_wait3A_238 = tpu.memref_squeeze %dma_wait3A_237 : memref<1x100x128xf32, #tpu.memory_space<vmem>> -> memref<100x128xf32, #tpu.memory_space<vmem>>
      %dma_wait3A_239 = arith.constant 0 : i32
      %dma_wait3A_240 = tpu.memref_slice %arg7[%dma_wait3A_233, %dma_wait3A_239] : memref<3x100xi32, #tpu.memory_space<vmem>> -> memref<1x100xi32, #tpu.memory_space<vmem>>
      %dma_wait3A_241 = tpu.memref_squeeze %dma_wait3A_240 : memref<1x100xi32, #tpu.memory_space<vmem>> -> memref<100xi32, #tpu.memory_space<vmem>>
      %dma_wait3A_242 = arith.constant 0 : i32
      %dma_wait3A_243 = arith.constant 0 : i32
      %dma_wait3A_244 = tpu.memref_slice %arg2[%dma_wait3A_242, %dma_wait3A_243] : memref<10000x128xf32, #tpu.memory_space<hbm>> -> memref<10000x128xf32, #tpu.memory_space<hbm>>
      tpu.wait_indirect_dma semaphore(%arg11 : memref<!tpu.dma_semaphore, #tpu.memory_space<semaphore_mem>>) src(%dma_wait3A_244 : memref<10000x128xf32, #tpu.memory_space<hbm>>) dst(%dma_wait3A_238 : memref<100x128xf32, #tpu.memory_space<vmem>>)
      %add3A = arith.constant 0 : i32
      %add3A_245 = arith.addi %mul3A_232, %add3A : i32
      %add3A_246 = arith.constant 3 : i32
      %add3A_247 = arith.addi %add3A_245, %add3A_246 : i32
      %lt3A = arith.constant 100 : i32
      %lt3A_248 = arith.cmpi slt, %add3A_247, %lt3A : i32
      %convert_element_type3A_249 = arith.extui %lt3A_248 : i1 to i32
      %cond3A_250 = arith.constant 0 : i32
      %cond3A_251 = arith.cmpi ne, %convert_element_type3A_249, %cond3A_250 : i32
      scf.if %cond3A_251 {
        %add3A_435 = arith.constant 0 : i32
        %add3A_436 = arith.addi %mul3A_232, %add3A_435 : i32
        %add3A_437 = arith.constant 3 : i32
        %add3A_438 = arith.addi %add3A_436, %add3A_437 : i32
        %dma_start3A_439 = arith.constant 0 : i32
        %dma_start3A_440 = arith.constant 0 : i32
        %dma_start3A_441 = tpu.memref_slice %arg7[%dma_start3A_439, %dma_start3A_440] : memref<3x100xi32, #tpu.memory_space<vmem>> -> memref<1x100xi32, #tpu.memory_space<vmem>>
        %dma_start3A_442 = tpu.memref_squeeze %dma_start3A_441 : memref<1x100xi32, #tpu.memory_space<vmem>> -> memref<100xi32, #tpu.memory_space<vmem>>
        %dma_start3A_443 = arith.constant 0 : i32
        %dma_start3A_444 = tpu.memref_slice %arg3[%arg0, %arg1, %add3A_438, %dma_start3A_443] : memref<2x16x100x100xi32, #tpu.memory_space<hbm>> -> memref<1x1x1x100xi32, #tpu.memory_space<hbm>>
        %dma_start3A_445 = tpu.memref_squeeze %dma_start3A_444 : memref<1x1x1x100xi32, #tpu.memory_space<hbm>> -> memref<100xi32, #tpu.memory_space<hbm>>
        %dma_start3A_446 = arith.constant 0 : i32
        %dma_start3A_447 = tpu.memref_slice %arg7[%dma_start3A_439, %dma_start3A_446] : memref<3x100xi32, #tpu.memory_space<vmem>> -> memref<1x100xi32, #tpu.memory_space<vmem>>
        %dma_start3A_448 = tpu.memref_squeeze %dma_start3A_447 : memref<1x100xi32, #tpu.memory_space<vmem>> -> memref<100xi32, #tpu.memory_space<vmem>>
        %dma_start3A_449 = arith.constant 0 : i32
        %dma_start3A_450 = tpu.memref_slice %arg3[%arg0, %arg1, %add3A_438, %dma_start3A_449] : memref<2x16x100x100xi32, #tpu.memory_space<hbm>> -> memref<1x1x1x100xi32, #tpu.memory_space<hbm>>
        %dma_start3A_451 = tpu.memref_squeeze %dma_start3A_450 : memref<1x1x1x100xi32, #tpu.memory_space<hbm>> -> memref<100xi32, #tpu.memory_space<hbm>>
        tpu.enqueue_dma source(%dma_start3A_451 : memref<100xi32, #tpu.memory_space<hbm>>) target(%dma_start3A_448 : memref<100xi32, #tpu.memory_space<vmem>>) target_semaphore(%arg17 : memref<!tpu.dma_semaphore, #tpu.memory_space<semaphore_mem>>)
      } else {
      }
      %dma_wait3A_252 = arith.constant 0 : i32
      %dma_wait3A_253 = arith.constant 0 : i32
      %dma_wait3A_254 = arith.constant 0 : i32
      %dma_wait3A_255 = tpu.memref_slice %arg8[%dma_wait3A_253, %dma_wait3A_254] : memref<3x100xi32, #tpu.memory_space<vmem>> -> memref<1x100xi32, #tpu.memory_space<vmem>>
      %dma_wait3A_256 = tpu.memref_squeeze %dma_wait3A_255 : memref<1x100xi32, #tpu.memory_space<vmem>> -> memref<100xi32, #tpu.memory_space<vmem>>
      %dma_wait3A_257 = arith.constant 0 : i32
      %dma_wait3A_258 = tpu.memref_slice %arg3[%arg0, %arg1, %dma_wait3A_252, %dma_wait3A_257] : memref<2x16x100x100xi32, #tpu.memory_space<hbm>> -> memref<1x1x1x100xi32, #tpu.memory_space<hbm>>
      %dma_wait3A_259 = tpu.memref_squeeze %dma_wait3A_258 : memref<1x1x1x100xi32, #tpu.memory_space<hbm>> -> memref<100xi32, #tpu.memory_space<hbm>>
      %dma_wait3A_260 = arith.constant 0 : i32
      %dma_wait3A_261 = tpu.memref_slice %arg8[%dma_wait3A_253, %dma_wait3A_260] : memref<3x100xi32, #tpu.memory_space<vmem>> -> memref<1x100xi32, #tpu.memory_space<vmem>>
      %dma_wait3A_262 = tpu.memref_squeeze %dma_wait3A_261 : memref<1x100xi32, #tpu.memory_space<vmem>> -> memref<100xi32, #tpu.memory_space<vmem>>
      %dma_wait3A_263 = arith.constant 0 : i32
      %dma_wait3A_264 = tpu.memref_slice %arg3[%arg0, %arg1, %dma_wait3A_252, %dma_wait3A_263] : memref<2x16x100x100xi32, #tpu.memory_space<hbm>> -> memref<1x1x1x100xi32, #tpu.memory_space<hbm>>
      %dma_wait3A_265 = tpu.memref_squeeze %dma_wait3A_264 : memref<1x1x1x100xi32, #tpu.memory_space<hbm>> -> memref<100xi32, #tpu.memory_space<hbm>>
      tpu.wait_dma2 semaphore(%arg20 : memref<!tpu.dma_semaphore, #tpu.memory_space<semaphore_mem>>) src(%dma_wait3A_265 : memref<100xi32, #tpu.memory_space<hbm>>) dst(%dma_wait3A_262 : memref<100xi32, #tpu.memory_space<vmem>>)
      %dma_start3A_266 = arith.constant 0 : i32
      %dma_start3A_267 = arith.constant 0 : i32
      %dma_start3A_268 = arith.constant 0 : i32
      %dma_start3A_269 = arith.constant 0 : i32
      %dma_start3A_270 = tpu.memref_slice %arg9[%dma_start3A_266, %dma_start3A_268, %dma_start3A_269] : memref<3x100x128xf32, #tpu.memory_space<vmem>> -> memref<1x100x128xf32, #tpu.memory_space<vmem>>
      %dma_start3A_271 = tpu.memref_squeeze %dma_start3A_270 : memref<1x100x128xf32, #tpu.memory_space<vmem>> -> memref<100x128xf32, #tpu.memory_space<vmem>>
      %dma_start3A_272 = arith.constant 0 : i32
      %dma_start3A_273 = tpu.memref_slice %arg8[%dma_start3A_267, %dma_start3A_272] : memref<3x100xi32, #tpu.memory_space<vmem>> -> memref<1x100xi32, #tpu.memory_space<vmem>>
      %dma_start3A_274 = tpu.memref_squeeze %dma_start3A_273 : memref<1x100xi32, #tpu.memory_space<vmem>> -> memref<100xi32, #tpu.memory_space<vmem>>
      %dma_start3A_275 = arith.constant 0 : i32
      %dma_start3A_276 = arith.constant 0 : i32
      %dma_start3A_277 = tpu.memref_slice %arg10[%dma_start3A_275, %dma_start3A_276] : memref<10000x128xf32, #tpu.memory_space<vmem_shared>> -> memref<10000x128xf32, #tpu.memory_space<vmem_shared>>
      tpu.enqueue_indirect_dma source(%dma_start3A_271 : memref<100x128xf32, #tpu.memory_space<vmem>>) target(%dma_start3A_277 : memref<10000x128xf32, #tpu.memory_space<vmem_shared>>) offsets(%dma_start3A_274 : memref<100xi32, #tpu.memory_space<vmem>>) semaphore(%arg14 : memref<!tpu.dma_semaphore, #tpu.memory_space<semaphore_mem>>) {add = true}
      %dma_wait3A_278 = arith.constant 1 : i32
      %dma_wait3A_279 = arith.constant 1 : i32
      %dma_wait3A_280 = arith.constant 0 : i32
      %dma_wait3A_281 = arith.constant 0 : i32
      %dma_wait3A_282 = tpu.memref_slice %arg9[%dma_wait3A_279, %dma_wait3A_280, %dma_wait3A_281] : memref<3x100x128xf32, #tpu.memory_space<vmem>> -> memref<1x100x128xf32, #tpu.memory_space<vmem>>
      %dma_wait3A_283 = tpu.memref_squeeze %dma_wait3A_282 : memref<1x100x128xf32, #tpu.memory_space<vmem>> -> memref<100x128xf32, #tpu.memory_space<vmem>>
      %dma_wait3A_284 = arith.constant 0 : i32
      %dma_wait3A_285 = tpu.memref_slice %arg7[%dma_wait3A_278, %dma_wait3A_284] : memref<3x100xi32, #tpu.memory_space<vmem>> -> memref<1x100xi32, #tpu.memory_space<vmem>>
      %dma_wait3A_286 = tpu.memref_squeeze %dma_wait3A_285 : memref<1x100xi32, #tpu.memory_space<vmem>> -> memref<100xi32, #tpu.memory_space<vmem>>
      %dma_wait3A_287 = arith.constant 0 : i32
      %dma_wait3A_288 = arith.constant 0 : i32
      %dma_wait3A_289 = tpu.memref_slice %arg2[%dma_wait3A_287, %dma_wait3A_288] : memref<10000x128xf32, #tpu.memory_space<hbm>> -> memref<10000x128xf32, #tpu.memory_space<hbm>>
      tpu.wait_indirect_dma semaphore(%arg12 : memref<!tpu.dma_semaphore, #tpu.memory_space<semaphore_mem>>) src(%dma_wait3A_289 : memref<10000x128xf32, #tpu.memory_space<hbm>>) dst(%dma_wait3A_283 : memref<100x128xf32, #tpu.memory_space<vmem>>)
      %add3A_290 = arith.constant 1 : i32
      %add3A_291 = arith.addi %mul3A_232, %add3A_290 : i32
      %add3A_292 = arith.constant 3 : i32
      %add3A_293 = arith.addi %add3A_291, %add3A_292 : i32
      %lt3A_294 = arith.constant 100 : i32
      %lt3A_295 = arith.cmpi slt, %add3A_293, %lt3A_294 : i32
      %convert_element_type3A_296 = arith.extui %lt3A_295 : i1 to i32
      %cond3A_297 = arith.constant 0 : i32
      %cond3A_298 = arith.cmpi ne, %convert_element_type3A_296, %cond3A_297 : i32
      scf.if %cond3A_298 {
        %add3A_435 = arith.constant 1 : i32
        %add3A_436 = arith.addi %mul3A_232, %add3A_435 : i32
        %add3A_437 = arith.constant 3 : i32
        %add3A_438 = arith.addi %add3A_436, %add3A_437 : i32
        %dma_start3A_439 = arith.constant 1 : i32
        %dma_start3A_440 = arith.constant 0 : i32
        %dma_start3A_441 = tpu.memref_slice %arg7[%dma_start3A_439, %dma_start3A_440] : memref<3x100xi32, #tpu.memory_space<vmem>> -> memref<1x100xi32, #tpu.memory_space<vmem>>
        %dma_start3A_442 = tpu.memref_squeeze %dma_start3A_441 : memref<1x100xi32, #tpu.memory_space<vmem>> -> memref<100xi32, #tpu.memory_space<vmem>>
        %dma_start3A_443 = arith.constant 0 : i32
        %dma_start3A_444 = tpu.memref_slice %arg3[%arg0, %arg1, %add3A_438, %dma_start3A_443] : memref<2x16x100x100xi32, #tpu.memory_space<hbm>> -> memref<1x1x1x100xi32, #tpu.memory_space<hbm>>
        %dma_start3A_445 = tpu.memref_squeeze %dma_start3A_444 : memref<1x1x1x100xi32, #tpu.memory_space<hbm>> -> memref<100xi32, #tpu.memory_space<hbm>>
        %dma_start3A_446 = arith.constant 0 : i32
        %dma_start3A_447 = tpu.memref_slice %arg7[%dma_start3A_439, %dma_start3A_446] : memref<3x100xi32, #tpu.memory_space<vmem>> -> memref<1x100xi32, #tpu.memory_space<vmem>>
        %dma_start3A_448 = tpu.memref_squeeze %dma_start3A_447 : memref<1x100xi32, #tpu.memory_space<vmem>> -> memref<100xi32, #tpu.memory_space<vmem>>
        %dma_start3A_449 = arith.constant 0 : i32
        %dma_start3A_450 = tpu.memref_slice %arg3[%arg0, %arg1, %add3A_438, %dma_start3A_449] : memref<2x16x100x100xi32, #tpu.memory_space<hbm>> -> memref<1x1x1x100xi32, #tpu.memory_space<hbm>>
        %dma_start3A_451 = tpu.memref_squeeze %dma_start3A_450 : memref<1x1x1x100xi32, #tpu.memory_space<hbm>> -> memref<100xi32, #tpu.memory_space<hbm>>
        tpu.enqueue_dma source(%dma_start3A_451 : memref<100xi32, #tpu.memory_space<hbm>>) target(%dma_start3A_448 : memref<100xi32, #tpu.memory_space<vmem>>) target_semaphore(%arg18 : memref<!tpu.dma_semaphore, #tpu.memory_space<semaphore_mem>>)
      } else {
      }
      %dma_wait3A_299 = arith.constant 0 : i32
      %dma_wait3A_300 = arith.constant 1 : i32
      %dma_wait3A_301 = arith.constant 0 : i32
      %dma_wait3A_302 = tpu.memref_slice %arg8[%dma_wait3A_300, %dma_wait3A_301] : memref<3x100xi32, #tpu.memory_space<vmem>> -> memref<1x100xi32, #tpu.memory_space<vmem>>
      %dma_wait3A_303 = tpu.memref_squeeze %dma_wait3A_302 : memref<1x100xi32, #tpu.memory_space<vmem>> -> memref<100xi32, #tpu.memory_space<vmem>>
      %dma_wait3A_304 = arith.constant 0 : i32
      %dma_wait3A_305 = tpu.memref_slice %arg3[%arg0, %arg1, %dma_wait3A_299, %dma_wait3A_304] : memref<2x16x100x100xi32, #tpu.memory_space<hbm>> -> memref<1x1x1x100xi32, #tpu.memory_space<hbm>>
      %dma_wait3A_306 = tpu.memref_squeeze %dma_wait3A_305 : memref<1x1x1x100xi32, #tpu.memory_space<hbm>> -> memref<100xi32, #tpu.memory_space<hbm>>
      %dma_wait3A_307 = arith.constant 0 : i32
      %dma_wait3A_308 = tpu.memref_slice %arg8[%dma_wait3A_300, %dma_wait3A_307] : memref<3x100xi32, #tpu.memory_space<vmem>> -> memref<1x100xi32, #tpu.memory_space<vmem>>
      %dma_wait3A_309 = tpu.memref_squeeze %dma_wait3A_308 : memref<1x100xi32, #tpu.memory_space<vmem>> -> memref<100xi32, #tpu.memory_space<vmem>>
      %dma_wait3A_310 = arith.constant 0 : i32
      %dma_wait3A_311 = tpu.memref_slice %arg3[%arg0, %arg1, %dma_wait3A_299, %dma_wait3A_310] : memref<2x16x100x100xi32, #tpu.memory_space<hbm>> -> memref<1x1x1x100xi32, #tpu.memory_space<hbm>>
      %dma_wait3A_312 = tpu.memref_squeeze %dma_wait3A_311 : memref<1x1x1x100xi32, #tpu.memory_space<hbm>> -> memref<100xi32, #tpu.memory_space<hbm>>
      tpu.wait_dma2 semaphore(%arg21 : memref<!tpu.dma_semaphore, #tpu.memory_space<semaphore_mem>>) src(%dma_wait3A_312 : memref<100xi32, #tpu.memory_space<hbm>>) dst(%dma_wait3A_309 : memref<100xi32, #tpu.memory_space<vmem>>)
      %dma_start3A_313 = arith.constant 1 : i32
      %dma_start3A_314 = arith.constant 1 : i32
      %dma_start3A_315 = arith.constant 0 : i32
      %dma_start3A_316 = arith.constant 0 : i32
      %dma_start3A_317 = tpu.memref_slice %arg9[%dma_start3A_313, %dma_start3A_315, %dma_start3A_316] : memref<3x100x128xf32, #tpu.memory_space<vmem>> -> memref<1x100x128xf32, #tpu.memory_space<vmem>>
      %dma_start3A_318 = tpu.memref_squeeze %dma_start3A_317 : memref<1x100x128xf32, #tpu.memory_space<vmem>> -> memref<100x128xf32, #tpu.memory_space<vmem>>
      %dma_start3A_319 = arith.constant 0 : i32
      %dma_start3A_320 = tpu.memref_slice %arg8[%dma_start3A_314, %dma_start3A_319] : memref<3x100xi32, #tpu.memory_space<vmem>> -> memref<1x100xi32, #tpu.memory_space<vmem>>
      %dma_start3A_321 = tpu.memref_squeeze %dma_start3A_320 : memref<1x100xi32, #tpu.memory_space<vmem>> -> memref<100xi32, #tpu.memory_space<vmem>>
      %dma_start3A_322 = arith.constant 0 : i32
      %dma_start3A_323 = arith.constant 0 : i32
      %dma_start3A_324 = tpu.memref_slice %arg10[%dma_start3A_322, %dma_start3A_323] : memref<10000x128xf32, #tpu.memory_space<vmem_shared>> -> memref<10000x128xf32, #tpu.memory_space<vmem_shared>>
      tpu.enqueue_indirect_dma source(%dma_start3A_318 : memref<100x128xf32, #tpu.memory_space<vmem>>) target(%dma_start3A_324 : memref<10000x128xf32, #tpu.memory_space<vmem_shared>>) offsets(%dma_start3A_321 : memref<100xi32, #tpu.memory_space<vmem>>) semaphore(%arg15 : memref<!tpu.dma_semaphore, #tpu.memory_space<semaphore_mem>>) {add = true}
      %dma_wait3A_325 = arith.constant 2 : i32
      %dma_wait3A_326 = arith.constant 2 : i32
      %dma_wait3A_327 = arith.constant 0 : i32
      %dma_wait3A_328 = arith.constant 0 : i32
      %dma_wait3A_329 = tpu.memref_slice %arg9[%dma_wait3A_326, %dma_wait3A_327, %dma_wait3A_328] : memref<3x100x128xf32, #tpu.memory_space<vmem>> -> memref<1x100x128xf32, #tpu.memory_space<vmem>>
      %dma_wait3A_330 = tpu.memref_squeeze %dma_wait3A_329 : memref<1x100x128xf32, #tpu.memory_space<vmem>> -> memref<100x128xf32, #tpu.memory_space<vmem>>
      %dma_wait3A_331 = arith.constant 0 : i32
      %dma_wait3A_332 = tpu.memref_slice %arg7[%dma_wait3A_325, %dma_wait3A_331] : memref<3x100xi32, #tpu.memory_space<vmem>> -> memref<1x100xi32, #tpu.memory_space<vmem>>
      %dma_wait3A_333 = tpu.memref_squeeze %dma_wait3A_332 : memref<1x100xi32, #tpu.memory_space<vmem>> -> memref<100xi32, #tpu.memory_space<vmem>>
      %dma_wait3A_334 = arith.constant 0 : i32
      %dma_wait3A_335 = arith.constant 0 : i32
      %dma_wait3A_336 = tpu.memref_slice %arg2[%dma_wait3A_334, %dma_wait3A_335] : memref<10000x128xf32, #tpu.memory_space<hbm>> -> memref<10000x128xf32, #tpu.memory_space<hbm>>
      tpu.wait_indirect_dma semaphore(%arg13 : memref<!tpu.dma_semaphore, #tpu.memory_space<semaphore_mem>>) src(%dma_wait3A_336 : memref<10000x128xf32, #tpu.memory_space<hbm>>) dst(%dma_wait3A_330 : memref<100x128xf32, #tpu.memory_space<vmem>>)
      %add3A_337 = arith.constant 2 : i32
      %add3A_338 = arith.addi %mul3A_232, %add3A_337 : i32
      %add3A_339 = arith.constant 3 : i32
      %add3A_340 = arith.addi %add3A_338, %add3A_339 : i32
      %lt3A_341 = arith.constant 100 : i32
      %lt3A_342 = arith.cmpi slt, %add3A_340, %lt3A_341 : i32
      %convert_element_type3A_343 = arith.extui %lt3A_342 : i1 to i32
      %cond3A_344 = arith.constant 0 : i32
      %cond3A_345 = arith.cmpi ne, %convert_element_type3A_343, %cond3A_344 : i32
      scf.if %cond3A_345 {
        %add3A_435 = arith.constant 2 : i32
        %add3A_436 = arith.addi %mul3A_232, %add3A_435 : i32
        %add3A_437 = arith.constant 3 : i32
        %add3A_438 = arith.addi %add3A_436, %add3A_437 : i32
        %dma_start3A_439 = arith.constant 2 : i32
        %dma_start3A_440 = arith.constant 0 : i32
        %dma_start3A_441 = tpu.memref_slice %arg7[%dma_start3A_439, %dma_start3A_440] : memref<3x100xi32, #tpu.memory_space<vmem>> -> memref<1x100xi32, #tpu.memory_space<vmem>>
        %dma_start3A_442 = tpu.memref_squeeze %dma_start3A_441 : memref<1x100xi32, #tpu.memory_space<vmem>> -> memref<100xi32, #tpu.memory_space<vmem>>
        %dma_start3A_443 = arith.constant 0 : i32
        %dma_start3A_444 = tpu.memref_slice %arg3[%arg0, %arg1, %add3A_438, %dma_start3A_443] : memref<2x16x100x100xi32, #tpu.memory_space<hbm>> -> memref<1x1x1x100xi32, #tpu.memory_space<hbm>>
        %dma_start3A_445 = tpu.memref_squeeze %dma_start3A_444 : memref<1x1x1x100xi32, #tpu.memory_space<hbm>> -> memref<100xi32, #tpu.memory_space<hbm>>
        %dma_start3A_446 = arith.constant 0 : i32
        %dma_start3A_447 = tpu.memref_slice %arg7[%dma_start3A_439, %dma_start3A_446] : memref<3x100xi32, #tpu.memory_space<vmem>> -> memref<1x100xi32, #tpu.memory_space<vmem>>
        %dma_start3A_448 = tpu.memref_squeeze %dma_start3A_447 : memref<1x100xi32, #tpu.memory_space<vmem>> -> memref<100xi32, #tpu.memory_space<vmem>>
        %dma_start3A_449 = arith.constant 0 : i32
        %dma_start3A_450 = tpu.memref_slice %arg3[%arg0, %arg1, %add3A_438, %dma_start3A_449] : memref<2x16x100x100xi32, #tpu.memory_space<hbm>> -> memref<1x1x1x100xi32, #tpu.memory_space<hbm>>
        %dma_start3A_451 = tpu.memref_squeeze %dma_start3A_450 : memref<1x1x1x100xi32, #tpu.memory_space<hbm>> -> memref<100xi32, #tpu.memory_space<hbm>>
        tpu.enqueue_dma source(%dma_start3A_451 : memref<100xi32, #tpu.memory_space<hbm>>) target(%dma_start3A_448 : memref<100xi32, #tpu.memory_space<vmem>>) target_semaphore(%arg19 : memref<!tpu.dma_semaphore, #tpu.memory_space<semaphore_mem>>)
      } else {
      }
      %dma_wait3A_346 = arith.constant 0 : i32
      %dma_wait3A_347 = arith.constant 2 : i32
      %dma_wait3A_348 = arith.constant 0 : i32
      %dma_wait3A_349 = tpu.memref_slice %arg8[%dma_wait3A_347, %dma_wait3A_348] : memref<3x100xi32, #tpu.memory_space<vmem>> -> memref<1x100xi32, #tpu.memory_space<vmem>>
      %dma_wait3A_350 = tpu.memref_squeeze %dma_wait3A_349 : memref<1x100xi32, #tpu.memory_space<vmem>> -> memref<100xi32, #tpu.memory_space<vmem>>
      %dma_wait3A_351 = arith.constant 0 : i32
      %dma_wait3A_352 = tpu.memref_slice %arg3[%arg0, %arg1, %dma_wait3A_346, %dma_wait3A_351] : memref<2x16x100x100xi32, #tpu.memory_space<hbm>> -> memref<1x1x1x100xi32, #tpu.memory_space<hbm>>
      %dma_wait3A_353 = tpu.memref_squeeze %dma_wait3A_352 : memref<1x1x1x100xi32, #tpu.memory_space<hbm>> -> memref<100xi32, #tpu.memory_space<hbm>>
      %dma_wait3A_354 = arith.constant 0 : i32
      %dma_wait3A_355 = tpu.memref_slice %arg8[%dma_wait3A_347, %dma_wait3A_354] : memref<3x100xi32, #tpu.memory_space<vmem>> -> memref<1x100xi32, #tpu.memory_space<vmem>>
      %dma_wait3A_356 = tpu.memref_squeeze %dma_wait3A_355 : memref<1x100xi32, #tpu.memory_space<vmem>> -> memref<100xi32, #tpu.memory_space<vmem>>
      %dma_wait3A_357 = arith.constant 0 : i32
      %dma_wait3A_358 = tpu.memref_slice %arg3[%arg0, %arg1, %dma_wait3A_346, %dma_wait3A_357] : memref<2x16x100x100xi32, #tpu.memory_space<hbm>> -> memref<1x1x1x100xi32, #tpu.memory_space<hbm>>
      %dma_wait3A_359 = tpu.memref_squeeze %dma_wait3A_358 : memref<1x1x1x100xi32, #tpu.memory_space<hbm>> -> memref<100xi32, #tpu.memory_space<hbm>>
      tpu.wait_dma2 semaphore(%arg22 : memref<!tpu.dma_semaphore, #tpu.memory_space<semaphore_mem>>) src(%dma_wait3A_359 : memref<100xi32, #tpu.memory_space<hbm>>) dst(%dma_wait3A_356 : memref<100xi32, #tpu.memory_space<vmem>>)
      %dma_start3A_360 = arith.constant 2 : i32
      %dma_start3A_361 = arith.constant 2 : i32
      %dma_start3A_362 = arith.constant 0 : i32
      %dma_start3A_363 = arith.constant 0 : i32
      %dma_start3A_364 = tpu.memref_slice %arg9[%dma_start3A_360, %dma_start3A_362, %dma_start3A_363] : memref<3x100x128xf32, #tpu.memory_space<vmem>> -> memref<1x100x128xf32, #tpu.memory_space<vmem>>
      %dma_start3A_365 = tpu.memref_squeeze %dma_start3A_364 : memref<1x100x128xf32, #tpu.memory_space<vmem>> -> memref<100x128xf32, #tpu.memory_space<vmem>>
      %dma_start3A_366 = arith.constant 0 : i32
      %dma_start3A_367 = tpu.memref_slice %arg8[%dma_start3A_361, %dma_start3A_366] : memref<3x100xi32, #tpu.memory_space<vmem>> -> memref<1x100xi32, #tpu.memory_space<vmem>>
      %dma_start3A_368 = tpu.memref_squeeze %dma_start3A_367 : memref<1x100xi32, #tpu.memory_space<vmem>> -> memref<100xi32, #tpu.memory_space<vmem>>
      %dma_start3A_369 = arith.constant 0 : i32
      %dma_start3A_370 = arith.constant 0 : i32
      %dma_start3A_371 = tpu.memref_slice %arg10[%dma_start3A_369, %dma_start3A_370] : memref<10000x128xf32, #tpu.memory_space<vmem_shared>> -> memref<10000x128xf32, #tpu.memory_space<vmem_shared>>
      tpu.enqueue_indirect_dma source(%dma_start3A_365 : memref<100x128xf32, #tpu.memory_space<vmem>>) target(%dma_start3A_371 : memref<10000x128xf32, #tpu.memory_space<vmem_shared>>) offsets(%dma_start3A_368 : memref<100xi32, #tpu.memory_space<vmem>>) semaphore(%arg16 : memref<!tpu.dma_semaphore, #tpu.memory_space<semaphore_mem>>) {add = true}
      %dma_wait3A_372 = arith.constant 0 : i32
      %dma_wait3A_373 = arith.constant 0 : i32
      %dma_wait3A_374 = arith.constant 0 : i32
      %dma_wait3A_375 = arith.constant 0 : i32
      %dma_wait3A_376 = tpu.memref_slice %arg9[%dma_wait3A_373, %dma_wait3A_374, %dma_wait3A_375] : memref<3x100x128xf32, #tpu.memory_space<vmem>> -> memref<1x100x128xf32, #tpu.memory_space<vmem>>
      %dma_wait3A_377 = tpu.memref_squeeze %dma_wait3A_376 : memref<1x100x128xf32, #tpu.memory_space<vmem>> -> memref<100x128xf32, #tpu.memory_space<vmem>>
      %dma_wait3A_378 = arith.constant 0 : i32
      %dma_wait3A_379 = tpu.memref_slice %arg7[%dma_wait3A_372, %dma_wait3A_378] : memref<3x100xi32, #tpu.memory_space<vmem>> -> memref<1x100xi32, #tpu.memory_space<vmem>>
      %dma_wait3A_380 = tpu.memref_squeeze %dma_wait3A_379 : memref<1x100xi32, #tpu.memory_space<vmem>> -> memref<100xi32, #tpu.memory_space<vmem>>
      %dma_wait3A_381 = arith.constant 0 : i32
      %dma_wait3A_382 = arith.constant 0 : i32
      %dma_wait3A_383 = tpu.memref_slice %arg2[%dma_wait3A_381, %dma_wait3A_382] : memref<10000x128xf32, #tpu.memory_space<hbm>> -> memref<10000x128xf32, #tpu.memory_space<hbm>>
      tpu.wait_indirect_dma semaphore(%arg14 : memref<!tpu.dma_semaphore, #tpu.memory_space<semaphore_mem>>) src(%dma_wait3A_383 : memref<10000x128xf32, #tpu.memory_space<hbm>>) dst(%dma_wait3A_377 : memref<100x128xf32, #tpu.memory_space<vmem>>)
      %add3A_384 = arith.constant 0 : i32
      %add3A_385 = arith.addi %mul3A_232, %add3A_384 : i32
      %add3A_386 = arith.constant 3 : i32
      %add3A_387 = arith.addi %add3A_385, %add3A_386 : i32
      %lt3A_388 = arith.constant 100 : i32
      %lt3A_389 = arith.cmpi slt, %add3A_387, %lt3A_388 : i32
      %convert_element_type3A_390 = arith.extui %lt3A_389 : i1 to i32
      %cond3A_391 = arith.constant 0 : i32
      %cond3A_392 = arith.cmpi ne, %convert_element_type3A_390, %cond3A_391 : i32
      scf.if %cond3A_392 {
        %add3A_435 = arith.constant 0 : i32
        %add3A_436 = arith.addi %mul3A_232, %add3A_435 : i32
        %add3A_437 = arith.constant 3 : i32
        %add3A_438 = arith.addi %add3A_436, %add3A_437 : i32
        %dma_start3A_439 = arith.constant 0 : i32
        %dma_start3A_440 = arith.constant 0 : i32
        %dma_start3A_441 = tpu.memref_slice %arg8[%dma_start3A_439, %dma_start3A_440] : memref<3x100xi32, #tpu.memory_space<vmem>> -> memref<1x100xi32, #tpu.memory_space<vmem>>
        %dma_start3A_442 = tpu.memref_squeeze %dma_start3A_441 : memref<1x100xi32, #tpu.memory_space<vmem>> -> memref<100xi32, #tpu.memory_space<vmem>>
        %dma_start3A_443 = arith.constant 0 : i32
        %dma_start3A_444 = tpu.memref_slice %arg4[%arg0, %arg1, %add3A_438, %dma_start3A_443] : memref<2x16x100x100xi32, #tpu.memory_space<hbm>> -> memref<1x1x1x100xi32, #tpu.memory_space<hbm>>
        %dma_start3A_445 = tpu.memref_squeeze %dma_start3A_444 : memref<1x1x1x100xi32, #tpu.memory_space<hbm>> -> memref<100xi32, #tpu.memory_space<hbm>>
        %dma_start3A_446 = arith.constant 0 : i32
        %dma_start3A_447 = tpu.memref_slice %arg8[%dma_start3A_439, %dma_start3A_446] : memref<3x100xi32, #tpu.memory_space<vmem>> -> memref<1x100xi32, #tpu.memory_space<vmem>>
        %dma_start3A_448 = tpu.memref_squeeze %dma_start3A_447 : memref<1x100xi32, #tpu.memory_space<vmem>> -> memref<100xi32, #tpu.memory_space<vmem>>
        %dma_start3A_449 = arith.constant 0 : i32
        %dma_start3A_450 = tpu.memref_slice %arg4[%arg0, %arg1, %add3A_438, %dma_start3A_449] : memref<2x16x100x100xi32, #tpu.memory_space<hbm>> -> memref<1x1x1x100xi32, #tpu.memory_space<hbm>>
        %dma_start3A_451 = tpu.memref_squeeze %dma_start3A_450 : memref<1x1x1x100xi32, #tpu.memory_space<hbm>> -> memref<100xi32, #tpu.memory_space<hbm>>
        tpu.enqueue_dma source(%dma_start3A_451 : memref<100xi32, #tpu.memory_space<hbm>>) target(%dma_start3A_448 : memref<100xi32, #tpu.memory_space<vmem>>) target_semaphore(%arg20 : memref<!tpu.dma_semaphore, #tpu.memory_space<semaphore_mem>>)
        %dma_wait3A_452 = arith.constant 0 : i32
        %dma_wait3A_453 = arith.constant 0 : i32
        %dma_wait3A_454 = arith.constant 0 : i32
        %dma_wait3A_455 = tpu.memref_slice %arg7[%dma_wait3A_453, %dma_wait3A_454] : memref<3x100xi32, #tpu.memory_space<vmem>> -> memref<1x100xi32, #tpu.memory_space<vmem>>
        %dma_wait3A_456 = tpu.memref_squeeze %dma_wait3A_455 : memref<1x100xi32, #tpu.memory_space<vmem>> -> memref<100xi32, #tpu.memory_space<vmem>>
        %dma_wait3A_457 = arith.constant 0 : i32
        %dma_wait3A_458 = tpu.memref_slice %arg3[%arg0, %arg1, %dma_wait3A_452, %dma_wait3A_457] : memref<2x16x100x100xi32, #tpu.memory_space<hbm>> -> memref<1x1x1x100xi32, #tpu.memory_space<hbm>>
        %dma_wait3A_459 = tpu.memref_squeeze %dma_wait3A_458 : memref<1x1x1x100xi32, #tpu.memory_space<hbm>> -> memref<100xi32, #tpu.memory_space<hbm>>
        %dma_wait3A_460 = arith.constant 0 : i32
        %dma_wait3A_461 = tpu.memref_slice %arg7[%dma_wait3A_453, %dma_wait3A_460] : memref<3x100xi32, #tpu.memory_space<vmem>> -> memref<1x100xi32, #tpu.memory_space<vmem>>
        %dma_wait3A_462 = tpu.memref_squeeze %dma_wait3A_461 : memref<1x100xi32, #tpu.memory_space<vmem>> -> memref<100xi32, #tpu.memory_space<vmem>>
        %dma_wait3A_463 = arith.constant 0 : i32
        %dma_wait3A_464 = tpu.memref_slice %arg3[%arg0, %arg1, %dma_wait3A_452, %dma_wait3A_463] : memref<2x16x100x100xi32, #tpu.memory_space<hbm>> -> memref<1x1x1x100xi32, #tpu.memory_space<hbm>>
        %dma_wait3A_465 = tpu.memref_squeeze %dma_wait3A_464 : memref<1x1x1x100xi32, #tpu.memory_space<hbm>> -> memref<100xi32, #tpu.memory_space<hbm>>
        tpu.wait_dma2 semaphore(%arg17 : memref<!tpu.dma_semaphore, #tpu.memory_space<semaphore_mem>>) src(%dma_wait3A_465 : memref<100xi32, #tpu.memory_space<hbm>>) dst(%dma_wait3A_462 : memref<100xi32, #tpu.memory_space<vmem>>)
        %dma_start3A_466 = arith.constant 0 : i32
        %dma_start3A_467 = arith.constant 0 : i32
        %dma_start3A_468 = arith.constant 0 : i32
        %dma_start3A_469 = arith.constant 0 : i32
        %dma_start3A_470 = tpu.memref_slice %arg9[%dma_start3A_467, %dma_start3A_468, %dma_start3A_469] : memref<3x100x128xf32, #tpu.memory_space<vmem>> -> memref<1x100x128xf32, #tpu.memory_space<vmem>>
        %dma_start3A_471 = tpu.memref_squeeze %dma_start3A_470 : memref<1x100x128xf32, #tpu.memory_space<vmem>> -> memref<100x128xf32, #tpu.memory_space<vmem>>
        %dma_start3A_472 = arith.constant 0 : i32
        %dma_start3A_473 = tpu.memref_slice %arg7[%dma_start3A_466, %dma_start3A_472] : memref<3x100xi32, #tpu.memory_space<vmem>> -> memref<1x100xi32, #tpu.memory_space<vmem>>
        %dma_start3A_474 = tpu.memref_squeeze %dma_start3A_473 : memref<1x100xi32, #tpu.memory_space<vmem>> -> memref<100xi32, #tpu.memory_space<vmem>>
        %dma_start3A_475 = arith.constant 0 : i32
        %dma_start3A_476 = arith.constant 0 : i32
        %dma_start3A_477 = tpu.memref_slice %arg2[%dma_start3A_475, %dma_start3A_476] : memref<10000x128xf32, #tpu.memory_space<hbm>> -> memref<10000x128xf32, #tpu.memory_space<hbm>>
        tpu.enqueue_indirect_dma source(%dma_start3A_477 : memref<10000x128xf32, #tpu.memory_space<hbm>>) target(%dma_start3A_471 : memref<100x128xf32, #tpu.memory_space<vmem>>) offsets(%dma_start3A_474 : memref<100xi32, #tpu.memory_space<vmem>>) semaphore(%arg11 : memref<!tpu.dma_semaphore, #tpu.memory_space<semaphore_mem>>)
      } else {
      }
      %dma_wait3A_393 = arith.constant 1 : i32
      %dma_wait3A_394 = arith.constant 1 : i32
      %dma_wait3A_395 = arith.constant 0 : i32
      %dma_wait3A_396 = arith.constant 0 : i32
      %dma_wait3A_397 = tpu.memref_slice %arg9[%dma_wait3A_394, %dma_wait3A_395, %dma_wait3A_396] : memref<3x100x128xf32, #tpu.memory_space<vmem>> -> memref<1x100x128xf32, #tpu.memory_space<vmem>>
      %dma_wait3A_398 = tpu.memref_squeeze %dma_wait3A_397 : memref<1x100x128xf32, #tpu.memory_space<vmem>> -> memref<100x128xf32, #tpu.memory_space<vmem>>
      %dma_wait3A_399 = arith.constant 0 : i32
      %dma_wait3A_400 = tpu.memref_slice %arg7[%dma_wait3A_393, %dma_wait3A_399] : memref<3x100xi32, #tpu.memory_space<vmem>> -> memref<1x100xi32, #tpu.memory_space<vmem>>
      %dma_wait3A_401 = tpu.memref_squeeze %dma_wait3A_400 : memref<1x100xi32, #tpu.memory_space<vmem>> -> memref<100xi32, #tpu.memory_space<vmem>>
      %dma_wait3A_402 = arith.constant 0 : i32
      %dma_wait3A_403 = arith.constant 0 : i32
      %dma_wait3A_404 = tpu.memref_slice %arg2[%dma_wait3A_402, %dma_wait3A_403] : memref<10000x128xf32, #tpu.memory_space<hbm>> -> memref<10000x128xf32, #tpu.memory_space<hbm>>
      tpu.wait_indirect_dma semaphore(%arg15 : memref<!tpu.dma_semaphore, #tpu.memory_space<semaphore_mem>>) src(%dma_wait3A_404 : memref<10000x128xf32, #tpu.memory_space<hbm>>) dst(%dma_wait3A_398 : memref<100x128xf32, #tpu.memory_space<vmem>>)
      %add3A_405 = arith.constant 1 : i32
      %add3A_406 = arith.addi %mul3A_232, %add3A_405 : i32
      %add3A_407 = arith.constant 3 : i32
      %add3A_408 = arith.addi %add3A_406, %add3A_407 : i32
      %lt3A_409 = arith.constant 100 : i32
      %lt3A_410 = arith.cmpi slt, %add3A_408, %lt3A_409 : i32
      %convert_element_type3A_411 = arith.extui %lt3A_410 : i1 to i32
      %cond3A_412 = arith.constant 0 : i32
      %cond3A_413 = arith.cmpi ne, %convert_element_type3A_411, %cond3A_412 : i32
      scf.if %cond3A_413 {
        %add3A_435 = arith.constant 1 : i32
        %add3A_436 = arith.addi %mul3A_232, %add3A_435 : i32
        %add3A_437 = arith.constant 3 : i32
        %add3A_438 = arith.addi %add3A_436, %add3A_437 : i32
        %dma_start3A_439 = arith.constant 1 : i32
        %dma_start3A_440 = arith.constant 0 : i32
        %dma_start3A_441 = tpu.memref_slice %arg8[%dma_start3A_439, %dma_start3A_440] : memref<3x100xi32, #tpu.memory_space<vmem>> -> memref<1x100xi32, #tpu.memory_space<vmem>>
        %dma_start3A_442 = tpu.memref_squeeze %dma_start3A_441 : memref<1x100xi32, #tpu.memory_space<vmem>> -> memref<100xi32, #tpu.memory_space<vmem>>
        %dma_start3A_443 = arith.constant 0 : i32
        %dma_start3A_444 = tpu.memref_slice %arg4[%arg0, %arg1, %add3A_438, %dma_start3A_443] : memref<2x16x100x100xi32, #tpu.memory_space<hbm>> -> memref<1x1x1x100xi32, #tpu.memory_space<hbm>>
        %dma_start3A_445 = tpu.memref_squeeze %dma_start3A_444 : memref<1x1x1x100xi32, #tpu.memory_space<hbm>> -> memref<100xi32, #tpu.memory_space<hbm>>
        %dma_start3A_446 = arith.constant 0 : i32
        %dma_start3A_447 = tpu.memref_slice %arg8[%dma_start3A_439, %dma_start3A_446] : memref<3x100xi32, #tpu.memory_space<vmem>> -> memref<1x100xi32, #tpu.memory_space<vmem>>
        %dma_start3A_448 = tpu.memref_squeeze %dma_start3A_447 : memref<1x100xi32, #tpu.memory_space<vmem>> -> memref<100xi32, #tpu.memory_space<vmem>>
        %dma_start3A_449 = arith.constant 0 : i32
        %dma_start3A_450 = tpu.memref_slice %arg4[%arg0, %arg1, %add3A_438, %dma_start3A_449] : memref<2x16x100x100xi32, #tpu.memory_space<hbm>> -> memref<1x1x1x100xi32, #tpu.memory_space<hbm>>
        %dma_start3A_451 = tpu.memref_squeeze %dma_start3A_450 : memref<1x1x1x100xi32, #tpu.memory_space<hbm>> -> memref<100xi32, #tpu.memory_space<hbm>>
        tpu.enqueue_dma source(%dma_start3A_451 : memref<100xi32, #tpu.memory_space<hbm>>) target(%dma_start3A_448 : memref<100xi32, #tpu.memory_space<vmem>>) target_semaphore(%arg21 : memref<!tpu.dma_semaphore, #tpu.memory_space<semaphore_mem>>)
        %dma_wait3A_452 = arith.constant 0 : i32
        %dma_wait3A_453 = arith.constant 1 : i32
        %dma_wait3A_454 = arith.constant 0 : i32
        %dma_wait3A_455 = tpu.memref_slice %arg7[%dma_wait3A_453, %dma_wait3A_454] : memref<3x100xi32, #tpu.memory_space<vmem>> -> memref<1x100xi32, #tpu.memory_space<vmem>>
        %dma_wait3A_456 = tpu.memref_squeeze %dma_wait3A_455 : memref<1x100xi32, #tpu.memory_space<vmem>> -> memref<100xi32, #tpu.memory_space<vmem>>
        %dma_wait3A_457 = arith.constant 0 : i32
        %dma_wait3A_458 = tpu.memref_slice %arg3[%arg0, %arg1, %dma_wait3A_452, %dma_wait3A_457] : memref<2x16x100x100xi32, #tpu.memory_space<hbm>> -> memref<1x1x1x100xi32, #tpu.memory_space<hbm>>
        %dma_wait3A_459 = tpu.memref_squeeze %dma_wait3A_458 : memref<1x1x1x100xi32, #tpu.memory_space<hbm>> -> memref<100xi32, #tpu.memory_space<hbm>>
        %dma_wait3A_460 = arith.constant 0 : i32
        %dma_wait3A_461 = tpu.memref_slice %arg7[%dma_wait3A_453, %dma_wait3A_460] : memref<3x100xi32, #tpu.memory_space<vmem>> -> memref<1x100xi32, #tpu.memory_space<vmem>>
        %dma_wait3A_462 = tpu.memref_squeeze %dma_wait3A_461 : memref<1x100xi32, #tpu.memory_space<vmem>> -> memref<100xi32, #tpu.memory_space<vmem>>
        %dma_wait3A_463 = arith.constant 0 : i32
        %dma_wait3A_464 = tpu.memref_slice %arg3[%arg0, %arg1, %dma_wait3A_452, %dma_wait3A_463] : memref<2x16x100x100xi32, #tpu.memory_space<hbm>> -> memref<1x1x1x100xi32, #tpu.memory_space<hbm>>
        %dma_wait3A_465 = tpu.memref_squeeze %dma_wait3A_464 : memref<1x1x1x100xi32, #tpu.memory_space<hbm>> -> memref<100xi32, #tpu.memory_space<hbm>>
        tpu.wait_dma2 semaphore(%arg18 : memref<!tpu.dma_semaphore, #tpu.memory_space<semaphore_mem>>) src(%dma_wait3A_465 : memref<100xi32, #tpu.memory_space<hbm>>) dst(%dma_wait3A_462 : memref<100xi32, #tpu.memory_space<vmem>>)
        %dma_start3A_466 = arith.constant 1 : i32
        %dma_start3A_467 = arith.constant 1 : i32
        %dma_start3A_468 = arith.constant 0 : i32
        %dma_start3A_469 = arith.constant 0 : i32
        %dma_start3A_470 = tpu.memref_slice %arg9[%dma_start3A_467, %dma_start3A_468, %dma_start3A_469] : memref<3x100x128xf32, #tpu.memory_space<vmem>> -> memref<1x100x128xf32, #tpu.memory_space<vmem>>
        %dma_start3A_471 = tpu.memref_squeeze %dma_start3A_470 : memref<1x100x128xf32, #tpu.memory_space<vmem>> -> memref<100x128xf32, #tpu.memory_space<vmem>>
        %dma_start3A_472 = arith.constant 0 : i32
        %dma_start3A_473 = tpu.memref_slice %arg7[%dma_start3A_466, %dma_start3A_472] : memref<3x100xi32, #tpu.memory_space<vmem>> -> memref<1x100xi32, #tpu.memory_space<vmem>>
        %dma_start3A_474 = tpu.memref_squeeze %dma_start3A_473 : memref<1x100xi32, #tpu.memory_space<vmem>> -> memref<100xi32, #tpu.memory_space<vmem>>
        %dma_start3A_475 = arith.constant 0 : i32
        %dma_start3A_476 = arith.constant 0 : i32
        %dma_start3A_477 = tpu.memref_slice %arg2[%dma_start3A_475, %dma_start3A_476] : memref<10000x128xf32, #tpu.memory_space<hbm>> -> memref<10000x128xf32, #tpu.memory_space<hbm>>
        tpu.enqueue_indirect_dma source(%dma_start3A_477 : memref<10000x128xf32, #tpu.memory_space<hbm>>) target(%dma_start3A_471 : memref<100x128xf32, #tpu.memory_space<vmem>>) offsets(%dma_start3A_474 : memref<100xi32, #tpu.memory_space<vmem>>) semaphore(%arg12 : memref<!tpu.dma_semaphore, #tpu.memory_space<semaphore_mem>>)
      } else {
      }
      %dma_wait3A_414 = arith.constant 2 : i32
      %dma_wait3A_415 = arith.constant 2 : i32
      %dma_wait3A_416 = arith.constant 0 : i32
      %dma_wait3A_417 = arith.constant 0 : i32
      %dma_wait3A_418 = tpu.memref_slice %arg9[%dma_wait3A_415, %dma_wait3A_416, %dma_wait3A_417] : memref<3x100x128xf32, #tpu.memory_space<vmem>> -> memref<1x100x128xf32, #tpu.memory_space<vmem>>
      %dma_wait3A_419 = tpu.memref_squeeze %dma_wait3A_418 : memref<1x100x128xf32, #tpu.memory_space<vmem>> -> memref<100x128xf32, #tpu.memory_space<vmem>>
      %dma_wait3A_420 = arith.constant 0 : i32
      %dma_wait3A_421 = tpu.memref_slice %arg7[%dma_wait3A_414, %dma_wait3A_420] : memref<3x100xi32, #tpu.memory_space<vmem>> -> memref<1x100xi32, #tpu.memory_space<vmem>>
      %dma_wait3A_422 = tpu.memref_squeeze %dma_wait3A_421 : memref<1x100xi32, #tpu.memory_space<vmem>> -> memref<100xi32, #tpu.memory_space<vmem>>
      %dma_wait3A_423 = arith.constant 0 : i32
      %dma_wait3A_424 = arith.constant 0 : i32
      %dma_wait3A_425 = tpu.memref_slice %arg2[%dma_wait3A_423, %dma_wait3A_424] : memref<10000x128xf32, #tpu.memory_space<hbm>> -> memref<10000x128xf32, #tpu.memory_space<hbm>>
      tpu.wait_indirect_dma semaphore(%arg16 : memref<!tpu.dma_semaphore, #tpu.memory_space<semaphore_mem>>) src(%dma_wait3A_425 : memref<10000x128xf32, #tpu.memory_space<hbm>>) dst(%dma_wait3A_419 : memref<100x128xf32, #tpu.memory_space<vmem>>)
      %add3A_426 = arith.constant 2 : i32
      %add3A_427 = arith.addi %mul3A_232, %add3A_426 : i32
      %add3A_428 = arith.constant 3 : i32
      %add3A_429 = arith.addi %add3A_427, %add3A_428 : i32
      %lt3A_430 = arith.constant 100 : i32
      %lt3A_431 = arith.cmpi slt, %add3A_429, %lt3A_430 : i32
      %convert_element_type3A_432 = arith.extui %lt3A_431 : i1 to i32
      %cond3A_433 = arith.constant 0 : i32
      %cond3A_434 = arith.cmpi ne, %convert_element_type3A_432, %cond3A_433 : i32
      scf.if %cond3A_434 {
        %add3A_435 = arith.constant 2 : i32
        %add3A_436 = arith.addi %mul3A_232, %add3A_435 : i32
        %add3A_437 = arith.constant 3 : i32
        %add3A_438 = arith.addi %add3A_436, %add3A_437 : i32
        %dma_start3A_439 = arith.constant 2 : i32
        %dma_start3A_440 = arith.constant 0 : i32
        %dma_start3A_441 = tpu.memref_slice %arg8[%dma_start3A_439, %dma_start3A_440] : memref<3x100xi32, #tpu.memory_space<vmem>> -> memref<1x100xi32, #tpu.memory_space<vmem>>
        %dma_start3A_442 = tpu.memref_squeeze %dma_start3A_441 : memref<1x100xi32, #tpu.memory_space<vmem>> -> memref<100xi32, #tpu.memory_space<vmem>>
        %dma_start3A_443 = arith.constant 0 : i32
        %dma_start3A_444 = tpu.memref_slice %arg4[%arg0, %arg1, %add3A_438, %dma_start3A_443] : memref<2x16x100x100xi32, #tpu.memory_space<hbm>> -> memref<1x1x1x100xi32, #tpu.memory_space<hbm>>
        %dma_start3A_445 = tpu.memref_squeeze %dma_start3A_444 : memref<1x1x1x100xi32, #tpu.memory_space<hbm>> -> memref<100xi32, #tpu.memory_space<hbm>>
        %dma_start3A_446 = arith.constant 0 : i32
        %dma_start3A_447 = tpu.memref_slice %arg8[%dma_start3A_439, %dma_start3A_446] : memref<3x100xi32, #tpu.memory_space<vmem>> -> memref<1x100xi32, #tpu.memory_space<vmem>>
        %dma_start3A_448 = tpu.memref_squeeze %dma_start3A_447 : memref<1x100xi32, #tpu.memory_space<vmem>> -> memref<100xi32, #tpu.memory_space<vmem>>
        %dma_start3A_449 = arith.constant 0 : i32
        %dma_start3A_450 = tpu.memref_slice %arg4[%arg0, %arg1, %add3A_438, %dma_start3A_449] : memref<2x16x100x100xi32, #tpu.memory_space<hbm>> -> memref<1x1x1x100xi32, #tpu.memory_space<hbm>>
        %dma_start3A_451 = tpu.memref_squeeze %dma_start3A_450 : memref<1x1x1x100xi32, #tpu.memory_space<hbm>> -> memref<100xi32, #tpu.memory_space<hbm>>
        tpu.enqueue_dma source(%dma_start3A_451 : memref<100xi32, #tpu.memory_space<hbm>>) target(%dma_start3A_448 : memref<100xi32, #tpu.memory_space<vmem>>) target_semaphore(%arg22 : memref<!tpu.dma_semaphore, #tpu.memory_space<semaphore_mem>>)
        %dma_wait3A_452 = arith.constant 0 : i32
        %dma_wait3A_453 = arith.constant 2 : i32
        %dma_wait3A_454 = arith.constant 0 : i32
        %dma_wait3A_455 = tpu.memref_slice %arg7[%dma_wait3A_453, %dma_wait3A_454] : memref<3x100xi32, #tpu.memory_space<vmem>> -> memref<1x100xi32, #tpu.memory_space<vmem>>
        %dma_wait3A_456 = tpu.memref_squeeze %dma_wait3A_455 : memref<1x100xi32, #tpu.memory_space<vmem>> -> memref<100xi32, #tpu.memory_space<vmem>>
        %dma_wait3A_457 = arith.constant 0 : i32
        %dma_wait3A_458 = tpu.memref_slice %arg3[%arg0, %arg1, %dma_wait3A_452, %dma_wait3A_457] : memref<2x16x100x100xi32, #tpu.memory_space<hbm>> -> memref<1x1x1x100xi32, #tpu.memory_space<hbm>>
        %dma_wait3A_459 = tpu.memref_squeeze %dma_wait3A_458 : memref<1x1x1x100xi32, #tpu.memory_space<hbm>> -> memref<100xi32, #tpu.memory_space<hbm>>
        %dma_wait3A_460 = arith.constant 0 : i32
        %dma_wait3A_461 = tpu.memref_slice %arg7[%dma_wait3A_453, %dma_wait3A_460] : memref<3x100xi32, #tpu.memory_space<vmem>> -> memref<1x100xi32, #tpu.memory_space<vmem>>
        %dma_wait3A_462 = tpu.memref_squeeze %dma_wait3A_461 : memref<1x100xi32, #tpu.memory_space<vmem>> -> memref<100xi32, #tpu.memory_space<vmem>>
        %dma_wait3A_463 = arith.constant 0 : i32
        %dma_wait3A_464 = tpu.memref_slice %arg3[%arg0, %arg1, %dma_wait3A_452, %dma_wait3A_463] : memref<2x16x100x100xi32, #tpu.memory_space<hbm>> -> memref<1x1x1x100xi32, #tpu.memory_space<hbm>>
        %dma_wait3A_465 = tpu.memref_squeeze %dma_wait3A_464 : memref<1x1x1x100xi32, #tpu.memory_space<hbm>> -> memref<100xi32, #tpu.memory_space<hbm>>
        tpu.wait_dma2 semaphore(%arg19 : memref<!tpu.dma_semaphore, #tpu.memory_space<semaphore_mem>>) src(%dma_wait3A_465 : memref<100xi32, #tpu.memory_space<hbm>>) dst(%dma_wait3A_462 : memref<100xi32, #tpu.memory_space<vmem>>)
        %dma_start3A_466 = arith.constant 2 : i32
        %dma_start3A_467 = arith.constant 2 : i32
        %dma_start3A_468 = arith.constant 0 : i32
        %dma_start3A_469 = arith.constant 0 : i32
        %dma_start3A_470 = tpu.memref_slice %arg9[%dma_start3A_467, %dma_start3A_468, %dma_start3A_469] : memref<3x100x128xf32, #tpu.memory_space<vmem>> -> memref<1x100x128xf32, #tpu.memory_space<vmem>>
        %dma_start3A_471 = tpu.memref_squeeze %dma_start3A_470 : memref<1x100x128xf32, #tpu.memory_space<vmem>> -> memref<100x128xf32, #tpu.memory_space<vmem>>
        %dma_start3A_472 = arith.constant 0 : i32
        %dma_start3A_473 = tpu.memref_slice %arg7[%dma_start3A_466, %dma_start3A_472] : memref<3x100xi32, #tpu.memory_space<vmem>> -> memref<1x100xi32, #tpu.memory_space<vmem>>
        %dma_start3A_474 = tpu.memref_squeeze %dma_start3A_473 : memref<1x100xi32, #tpu.memory_space<vmem>> -> memref<100xi32, #tpu.memory_space<vmem>>
        %dma_start3A_475 = arith.constant 0 : i32
        %dma_start3A_476 = arith.constant 0 : i32
        %dma_start3A_477 = tpu.memref_slice %arg2[%dma_start3A_475, %dma_start3A_476] : memref<10000x128xf32, #tpu.memory_space<hbm>> -> memref<10000x128xf32, #tpu.memory_space<hbm>>
        tpu.enqueue_indirect_dma source(%dma_start3A_477 : memref<10000x128xf32, #tpu.memory_space<hbm>>) target(%dma_start3A_471 : memref<100x128xf32, #tpu.memory_space<vmem>>) offsets(%dma_start3A_474 : memref<100xi32, #tpu.memory_space<vmem>>) semaphore(%arg13 : memref<!tpu.dma_semaphore, #tpu.memory_space<semaphore_mem>>)
      } else {
      }
    }
    %scan3A_169 = arith.constant 33 : i32
    %dma_wait3A_170 = arith.constant 0 : i32
    %dma_wait3A_171 = arith.constant 0 : i32
    %dma_wait3A_172 = arith.constant 0 : i32
    %dma_wait3A_173 = arith.constant 0 : i32
    %dma_wait3A_174 = tpu.memref_slice %arg9[%dma_wait3A_171, %dma_wait3A_172, %dma_wait3A_173] : memref<3x100x128xf32, #tpu.memory_space<vmem>> -> memref<1x100x128xf32, #tpu.memory_space<vmem>>
    %dma_wait3A_175 = tpu.memref_squeeze %dma_wait3A_174 : memref<1x100x128xf32, #tpu.memory_space<vmem>> -> memref<100x128xf32, #tpu.memory_space<vmem>>
    %dma_wait3A_176 = arith.constant 0 : i32
    %dma_wait3A_177 = tpu.memref_slice %arg7[%dma_wait3A_170, %dma_wait3A_176] : memref<3x100xi32, #tpu.memory_space<vmem>> -> memref<1x100xi32, #tpu.memory_space<vmem>>
    %dma_wait3A_178 = tpu.memref_squeeze %dma_wait3A_177 : memref<1x100xi32, #tpu.memory_space<vmem>> -> memref<100xi32, #tpu.memory_space<vmem>>
    %dma_wait3A_179 = arith.constant 0 : i32
    %dma_wait3A_180 = arith.constant 0 : i32
    %dma_wait3A_181 = tpu.memref_slice %arg2[%dma_wait3A_179, %dma_wait3A_180] : memref<10000x128xf32, #tpu.memory_space<hbm>> -> memref<10000x128xf32, #tpu.memory_space<hbm>>
    tpu.wait_indirect_dma semaphore(%arg11 : memref<!tpu.dma_semaphore, #tpu.memory_space<semaphore_mem>>) src(%dma_wait3A_181 : memref<10000x128xf32, #tpu.memory_space<hbm>>) dst(%dma_wait3A_175 : memref<100x128xf32, #tpu.memory_space<vmem>>)
    %dma_wait3A_182 = arith.constant 0 : i32
    %dma_wait3A_183 = arith.constant 0 : i32
    %dma_wait3A_184 = arith.constant 0 : i32
    %dma_wait3A_185 = tpu.memref_slice %arg8[%dma_wait3A_183, %dma_wait3A_184] : memref<3x100xi32, #tpu.memory_space<vmem>> -> memref<1x100xi32, #tpu.memory_space<vmem>>
    %dma_wait3A_186 = tpu.memref_squeeze %dma_wait3A_185 : memref<1x100xi32, #tpu.memory_space<vmem>> -> memref<100xi32, #tpu.memory_space<vmem>>
    %dma_wait3A_187 = arith.constant 0 : i32
    %dma_wait3A_188 = tpu.memref_slice %arg3[%arg0, %arg1, %dma_wait3A_182, %dma_wait3A_187] : memref<2x16x100x100xi32, #tpu.memory_space<hbm>> -> memref<1x1x1x100xi32, #tpu.memory_space<hbm>>
    %dma_wait3A_189 = tpu.memref_squeeze %dma_wait3A_188 : memref<1x1x1x100xi32, #tpu.memory_space<hbm>> -> memref<100xi32, #tpu.memory_space<hbm>>
    %dma_wait3A_190 = arith.constant 0 : i32
    %dma_wait3A_191 = tpu.memref_slice %arg8[%dma_wait3A_183, %dma_wait3A_190] : memref<3x100xi32, #tpu.memory_space<vmem>> -> memref<1x100xi32, #tpu.memory_space<vmem>>
    %dma_wait3A_192 = tpu.memref_squeeze %dma_wait3A_191 : memref<1x100xi32, #tpu.memory_space<vmem>> -> memref<100xi32, #tpu.memory_space<vmem>>
    %dma_wait3A_193 = arith.constant 0 : i32
    %dma_wait3A_194 = tpu.memref_slice %arg3[%arg0, %arg1, %dma_wait3A_182, %dma_wait3A_193] : memref<2x16x100x100xi32, #tpu.memory_space<hbm>> -> memref<1x1x1x100xi32, #tpu.memory_space<hbm>>
    %dma_wait3A_195 = tpu.memref_squeeze %dma_wait3A_194 : memref<1x1x1x100xi32, #tpu.memory_space<hbm>> -> memref<100xi32, #tpu.memory_space<hbm>>
    tpu.wait_dma2 semaphore(%arg20 : memref<!tpu.dma_semaphore, #tpu.memory_space<semaphore_mem>>) src(%dma_wait3A_195 : memref<100xi32, #tpu.memory_space<hbm>>) dst(%dma_wait3A_192 : memref<100xi32, #tpu.memory_space<vmem>>)
    %dma_start3A_196 = arith.constant 0 : i32
    %dma_start3A_197 = arith.constant 0 : i32
    %dma_start3A_198 = arith.constant 0 : i32
    %dma_start3A_199 = arith.constant 0 : i32
    %dma_start3A_200 = tpu.memref_slice %arg9[%dma_start3A_196, %dma_start3A_198, %dma_start3A_199] : memref<3x100x128xf32, #tpu.memory_space<vmem>> -> memref<1x100x128xf32, #tpu.memory_space<vmem>>
    %dma_start3A_201 = tpu.memref_squeeze %dma_start3A_200 : memref<1x100x128xf32, #tpu.memory_space<vmem>> -> memref<100x128xf32, #tpu.memory_space<vmem>>
    %dma_start3A_202 = arith.constant 0 : i32
    %dma_start3A_203 = tpu.memref_slice %arg8[%dma_start3A_197, %dma_start3A_202] : memref<3x100xi32, #tpu.memory_space<vmem>> -> memref<1x100xi32, #tpu.memory_space<vmem>>
    %dma_start3A_204 = tpu.memref_squeeze %dma_start3A_203 : memref<1x100xi32, #tpu.memory_space<vmem>> -> memref<100xi32, #tpu.memory_space<vmem>>
    %dma_start3A_205 = arith.constant 0 : i32
    %dma_start3A_206 = arith.constant 0 : i32
    %dma_start3A_207 = tpu.memref_slice %arg10[%dma_start3A_205, %dma_start3A_206] : memref<10000x128xf32, #tpu.memory_space<vmem_shared>> -> memref<10000x128xf32, #tpu.memory_space<vmem_shared>>
    tpu.enqueue_indirect_dma source(%dma_start3A_201 : memref<100x128xf32, #tpu.memory_space<vmem>>) target(%dma_start3A_207 : memref<10000x128xf32, #tpu.memory_space<vmem_shared>>) offsets(%dma_start3A_204 : memref<100xi32, #tpu.memory_space<vmem>>) semaphore(%arg14 : memref<!tpu.dma_semaphore, #tpu.memory_space<semaphore_mem>>) {add = true}
    %dma_wait3A_208 = arith.constant 0 : i32
    %dma_wait3A_209 = arith.constant 0 : i32
    %dma_wait3A_210 = arith.constant 0 : i32
    %dma_wait3A_211 = arith.constant 0 : i32
    %dma_wait3A_212 = tpu.memref_slice %arg9[%dma_wait3A_209, %dma_wait3A_210, %dma_wait3A_211] : memref<3x100x128xf32, #tpu.memory_space<vmem>> -> memref<1x100x128xf32, #tpu.memory_space<vmem>>
    %dma_wait3A_213 = tpu.memref_squeeze %dma_wait3A_212 : memref<1x100x128xf32, #tpu.memory_space<vmem>> -> memref<100x128xf32, #tpu.memory_space<vmem>>
    %dma_wait3A_214 = arith.constant 0 : i32
    %dma_wait3A_215 = tpu.memref_slice %arg7[%dma_wait3A_208, %dma_wait3A_214] : memref<3x100xi32, #tpu.memory_space<vmem>> -> memref<1x100xi32, #tpu.memory_space<vmem>>
    %dma_wait3A_216 = tpu.memref_squeeze %dma_wait3A_215 : memref<1x100xi32, #tpu.memory_space<vmem>> -> memref<100xi32, #tpu.memory_space<vmem>>
    %dma_wait3A_217 = arith.constant 0 : i32
    %dma_wait3A_218 = arith.constant 0 : i32
    %dma_wait3A_219 = tpu.memref_slice %arg2[%dma_wait3A_217, %dma_wait3A_218] : memref<10000x128xf32, #tpu.memory_space<hbm>> -> memref<10000x128xf32, #tpu.memory_space<hbm>>
    tpu.wait_indirect_dma semaphore(%arg14 : memref<!tpu.dma_semaphore, #tpu.memory_space<semaphore_mem>>) src(%dma_wait3A_219 : memref<10000x128xf32, #tpu.memory_space<hbm>>) dst(%dma_wait3A_213 : memref<100x128xf32, #tpu.memory_space<vmem>>)
    %barrier3A_220 = arith.constant 0 : index
    tpu.barrier barrier_id(%barrier3A_220)
    %mul3A_221 = arith.constant 624 : i32
    %mul3A_222 = arith.muli %arg1, %mul3A_221 : i32
    %mul3A_223 = arith.constant 624 : i32
    %mul3A_224 = arith.muli %arg1, %mul3A_223 : i32
    "tpu.region"() ({
      %run_scoped3A = tpu.sem_alloc : memref<!tpu.dma_semaphore, #tpu.memory_space<semaphore_mem>>
      %dma_start3A_230 = arith.constant 0 : i32
      %dma_start3A_231 = tpu.memref_slice %arg6[%arg0, %mul3A_224, %dma_start3A_230] : memref<2x10000x128xf32, #tpu.memory_space<hbm>> -> memref<1x624x128xf32, #tpu.memory_space<hbm>>
      %dma_start3A_232 = tpu.memref_squeeze %dma_start3A_231 : memref<1x624x128xf32, #tpu.memory_space<hbm>> -> memref<624x128xf32, #tpu.memory_space<hbm>>
      %dma_start3A_233 = arith.constant 0 : i32
      %dma_start3A_234 = tpu.memref_slice %arg10[%mul3A_222, %dma_start3A_233] : memref<10000x128xf32, #tpu.memory_space<vmem_shared>> -> memref<624x128xf32, #tpu.memory_space<vmem_shared>>
      tpu.enqueue_dma source(%dma_start3A_234 : memref<624x128xf32, #tpu.memory_space<vmem_shared>>) target(%dma_start3A_232 : memref<624x128xf32, #tpu.memory_space<hbm>>) target_semaphore(%run_scoped3A : memref<!tpu.dma_semaphore, #tpu.memory_space<semaphore_mem>>)
      %dma_wait3A_235 = arith.constant 0 : i32
      %dma_wait3A_236 = tpu.memref_slice %arg6[%arg0, %mul3A_224, %dma_wait3A_235] : memref<2x10000x128xf32, #tpu.memory_space<hbm>> -> memref<1x624x128xf32, #tpu.memory_space<hbm>>
      %dma_wait3A_237 = tpu.memref_squeeze %dma_wait3A_236 : memref<1x624x128xf32, #tpu.memory_space<hbm>> -> memref<624x128xf32, #tpu.memory_space<hbm>>
      %dma_wait3A_238 = arith.constant 0 : i32
      %dma_wait3A_239 = tpu.memref_slice %arg10[%mul3A_222, %dma_wait3A_238] : memref<10000x128xf32, #tpu.memory_space<vmem_shared>> -> memref<624x128xf32, #tpu.memory_space<vmem_shared>>
      tpu.wait_dma2 semaphore(%run_scoped3A : memref<!tpu.dma_semaphore, #tpu.memory_space<semaphore_mem>>) src(%dma_wait3A_239 : memref<624x128xf32, #tpu.memory_space<vmem_shared>>) dst(%dma_wait3A_237 : memref<624x128xf32, #tpu.memory_space<hbm>>)
      tpu.yield
    }) : () -> ()
    %eq3A_225 = arith.constant 0 : i32
    %eq3A_226 = arith.cmpi eq, %arg1, %eq3A_225 : i32
    %convert_element_type3A_227 = arith.extui %eq3A_226 : i1 to i32
    %cond3A_228 = arith.constant 0 : i32
    %cond3A_229 = arith.cmpi ne, %convert_element_type3A_227, %cond3A_228 : i32
    scf.if %cond3A_229 {
      "tpu.region"() ({
        %run_scoped3A = tpu.sem_alloc : memref<!tpu.dma_semaphore, #tpu.memory_space<semaphore_mem>>
        %dma_start3A_230 = arith.constant 9984 : i32
        %dma_start3A_231 = arith.constant 0 : i32
        %dma_start3A_232 = tpu.memref_slice %arg6[%arg0, %dma_start3A_230, %dma_start3A_231] : memref<2x10000x128xf32, #tpu.memory_space<hbm>> -> memref<1x16x128xf32, #tpu.memory_space<hbm>>
        %dma_start3A_233 = tpu.memref_squeeze %dma_start3A_232 : memref<1x16x128xf32, #tpu.memory_space<hbm>> -> memref<16x128xf32, #tpu.memory_space<hbm>>
        %dma_start3A_234 = arith.constant 9984 : i32
        %dma_start3A_235 = arith.constant 0 : i32
        %dma_start3A_236 = tpu.memref_slice %arg10[%dma_start3A_234, %dma_start3A_235] : memref<10000x128xf32, #tpu.memory_space<vmem_shared>> -> memref<16x128xf32, #tpu.memory_space<vmem_shared>>
        tpu.enqueue_dma source(%dma_start3A_236 : memref<16x128xf32, #tpu.memory_space<vmem_shared>>) target(%dma_start3A_233 : memref<16x128xf32, #tpu.memory_space<hbm>>) target_semaphore(%run_scoped3A : memref<!tpu.dma_semaphore, #tpu.memory_space<semaphore_mem>>)
        %dma_wait3A_237 = arith.constant 9984 : i32
        %dma_wait3A_238 = arith.constant 0 : i32
        %dma_wait3A_239 = tpu.memref_slice %arg6[%arg0, %dma_wait3A_237, %dma_wait3A_238] : memref<2x10000x128xf32, #tpu.memory_space<hbm>> -> memref<1x16x128xf32, #tpu.memory_space<hbm>>
        %dma_wait3A_240 = tpu.memref_squeeze %dma_wait3A_239 : memref<1x16x128xf32, #tpu.memory_space<hbm>> -> memref<16x128xf32, #tpu.memory_space<hbm>>
        %dma_wait3A_241 = arith.constant 9984 : i32
        %dma_wait3A_242 = arith.constant 0 : i32
        %dma_wait3A_243 = tpu.memref_slice %arg10[%dma_wait3A_241, %dma_wait3A_242] : memref<10000x128xf32, #tpu.memory_space<vmem_shared>> -> memref<16x128xf32, #tpu.memory_space<vmem_shared>>
        tpu.wait_dma2 semaphore(%run_scoped3A : memref<!tpu.dma_semaphore, #tpu.memory_space<semaphore_mem>>) src(%dma_wait3A_243 : memref<16x128xf32, #tpu.memory_space<vmem_shared>>) dst(%dma_wait3A_240 : memref<16x128xf32, #tpu.memory_space<hbm>>)
        tpu.yield
      }) : () -> ()
    } else {
    }
    return
  }
}

module attributes {stable_mosaic.version = 14 : i64} {
  func.func @body(%arg0: i32, %arg1: memref<1000x128xf32, #tpu.memory_space<vmem>>, %arg2: memref<128x128xf32, #tpu.memory_space<vmem>>, %arg3: memref<1x128xf32, #tpu.memory_space<vmem>>, %arg4: memref<1000x128xf32, #tpu.memory_space<vmem>>) attributes {dimension_semantics = [#tpu.dimension_semantics<arbitrary>], iteration_bounds = array<i64: 10>, scalar_prefetch = 0 : i64, scratch_operands = 0 : i64, tpu.core_type = #tpu.core_type<tc>, window_params = [{transform_indices = @transform_0, window_bounds = array<i64: 1000, 128>}, {pipeline_mode = #tpu.pipeline_mode<synchronous>, transform_indices = @transform_1, window_bounds = array<i64: 128, 128>}, {pipeline_mode = #tpu.pipeline_mode<synchronous>, transform_indices = @transform_2, window_bounds = array<i64: 1, 128>}, {transform_indices = @transform_3, window_bounds = array<i64: 1000, 128>}]} {
    %get3A = arith.constant 0 : index
    %get3A_0 = arith.constant 0 : index
    %get3A_1 = vector.load %arg1[%get3A, %get3A_0] : memref<1000x128xf32, #tpu.memory_space<vmem>>, vector<1000x128xf32>
    %get3A_2 = arith.constant 0 : index
    %get3A_3 = arith.constant 0 : index
    %get3A_4 = vector.load %arg2[%get3A_2, %get3A_3] : memref<128x128xf32, #tpu.memory_space<vmem>>, vector<128x128xf32>
    %dot_general3A = arith.constant dense<0.000000e+00> : vector<1000x128xf32>
    %dot_general3A_5 = tpu.matmul %get3A_1, %get3A_4, %dot_general3A {dimension_numbers = #tpu.dot_dimension_numbers<[1], [0], [0], [1], [0, 0, 1, 1], [], []>, transpose_lhs_hint = false} : vector<1000x128xf32>, vector<128x128xf32>, vector<1000x128xf32> -> vector<1000x128xf32>
    %get3A_6 = arith.constant 0 : index
    %get3A_7 = arith.constant 0 : index
    %get3A_8 = vector.load %arg3[%get3A_6, %get3A_7] : memref<1x128xf32, #tpu.memory_space<vmem>>, vector<1x128xf32>
    %add3A = vector.broadcast %get3A_8 : vector<1x128xf32> to vector<1000x128xf32>
    %add3A_9 = arith.addf %dot_general3A_5, %add3A : vector<1000x128xf32>
    %swap3A = arith.constant 0 : index
    %swap3A_10 = arith.constant 0 : index
    %swap3A_11 = vector.load %arg4[%swap3A, %swap3A_10] : memref<1000x128xf32, #tpu.memory_space<vmem>>, vector<1000x128xf32>
    tpu.vector_store %arg4[%swap3A, %swap3A_10], %add3A_9 {strides = array<i32>} : memref<1000x128xf32, #tpu.memory_space<vmem>>, vector<1000x128xf32>,
    return
  }
  func.func @transform_0(%arg0: i32) -> (i32, i32) {
    %c0_i32 = arith.constant 0 : i32
    %c0_i32_0 = arith.constant 0 : i32
    return %arg0, %c0_i32 : i32, i32
  }
  func.func @transform_1(%arg0: i32) -> (i32, i32) {
    %c0_i32 = arith.constant 0 : i32
    %c0_i32_0 = arith.constant 0 : i32
    %c0_i32_1 = arith.constant 0 : i32
    return %c0_i32, %c0_i32_0 : i32, i32
  }
  func.func @transform_2(%arg0: i32) -> (i32, i32) {
    %c0_i32 = arith.constant 0 : i32
    %c0_i32_0 = arith.constant 0 : i32
    %c0_i32_1 = arith.constant 0 : i32
    return %c0_i32, %c0_i32_0 : i32, i32
  }
  func.func @transform_3(%arg0: i32) -> (i32, i32) {
    %c0_i32 = arith.constant 0 : i32
    %c0_i32_0 = arith.constant 0 : i32
    return %arg0, %c0_i32 : i32, i32
  }
}

module attributes {stable_mosaic.version = 14 : i64} {
  func.func @body(%arg0: i32, %arg1: memref<1000x128xf32, #tpu.memory_space<vmem>>, %arg2: memref<1000x128xf32, #tpu.memory_space<vmem>>, %arg3: memref<1000x128xf32, #tpu.memory_space<vmem>>, %arg4: memref<128x256xf32, #tpu.memory_space<vmem>>, %arg5: memref<1x256xf32, #tpu.memory_space<vmem>>, %arg6: memref<256x128xf32, #tpu.memory_space<vmem>>, %arg7: memref<1x128xf32, #tpu.memory_space<vmem>>, %arg8: memref<1000x128xf32, #tpu.memory_space<vmem>>) attributes {dimension_semantics = [#tpu.dimension_semantics<arbitrary>], iteration_bounds = array<i64: 10>, scalar_prefetch = 0 : i64, scratch_operands = 0 : i64, tpu.core_type = #tpu.core_type<tc>, window_params = [{transform_indices = @transform_0, window_bounds = array<i64: 1000, 128>}, {transform_indices = @transform_1, window_bounds = array<i64: 1000, 128>}, {transform_indices = @transform_2, window_bounds = array<i64: 1000, 128>}, {pipeline_mode = #tpu.pipeline_mode<synchronous>, transform_indices = @transform_3, window_bounds = array<i64: 128, 256>}, {pipeline_mode = #tpu.pipeline_mode<synchronous>, transform_indices = @transform_4, window_bounds = array<i64: 1, 256>}, {pipeline_mode = #tpu.pipeline_mode<synchronous>, transform_indices = @transform_5, window_bounds = array<i64: 256, 128>}, {pipeline_mode = #tpu.pipeline_mode<synchronous>, transform_indices = @transform_6, window_bounds = array<i64: 1, 128>}, {transform_indices = @transform_7, window_bounds = array<i64: 1000, 128>}]} {
    %get3A = arith.constant 0 : index
    %get3A_0 = arith.constant 0 : index
    %get3A_1 = vector.load %arg1[%get3A, %get3A_0] : memref<1000x128xf32, #tpu.memory_space<vmem>>, vector<1000x128xf32>
    %get3A_2 = arith.constant 0 : index
    %get3A_3 = arith.constant 0 : index
    %get3A_4 = vector.load %arg2[%get3A_2, %get3A_3] : memref<1000x128xf32, #tpu.memory_space<vmem>>, vector<1000x128xf32>
    %add3A = arith.addf %get3A_1, %get3A_4 : vector<1000x128xf32>
    %get3A_5 = arith.constant 0 : index
    %get3A_6 = arith.constant 0 : index
    %get3A_7 = vector.load %arg3[%get3A_5, %get3A_6] : memref<1000x128xf32, #tpu.memory_space<vmem>>, vector<1000x128xf32>
    %add3A_8 = arith.addf %add3A, %get3A_7 : vector<1000x128xf32>
    %get3A_9 = arith.constant 0 : index
    %get3A_10 = arith.constant 0 : index
    %get3A_11 = vector.load %arg4[%get3A_9, %get3A_10] : memref<128x256xf32, #tpu.memory_space<vmem>>, vector<128x256xf32>
    %dot_general3A = arith.constant dense<0.000000e+00> : vector<1000x256xf32>
    %dot_general3A_12 = tpu.matmul %add3A_8, %get3A_11, %dot_general3A {dimension_numbers = #tpu.dot_dimension_numbers<[1], [0], [0], [1], [0, 0, 1, 1], [], []>, transpose_lhs_hint = false} : vector<1000x128xf32>, vector<128x256xf32>, vector<1000x256xf32> -> vector<1000x256xf32>
    %get3A_13 = arith.constant 0 : index
    %get3A_14 = arith.constant 0 : index
    %get3A_15 = vector.load %arg5[%get3A_13, %get3A_14] : memref<1x256xf32, #tpu.memory_space<vmem>>, vector<1x256xf32>
    %add3A_16 = vector.broadcast %get3A_15 : vector<1x256xf32> to vector<1000x256xf32>
    %add3A_17 = arith.addf %dot_general3A_12, %add3A_16 : vector<1000x256xf32>
    %max3A = arith.constant 0.000000e+00 : f32
    %max3A_18 = vector.broadcast %max3A : f32 to vector<1000x256xf32>
    %max3A_19 = arith.maximumf %add3A_17, %max3A_18 : vector<1000x256xf32>
    %get3A_20 = arith.constant 0 : index
    %get3A_21 = arith.constant 0 : index
    %get3A_22 = vector.load %arg6[%get3A_20, %get3A_21] : memref<256x128xf32, #tpu.memory_space<vmem>>, vector<256x128xf32>
    %dot_general3A_23 = arith.constant dense<0.000000e+00> : vector<1000x128xf32>
    %dot_general3A_24 = tpu.matmul %max3A_19, %get3A_22, %dot_general3A_23 {dimension_numbers = #tpu.dot_dimension_numbers<[1], [0], [0], [1], [0, 0, 1, 1], [], []>, transpose_lhs_hint = false} : vector<1000x256xf32>, vector<256x128xf32>, vector<1000x128xf32> -> vector<1000x128xf32>
    %get3A_25 = arith.constant 0 : index
    %get3A_26 = arith.constant 0 : index
    %get3A_27 = vector.load %arg7[%get3A_25, %get3A_26] : memref<1x128xf32, #tpu.memory_space<vmem>>, vector<1x128xf32>
    %add3A_28 = vector.broadcast %get3A_27 : vector<1x128xf32> to vector<1000x128xf32>
    %add3A_29 = arith.addf %dot_general3A_24, %add3A_28 : vector<1000x128xf32>
    %max3A_30 = arith.constant 0.000000e+00 : f32
    %max3A_31 = vector.broadcast %max3A_30 : f32 to vector<1000x128xf32>
    %max3A_32 = arith.maximumf %add3A_29, %max3A_31 : vector<1000x128xf32>
    %add3A_33 = arith.addf %get3A_1, %max3A_32 : vector<1000x128xf32>
    %swap3A = arith.constant 0 : index
    %swap3A_34 = arith.constant 0 : index
    %swap3A_35 = vector.load %arg8[%swap3A, %swap3A_34] : memref<1000x128xf32, #tpu.memory_space<vmem>>, vector<1000x128xf32>
    tpu.vector_store %arg8[%swap3A, %swap3A_34], %add3A_33 {strides = array<i32>} : memref<1000x128xf32, #tpu.memory_space<vmem>>, vector<1000x128xf32>,
    return
  }
  func.func @transform_0(%arg0: i32) -> (i32, i32) {
    %c0_i32 = arith.constant 0 : i32
    %c0_i32_0 = arith.constant 0 : i32
    return %arg0, %c0_i32 : i32, i32
  }
  func.func @transform_1(%arg0: i32) -> (i32, i32) {
    %c0_i32 = arith.constant 0 : i32
    %c0_i32_0 = arith.constant 0 : i32
    return %arg0, %c0_i32 : i32, i32
  }
  func.func @transform_2(%arg0: i32) -> (i32, i32) {
    %c0_i32 = arith.constant 0 : i32
    %c0_i32_0 = arith.constant 0 : i32
    return %arg0, %c0_i32 : i32, i32
  }
  func.func @transform_3(%arg0: i32) -> (i32, i32) {
    %c0_i32 = arith.constant 0 : i32
    %c0_i32_0 = arith.constant 0 : i32
    %c0_i32_1 = arith.constant 0 : i32
    return %c0_i32, %c0_i32_0 : i32, i32
  }
  func.func @transform_4(%arg0: i32) -> (i32, i32) {
    %c0_i32 = arith.constant 0 : i32
    %c0_i32_0 = arith.constant 0 : i32
    %c0_i32_1 = arith.constant 0 : i32
    return %c0_i32, %c0_i32_0 : i32, i32
  }
  func.func @transform_5(%arg0: i32) -> (i32, i32) {
    %c0_i32 = arith.constant 0 : i32
    %c0_i32_0 = arith.constant 0 : i32
    %c0_i32_1 = arith.constant 0 : i32
    return %c0_i32, %c0_i32_0 : i32, i32
  }
  func.func @transform_6(%arg0: i32) -> (i32, i32) {
    %c0_i32 = arith.constant 0 : i32
    %c0_i32_0 = arith.constant 0 : i32
    %c0_i32_1 = arith.constant 0 : i32
    return %c0_i32, %c0_i32_0 : i32, i32
  }
  func.func @transform_7(%arg0: i32) -> (i32, i32) {
    %c0_i32 = arith.constant 0 : i32
    %c0_i32_0 = arith.constant 0 : i32
    return %arg0, %c0_i32 : i32, i32
  }
}

module attributes {stable_mosaic.version = 14 : i64} {
  func.func @body(%arg0: i32, %arg1: memref<1000x128xf32, #tpu.memory_space<vmem>>, %arg2: memref<128x128xf32, #tpu.memory_space<vmem>>, %arg3: memref<1x128xf32, #tpu.memory_space<vmem>>, %arg4: memref<128x128xf32, #tpu.memory_space<vmem>>, %arg5: memref<1x128xf32, #tpu.memory_space<vmem>>, %arg6: memref<1x128xf32, #tpu.memory_space<vmem>>, %arg7: memref<1x128xf32, #tpu.memory_space<vmem>>) attributes {dimension_semantics = [#tpu.dimension_semantics<arbitrary>], iteration_bounds = array<i64: 10>, scalar_prefetch = 0 : i64, scratch_operands = 1 : i64, tpu.core_type = #tpu.core_type<tc>, window_params = [{transform_indices = @transform_0, window_bounds = array<i64: 1000, 128>}, {pipeline_mode = #tpu.pipeline_mode<synchronous>, transform_indices = @transform_1, window_bounds = array<i64: 128, 128>}, {pipeline_mode = #tpu.pipeline_mode<synchronous>, transform_indices = @transform_2, window_bounds = array<i64: 1, 128>}, {pipeline_mode = #tpu.pipeline_mode<synchronous>, transform_indices = @transform_3, window_bounds = array<i64: 128, 128>}, {pipeline_mode = #tpu.pipeline_mode<synchronous>, transform_indices = @transform_4, window_bounds = array<i64: 1, 128>}, {pipeline_mode = #tpu.pipeline_mode<synchronous>, transform_indices = @transform_5, window_bounds = array<i64: 1, 128>}]} {
    %eq3A = arith.constant 0 : i32
    %eq3A_0 = arith.cmpi eq, %arg0, %eq3A : i32
    %convert_element_type3A = arith.extui %eq3A_0 : i1 to i32
    %cond3A = arith.constant 0 : i32
    %cond3A_1 = arith.cmpi ne, %convert_element_type3A, %cond3A : i32
    scf.if %cond3A_1 {
      %broadcast_in_dim3A_15 = arith.constant 0.000000e+00 : f32
      %broadcast_in_dim3A_16 = vector.broadcast %broadcast_in_dim3A_15 : f32 to vector<1x128xf32>
      %swap3A_17 = arith.constant 0 : index
      %swap3A_18 = arith.constant 0 : index
      %swap3A_19 = vector.load %arg7[%swap3A_17, %swap3A_18] : memref<1x128xf32, #tpu.memory_space<vmem>>, vector<1x128xf32>
      tpu.vector_store %arg7[%swap3A_17, %swap3A_18], %broadcast_in_dim3A_16 {strides = array<i32>} : memref<1x128xf32, #tpu.memory_space<vmem>>, vector<1x128xf32>,
    } else {
    }
    %get3A = arith.constant 0 : index
    %get3A_2 = arith.constant 0 : index
    %get3A_3 = vector.load %arg7[%get3A, %get3A_2] : memref<1x128xf32, #tpu.memory_space<vmem>>, vector<1x128xf32>
    %get3A_4 = arith.constant 0 : index
    %get3A_5 = arith.constant 0 : index
    %get3A_6 = vector.load %arg1[%get3A_4, %get3A_5] : memref<1000x128xf32, #tpu.memory_space<vmem>>, vector<1000x128xf32>
    %reduce_sum3A = arith.constant dense<0.000000e+00> : vector<128xf32>
    %reduce_sum3A_7 = vector.multi_reduction <add>, %get3A_6, %reduce_sum3A [0] : vector<1000x128xf32> to vector<128xf32>
    %broadcast_in_dim3A = vector.shape_cast %reduce_sum3A_7 : vector<128xf32> to vector<1x128xf32>
    %add3A = arith.addf %get3A_3, %broadcast_in_dim3A : vector<1x128xf32>
    %swap3A = arith.constant 0 : index
    %swap3A_8 = arith.constant 0 : index
    %swap3A_9 = vector.load %arg7[%swap3A, %swap3A_8] : memref<1x128xf32, #tpu.memory_space<vmem>>, vector<1x128xf32>
    tpu.vector_store %arg7[%swap3A, %swap3A_8], %add3A {strides = array<i32>} : memref<1x128xf32, #tpu.memory_space<vmem>>, vector<1x128xf32>,
    %eq3A_10 = arith.constant 9 : i32
    %eq3A_11 = arith.cmpi eq, %arg0, %eq3A_10 : i32
    %convert_element_type3A_12 = arith.extui %eq3A_11 : i1 to i32
    %cond3A_13 = arith.constant 0 : i32
    %cond3A_14 = arith.cmpi ne, %convert_element_type3A_12, %cond3A_13 : i32
    scf.if %cond3A_14 {
      %get3A_15 = arith.constant 0 : index
      %get3A_16 = arith.constant 0 : index
      %get3A_17 = vector.load %arg7[%get3A_15, %get3A_16] : memref<1x128xf32, #tpu.memory_space<vmem>>, vector<1x128xf32>
      %get3A_18 = arith.constant 0 : index
      %get3A_19 = arith.constant 0 : index
      %get3A_20 = vector.load %arg2[%get3A_18, %get3A_19] : memref<128x128xf32, #tpu.memory_space<vmem>>, vector<128x128xf32>
      %dot_general3A = arith.constant dense<0.000000e+00> : vector<1x128xf32>
      %dot_general3A_21 = tpu.matmul %get3A_17, %get3A_20, %dot_general3A {dimension_numbers = #tpu.dot_dimension_numbers<[1], [0], [0], [1], [0, 0, 1, 1], [], []>, transpose_lhs_hint = false} : vector<1x128xf32>, vector<128x128xf32>, vector<1x128xf32> -> vector<1x128xf32>
      %get3A_22 = arith.constant 0 : index
      %get3A_23 = arith.constant 0 : index
      %get3A_24 = vector.load %arg3[%get3A_22, %get3A_23] : memref<1x128xf32, #tpu.memory_space<vmem>>, vector<1x128xf32>
      %add3A_25 = arith.addf %dot_general3A_21, %get3A_24 : vector<1x128xf32>
      %max3A = arith.constant 0.000000e+00 : f32
      %max3A_26 = vector.broadcast %max3A : f32 to vector<1x128xf32>
      %max3A_27 = arith.maximumf %add3A_25, %max3A_26 : vector<1x128xf32>
      %get3A_28 = arith.constant 0 : index
      %get3A_29 = arith.constant 0 : index
      %get3A_30 = vector.load %arg4[%get3A_28, %get3A_29] : memref<128x128xf32, #tpu.memory_space<vmem>>, vector<128x128xf32>
      %dot_general3A_31 = arith.constant dense<0.000000e+00> : vector<1x128xf32>
      %dot_general3A_32 = tpu.matmul %max3A_27, %get3A_30, %dot_general3A_31 {dimension_numbers = #tpu.dot_dimension_numbers<[1], [0], [0], [1], [0, 0, 1, 1], [], []>, transpose_lhs_hint = false} : vector<1x128xf32>, vector<128x128xf32>, vector<1x128xf32> -> vector<1x128xf32>
      %get3A_33 = arith.constant 0 : index
      %get3A_34 = arith.constant 0 : index
      %get3A_35 = vector.load %arg5[%get3A_33, %get3A_34] : memref<1x128xf32, #tpu.memory_space<vmem>>, vector<1x128xf32>
      %add3A_36 = arith.addf %dot_general3A_32, %get3A_35 : vector<1x128xf32>
      %swap3A_37 = arith.constant 0 : index
      %swap3A_38 = arith.constant 0 : index
      %swap3A_39 = vector.load %arg6[%swap3A_37, %swap3A_38] : memref<1x128xf32, #tpu.memory_space<vmem>>, vector<1x128xf32>
      tpu.vector_store %arg6[%swap3A_37, %swap3A_38], %add3A_36 {strides = array<i32>} : memref<1x128xf32, #tpu.memory_space<vmem>>, vector<1x128xf32>,
    } else {
    }
    return
  }
  func.func @transform_0(%arg0: i32) -> (i32, i32) {
    %c0_i32 = arith.constant 0 : i32
    %c0_i32_0 = arith.constant 0 : i32
    return %arg0, %c0_i32 : i32, i32
  }
  func.func @transform_1(%arg0: i32) -> (i32, i32) {
    %c0_i32 = arith.constant 0 : i32
    %c0_i32_0 = arith.constant 0 : i32
    %c0_i32_1 = arith.constant 0 : i32
    return %c0_i32, %c0_i32_0 : i32, i32
  }
  func.func @transform_2(%arg0: i32) -> (i32, i32) {
    %c0_i32 = arith.constant 0 : i32
    %c0_i32_0 = arith.constant 0 : i32
    %c0_i32_1 = arith.constant 0 : i32
    return %c0_i32, %c0_i32_0 : i32, i32
  }
  func.func @transform_3(%arg0: i32) -> (i32, i32) {
    %c0_i32 = arith.constant 0 : i32
    %c0_i32_0 = arith.constant 0 : i32
    %c0_i32_1 = arith.constant 0 : i32
    return %c0_i32, %c0_i32_0 : i32, i32
  }
  func.func @transform_4(%arg0: i32) -> (i32, i32) {
    %c0_i32 = arith.constant 0 : i32
    %c0_i32_0 = arith.constant 0 : i32
    %c0_i32_1 = arith.constant 0 : i32
    return %c0_i32, %c0_i32_0 : i32, i32
  }
  func.func @transform_5(%arg0: i32) -> (i32, i32) {
    %c0_i32 = arith.constant 0 : i32
    %c0_i32_0 = arith.constant 0 : i32
    %c0_i32_1 = arith.constant 0 : i32
    return %c0_i32, %c0_i32_0 : i32, i32
  }
}

</mosaic_0001>

<sc_bundles>
// kernel: kernel.12.cloned.1.call-start
scs
__scs_entry_jumppad:
0x0: {  	(pc) =	sbr.rel $0x88, $3  }
0x1: {  	(tag) =	ssettag $0x0;
	lr =	simm.s32 $0x1  }
0x2: {  	[smem:$0x3F8D] =	sst lr;
	_ =	strace $0xD0000000  }
0x3: {  	_ = 	snop  }
0x4: {  	_ = 	snop  }
0x5: {  	_ = 	snop  }
0x6: {  	_ = 	snop  }
0x7: {  	_ = 	snop  }
__scs_overlays_trampoline_lowered:
0x8: {  	[smem:$0x3F9C] =	sst s0  }
0x9: {  	[smem:$0x3F9D] =	sst s1  }
0xa: {  	[smem:$0x3F9E] =	sst s2  }
0xb: {  	[smem:$0x3F9F] =	sst s3  }
0xc: {  	[smem:$0x3FA0] =	sst s4  }
0xd: {  	[smem:$0x3FA1] =	sst s5  }
0xe: {  	[smem:$0x3FA2] =	sst s6  }
0xf: {  	[smem:$0x3FA3] =	sst s7  }
0x10: {  	[smem:$0x3FA4] =	sst s8  }
0x11: {  	[smem:$0x3FA5] =	sst s9;
	s0 =	simm.s32 @!p0 $0x0  }
0x12: {  	s1 =	sld [smem:$0x3F8B];
	s0 =	simm.s32 @p0 $0x1  }
0x13: {  	[smem:$0x3FA6] =	sst s0;
	s0 =	simm.s32 @!p1 $0x0  }
0x14: {  	s2 =	sld [smem:$0x3F8A];
	s0 =	simm.s32 @p1 $0x1  }
0x15: {  	[smem:$0x3FA7] =	sst s0;
	s0 =	simm.s32 @!p2 $0x0  }
0x16: {  	s3 =	sld [smem:$0x3FDB];
	s0 =	simm.s32 @p2 $0x1  }
0x17: {  	s4 =	simm.s32 $0x1BF5;
	[smem:$0x3FA9] =	sst s0  }
0x18: {  	s0 =	sld [smem:$0x3F8C];
	_ =	swait.ge [sflag:s4], $0x0  }
0x19: {  	s7 =	sld [smem:$0x3F8D]  }
0x1a: {  	s8 =	sadd.s32 $0xFFFFE003, lr  }
0x1b: {  	s9 =	sadd.s32 $0xFFFFFEF7, lr;
	s5 =	simm.s32 $0xFFFFFFFF;
	p2 =	slt.u32 s8, $0xFFFFF086  }
0x1c: {  	p1 =	slt.u32 s9, $0xF7A;
	s5 =	simm.s32 @!p2 $0x0  }
0x1d: {  	s5 =	simm.s32 @p1 $0x1;
	p0 =	seq.s32 s7, s2  }
0x1e: {  	s7 =	smul.u32 @!p0 $0xF7A, s2;
	p2 =	seq.s32 @!p0 s5, $0x0  }
0x1f: {  	s9 =	smul.u32 $0xF7A, s1;
	s8 =	simm.s32 @!p0 $0x1BF5;
	p2 =	por !p2, p0  }
0x20: {  	[sflag:s8] =	ssyncset.s32 @!p0 $0xFFFFF086;
	s6 =	sadd.s32 @!p0 s3, s7;
	s7 =	simm.s32 @!p0 $0x108  }
0x21: {  	s3 =	sadd.s32 s3, s9;
	s6 =	sadd.s32 @!p0 $0x88, s6;
	s7 =	simm.s32 @p2 $0x1082  }
0x22: {  	[simem:s7], [sflag:s8] =	dma.local @!p0 [hbm:s6], $0xF7A  }
0x23: {  	s9 =	sor.u32 $0xD0000000, s2;
	s6 =	simm.s32 $0x108;
	_ =	swait.ge @!p0 [sflag:s8], $0x0  }
0x24: {  	s3 =	sadd.s32 $0x88, s3;
	s6 =	simm.s32 @!p1 $0x1082;
	[sflag:s4] =	ssyncset.s32 $0xFFFFF086  }
0x25: {  	[simem:s6], [sflag:s4] =	dma.local [hbm:s3], $0xF7A  }
0x26: {  	[smem:$0x3F8D] =	sst s1;
	(tag) =	ssettag s2;
	_ =	strace s9  }
0x27: {  	s1 =	sld [smem:$0x3F9D]  }
0x28: {  	s2 =	sld [smem:$0x3F9E]  }
0x29: {  	s4 =	sld [smem:$0x3FA0]  }
0x2a: {  	p0 =	seq.s32 s5, $0x0;
	s5 =	sld [smem:$0x3FA1]  }
0x2b: {  	s6 =	sld [smem:$0x3FA2]  }
0x2c: {  	s7 =	sld [smem:$0x3FA3]  }
0x2d: {  	s3 =	simm.s32 $0x108;
	s8 =	sld [smem:$0x3FA4]  }
0x2e: {  	s3 =	simm.s32 @!p0 $0x1082;
	s9 =	sld [smem:$0x3FA5]  }
0x2f: {  	lr =	sadd.s32 s0, s3;
	s0 =	sld [smem:$0x3F9C]  }
0x30: {  	s3 =	sld [smem:$0x3F9F]  }
0x31: {  	[smem:$0x3FA8] =	sst s10  }
0x32: {  	s10 =	sld [smem:$0x3FA6];
	_ =	sdelay $0x3  }
0x33: {  	p0 =	seq.s32 s10, $0x1;
	s10 =	sld [smem:$0x3FA8];
	_ =	sdelay $0x3  }
0x34: {  	[smem:$0x3FA8] =	sst s10  }
0x35: {  	s10 =	sld [smem:$0x3FA7];
	_ =	sdelay $0x3  }
0x36: {  	p1 =	seq.s32 s10, $0x1;
	s10 =	sld [smem:$0x3FA8];
	_ =	sdelay $0x3  }
0x37: {  	[smem:$0x3FA8] =	sst s10  }
0x38: {  	s10 =	sld [smem:$0x3FA9]  }
0x39: {  	_ = 	snop;
	(pc) =	sbr.ind lr, $3  }
0x3a: {  	_ = 	snop  }
0x3b: {  	_ = 	snop  }
0x3c: {  	p2 =	seq.s32 s10, $0x1;
	s10 =	sld [smem:$0x3FA8]  }
0x3d: {  	_ =	shalt  }
0x3e: {  	_ =	shalt  }
0x3f: {  	_ =	shalt  }
0x40: {  	_ =	shalt  }
0x41: {  	_ =	shalt  }
0x42: {  	_ =	shalt  }
0x43: {  	_ =	shalt  }
0x44: {  	_ =	shalt  }
0x45: {  	_ =	shalt  }
0x46: {  	_ =	shalt  }
0x47: {  	_ =	shalt  }
0x48: {  	_ =	shalt  }
0x49: {  	_ =	shalt  }
0x4a: {  	_ =	shalt  }
0x4b: {  	_ =	shalt  }
0x4c: {  	_ =	shalt  }
0x4d: {  	_ =	shalt  }
0x4e: {  	_ =	shalt  }
0x4f: {  	_ =	shalt  }
0x50: {  	_ =	shalt  }
0x51: {  	_ =	shalt  }
0x52: {  	_ =	shalt  }
0x53: {  	_ =	shalt  }
0x54: {  	_ =	shalt  }
0x55: {  	_ =	shalt  }
0x56: {  	_ =	shalt  }
0x57: {  	_ =	shalt  }
0x58: {  	_ =	shalt  }
0x59: {  	_ =	shalt  }
0x5a: {  	_ =	shalt  }
0x5b: {  	_ =	shalt  }
0x5c: {  	_ =	shalt  }
0x5d: {  	_ =	shalt  }
0x5e: {  	_ =	shalt  }
0x5f: {  	_ =	shalt  }
0x60: {  	_ =	shalt  }
0x61: {  	_ =	shalt  }
0x62: {  	_ =	shalt  }
0x63: {  	_ =	shalt  }
0x64: {  	_ =	shalt  }
0x65: {  	_ =	shalt  }
0x66: {  	_ =	shalt  }
0x67: {  	_ =	shalt  }
0x68: {  	_ =	shalt  }
0x69: {  	_ =	shalt  }
0x6a: {  	_ =	shalt  }
0x6b: {  	_ =	shalt  }
0x6c: {  	_ =	shalt  }
0x6d: {  	_ =	shalt  }
0x6e: {  	_ =	shalt  }
0x6f: {  	_ =	shalt  }
0x70: {  	_ =	shalt  }
0x71: {  	_ =	shalt  }
0x72: {  	_ =	shalt  }
0x73: {  	_ =	shalt  }
0x74: {  	_ =	shalt  }
0x75: {  	_ =	shalt  }
0x76: {  	_ =	shalt  }
0x77: {  	_ =	shalt  }
0x78: {  	_ =	shalt  }
0x79: {  	_ =	shalt  }
0x7a: {  	_ =	shalt  }
0x7b: {  	_ =	shalt  }
0x7c: {  	_ =	shalt  }
0x7d: {  	_ =	shalt  }
0x7e: {  	_ =	shalt  }
0x7f: {  	_ =	shalt  }
0x80: {  	_ =	shalt  }
0x81: {  	_ =	shalt  }
0x82: {  	_ =	shalt  }
0x83: {  	_ =	shalt  }
0x84: {  	_ =	shalt  }
0x85: {  	_ =	shalt  }
0x86: {  	_ =	shalt  }
0x87: {  	_ =	shalt  }
.Lfunc_end0:
.L_simem_size_0:
called_computation_lowered:
.L_overlay_start_0:
0x88: {  	s2 =	sld [smem:$0x3FD9]  }
0x89: {  	s3 =	sld [smem:$0x3FFE];
	_ =	sdelay $0x1  }
0x8a: {  	s1 =	srdreg.scid  }
0x8b: {  	s0 =	sand.u32 $0x1, s1  }
0x8c: {  	s16 =	sshll.u32 s0, $0xA;
	s2 =	sadd.s32 s3, s2  }
0x8d: {  	s2 =	sadd.s32 s2, s16  }
0x8e: {  	[smem:$0x3FB4] =	sst s2  }
0x8f: {  	_ = 	snop  }
0x90: {  	(tm) =	ssettm $0x1  }
0x91: {  	s17 =	sld [smem:$0x3FFB];
	_ =	sdelay $0x3  }
0x92: {  	_ =	strace s17  }
0x93: {  	s2 =	sld [smem:$0x3FFC];
	_ =	sdelay $0x3  }
0x94: {  	_ =	strace s2  }
0x95: {  	s2 =	sld [smem:$0x3FFD];
	_ =	sdelay $0x3  }
0x96: {  	_ =	strace s2  }
0x97: {  	_ =	strace $0x8FFFFFFF  }
0x98: {  	s18 =	sld [smem:$0x3FDB];
	_ =	sdelay $0x1  }
0x99: {  	s19 =	simm.s32 $_scs_section_size  }
0x9a: {  	s4 =	simm.s32 $_size__tile_overlayer_lowered;
	s5 =	simm.s32 $_tile_overlayer_lowered  }
0x9b: {  	s22 =	simm.s32 $0x1BFF;
	s21 =	sshll.u32 s5, $0x1;
	s2 =	sadd.s32 s19, s18  }
0x9c: {  	s6 =	simm.s32 $0x0;
	s20 =	sshll.u32 s4, $0x1;
	s4 =	sadd.s32 s21, s2  }
0x9d: {  	[timem:s6], [sflag:s22] =	dma.local [hbm:s4], s20  }
0x9e: {  	_ =	swait.ge [sflag:s22], s20  }
0x9f: {  	s3 =	ssub.s32 $0x0, s20;
	[sflag:s22] =	ssyncset.done $0x0  }
0xa0: {  	[sflag:s22] =	ssyncadd.s32 s3;
	_ =	sdelay $0x1  }
0xa1: {  	s23 =	simm.s32 $0x1B8B  }
0xa2: {  	_ =	swait.ge [sflag:s23], $0x1  }
0xa3: {  	[sflag:s23] =	ssyncset.done $0x0  }
0xa4: {  	s25 =	simm.s32 $0x1B8E;
	s24 =	sld [smem:$0x3FFE];
	[sflag:s23] =	ssyncadd.s32 $0xFFFFFFFF  }
0xa5: {  	s26 =	simm.s32 $execute0_lowered;
	[smem:$0x3FD2] =	sst s25  }
0xa6: {  	s4 =	sshll.u32 s26, $0x1;
	_ =	strace $0x80000046;
	[dreg:$0x1] =	wrdreg $0xFFFFFFFF  }
0xa7: {  	s28 =	simm.s32 $_size_execute0_lowered;
	s2 =	sadd.s32 s2, s4;
	[dreg:$0x0] =	wrdreg $0x0  }
0xa8: {  	s4 =	sshll.u32 s28, $0x1;
	[dreg:$0x2] =	wrdreg s2  }
0xa9: {  	[dreg:$0x3] =	wrdreg s4  }
0xaa: {  	[dreg:$0x4] =	wrdreg $0xC0  }
0xab: {  	_ =	task [dreg:s6], $0x5FFFF  }
0xac: {  	[dreg:$0x1] =	wrdreg $0xFFFFFFFF  }
0xad: {  	[dreg:$0x0] =	wrdreg $0x60  }
0xae: {  	[dreg:$0x2] =	wrdreg s24  }
0xaf: {  	[dreg:$0x3] =	wrdreg $0xA0000  }
0xb0: {  	[dreg:$0x4] =	wrdreg $0x9  }
0xb1: {  	_ =	task.clear_ibuf [dreg:s6], $0x5FFFF;
	_ =	strace $0x90000046  }
0xb2: {  	s29 =	simm.s32 $0x9;
	_ =	strace $0x80000048  }
0xb3: {  	_ =	swait.ge [sflag:s29], $0x1  }
0xb4: {  	[sflag:s29] =	ssyncadd.s32 $0xFFFFFFFF  }
0xb5: {  	_ =	strace $0x90000048  }
0xb6: {  	_ =	sfence  }
0xb7: {  	s30 =	sld [smem:$0x0];
	_ =	sdelay $0x2  }
0xb8: {  	s31 =	sshll.u32 s1, $0xD;
	s1 =	sshrl.u32 s1, $0x2  }
0xb9: {  	s3 =	sand.u32 $0x4000, s31;
	s1 =	sadd.s32 s1, s30  }
0xba: {  	s0 =	sor.u32 s3, s0;
	s1 =	sshll.u32 s1, $0x11  }
0xbb: {  	s0 =	sor.u32 s1, s0  }
0xbc: {  	s0 =	sadd.s32 $0x8F2B, s0  }
0xbd: {  	[sflag:s0] =	ssyncadd.remote.s32 $0x1  }
0xbe: {  	_ =	sfence.sel $0xFFFF  }
0xbf: {  	[dreg:$0x0] =	wrdreg $0xFFFFFFFF;
	(pc) =	sbr.abs _section_cstart, $3  }
0xc0: {  	[dreg:$0x1] =	wrdreg $0xFFFFFFFF  }
0xc1: {  	_ =	task.clear_ibuf [dreg:s6], $0x2FFFF;
	_ =	strace $0x9FFFFFFF  }
0xc2: {  	(tm) =	ssettm $0x7FFFFFFF  }
0xc3: {  	_ =	shalt  }
tec
execute0_lowered:
.L_overlay_start_1:
0x0: {  	(tag) =	ssettag $0x1  }
0x1: {  	s0 =	rddreg [dreg:$0x0]  }
0x2: {  	s1 =	rddreg [dreg:$0x1];
	s2 =	simm.s32 $0x0  }
0x3: {  	s6 =	stileid.u32;
	s7 =	srdreg.scid;
	s28 =	simm.s32 $0x64  }
0x4: {  	s29 =	simm.s32 $0x400;
	s30 =	simm.s32 $0x8;
	s31 =	simm.s32 $0x3800  }
0x5: {  	[smem:$0x7FF] =	sst s2;
	s3 =	sadd.s32 $0x20400, s0;
	s8 =	smul.u32 $0x13800, s6  }
0x6: {  	s4 =	sadd.s32 $0x6400, s0;
	s5 =	sadd.s32 $0x13400, s0;
	s25 =	smul.u32 $0x4E000, s6  }
0x7: {  	s9 =	sand.u32 $0x1, s7;
	s14 =	smul.u32 $0x3400, s6;
	s15 =	sadd.s32 $0x6E800, s0  }
0x8: {  	s26 =	sshll.u32 s6, $0x6;
	s16 =	sadd.s32 $0x138000, s1;
	p0 =	sne.s32 s6, $0x0  }
0x9: {  	s6 =	simm.s32 $0x6C00;
	_ =	strace $0x80000047;
	s11 =	ssub.s32 $0x2, s9  }
0xa: {  	s12 =	smul.u32 $0x34000, s9;
	s19 =	sor.u32 $0x1C0D, s26;
	[dreg:$0x6] =	wrdreg s16  }
0xb: {  	s9 =	smul.u32 $0x138800, s9;
	s16 =	simm.s32 $0x4;
	s10 =	sshrl.u32 s8, $0x3  }
0xc: {  	s13 =	sshrl.u32 s11, $0x1;
	s7 =	sshrl.u32 s25, $0x2;
	[dreg:$0x5] =	wrdreg s19  }
0xd: {  	s10 =	sadd.s32 s10, s0;
	s11 =	ssub.s32 s11, s13;
	s7 =	sadd.s32 s7, s1  }
0xe: {  	s0 =	sadd.s32 $0x6E600, s0;
	s8 =	sadd.s32 s8, s9;
	s9 =	sshrl.u32 s9, $0x3  }
0xf: {  	s13 =	simm.s32 $0x280;
	[dreg:$0x3] =	wrdreg s7;
	s7 =	sadd.s32 s14, s12  }
0x10: {  	s10 =	sadd.s32 $0x47600, s10;
	[dreg:$0x7] =	wrdreg s0;
	s23 =	sshrl.u32 s8, $0x3  }
0x11: {  	s24 =	sadd.s32 s15, s9;
	s26 =	smax.u32 s11, $0x1;
	s8 =	simm.s32 $0x1  }
0x12: {  	s11 =	simm.s32 $0x2;
	s12 =	simm.s32 $0xB;
	[dreg:$0x4] =	wrdreg s10  }
0x13: {  	s14 =	sshrl.u32 s7, $0x3;
	s25 =	sadd.s32 $0x27000, s24;
	[dreg:$0x10] =	wrdreg s26  }
0x14: {  	s26 =	simm.s32 $0x7;
	s24 =	simm.s32 $0x100;
	s17 =	sadd.s32 s4, s14  }
0x15: {  	s18 =	sadd.s32 s5, s14;
	s20 =	sor.u32 $0x10, s14;
	[dreg:$0xf] =	wrdreg s25  }
0x16: {  	s22 =	sor.u32 $0x20, s14;
	s25 =	simm.s32 $0x300;
	[dreg:$0x8] =	wrdreg s17  }
0x17: {  	s14 =	simm.s32 $0x3;
	[dreg:$0x9] =	wrdreg s18;
	s21 =	sadd.s32 s4, s20  }
0x18: {  	s0 =	sadd.s32 s5, s20;
	s10 =	sadd.s32 s4, s22;
	[dreg:$0xa] =	wrdreg s21  }
.Ltmp0:
0x19: {  	s17 =	simm.s32 $0x5;
	[dreg:$0xb] =	wrdreg s0;
	(pc) =	sbr.rel .LBB2_1-.Ltmp0, $4  }
0x1a: {  	s18 =	simm.s32 $0x6;
	[dreg:$0xc] =	wrdreg s10;
	s0 =	sadd.s32 s5, s22  }
0x1b: {  	s21 =	simm.s32 $0xD;
	s22 =	simm.s32 $0x200;
	s10 =	simm.s32 $0xA  }
0x1c: {  	[dreg:$0xd] =	wrdreg s0;
	s0 =	sadd.s32 s15, s23;
	s15 =	simm.s32 $0xC  }
0x1d: {  	s23 =	simm.s32 $0x0;
	[dreg:$0xe] =	wrdreg s0;
	s0 =	simm.s32 $0x9  }
.LBB2_4:
0x1e: {  	_ =	swait.ge [sflag:s18], $0x3200  }
0x1f: {  	[sflag:s18] =	ssyncset.done $0x0  }
0x20: {  	[sflag:s18] =	ssyncadd.s32 $0xFFFFCE00  }
0x21: {  	_ =	swait.ge [sflag:s8], $0x3200  }
0x22: {  	[sflag:s8] =	ssyncset.done $0x0  }
0x23: {  	[sflag:s8] =	ssyncadd.s32 $0xFFFFCE00  }
0x24: {  	_ =	swait.ge [sflag:s10], $0x80  }
0x25: {  	[sflag:s10] =	ssyncset.done $0x0  }
0x26: {  	[sflag:s10] =	ssyncadd.s32 $0xFFFFFF80  }
0x27: {  	[spmem:s1] =	stream.indirect.scatter.add.f32 [tilespmem:s29], [sflag:$0x4], $0x80, s22, s28, $0xb8;
	[tilespmem:$0x1D880] =	vst v63  }
0x28: {  	_ =	swait.ge [sflag:s16], $0x3200  }
0x29: {  	[sflag:s16] =	ssyncset.done $0x0  }
0x2a: {  	[sflag:s16] =	ssyncadd.s32 $0xFFFFCE00  }
0x2b: {  	[bflag:$0x0] =	sbarrier.arrive $0xFFFF  }
0x2c: {  	s19 =	rddreg [dreg:$0x5]  }
0x2d: {  	s9 =	rddreg [dreg:$0xe]  }
0x2e: {  	s21 =	simm.s32 $0xD;
	s20 =	rddreg [dreg:$0x12]  }
0x2f: {  	[hbm:s9], [sflag:s19] =	dma.local [spmem:s20], $0x2700  }
0x30: {  	_ =	swait.ge [sflag:s21], $0x2700  }
0x31: {  	[sflag:s21] =	ssyncset.done $0x0;
	s9 =	rddreg [dreg:$0xf]  }
0x32: {  	s20 =	rddreg [dreg:$0x13];
	[sflag:s21] =	ssyncadd.s32 $0xFFFFD900  }
0x33: {  	[hbm:s9], [sflag:s19] =	dma.local @!p0 [spmem:s20], $0x100  }
0x34: {  	s9 =	simm.s32 @!p0 $0xD  }
0x35: {  	_ =	swait.ge @!p0 [sflag:s9], $0x100  }
0x36: {  	s23 =	rddreg [dreg:$0x11]  }
0x37: {  	s20 =	rddreg [dreg:$0x10];
	s23 =	sadd.s32 $0x1, s23  }
0x38: {  	p1 =	sne.s32 s23, s20  }
.Ltmp1:
0x39: {  	_ = 	snop;
	(pc) =	sbr.rel @!p1 .LBB2_5-.Ltmp1, $3  }
0x3a: {  	_ =	sdelay $0x1  }
0x3b: {  	[sflag:s9] =	ssyncset.done @!p0 $0x0  }
0x3c: {  	[sflag:s9] =	ssyncadd.s32 @!p0 $0xFFFFFF00  }
.LBB2_1:
0x3d: {  	[dreg:$0x11] =	wrdreg s23  }
0x3e: {  	s9 =	rddreg [dreg:$0x3]  }
0x3f: {  	s23 =	rddreg [dreg:$0x4];
	s20 =	sshrl.u32 s9, $0x3  }
0x40: {  	[dreg:$0x12] =	wrdreg s20  }
0x41: {  	[spmem:s20], [sflag:s19] =	dma.local [hbm:s23], $0x2700  }
0x42: {  	_ =	swait.ge [sflag:s21], $0x2700  }
0x43: {  	s9 =	rddreg [dreg:$0x6]  }
0x44: {  	[sflag:s21] =	ssyncset.done $0x0;
	s20 =	sshrl.u32 @!p0 s9, $0x3;
	s9 =	rddreg [dreg:$0x7]  }
0x45: {  	[sflag:s21] =	ssyncadd.s32 $0xFFFFD900;
	[dreg:$0x13] =	wrdreg s20  }
0x46: {  	[spmem:s20], [sflag:s19] =	dma.local @!p0 [hbm:s9], $0x100  }
0x47: {  	s9 =	simm.s32 @!p0 $0xD  }
0x48: {  	_ =	swait.ge @!p0 [sflag:s9], $0x100  }
0x49: {  	[sflag:s9] =	ssyncset.done @!p0 $0x0  }
0x4a: {  	[sflag:s9] =	ssyncadd.s32 @!p0 $0xFFFFFF00  }
0x4b: {  	[bflag:$0x0] =	sbarrier.arrive $0xFFFF  }
0x4c: {  	s19 =	rddreg [dreg:$0x8]  }
0x4d: {  	[tilespmem:s2], [sflag:$0x7] =	stream.linear.gather [hbm4b:s19+s2], $0x80, $0x38;
	[tilespmem:$0x1D880] =	vst v63  }
0x4e: {  	s20 =	rddreg [dreg:$0x9]  }
0x4f: {  	[tilespmem:s22], [sflag:$0xA] =	stream.linear.gather [hbm4b:s20+s2], $0x80, $0x38;
	[tilespmem:$0x1D880] =	vst v63  }
0x50: {  	s21 =	rddreg [dreg:$0xa];
	s19 =	simm.s32 $0x80  }
0x51: {  	[tilespmem:s19], [sflag:$0x8] =	stream.linear.gather [hbm4b:s21+s2], $0x80, $0x38;
	[tilespmem:$0x1D880] =	vst v63  }
0x52: {  	s23 =	rddreg [dreg:$0xb]  }
0x53: {  	[tilespmem:s13], [sflag:$0xB] =	stream.linear.gather [hbm4b:s23+s2], $0x80, $0x38;
	[tilespmem:$0x1D880] =	vst v63  }
0x54: {  	s20 =	rddreg [dreg:$0xc];
	s21 =	simm.s32 $0x100  }
0x55: {  	[tilespmem:s21], [sflag:$0x9] =	stream.linear.gather [hbm4b:s20+s2], $0x80, $0x38;
	[tilespmem:$0x1D880] =	vst v63  }
0x56: {  	s23 =	rddreg [dreg:$0xd]  }
0x57: {  	[tilespmem:s25], [sflag:$0xC] =	stream.linear.gather [hbm4b:s23+s2], $0x80, $0x38;
	[tilespmem:$0x1D880] =	vst v63  }
0x58: {  	_ =	swait.ge [sflag:s26], $0x80  }
0x59: {  	[sflag:s26] =	ssyncset.done $0x0  }
0x5a: {  	[sflag:s26] =	ssyncadd.s32 $0xFFFFFF80  }
0x5b: {  	[tilespmem:s29], [sflag:$0x1] =	stream.indirect.gather [hbm4b:s3+s28], $0x80, s2, s28, $0xb8;
	[tilespmem:$0x1D880] =	vst v63  }
0x5c: {  	_ =	swait.ge [sflag:s30], $0x80  }
0x5d: {  	[sflag:s30] =	ssyncset.done $0x0  }
0x5e: {  	[sflag:s30] =	ssyncadd.s32 $0xFFFFFF80  }
0x5f: {  	[tilespmem:s31], [sflag:$0x2] =	stream.indirect.gather [hbm4b:s3+s28], $0x80, s19, s28, $0xb8;
	[tilespmem:$0x1D880] =	vst v63  }
0x60: {  	_ =	swait.ge [sflag:s0], $0x80  }
0x61: {  	[sflag:s0] =	ssyncset.done $0x0  }
0x62: {  	s9 =	simm.s32 $0x280;
	[sflag:s0] =	ssyncadd.s32 $0xFFFFFF80  }
0x63: {  	[tilespmem:s6], [sflag:$0x3] =	stream.indirect.gather [hbm4b:s3+s28], $0x80, s21, s28, $0xb8;
	[tilespmem:$0x1D880] =	vst v63  }
.LBB2_2:
0x64: {  	s20 =	sadd.s32 $0xFFFFFF00, s9  }
0x65: {  	s21 =	sand.u32 $0xFC00, s20  }
0x66: {  	s20 =	sand.u32 $0x380, s20;
	s21 =	sadd.s32 s7, s21  }
0x67: {  	_ =	swait.ge [sflag:s8], $0x3200;
	s20 =	sor.u32 s20, s21  }
0x68: {  	[sflag:s8] =	ssyncset.done $0x0;
	s20 =	sshrl.u32 s20, $0x3  }
0x69: {  	p1 =	seq.s32 s9, $0x3280;
	[sflag:s8] =	ssyncadd.s32 $0xFFFFCE00;
	s19 =	sadd.s32 s4, s20  }
0x6a: {  	[tilespmem:s2], [sflag:$0x7] =	stream.linear.gather [hbm4b:s19+s2], $0x80, $0x38;
	[tilespmem:$0x1D880] =	vst v63  }
0x6b: {  	s21 =	sadd.s32 @!p1 $0xFFFFFF80, s9;
	_ =	swait.ge [sflag:s10], $0x80  }
0x6c: {  	s19 =	sand.u32 @!p1 $0xFC00, s21;
	[sflag:s10] =	ssyncset.done $0x0  }
0x6d: {  	s21 =	sand.u32 @!p1 $0x380, s21;
	s19 =	sadd.s32 @!p1 s7, s19;
	[sflag:s10] =	ssyncadd.s32 $0xFFFFFF80  }
0x6e: {  	[spmem:s1] =	stream.indirect.scatter.add.f32 [tilespmem:s29], [sflag:$0x4], $0x80, s22, s28, $0xb8;
	[tilespmem:$0x1D880] =	vst v63  }
0x6f: {  	s19 =	sor.u32 @!p1 s21, s19;
	_ =	swait.ge [sflag:s11], $0x3200  }
0x70: {  	s23 =	simm.s32 @!p1 $0x80;
	s19 =	sshrl.u32 @!p1 s19, $0x3;
	[sflag:s11] =	ssyncset.done $0x0  }
0x71: {  	s21 =	simm.s32 @!p1 $0x0;
	s19 =	sadd.s32 @!p1 s4, s19;
	[sflag:s11] =	ssyncadd.s32 $0xFFFFCE00  }
0x72: {  	[tilespmem:s23], [sflag:$0x8] =	stream.linear.gather @!p1 [hbm4b:s19+s21], $0x80, $0x38;
	[tilespmem:$0x1D880] =	vst v63  }
0x73: {  	_ =	swait.ge [sflag:s12], $0x80  }
0x74: {  	s19 =	sand.u32 @!p1 $0xFC00, s9;
	[sflag:s12] =	ssyncset.done $0x0  }
0x75: {  	s23 =	sand.u32 @!p1 $0x380, s9;
	s19 =	sadd.s32 @!p1 s7, s19;
	[sflag:s12] =	ssyncadd.s32 $0xFFFFFF80  }
0x76: {  	[spmem:s1] =	stream.indirect.scatter.add.f32 [tilespmem:s31], [sflag:$0x5], $0x80, s13, s28, $0xb8;
	[tilespmem:$0x1D880] =	vst v63  }
0x77: {  	s19 =	sor.u32 @!p1 s23, s19;
	_ =	swait.ge [sflag:s14], $0x3200  }
0x78: {  	s19 =	sshrl.u32 @!p1 s19, $0x3;
	[sflag:s14] =	ssyncset.done $0x0  }
0x79: {  	s23 =	simm.s32 @!p1 $0x100;
	s19 =	sadd.s32 @!p1 s4, s19;
	[sflag:s14] =	ssyncadd.s32 $0xFFFFCE00  }
0x7a: {  	[tilespmem:s23], [sflag:$0x9] =	stream.linear.gather @!p1 [hbm4b:s19+s21], $0x80, $0x38;
	[tilespmem:$0x1D880] =	vst v63  }
0x7b: {  	_ =	swait.ge [sflag:s15], $0x80  }
0x7c: {  	[sflag:s15] =	ssyncset.done $0x0  }
0x7d: {  	[sflag:s15] =	ssyncadd.s32 $0xFFFFFF80  }
0x7e: {  	[spmem:s1] =	stream.indirect.scatter.add.f32 [tilespmem:s6], [sflag:$0x6], $0x80, s25, s28, $0xb8;
	[tilespmem:$0x1D880] =	vst v63  }
0x7f: {  	_ =	swait.ge [sflag:s16], $0x3200  }
0x80: {  	[sflag:s16] =	ssyncset.done $0x0  }
0x81: {  	s23 =	sadd.s32 s5, s20;
	[sflag:s16] =	ssyncadd.s32 $0xFFFFCE00  }
0x82: {  	[tilespmem:s22], [sflag:$0xA] =	stream.linear.gather [hbm4b:s23+s2], $0x80, $0x38;
	[tilespmem:$0x1D880] =	vst v63  }
0x83: {  	_ =	swait.ge [sflag:s26], $0x80  }
0x84: {  	[sflag:s26] =	ssyncset.done $0x0  }
.Ltmp2:
0x85: {  	[sflag:s26] =	ssyncadd.s32 $0xFFFFFF80;
	(pc) =	sbr.rel @p1 .LBB2_4-.Ltmp2, $4  }
0x86: {  	[tilespmem:s29], [sflag:$0x1] =	stream.indirect.gather [hbm4b:s3+s28], $0x80, s2, s28, $0xb8;
	[tilespmem:$0x1D880] =	vst v63  }
0x87: {  	_ =	swait.ge [sflag:s17], $0x3200  }
0x88: {  	[sflag:s17] =	ssyncset.done $0x0  }
0x89: {  	[sflag:s17] =	ssyncadd.s32 $0xFFFFCE00  }
0x8a: {  	s19 =	sadd.s32 $0xFFFFFF80, s9  }
0x8b: {  	s20 =	sand.u32 $0xFC00, s19  }
0x8c: {  	s19 =	sand.u32 $0x380, s19;
	s20 =	sadd.s32 s7, s20  }
0x8d: {  	s19 =	sor.u32 s19, s20  }
0x8e: {  	s19 =	sshrl.u32 s19, $0x3  }
0x8f: {  	s19 =	sadd.s32 s5, s19  }
0x90: {  	[tilespmem:s13], [sflag:$0xB] =	stream.linear.gather [hbm4b:s19+s2], $0x80, $0x38;
	[tilespmem:$0x1D880] =	vst v63  }
0x91: {  	_ =	swait.ge [sflag:s30], $0x80  }
0x92: {  	s21 =	sand.u32 $0xFC00, s9;
	s23 =	sand.u32 $0x380, s9;
	[sflag:s30] =	ssyncset.done $0x0  }
0x93: {  	s20 =	simm.s32 $0x80;
	s19 =	sadd.s32 s7, s21;
	[sflag:s30] =	ssyncadd.s32 $0xFFFFFF80  }
0x94: {  	[tilespmem:s31], [sflag:$0x2] =	stream.indirect.gather [hbm4b:s3+s28], $0x80, s20, s28, $0xb8;
	[tilespmem:$0x1D880] =	vst v63  }
0x95: {  	s19 =	sor.u32 s23, s19;
	_ =	swait.ge [sflag:s18], $0x3200  }
0x96: {  	s19 =	sshrl.u32 s19, $0x3;
	[sflag:s18] =	ssyncset.done $0x0  }
0x97: {  	s19 =	sadd.s32 s5, s19;
	[sflag:s18] =	ssyncadd.s32 $0xFFFFCE00  }
0x98: {  	[tilespmem:s25], [sflag:$0xC] =	stream.linear.gather [hbm4b:s19+s2], $0x80, $0x38;
	[tilespmem:$0x1D880] =	vst v63  }
.Ltmp3:
0x99: {  	_ = 	snop;
	(pc) =	sbr.rel .LBB2_2-.Ltmp3, $4  }
0x9a: {  	_ =	swait.ge [sflag:s0], $0x80  }
0x9b: {  	[sflag:s0] =	ssyncset.done $0x0  }
0x9c: {  	s9 =	sadd.s32 $0x180, s9;
	[sflag:s0] =	ssyncadd.s32 $0xFFFFFF80  }
0x9d: {  	[tilespmem:s6], [sflag:$0x3] =	stream.indirect.gather [hbm4b:s3+s28], $0x80, s24, s28, $0xb8;
	[tilespmem:$0x1D880] =	vst v63  }
.LBB2_5:
0x9e: {  	_ =	sfence.sel $0x180000  }
0x9f: {  	[bflag:$0x0] =	sbarrier.arrive $0xFFFF  }
0xa0: {  	_ =	strace $0x90000047  }
0xa1: {  	[bflag:$0x2] =	sbarrier.arrive $0xFFFF  }
0xa2: {  	s0 =	rddreg [dreg:$0x2]  }
0xa3: {  	s0 =	sadd.s32 @!p0 $0x100000, s0  }
0xa4: {  	[sflag:s0] =	ssyncadd.tile.s32 @!p0 $0x1;
	_ =	shalt  }
.Lfunc_end2:
_tile_overlayer_lowered:
.L_overlay_start_2:
0xa5: {  	(tag) =	ssettag $0x2  }
0xa6: {  	s0 =	rddreg [dreg:$0x0];
	s2 =	stileid.u32  }
0xa7: {  	s1 =	rddreg [dreg:$0x1];
	p0 =	sne.s32 s2, $0x0  }
0xa8: {  	s3 =	rddreg [dreg:$0x2];
	[bflag:$0x3] =	sbarrier.arrive $0xFFFF;
	s2 =	simm.s32 @!p0 $0x1C0D  }
0xa9: {  	[timem:s3], [sflag:s2] =	dma.local @!p0 [hbm:s0], s1  }
0xaa: {  	s0 =	simm.s32 @!p0 $0xD  }
0xab: {  	_ =	swait.ge @!p0 [sflag:s0], s1  }
0xac: {  	s1 =	ssub.s32 @!p0 $0x0, s1;
	[sflag:s0] =	ssyncset.done @!p0 $0x0  }
0xad: {  	[sflag:s0] =	ssyncadd.s32 @!p0 s1  }
0xae: {  	[bflag:$0x3] =	sbarrier.arrive $0xFFFF  }
0xaf: {  	_ =	shalt  }

// kernel: kernel.15.cloned.1.call-start
scs
__scs_entry_jumppad:
0x0: {  	(pc) =	sbr.rel $0x88, $3  }
0x1: {  	(tag) =	ssettag $0x0;
	lr =	simm.s32 $0x1  }
0x2: {  	[smem:$0x3F8D] =	sst lr;
	_ =	strace $0xD0000000  }
0x3: {  	_ = 	snop  }
0x4: {  	_ = 	snop  }
0x5: {  	_ = 	snop  }
0x6: {  	_ = 	snop  }
0x7: {  	_ = 	snop  }
__scs_overlays_trampoline_lowered:
0x8: {  	[smem:$0x3F9C] =	sst s0  }
0x9: {  	[smem:$0x3F9D] =	sst s1  }
0xa: {  	[smem:$0x3F9E] =	sst s2  }
0xb: {  	[smem:$0x3F9F] =	sst s3  }
0xc: {  	[smem:$0x3FA0] =	sst s4  }
0xd: {  	[smem:$0x3FA1] =	sst s5  }
0xe: {  	[smem:$0x3FA2] =	sst s6  }
0xf: {  	[smem:$0x3FA3] =	sst s7  }
0x10: {  	[smem:$0x3FA4] =	sst s8  }
0x11: {  	[smem:$0x3FA5] =	sst s9;
	s0 =	simm.s32 @!p0 $0x0  }
0x12: {  	s1 =	sld [smem:$0x3F8B];
	s0 =	simm.s32 @p0 $0x1  }
0x13: {  	[smem:$0x3FA6] =	sst s0;
	s0 =	simm.s32 @!p1 $0x0  }
0x14: {  	s2 =	sld [smem:$0x3F8A];
	s0 =	simm.s32 @p1 $0x1  }
0x15: {  	[smem:$0x3FA7] =	sst s0;
	s0 =	simm.s32 @!p2 $0x0  }
0x16: {  	s3 =	sld [smem:$0x3FDB];
	s0 =	simm.s32 @p2 $0x1  }
0x17: {  	s4 =	simm.s32 $0x1BF5;
	[smem:$0x3FA9] =	sst s0  }
0x18: {  	s0 =	sld [smem:$0x3F8C];
	_ =	swait.ge [sflag:s4], $0x0  }
0x19: {  	s7 =	sld [smem:$0x3F8D]  }
0x1a: {  	s8 =	sadd.s32 $0xFFFFE003, lr  }
0x1b: {  	s9 =	sadd.s32 $0xFFFFFEF7, lr;
	s5 =	simm.s32 $0xFFFFFFFF;
	p2 =	slt.u32 s8, $0xFFFFF086  }
0x1c: {  	p1 =	slt.u32 s9, $0xF7A;
	s5 =	simm.s32 @!p2 $0x0  }
0x1d: {  	s5 =	simm.s32 @p1 $0x1;
	p0 =	seq.s32 s7, s2  }
0x1e: {  	s7 =	smul.u32 @!p0 $0xF7A, s2;
	p2 =	seq.s32 @!p0 s5, $0x0  }
0x1f: {  	s9 =	smul.u32 $0xF7A, s1;
	s8 =	simm.s32 @!p0 $0x1BF5;
	p2 =	por !p2, p0  }
0x20: {  	[sflag:s8] =	ssyncset.s32 @!p0 $0xFFFFF086;
	s6 =	sadd.s32 @!p0 s3, s7;
	s7 =	simm.s32 @!p0 $0x108  }
0x21: {  	s3 =	sadd.s32 s3, s9;
	s6 =	sadd.s32 @!p0 $0x88, s6;
	s7 =	simm.s32 @p2 $0x1082  }
0x22: {  	[simem:s7], [sflag:s8] =	dma.local @!p0 [hbm:s6], $0xF7A  }
0x23: {  	s9 =	sor.u32 $0xD0000000, s2;
	s6 =	simm.s32 $0x108;
	_ =	swait.ge @!p0 [sflag:s8], $0x0  }
0x24: {  	s3 =	sadd.s32 $0x88, s3;
	s6 =	simm.s32 @!p1 $0x1082;
	[sflag:s4] =	ssyncset.s32 $0xFFFFF086  }
0x25: {  	[simem:s6], [sflag:s4] =	dma.local [hbm:s3], $0xF7A  }
0x26: {  	[smem:$0x3F8D] =	sst s1;
	(tag) =	ssettag s2;
	_ =	strace s9  }
0x27: {  	s1 =	sld [smem:$0x3F9D]  }
0x28: {  	s2 =	sld [smem:$0x3F9E]  }
0x29: {  	s4 =	sld [smem:$0x3FA0]  }
0x2a: {  	p0 =	seq.s32 s5, $0x0;
	s5 =	sld [smem:$0x3FA1]  }
0x2b: {  	s6 =	sld [smem:$0x3FA2]  }
0x2c: {  	s7 =	sld [smem:$0x3FA3]  }
0x2d: {  	s3 =	simm.s32 $0x108;
	s8 =	sld [smem:$0x3FA4]  }
0x2e: {  	s3 =	simm.s32 @!p0 $0x1082;
	s9 =	sld [smem:$0x3FA5]  }
0x2f: {  	lr =	sadd.s32 s0, s3;
	s0 =	sld [smem:$0x3F9C]  }
0x30: {  	s3 =	sld [smem:$0x3F9F]  }
0x31: {  	[smem:$0x3FA8] =	sst s10  }
0x32: {  	s10 =	sld [smem:$0x3FA6];
	_ =	sdelay $0x3  }
0x33: {  	p0 =	seq.s32 s10, $0x1;
	s10 =	sld [smem:$0x3FA8];
	_ =	sdelay $0x3  }
0x34: {  	[smem:$0x3FA8] =	sst s10  }
0x35: {  	s10 =	sld [smem:$0x3FA7];
	_ =	sdelay $0x3  }
0x36: {  	p1 =	seq.s32 s10, $0x1;
	s10 =	sld [smem:$0x3FA8];
	_ =	sdelay $0x3  }
0x37: {  	[smem:$0x3FA8] =	sst s10  }
0x38: {  	s10 =	sld [smem:$0x3FA9]  }
0x39: {  	_ = 	snop;
	(pc) =	sbr.ind lr, $3  }
0x3a: {  	_ = 	snop  }
0x3b: {  	_ = 	snop  }
0x3c: {  	p2 =	seq.s32 s10, $0x1;
	s10 =	sld [smem:$0x3FA8]  }
0x3d: {  	_ =	shalt  }
0x3e: {  	_ =	shalt  }
0x3f: {  	_ =	shalt  }
0x40: {  	_ =	shalt  }
0x41: {  	_ =	shalt  }
0x42: {  	_ =	shalt  }
0x43: {  	_ =	shalt  }
0x44: {  	_ =	shalt  }
0x45: {  	_ =	shalt  }
0x46: {  	_ =	shalt  }
0x47: {  	_ =	shalt  }
0x48: {  	_ =	shalt  }
0x49: {  	_ =	shalt  }
0x4a: {  	_ =	shalt  }
0x4b: {  	_ =	shalt  }
0x4c: {  	_ =	shalt  }
0x4d: {  	_ =	shalt  }
0x4e: {  	_ =	shalt  }
0x4f: {  	_ =	shalt  }
0x50: {  	_ =	shalt  }
0x51: {  	_ =	shalt  }
0x52: {  	_ =	shalt  }
0x53: {  	_ =	shalt  }
0x54: {  	_ =	shalt  }
0x55: {  	_ =	shalt  }
0x56: {  	_ =	shalt  }
0x57: {  	_ =	shalt  }
0x58: {  	_ =	shalt  }
0x59: {  	_ =	shalt  }
0x5a: {  	_ =	shalt  }
0x5b: {  	_ =	shalt  }
0x5c: {  	_ =	shalt  }
0x5d: {  	_ =	shalt  }
0x5e: {  	_ =	shalt  }
0x5f: {  	_ =	shalt  }
0x60: {  	_ =	shalt  }
0x61: {  	_ =	shalt  }
0x62: {  	_ =	shalt  }
0x63: {  	_ =	shalt  }
0x64: {  	_ =	shalt  }
0x65: {  	_ =	shalt  }
0x66: {  	_ =	shalt  }
0x67: {  	_ =	shalt  }
0x68: {  	_ =	shalt  }
0x69: {  	_ =	shalt  }
0x6a: {  	_ =	shalt  }
0x6b: {  	_ =	shalt  }
0x6c: {  	_ =	shalt  }
0x6d: {  	_ =	shalt  }
0x6e: {  	_ =	shalt  }
0x6f: {  	_ =	shalt  }
0x70: {  	_ =	shalt  }
0x71: {  	_ =	shalt  }
0x72: {  	_ =	shalt  }
0x73: {  	_ =	shalt  }
0x74: {  	_ =	shalt  }
0x75: {  	_ =	shalt  }
0x76: {  	_ =	shalt  }
0x77: {  	_ =	shalt  }
0x78: {  	_ =	shalt  }
0x79: {  	_ =	shalt  }
0x7a: {  	_ =	shalt  }
0x7b: {  	_ =	shalt  }
0x7c: {  	_ =	shalt  }
0x7d: {  	_ =	shalt  }
0x7e: {  	_ =	shalt  }
0x7f: {  	_ =	shalt  }
0x80: {  	_ =	shalt  }
0x81: {  	_ =	shalt  }
0x82: {  	_ =	shalt  }
0x83: {  	_ =	shalt  }
0x84: {  	_ =	shalt  }
0x85: {  	_ =	shalt  }
0x86: {  	_ =	shalt  }
0x87: {  	_ =	shalt  }
.Lfunc_end0:
.L_simem_size_0:
called_computation.1_lowered:
.L_overlay_start_0:
0x88: {  	s2 =	sld [smem:$0x3FD9]  }
0x89: {  	s3 =	sld [smem:$0x3FFE];
	_ =	sdelay $0x1  }
0x8a: {  	s1 =	srdreg.scid  }
0x8b: {  	s0 =	sand.u32 $0x1, s1  }
0x8c: {  	s16 =	sshll.u32 s0, $0xA;
	s2 =	sadd.s32 s3, s2  }
0x8d: {  	s2 =	sadd.s32 s2, s16  }
0x8e: {  	[smem:$0x3FB4] =	sst s2  }
0x8f: {  	_ = 	snop  }
0x90: {  	(tm) =	ssettm $0x1  }
0x91: {  	s17 =	sld [smem:$0x3FFB];
	_ =	sdelay $0x3  }
0x92: {  	_ =	strace s17  }
0x93: {  	s2 =	sld [smem:$0x3FFC];
	_ =	sdelay $0x3  }
0x94: {  	_ =	strace s2  }
0x95: {  	s2 =	sld [smem:$0x3FFD];
	_ =	sdelay $0x3  }
0x96: {  	_ =	strace s2  }
0x97: {  	_ =	strace $0x8FFFFFFF  }
0x98: {  	s18 =	sld [smem:$0x3FDB];
	_ =	sdelay $0x1  }
0x99: {  	s19 =	simm.s32 $_scs_section_size  }
0x9a: {  	s4 =	simm.s32 $_size__tile_overlayer_lowered;
	s5 =	simm.s32 $_tile_overlayer_lowered  }
0x9b: {  	s22 =	simm.s32 $0x1BFF;
	s21 =	sshll.u32 s5, $0x1;
	s2 =	sadd.s32 s19, s18  }
0x9c: {  	s6 =	simm.s32 $0x0;
	s20 =	sshll.u32 s4, $0x1;
	s4 =	sadd.s32 s21, s2  }
0x9d: {  	[timem:s6], [sflag:s22] =	dma.local [hbm:s4], s20  }
0x9e: {  	_ =	swait.ge [sflag:s22], s20  }
0x9f: {  	s3 =	ssub.s32 $0x0, s20;
	[sflag:s22] =	ssyncset.done $0x0  }
0xa0: {  	[sflag:s22] =	ssyncadd.s32 s3;
	_ =	sdelay $0x1  }
0xa1: {  	s23 =	simm.s32 $0x1B8B  }
0xa2: {  	_ =	swait.ge [sflag:s23], $0x1  }
0xa3: {  	[sflag:s23] =	ssyncset.done $0x0  }
0xa4: {  	s25 =	simm.s32 $0x1B8E;
	s24 =	sld [smem:$0x3FFE];
	[sflag:s23] =	ssyncadd.s32 $0xFFFFFFFF  }
0xa5: {  	s26 =	simm.s32 $execute0_lowered;
	[smem:$0x3FD2] =	sst s25  }
0xa6: {  	s4 =	sshll.u32 s26, $0x1;
	_ =	strace $0x80000049;
	[dreg:$0x1] =	wrdreg $0xFFFFFFFF  }
0xa7: {  	s28 =	simm.s32 $_size_execute0_lowered;
	s2 =	sadd.s32 s2, s4;
	[dreg:$0x0] =	wrdreg $0x0  }
0xa8: {  	s4 =	sshll.u32 s28, $0x1;
	[dreg:$0x2] =	wrdreg s2  }
0xa9: {  	[dreg:$0x3] =	wrdreg s4  }
0xaa: {  	[dreg:$0x4] =	wrdreg $0xC0  }
0xab: {  	_ =	task [dreg:s6], $0x5FFFF  }
0xac: {  	[dreg:$0x1] =	wrdreg $0xFFFFFFFF  }
0xad: {  	[dreg:$0x0] =	wrdreg $0x60  }
0xae: {  	[dreg:$0x2] =	wrdreg s24  }
0xaf: {  	[dreg:$0x3] =	wrdreg $0xA0000  }
0xb0: {  	[dreg:$0x4] =	wrdreg $0x9  }
0xb1: {  	_ =	task.clear_ibuf [dreg:s6], $0x5FFFF;
	_ =	strace $0x90000049  }
0xb2: {  	s29 =	simm.s32 $0x9;
	_ =	strace $0x8000004B  }
0xb3: {  	_ =	swait.ge [sflag:s29], $0x1  }
0xb4: {  	[sflag:s29] =	ssyncadd.s32 $0xFFFFFFFF  }
0xb5: {  	_ =	strace $0x9000004B  }
0xb6: {  	_ =	sfence  }
0xb7: {  	s30 =	sld [smem:$0x0];
	_ =	sdelay $0x2  }
0xb8: {  	s31 =	sshll.u32 s1, $0xD;
	s1 =	sshrl.u32 s1, $0x2  }
0xb9: {  	s3 =	sand.u32 $0x4000, s31;
	s1 =	sadd.s32 s1, s30  }
0xba: {  	s0 =	sor.u32 s3, s0;
	s1 =	sshll.u32 s1, $0x11  }
0xbb: {  	s0 =	sor.u32 s1, s0  }
0xbc: {  	s0 =	sadd.s32 $0x8F2B, s0  }
0xbd: {  	[sflag:s0] =	ssyncadd.remote.s32 $0x1  }
0xbe: {  	_ =	sfence.sel $0xFFFF  }
0xbf: {  	[dreg:$0x0] =	wrdreg $0xFFFFFFFF;
	(pc) =	sbr.abs _section_cstart, $3  }
0xc0: {  	[dreg:$0x1] =	wrdreg $0xFFFFFFFF  }
0xc1: {  	_ =	task.clear_ibuf [dreg:s6], $0x2FFFF;
	_ =	strace $0x9FFFFFFF  }
0xc2: {  	(tm) =	ssettm $0x7FFFFFFF  }
0xc3: {  	_ =	shalt  }
tec
execute0_lowered:
.L_overlay_start_1:
0x0: {  	(tag) =	ssettag $0x1  }
0x1: {  	s0 =	rddreg [dreg:$0x0]  }
0x2: {  	s1 =	rddreg [dreg:$0x1];
	s2 =	simm.s32 $0x0  }
0x3: {  	s6 =	stileid.u32;
	s7 =	srdreg.scid;
	s28 =	simm.s32 $0x64  }
0x4: {  	s29 =	simm.s32 $0x400;
	s30 =	simm.s32 $0x8;
	s31 =	simm.s32 $0x3800  }
0x5: {  	[smem:$0x7FF] =	sst s2;
	s3 =	sadd.s32 $0x20400, s0;
	s8 =	smul.u32 $0x13800, s6  }
0x6: {  	s4 =	sadd.s32 $0x6400, s0;
	s5 =	sadd.s32 $0x13400, s0;
	s25 =	smul.u32 $0x4E000, s6  }
0x7: {  	s9 =	sand.u32 $0x1, s7;
	s14 =	smul.u32 $0x3400, s6;
	s15 =	sadd.s32 $0x6E800, s0  }
0x8: {  	s26 =	sshll.u32 s6, $0x6;
	s16 =	sadd.s32 $0x138000, s1;
	p0 =	sne.s32 s6, $0x0  }
0x9: {  	s6 =	simm.s32 $0x6C00;
	_ =	strace $0x8000004A;
	s11 =	ssub.s32 $0x2, s9  }
0xa: {  	s12 =	smul.u32 $0x34000, s9;
	s19 =	sor.u32 $0x1C0D, s26;
	[dreg:$0x6] =	wrdreg s16  }
0xb: {  	s9 =	smul.u32 $0x138800, s9;
	s16 =	simm.s32 $0x4;
	s10 =	sshrl.u32 s8, $0x3  }
0xc: {  	s13 =	sshrl.u32 s11, $0x1;
	s7 =	sshrl.u32 s25, $0x2;
	[dreg:$0x5] =	wrdreg s19  }
0xd: {  	s10 =	sadd.s32 s10, s0;
	s11 =	ssub.s32 s11, s13;
	s7 =	sadd.s32 s7, s1  }
0xe: {  	s0 =	sadd.s32 $0x6E600, s0;
	s8 =	sadd.s32 s8, s9;
	s9 =	sshrl.u32 s9, $0x3  }
0xf: {  	s13 =	simm.s32 $0x280;
	[dreg:$0x3] =	wrdreg s7;
	s7 =	sadd.s32 s14, s12  }
0x10: {  	s10 =	sadd.s32 $0x47600, s10;
	[dreg:$0x7] =	wrdreg s0;
	s23 =	sshrl.u32 s8, $0x3  }
0x11: {  	s24 =	sadd.s32 s15, s9;
	s26 =	smax.u32 s11, $0x1;
	s8 =	simm.s32 $0x1  }
0x12: {  	s11 =	simm.s32 $0x2;
	s12 =	simm.s32 $0xB;
	[dreg:$0x4] =	wrdreg s10  }
0x13: {  	s14 =	sshrl.u32 s7, $0x3;
	s25 =	sadd.s32 $0x27000, s24;
	[dreg:$0x10] =	wrdreg s26  }
0x14: {  	s26 =	simm.s32 $0x7;
	s24 =	simm.s32 $0x100;
	s17 =	sadd.s32 s4, s14  }
0x15: {  	s18 =	sadd.s32 s5, s14;
	s20 =	sor.u32 $0x10, s14;
	[dreg:$0xf] =	wrdreg s25  }
0x16: {  	s22 =	sor.u32 $0x20, s14;
	s25 =	simm.s32 $0x300;
	[dreg:$0x8] =	wrdreg s17  }
0x17: {  	s14 =	simm.s32 $0x3;
	[dreg:$0x9] =	wrdreg s18;
	s21 =	sadd.s32 s4, s20  }
0x18: {  	s0 =	sadd.s32 s5, s20;
	s10 =	sadd.s32 s4, s22;
	[dreg:$0xa] =	wrdreg s21  }
.Ltmp0:
0x19: {  	s17 =	simm.s32 $0x5;
	[dreg:$0xb] =	wrdreg s0;
	(pc) =	sbr.rel .LBB2_1-.Ltmp0, $4  }
0x1a: {  	s18 =	simm.s32 $0x6;
	[dreg:$0xc] =	wrdreg s10;
	s0 =	sadd.s32 s5, s22  }
0x1b: {  	s21 =	simm.s32 $0xD;
	s22 =	simm.s32 $0x200;
	s10 =	simm.s32 $0xA  }
0x1c: {  	[dreg:$0xd] =	wrdreg s0;
	s0 =	sadd.s32 s15, s23;
	s15 =	simm.s32 $0xC  }
0x1d: {  	s23 =	simm.s32 $0x0;
	[dreg:$0xe] =	wrdreg s0;
	s0 =	simm.s32 $0x9  }
.LBB2_4:
0x1e: {  	_ =	swait.ge [sflag:s18], $0x3200  }
0x1f: {  	[sflag:s18] =	ssyncset.done $0x0  }
0x20: {  	[sflag:s18] =	ssyncadd.s32 $0xFFFFCE00  }
0x21: {  	_ =	swait.ge [sflag:s8], $0x3200  }
0x22: {  	[sflag:s8] =	ssyncset.done $0x0  }
0x23: {  	[sflag:s8] =	ssyncadd.s32 $0xFFFFCE00  }
0x24: {  	_ =	swait.ge [sflag:s10], $0x80  }
0x25: {  	[sflag:s10] =	ssyncset.done $0x0  }
0x26: {  	[sflag:s10] =	ssyncadd.s32 $0xFFFFFF80  }
0x27: {  	[spmem:s1] =	stream.indirect.scatter.add.f32 [tilespmem:s29], [sflag:$0x4], $0x80, s22, s28, $0xb8;
	[tilespmem:$0x1D880] =	vst v63  }
0x28: {  	_ =	swait.ge [sflag:s16], $0x3200  }
0x29: {  	[sflag:s16] =	ssyncset.done $0x0  }
0x2a: {  	[sflag:s16] =	ssyncadd.s32 $0xFFFFCE00  }
0x2b: {  	[bflag:$0x0] =	sbarrier.arrive $0xFFFF  }
0x2c: {  	s19 =	rddreg [dreg:$0x5]  }
0x2d: {  	s9 =	rddreg [dreg:$0xe]  }
0x2e: {  	s21 =	simm.s32 $0xD;
	s20 =	rddreg [dreg:$0x12]  }
0x2f: {  	[hbm:s9], [sflag:s19] =	dma.local [spmem:s20], $0x2700  }
0x30: {  	_ =	swait.ge [sflag:s21], $0x2700  }
0x31: {  	[sflag:s21] =	ssyncset.done $0x0;
	s9 =	rddreg [dreg:$0xf]  }
0x32: {  	s20 =	rddreg [dreg:$0x13];
	[sflag:s21] =	ssyncadd.s32 $0xFFFFD900  }
0x33: {  	[hbm:s9], [sflag:s19] =	dma.local @!p0 [spmem:s20], $0x100  }
0x34: {  	s9 =	simm.s32 @!p0 $0xD  }
0x35: {  	_ =	swait.ge @!p0 [sflag:s9], $0x100  }
0x36: {  	s23 =	rddreg [dreg:$0x11]  }
0x37: {  	s20 =	rddreg [dreg:$0x10];
	s23 =	sadd.s32 $0x1, s23  }
0x38: {  	p1 =	sne.s32 s23, s20  }
.Ltmp1:
0x39: {  	_ = 	snop;
	(pc) =	sbr.rel @!p1 .LBB2_5-.Ltmp1, $3  }
0x3a: {  	_ =	sdelay $0x1  }
0x3b: {  	[sflag:s9] =	ssyncset.done @!p0 $0x0  }
0x3c: {  	[sflag:s9] =	ssyncadd.s32 @!p0 $0xFFFFFF00  }
.LBB2_1:
0x3d: {  	[dreg:$0x11] =	wrdreg s23  }
0x3e: {  	s9 =	rddreg [dreg:$0x3]  }
0x3f: {  	s23 =	rddreg [dreg:$0x4];
	s20 =	sshrl.u32 s9, $0x3  }
0x40: {  	[dreg:$0x12] =	wrdreg s20  }
0x41: {  	[spmem:s20], [sflag:s19] =	dma.local [hbm:s23], $0x2700  }
0x42: {  	_ =	swait.ge [sflag:s21], $0x2700  }
0x43: {  	s9 =	rddreg [dreg:$0x6]  }
0x44: {  	[sflag:s21] =	ssyncset.done $0x0;
	s20 =	sshrl.u32 @!p0 s9, $0x3;
	s9 =	rddreg [dreg:$0x7]  }
0x45: {  	[sflag:s21] =	ssyncadd.s32 $0xFFFFD900;
	[dreg:$0x13] =	wrdreg s20  }
0x46: {  	[spmem:s20], [sflag:s19] =	dma.local @!p0 [hbm:s9], $0x100  }
0x47: {  	s9 =	simm.s32 @!p0 $0xD  }
0x48: {  	_ =	swait.ge @!p0 [sflag:s9], $0x100  }
0x49: {  	[sflag:s9] =	ssyncset.done @!p0 $0x0  }
0x4a: {  	[sflag:s9] =	ssyncadd.s32 @!p0 $0xFFFFFF00  }
0x4b: {  	[bflag:$0x0] =	sbarrier.arrive $0xFFFF  }
0x4c: {  	s19 =	rddreg [dreg:$0x8]  }
0x4d: {  	[tilespmem:s2], [sflag:$0x7] =	stream.linear.gather [hbm4b:s19+s2], $0x80, $0x38;
	[tilespmem:$0x1D880] =	vst v63  }
0x4e: {  	s20 =	rddreg [dreg:$0x9]  }
0x4f: {  	[tilespmem:s22], [sflag:$0xA] =	stream.linear.gather [hbm4b:s20+s2], $0x80, $0x38;
	[tilespmem:$0x1D880] =	vst v63  }
0x50: {  	s21 =	rddreg [dreg:$0xa];
	s19 =	simm.s32 $0x80  }
0x51: {  	[tilespmem:s19], [sflag:$0x8] =	stream.linear.gather [hbm4b:s21+s2], $0x80, $0x38;
	[tilespmem:$0x1D880] =	vst v63  }
0x52: {  	s23 =	rddreg [dreg:$0xb]  }
0x53: {  	[tilespmem:s13], [sflag:$0xB] =	stream.linear.gather [hbm4b:s23+s2], $0x80, $0x38;
	[tilespmem:$0x1D880] =	vst v63  }
0x54: {  	s20 =	rddreg [dreg:$0xc];
	s21 =	simm.s32 $0x100  }
0x55: {  	[tilespmem:s21], [sflag:$0x9] =	stream.linear.gather [hbm4b:s20+s2], $0x80, $0x38;
	[tilespmem:$0x1D880] =	vst v63  }
0x56: {  	s23 =	rddreg [dreg:$0xd]  }
0x57: {  	[tilespmem:s25], [sflag:$0xC] =	stream.linear.gather [hbm4b:s23+s2], $0x80, $0x38;
	[tilespmem:$0x1D880] =	vst v63  }
0x58: {  	_ =	swait.ge [sflag:s26], $0x80  }
0x59: {  	[sflag:s26] =	ssyncset.done $0x0  }
0x5a: {  	[sflag:s26] =	ssyncadd.s32 $0xFFFFFF80  }
0x5b: {  	[tilespmem:s29], [sflag:$0x1] =	stream.indirect.gather [hbm4b:s3+s28], $0x80, s2, s28, $0xb8;
	[tilespmem:$0x1D880] =	vst v63  }
0x5c: {  	_ =	swait.ge [sflag:s30], $0x80  }
0x5d: {  	[sflag:s30] =	ssyncset.done $0x0  }
0x5e: {  	[sflag:s30] =	ssyncadd.s32 $0xFFFFFF80  }
0x5f: {  	[tilespmem:s31], [sflag:$0x2] =	stream.indirect.gather [hbm4b:s3+s28], $0x80, s19, s28, $0xb8;
	[tilespmem:$0x1D880] =	vst v63  }
0x60: {  	_ =	swait.ge [sflag:s0], $0x80  }
0x61: {  	[sflag:s0] =	ssyncset.done $0x0  }
0x62: {  	s9 =	simm.s32 $0x280;
	[sflag:s0] =	ssyncadd.s32 $0xFFFFFF80  }
0x63: {  	[tilespmem:s6], [sflag:$0x3] =	stream.indirect.gather [hbm4b:s3+s28], $0x80, s21, s28, $0xb8;
	[tilespmem:$0x1D880] =	vst v63  }
.LBB2_2:
0x64: {  	s20 =	sadd.s32 $0xFFFFFF00, s9  }
0x65: {  	s21 =	sand.u32 $0xFC00, s20  }
0x66: {  	s20 =	sand.u32 $0x380, s20;
	s21 =	sadd.s32 s7, s21  }
0x67: {  	_ =	swait.ge [sflag:s8], $0x3200;
	s20 =	sor.u32 s20, s21  }
0x68: {  	[sflag:s8] =	ssyncset.done $0x0;
	s20 =	sshrl.u32 s20, $0x3  }
0x69: {  	p1 =	seq.s32 s9, $0x3280;
	[sflag:s8] =	ssyncadd.s32 $0xFFFFCE00;
	s19 =	sadd.s32 s4, s20  }
0x6a: {  	[tilespmem:s2], [sflag:$0x7] =	stream.linear.gather [hbm4b:s19+s2], $0x80, $0x38;
	[tilespmem:$0x1D880] =	vst v63  }
0x6b: {  	s21 =	sadd.s32 @!p1 $0xFFFFFF80, s9;
	_ =	swait.ge [sflag:s10], $0x80  }
0x6c: {  	s19 =	sand.u32 @!p1 $0xFC00, s21;
	[sflag:s10] =	ssyncset.done $0x0  }
0x6d: {  	s21 =	sand.u32 @!p1 $0x380, s21;
	s19 =	sadd.s32 @!p1 s7, s19;
	[sflag:s10] =	ssyncadd.s32 $0xFFFFFF80  }
0x6e: {  	[spmem:s1] =	stream.indirect.scatter.add.f32 [tilespmem:s29], [sflag:$0x4], $0x80, s22, s28, $0xb8;
	[tilespmem:$0x1D880] =	vst v63  }
0x6f: {  	s19 =	sor.u32 @!p1 s21, s19;
	_ =	swait.ge [sflag:s11], $0x3200  }
0x70: {  	s23 =	simm.s32 @!p1 $0x80;
	s19 =	sshrl.u32 @!p1 s19, $0x3;
	[sflag:s11] =	ssyncset.done $0x0  }
0x71: {  	s21 =	simm.s32 @!p1 $0x0;
	s19 =	sadd.s32 @!p1 s4, s19;
	[sflag:s11] =	ssyncadd.s32 $0xFFFFCE00  }
0x72: {  	[tilespmem:s23], [sflag:$0x8] =	stream.linear.gather @!p1 [hbm4b:s19+s21], $0x80, $0x38;
	[tilespmem:$0x1D880] =	vst v63  }
0x73: {  	_ =	swait.ge [sflag:s12], $0x80  }
0x74: {  	s19 =	sand.u32 @!p1 $0xFC00, s9;
	[sflag:s12] =	ssyncset.done $0x0  }
0x75: {  	s23 =	sand.u32 @!p1 $0x380, s9;
	s19 =	sadd.s32 @!p1 s7, s19;
	[sflag:s12] =	ssyncadd.s32 $0xFFFFFF80  }
0x76: {  	[spmem:s1] =	stream.indirect.scatter.add.f32 [tilespmem:s31], [sflag:$0x5], $0x80, s13, s28, $0xb8;
	[tilespmem:$0x1D880] =	vst v63  }
0x77: {  	s19 =	sor.u32 @!p1 s23, s19;
	_ =	swait.ge [sflag:s14], $0x3200  }
0x78: {  	s19 =	sshrl.u32 @!p1 s19, $0x3;
	[sflag:s14] =	ssyncset.done $0x0  }
0x79: {  	s23 =	simm.s32 @!p1 $0x100;
	s19 =	sadd.s32 @!p1 s4, s19;
	[sflag:s14] =	ssyncadd.s32 $0xFFFFCE00  }
0x7a: {  	[tilespmem:s23], [sflag:$0x9] =	stream.linear.gather @!p1 [hbm4b:s19+s21], $0x80, $0x38;
	[tilespmem:$0x1D880] =	vst v63  }
0x7b: {  	_ =	swait.ge [sflag:s15], $0x80  }
0x7c: {  	[sflag:s15] =	ssyncset.done $0x0  }
0x7d: {  	[sflag:s15] =	ssyncadd.s32 $0xFFFFFF80  }
0x7e: {  	[spmem:s1] =	stream.indirect.scatter.add.f32 [tilespmem:s6], [sflag:$0x6], $0x80, s25, s28, $0xb8;
	[tilespmem:$0x1D880] =	vst v63  }
0x7f: {  	_ =	swait.ge [sflag:s16], $0x3200  }
0x80: {  	[sflag:s16] =	ssyncset.done $0x0  }
0x81: {  	s23 =	sadd.s32 s5, s20;
	[sflag:s16] =	ssyncadd.s32 $0xFFFFCE00  }
0x82: {  	[tilespmem:s22], [sflag:$0xA] =	stream.linear.gather [hbm4b:s23+s2], $0x80, $0x38;
	[tilespmem:$0x1D880] =	vst v63  }
0x83: {  	_ =	swait.ge [sflag:s26], $0x80  }
0x84: {  	[sflag:s26] =	ssyncset.done $0x0  }
.Ltmp2:
0x85: {  	[sflag:s26] =	ssyncadd.s32 $0xFFFFFF80;
	(pc) =	sbr.rel @p1 .LBB2_4-.Ltmp2, $4  }
0x86: {  	[tilespmem:s29], [sflag:$0x1] =	stream.indirect.gather [hbm4b:s3+s28], $0x80, s2, s28, $0xb8;
	[tilespmem:$0x1D880] =	vst v63  }
0x87: {  	_ =	swait.ge [sflag:s17], $0x3200  }
0x88: {  	[sflag:s17] =	ssyncset.done $0x0  }
0x89: {  	[sflag:s17] =	ssyncadd.s32 $0xFFFFCE00  }
0x8a: {  	s19 =	sadd.s32 $0xFFFFFF80, s9  }
0x8b: {  	s20 =	sand.u32 $0xFC00, s19  }
0x8c: {  	s19 =	sand.u32 $0x380, s19;
	s20 =	sadd.s32 s7, s20  }
0x8d: {  	s19 =	sor.u32 s19, s20  }
0x8e: {  	s19 =	sshrl.u32 s19, $0x3  }
0x8f: {  	s19 =	sadd.s32 s5, s19  }
0x90: {  	[tilespmem:s13], [sflag:$0xB] =	stream.linear.gather [hbm4b:s19+s2], $0x80, $0x38;
	[tilespmem:$0x1D880] =	vst v63  }
0x91: {  	_ =	swait.ge [sflag:s30], $0x80  }
0x92: {  	s21 =	sand.u32 $0xFC00, s9;
	s23 =	sand.u32 $0x380, s9;
	[sflag:s30] =	ssyncset.done $0x0  }
0x93: {  	s20 =	simm.s32 $0x80;
	s19 =	sadd.s32 s7, s21;
	[sflag:s30] =	ssyncadd.s32 $0xFFFFFF80  }
0x94: {  	[tilespmem:s31], [sflag:$0x2] =	stream.indirect.gather [hbm4b:s3+s28], $0x80, s20, s28, $0xb8;
	[tilespmem:$0x1D880] =	vst v63  }
0x95: {  	s19 =	sor.u32 s23, s19;
	_ =	swait.ge [sflag:s18], $0x3200  }
0x96: {  	s19 =	sshrl.u32 s19, $0x3;
	[sflag:s18] =	ssyncset.done $0x0  }
0x97: {  	s19 =	sadd.s32 s5, s19;
	[sflag:s18] =	ssyncadd.s32 $0xFFFFCE00  }
0x98: {  	[tilespmem:s25], [sflag:$0xC] =	stream.linear.gather [hbm4b:s19+s2], $0x80, $0x38;
	[tilespmem:$0x1D880] =	vst v63  }
.Ltmp3:
0x99: {  	_ = 	snop;
	(pc) =	sbr.rel .LBB2_2-.Ltmp3, $4  }
0x9a: {  	_ =	swait.ge [sflag:s0], $0x80  }
0x9b: {  	[sflag:s0] =	ssyncset.done $0x0  }
0x9c: {  	s9 =	sadd.s32 $0x180, s9;
	[sflag:s0] =	ssyncadd.s32 $0xFFFFFF80  }
0x9d: {  	[tilespmem:s6], [sflag:$0x3] =	stream.indirect.gather [hbm4b:s3+s28], $0x80, s24, s28, $0xb8;
	[tilespmem:$0x1D880] =	vst v63  }
.LBB2_5:
0x9e: {  	_ =	sfence.sel $0x180000  }
0x9f: {  	[bflag:$0x0] =	sbarrier.arrive $0xFFFF  }
0xa0: {  	_ =	strace $0x9000004A  }
0xa1: {  	[bflag:$0x2] =	sbarrier.arrive $0xFFFF  }
0xa2: {  	s0 =	rddreg [dreg:$0x2]  }
0xa3: {  	s0 =	sadd.s32 @!p0 $0x100000, s0  }
0xa4: {  	[sflag:s0] =	ssyncadd.tile.s32 @!p0 $0x1;
	_ =	shalt  }
.Lfunc_end2:
_tile_overlayer_lowered:
.L_overlay_start_2:
0xa5: {  	(tag) =	ssettag $0x2  }
0xa6: {  	s0 =	rddreg [dreg:$0x0];
	s2 =	stileid.u32  }
0xa7: {  	s1 =	rddreg [dreg:$0x1];
	p0 =	sne.s32 s2, $0x0  }
0xa8: {  	s3 =	rddreg [dreg:$0x2];
	[bflag:$0x3] =	sbarrier.arrive $0xFFFF;
	s2 =	simm.s32 @!p0 $0x1C0D  }
0xa9: {  	[timem:s3], [sflag:s2] =	dma.local @!p0 [hbm:s0], s1  }
0xaa: {  	s0 =	simm.s32 @!p0 $0xD  }
0xab: {  	_ =	swait.ge @!p0 [sflag:s0], s1  }
0xac: {  	s1 =	ssub.s32 @!p0 $0x0, s1;
	[sflag:s0] =	ssyncset.done @!p0 $0x0  }
0xad: {  	[sflag:s0] =	ssyncadd.s32 @!p0 s1  }
0xae: {  	[bflag:$0x3] =	sbarrier.arrive $0xFFFF  }
0xaf: {  	_ =	shalt  }

// kernel: kernel.18.cloned.1.call-start
scs
__scs_entry_jumppad:
0x0: {  	(pc) =	sbr.rel $0x88, $3  }
0x1: {  	(tag) =	ssettag $0x0;
	lr =	simm.s32 $0x1  }
0x2: {  	[smem:$0x3F8D] =	sst lr;
	_ =	strace $0xD0000000  }
0x3: {  	_ = 	snop  }
0x4: {  	_ = 	snop  }
0x5: {  	_ = 	snop  }
0x6: {  	_ = 	snop  }
0x7: {  	_ = 	snop  }
__scs_overlays_trampoline_lowered:
0x8: {  	[smem:$0x3F9C] =	sst s0  }
0x9: {  	[smem:$0x3F9D] =	sst s1  }
0xa: {  	[smem:$0x3F9E] =	sst s2  }
0xb: {  	[smem:$0x3F9F] =	sst s3  }
0xc: {  	[smem:$0x3FA0] =	sst s4  }
0xd: {  	[smem:$0x3FA1] =	sst s5  }
0xe: {  	[smem:$0x3FA2] =	sst s6  }
0xf: {  	[smem:$0x3FA3] =	sst s7  }
0x10: {  	[smem:$0x3FA4] =	sst s8  }
0x11: {  	[smem:$0x3FA5] =	sst s9;
	s0 =	simm.s32 @!p0 $0x0  }
0x12: {  	s1 =	sld [smem:$0x3F8B];
	s0 =	simm.s32 @p0 $0x1  }
0x13: {  	[smem:$0x3FA6] =	sst s0;
	s0 =	simm.s32 @!p1 $0x0  }
0x14: {  	s2 =	sld [smem:$0x3F8A];
	s0 =	simm.s32 @p1 $0x1  }
0x15: {  	[smem:$0x3FA7] =	sst s0;
	s0 =	simm.s32 @!p2 $0x0  }
0x16: {  	s3 =	sld [smem:$0x3FDB];
	s0 =	simm.s32 @p2 $0x1  }
0x17: {  	s4 =	simm.s32 $0x1BF5;
	[smem:$0x3FA9] =	sst s0  }
0x18: {  	s0 =	sld [smem:$0x3F8C];
	_ =	swait.ge [sflag:s4], $0x0  }
0x19: {  	s7 =	sld [smem:$0x3F8D]  }
0x1a: {  	s8 =	sadd.s32 $0xFFFFE003, lr  }
0x1b: {  	s9 =	sadd.s32 $0xFFFFFEF7, lr;
	s5 =	simm.s32 $0xFFFFFFFF;
	p2 =	slt.u32 s8, $0xFFFFF086  }
0x1c: {  	p1 =	slt.u32 s9, $0xF7A;
	s5 =	simm.s32 @!p2 $0x0  }
0x1d: {  	s5 =	simm.s32 @p1 $0x1;
	p0 =	seq.s32 s7, s2  }
0x1e: {  	s7 =	smul.u32 @!p0 $0xF7A, s2;
	p2 =	seq.s32 @!p0 s5, $0x0  }
0x1f: {  	s9 =	smul.u32 $0xF7A, s1;
	s8 =	simm.s32 @!p0 $0x1BF5;
	p2 =	por !p2, p0  }
0x20: {  	[sflag:s8] =	ssyncset.s32 @!p0 $0xFFFFF086;
	s6 =	sadd.s32 @!p0 s3, s7;
	s7 =	simm.s32 @!p0 $0x108  }
0x21: {  	s3 =	sadd.s32 s3, s9;
	s6 =	sadd.s32 @!p0 $0x88, s6;
	s7 =	simm.s32 @p2 $0x1082  }
0x22: {  	[simem:s7], [sflag:s8] =	dma.local @!p0 [hbm:s6], $0xF7A  }
0x23: {  	s9 =	sor.u32 $0xD0000000, s2;
	s6 =	simm.s32 $0x108;
	_ =	swait.ge @!p0 [sflag:s8], $0x0  }
0x24: {  	s3 =	sadd.s32 $0x88, s3;
	s6 =	simm.s32 @!p1 $0x1082;
	[sflag:s4] =	ssyncset.s32 $0xFFFFF086  }
0x25: {  	[simem:s6], [sflag:s4] =	dma.local [hbm:s3], $0xF7A  }
0x26: {  	[smem:$0x3F8D] =	sst s1;
	(tag) =	ssettag s2;
	_ =	strace s9  }
0x27: {  	s1 =	sld [smem:$0x3F9D]  }
0x28: {  	s2 =	sld [smem:$0x3F9E]  }
0x29: {  	s4 =	sld [smem:$0x3FA0]  }
0x2a: {  	p0 =	seq.s32 s5, $0x0;
	s5 =	sld [smem:$0x3FA1]  }
0x2b: {  	s6 =	sld [smem:$0x3FA2]  }
0x2c: {  	s7 =	sld [smem:$0x3FA3]  }
0x2d: {  	s3 =	simm.s32 $0x108;
	s8 =	sld [smem:$0x3FA4]  }
0x2e: {  	s3 =	simm.s32 @!p0 $0x1082;
	s9 =	sld [smem:$0x3FA5]  }
0x2f: {  	lr =	sadd.s32 s0, s3;
	s0 =	sld [smem:$0x3F9C]  }
0x30: {  	s3 =	sld [smem:$0x3F9F]  }
0x31: {  	[smem:$0x3FA8] =	sst s10  }
0x32: {  	s10 =	sld [smem:$0x3FA6];
	_ =	sdelay $0x3  }
0x33: {  	p0 =	seq.s32 s10, $0x1;
	s10 =	sld [smem:$0x3FA8];
	_ =	sdelay $0x3  }
0x34: {  	[smem:$0x3FA8] =	sst s10  }
0x35: {  	s10 =	sld [smem:$0x3FA7];
	_ =	sdelay $0x3  }
0x36: {  	p1 =	seq.s32 s10, $0x1;
	s10 =	sld [smem:$0x3FA8];
	_ =	sdelay $0x3  }
0x37: {  	[smem:$0x3FA8] =	sst s10  }
0x38: {  	s10 =	sld [smem:$0x3FA9]  }
0x39: {  	_ = 	snop;
	(pc) =	sbr.ind lr, $3  }
0x3a: {  	_ = 	snop  }
0x3b: {  	_ = 	snop  }
0x3c: {  	p2 =	seq.s32 s10, $0x1;
	s10 =	sld [smem:$0x3FA8]  }
0x3d: {  	_ =	shalt  }
0x3e: {  	_ =	shalt  }
0x3f: {  	_ =	shalt  }
0x40: {  	_ =	shalt  }
0x41: {  	_ =	shalt  }
0x42: {  	_ =	shalt  }
0x43: {  	_ =	shalt  }
0x44: {  	_ =	shalt  }
0x45: {  	_ =	shalt  }
0x46: {  	_ =	shalt  }
0x47: {  	_ =	shalt  }
0x48: {  	_ =	shalt  }
0x49: {  	_ =	shalt  }
0x4a: {  	_ =	shalt  }
0x4b: {  	_ =	shalt  }
0x4c: {  	_ =	shalt  }
0x4d: {  	_ =	shalt  }
0x4e: {  	_ =	shalt  }
0x4f: {  	_ =	shalt  }
0x50: {  	_ =	shalt  }
0x51: {  	_ =	shalt  }
0x52: {  	_ =	shalt  }
0x53: {  	_ =	shalt  }
0x54: {  	_ =	shalt  }
0x55: {  	_ =	shalt  }
0x56: {  	_ =	shalt  }
0x57: {  	_ =	shalt  }
0x58: {  	_ =	shalt  }
0x59: {  	_ =	shalt  }
0x5a: {  	_ =	shalt  }
0x5b: {  	_ =	shalt  }
0x5c: {  	_ =	shalt  }
0x5d: {  	_ =	shalt  }
0x5e: {  	_ =	shalt  }
0x5f: {  	_ =	shalt  }
0x60: {  	_ =	shalt  }
0x61: {  	_ =	shalt  }
0x62: {  	_ =	shalt  }
0x63: {  	_ =	shalt  }
0x64: {  	_ =	shalt  }
0x65: {  	_ =	shalt  }
0x66: {  	_ =	shalt  }
0x67: {  	_ =	shalt  }
0x68: {  	_ =	shalt  }
0x69: {  	_ =	shalt  }
0x6a: {  	_ =	shalt  }
0x6b: {  	_ =	shalt  }
0x6c: {  	_ =	shalt  }
0x6d: {  	_ =	shalt  }
0x6e: {  	_ =	shalt  }
0x6f: {  	_ =	shalt  }
0x70: {  	_ =	shalt  }
0x71: {  	_ =	shalt  }
0x72: {  	_ =	shalt  }
0x73: {  	_ =	shalt  }
0x74: {  	_ =	shalt  }
0x75: {  	_ =	shalt  }
0x76: {  	_ =	shalt  }
0x77: {  	_ =	shalt  }
0x78: {  	_ =	shalt  }
0x79: {  	_ =	shalt  }
0x7a: {  	_ =	shalt  }
0x7b: {  	_ =	shalt  }
0x7c: {  	_ =	shalt  }
0x7d: {  	_ =	shalt  }
0x7e: {  	_ =	shalt  }
0x7f: {  	_ =	shalt  }
0x80: {  	_ =	shalt  }
0x81: {  	_ =	shalt  }
0x82: {  	_ =	shalt  }
0x83: {  	_ =	shalt  }
0x84: {  	_ =	shalt  }
0x85: {  	_ =	shalt  }
0x86: {  	_ =	shalt  }
0x87: {  	_ =	shalt  }
.Lfunc_end0:
.L_simem_size_0:
called_computation.2_lowered:
.L_overlay_start_0:
0x88: {  	s2 =	sld [smem:$0x3FD9]  }
0x89: {  	s3 =	sld [smem:$0x3FFE];
	_ =	sdelay $0x1  }
0x8a: {  	s1 =	srdreg.scid  }
0x8b: {  	s0 =	sand.u32 $0x1, s1  }
0x8c: {  	s16 =	sshll.u32 s0, $0xA;
	s2 =	sadd.s32 s3, s2  }
0x8d: {  	s2 =	sadd.s32 s2, s16  }
0x8e: {  	[smem:$0x3FB4] =	sst s2  }
0x8f: {  	_ = 	snop  }
0x90: {  	(tm) =	ssettm $0x1  }
0x91: {  	s17 =	sld [smem:$0x3FFB];
	_ =	sdelay $0x3  }
0x92: {  	_ =	strace s17  }
0x93: {  	s2 =	sld [smem:$0x3FFC];
	_ =	sdelay $0x3  }
0x94: {  	_ =	strace s2  }
0x95: {  	s2 =	sld [smem:$0x3FFD];
	_ =	sdelay $0x3  }
0x96: {  	_ =	strace s2  }
0x97: {  	_ =	strace $0x8FFFFFFF  }
0x98: {  	s18 =	sld [smem:$0x3FDB];
	_ =	sdelay $0x1  }
0x99: {  	s19 =	simm.s32 $_scs_section_size  }
0x9a: {  	s4 =	simm.s32 $_size__tile_overlayer_lowered;
	s5 =	simm.s32 $_tile_overlayer_lowered  }
0x9b: {  	s22 =	simm.s32 $0x1BFF;
	s21 =	sshll.u32 s5, $0x1;
	s2 =	sadd.s32 s19, s18  }
0x9c: {  	s6 =	simm.s32 $0x0;
	s20 =	sshll.u32 s4, $0x1;
	s4 =	sadd.s32 s21, s2  }
0x9d: {  	[timem:s6], [sflag:s22] =	dma.local [hbm:s4], s20  }
0x9e: {  	_ =	swait.ge [sflag:s22], s20  }
0x9f: {  	s3 =	ssub.s32 $0x0, s20;
	[sflag:s22] =	ssyncset.done $0x0  }
0xa0: {  	[sflag:s22] =	ssyncadd.s32 s3;
	_ =	sdelay $0x1  }
0xa1: {  	s23 =	simm.s32 $0x1B8B  }
0xa2: {  	_ =	swait.ge [sflag:s23], $0x1  }
0xa3: {  	[sflag:s23] =	ssyncset.done $0x0  }
0xa4: {  	s25 =	simm.s32 $0x1B8E;
	s24 =	sld [smem:$0x3FFE];
	[sflag:s23] =	ssyncadd.s32 $0xFFFFFFFF  }
0xa5: {  	s26 =	simm.s32 $execute0_lowered;
	[smem:$0x3FD2] =	sst s25  }
0xa6: {  	s4 =	sshll.u32 s26, $0x1;
	_ =	strace $0x8000004C;
	[dreg:$0x1] =	wrdreg $0xFFFFFFFF  }
0xa7: {  	s28 =	simm.s32 $_size_execute0_lowered;
	s2 =	sadd.s32 s2, s4;
	[dreg:$0x0] =	wrdreg $0x0  }
0xa8: {  	s4 =	sshll.u32 s28, $0x1;
	[dreg:$0x2] =	wrdreg s2  }
0xa9: {  	[dreg:$0x3] =	wrdreg s4  }
0xaa: {  	[dreg:$0x4] =	wrdreg $0xC0  }
0xab: {  	_ =	task [dreg:s6], $0x5FFFF  }
0xac: {  	[dreg:$0x1] =	wrdreg $0xFFFFFFFF  }
0xad: {  	[dreg:$0x0] =	wrdreg $0x60  }
0xae: {  	[dreg:$0x2] =	wrdreg s24  }
0xaf: {  	[dreg:$0x3] =	wrdreg $0xA0000  }
0xb0: {  	[dreg:$0x4] =	wrdreg $0x9  }
0xb1: {  	_ =	task.clear_ibuf [dreg:s6], $0x5FFFF;
	_ =	strace $0x9000004C  }
0xb2: {  	s29 =	simm.s32 $0x9;
	_ =	strace $0x8000004E  }
0xb3: {  	_ =	swait.ge [sflag:s29], $0x1  }
0xb4: {  	[sflag:s29] =	ssyncadd.s32 $0xFFFFFFFF  }
0xb5: {  	_ =	strace $0x9000004E  }
0xb6: {  	_ =	sfence  }
0xb7: {  	s30 =	sld [smem:$0x0];
	_ =	sdelay $0x2  }
0xb8: {  	s31 =	sshll.u32 s1, $0xD;
	s1 =	sshrl.u32 s1, $0x2  }
0xb9: {  	s3 =	sand.u32 $0x4000, s31;
	s1 =	sadd.s32 s1, s30  }
0xba: {  	s0 =	sor.u32 s3, s0;
	s1 =	sshll.u32 s1, $0x11  }
0xbb: {  	s0 =	sor.u32 s1, s0  }
0xbc: {  	s0 =	sadd.s32 $0x8F2B, s0  }
0xbd: {  	[sflag:s0] =	ssyncadd.remote.s32 $0x1  }
0xbe: {  	_ =	sfence.sel $0xFFFF  }
0xbf: {  	[dreg:$0x0] =	wrdreg $0xFFFFFFFF;
	(pc) =	sbr.abs _section_cstart, $3  }
0xc0: {  	[dreg:$0x1] =	wrdreg $0xFFFFFFFF  }
0xc1: {  	_ =	task.clear_ibuf [dreg:s6], $0x2FFFF;
	_ =	strace $0x9FFFFFFF  }
0xc2: {  	(tm) =	ssettm $0x7FFFFFFF  }
0xc3: {  	_ =	shalt  }
tec
execute0_lowered:
.L_overlay_start_1:
0x0: {  	(tag) =	ssettag $0x1  }
0x1: {  	s0 =	rddreg [dreg:$0x0]  }
0x2: {  	s1 =	rddreg [dreg:$0x1];
	s2 =	simm.s32 $0x0  }
0x3: {  	s6 =	stileid.u32;
	s7 =	srdreg.scid;
	s28 =	simm.s32 $0x64  }
0x4: {  	s29 =	simm.s32 $0x400;
	s30 =	simm.s32 $0x8;
	s31 =	simm.s32 $0x3800  }
0x5: {  	[smem:$0x7FF] =	sst s2;
	s3 =	sadd.s32 $0x20400, s0;
	s8 =	smul.u32 $0x13800, s6  }
0x6: {  	s4 =	sadd.s32 $0x6400, s0;
	s5 =	sadd.s32 $0x13400, s0;
	s25 =	smul.u32 $0x4E000, s6  }
0x7: {  	s9 =	sand.u32 $0x1, s7;
	s14 =	smul.u32 $0x3400, s6;
	s15 =	sadd.s32 $0x6E800, s0  }
0x8: {  	s26 =	sshll.u32 s6, $0x6;
	s16 =	sadd.s32 $0x138000, s1;
	p0 =	sne.s32 s6, $0x0  }
0x9: {  	s6 =	simm.s32 $0x6C00;
	_ =	strace $0x8000004D;
	s11 =	ssub.s32 $0x2, s9  }
0xa: {  	s12 =	smul.u32 $0x34000, s9;
	s19 =	sor.u32 $0x1C0D, s26;
	[dreg:$0x6] =	wrdreg s16  }
0xb: {  	s9 =	smul.u32 $0x138800, s9;
	s16 =	simm.s32 $0x4;
	s10 =	sshrl.u32 s8, $0x3  }
0xc: {  	s13 =	sshrl.u32 s11, $0x1;
	s7 =	sshrl.u32 s25, $0x2;
	[dreg:$0x5] =	wrdreg s19  }
0xd: {  	s10 =	sadd.s32 s10, s0;
	s11 =	ssub.s32 s11, s13;
	s7 =	sadd.s32 s7, s1  }
0xe: {  	s0 =	sadd.s32 $0x6E600, s0;
	s8 =	sadd.s32 s8, s9;
	s9 =	sshrl.u32 s9, $0x3  }
0xf: {  	s13 =	simm.s32 $0x280;
	[dreg:$0x3] =	wrdreg s7;
	s7 =	sadd.s32 s14, s12  }
0x10: {  	s10 =	sadd.s32 $0x47600, s10;
	[dreg:$0x7] =	wrdreg s0;
	s23 =	sshrl.u32 s8, $0x3  }
0x11: {  	s24 =	sadd.s32 s15, s9;
	s26 =	smax.u32 s11, $0x1;
	s8 =	simm.s32 $0x1  }
0x12: {  	s11 =	simm.s32 $0x2;
	s12 =	simm.s32 $0xB;
	[dreg:$0x4] =	wrdreg s10  }
0x13: {  	s14 =	sshrl.u32 s7, $0x3;
	s25 =	sadd.s32 $0x27000, s24;
	[dreg:$0x10] =	wrdreg s26  }
0x14: {  	s26 =	simm.s32 $0x7;
	s24 =	simm.s32 $0x100;
	s17 =	sadd.s32 s4, s14  }
0x15: {  	s18 =	sadd.s32 s5, s14;
	s20 =	sor.u32 $0x10, s14;
	[dreg:$0xf] =	wrdreg s25  }
0x16: {  	s22 =	sor.u32 $0x20, s14;
	s25 =	simm.s32 $0x300;
	[dreg:$0x8] =	wrdreg s17  }
0x17: {  	s14 =	simm.s32 $0x3;
	[dreg:$0x9] =	wrdreg s18;
	s21 =	sadd.s32 s4, s20  }
0x18: {  	s0 =	sadd.s32 s5, s20;
	s10 =	sadd.s32 s4, s22;
	[dreg:$0xa] =	wrdreg s21  }
.Ltmp0:
0x19: {  	s17 =	simm.s32 $0x5;
	[dreg:$0xb] =	wrdreg s0;
	(pc) =	sbr.rel .LBB2_1-.Ltmp0, $4  }
0x1a: {  	s18 =	simm.s32 $0x6;
	[dreg:$0xc] =	wrdreg s10;
	s0 =	sadd.s32 s5, s22  }
0x1b: {  	s21 =	simm.s32 $0xD;
	s22 =	simm.s32 $0x200;
	s10 =	simm.s32 $0xA  }
0x1c: {  	[dreg:$0xd] =	wrdreg s0;
	s0 =	sadd.s32 s15, s23;
	s15 =	simm.s32 $0xC  }
0x1d: {  	s23 =	simm.s32 $0x0;
	[dreg:$0xe] =	wrdreg s0;
	s0 =	simm.s32 $0x9  }
.LBB2_4:
0x1e: {  	_ =	swait.ge [sflag:s18], $0x3200  }
0x1f: {  	[sflag:s18] =	ssyncset.done $0x0  }
0x20: {  	[sflag:s18] =	ssyncadd.s32 $0xFFFFCE00  }
0x21: {  	_ =	swait.ge [sflag:s8], $0x3200  }
0x22: {  	[sflag:s8] =	ssyncset.done $0x0  }
0x23: {  	[sflag:s8] =	ssyncadd.s32 $0xFFFFCE00  }
0x24: {  	_ =	swait.ge [sflag:s10], $0x80  }
0x25: {  	[sflag:s10] =	ssyncset.done $0x0  }
0x26: {  	[sflag:s10] =	ssyncadd.s32 $0xFFFFFF80  }
0x27: {  	[spmem:s1] =	stream.indirect.scatter.add.f32 [tilespmem:s29], [sflag:$0x4], $0x80, s22, s28, $0xb8;
	[tilespmem:$0x1D880] =	vst v63  }
0x28: {  	_ =	swait.ge [sflag:s16], $0x3200  }
0x29: {  	[sflag:s16] =	ssyncset.done $0x0  }
0x2a: {  	[sflag:s16] =	ssyncadd.s32 $0xFFFFCE00  }
0x2b: {  	[bflag:$0x0] =	sbarrier.arrive $0xFFFF  }
0x2c: {  	s19 =	rddreg [dreg:$0x5]  }
0x2d: {  	s9 =	rddreg [dreg:$0xe]  }
0x2e: {  	s21 =	simm.s32 $0xD;
	s20 =	rddreg [dreg:$0x12]  }
0x2f: {  	[hbm:s9], [sflag:s19] =	dma.local [spmem:s20], $0x2700  }
0x30: {  	_ =	swait.ge [sflag:s21], $0x2700  }
0x31: {  	[sflag:s21] =	ssyncset.done $0x0;
	s9 =	rddreg [dreg:$0xf]  }
0x32: {  	s20 =	rddreg [dreg:$0x13];
	[sflag:s21] =	ssyncadd.s32 $0xFFFFD900  }
0x33: {  	[hbm:s9], [sflag:s19] =	dma.local @!p0 [spmem:s20], $0x100  }
0x34: {  	s9 =	simm.s32 @!p0 $0xD  }
0x35: {  	_ =	swait.ge @!p0 [sflag:s9], $0x100  }
0x36: {  	s23 =	rddreg [dreg:$0x11]  }
0x37: {  	s20 =	rddreg [dreg:$0x10];
	s23 =	sadd.s32 $0x1, s23  }
0x38: {  	p1 =	sne.s32 s23, s20  }
.Ltmp1:
0x39: {  	_ = 	snop;
	(pc) =	sbr.rel @!p1 .LBB2_5-.Ltmp1, $3  }
0x3a: {  	_ =	sdelay $0x1  }
0x3b: {  	[sflag:s9] =	ssyncset.done @!p0 $0x0  }
0x3c: {  	[sflag:s9] =	ssyncadd.s32 @!p0 $0xFFFFFF00  }
.LBB2_1:
0x3d: {  	[dreg:$0x11] =	wrdreg s23  }
0x3e: {  	s9 =	rddreg [dreg:$0x3]  }
0x3f: {  	s23 =	rddreg [dreg:$0x4];
	s20 =	sshrl.u32 s9, $0x3  }
0x40: {  	[dreg:$0x12] =	wrdreg s20  }
0x41: {  	[spmem:s20], [sflag:s19] =	dma.local [hbm:s23], $0x2700  }
0x42: {  	_ =	swait.ge [sflag:s21], $0x2700  }
0x43: {  	s9 =	rddreg [dreg:$0x6]  }
0x44: {  	[sflag:s21] =	ssyncset.done $0x0;
	s20 =	sshrl.u32 @!p0 s9, $0x3;
	s9 =	rddreg [dreg:$0x7]  }
0x45: {  	[sflag:s21] =	ssyncadd.s32 $0xFFFFD900;
	[dreg:$0x13] =	wrdreg s20  }
0x46: {  	[spmem:s20], [sflag:s19] =	dma.local @!p0 [hbm:s9], $0x100  }
0x47: {  	s9 =	simm.s32 @!p0 $0xD  }
0x48: {  	_ =	swait.ge @!p0 [sflag:s9], $0x100  }
0x49: {  	[sflag:s9] =	ssyncset.done @!p0 $0x0  }
0x4a: {  	[sflag:s9] =	ssyncadd.s32 @!p0 $0xFFFFFF00  }
0x4b: {  	[bflag:$0x0] =	sbarrier.arrive $0xFFFF  }
0x4c: {  	s19 =	rddreg [dreg:$0x8]  }
0x4d: {  	[tilespmem:s2], [sflag:$0x7] =	stream.linear.gather [hbm4b:s19+s2], $0x80, $0x38;
	[tilespmem:$0x1D880] =	vst v63  }
0x4e: {  	s20 =	rddreg [dreg:$0x9]  }
0x4f: {  	[tilespmem:s22], [sflag:$0xA] =	stream.linear.gather [hbm4b:s20+s2], $0x80, $0x38;
	[tilespmem:$0x1D880] =	vst v63  }
0x50: {  	s21 =	rddreg [dreg:$0xa];
	s19 =	simm.s32 $0x80  }
0x51: {  	[tilespmem:s19], [sflag:$0x8] =	stream.linear.gather [hbm4b:s21+s2], $0x80, $0x38;
	[tilespmem:$0x1D880] =	vst v63  }
0x52: {  	s23 =	rddreg [dreg:$0xb]  }
0x53: {  	[tilespmem:s13], [sflag:$0xB] =	stream.linear.gather [hbm4b:s23+s2], $0x80, $0x38;
	[tilespmem:$0x1D880] =	vst v63  }
0x54: {  	s20 =	rddreg [dreg:$0xc];
	s21 =	simm.s32 $0x100  }
0x55: {  	[tilespmem:s21], [sflag:$0x9] =	stream.linear.gather [hbm4b:s20+s2], $0x80, $0x38;
	[tilespmem:$0x1D880] =	vst v63  }
0x56: {  	s23 =	rddreg [dreg:$0xd]  }
0x57: {  	[tilespmem:s25], [sflag:$0xC] =	stream.linear.gather [hbm4b:s23+s2], $0x80, $0x38;
	[tilespmem:$0x1D880] =	vst v63  }
0x58: {  	_ =	swait.ge [sflag:s26], $0x80  }
0x59: {  	[sflag:s26] =	ssyncset.done $0x0  }
0x5a: {  	[sflag:s26] =	ssyncadd.s32 $0xFFFFFF80  }
0x5b: {  	[tilespmem:s29], [sflag:$0x1] =	stream.indirect.gather [hbm4b:s3+s28], $0x80, s2, s28, $0xb8;
	[tilespmem:$0x1D880] =	vst v63  }
0x5c: {  	_ =	swait.ge [sflag:s30], $0x80  }
0x5d: {  	[sflag:s30] =	ssyncset.done $0x0  }
0x5e: {  	[sflag:s30] =	ssyncadd.s32 $0xFFFFFF80  }
0x5f: {  	[tilespmem:s31], [sflag:$0x2] =	stream.indirect.gather [hbm4b:s3+s28], $0x80, s19, s28, $0xb8;
	[tilespmem:$0x1D880] =	vst v63  }
0x60: {  	_ =	swait.ge [sflag:s0], $0x80  }
0x61: {  	[sflag:s0] =	ssyncset.done $0x0  }
0x62: {  	s9 =	simm.s32 $0x280;
	[sflag:s0] =	ssyncadd.s32 $0xFFFFFF80  }
0x63: {  	[tilespmem:s6], [sflag:$0x3] =	stream.indirect.gather [hbm4b:s3+s28], $0x80, s21, s28, $0xb8;
	[tilespmem:$0x1D880] =	vst v63  }
.LBB2_2:
0x64: {  	s20 =	sadd.s32 $0xFFFFFF00, s9  }
0x65: {  	s21 =	sand.u32 $0xFC00, s20  }
0x66: {  	s20 =	sand.u32 $0x380, s20;
	s21 =	sadd.s32 s7, s21  }
0x67: {  	_ =	swait.ge [sflag:s8], $0x3200;
	s20 =	sor.u32 s20, s21  }
0x68: {  	[sflag:s8] =	ssyncset.done $0x0;
	s20 =	sshrl.u32 s20, $0x3  }
0x69: {  	p1 =	seq.s32 s9, $0x3280;
	[sflag:s8] =	ssyncadd.s32 $0xFFFFCE00;
	s19 =	sadd.s32 s4, s20  }
0x6a: {  	[tilespmem:s2], [sflag:$0x7] =	stream.linear.gather [hbm4b:s19+s2], $0x80, $0x38;
	[tilespmem:$0x1D880] =	vst v63  }
0x6b: {  	s21 =	sadd.s32 @!p1 $0xFFFFFF80, s9;
	_ =	swait.ge [sflag:s10], $0x80  }
0x6c: {  	s19 =	sand.u32 @!p1 $0xFC00, s21;
	[sflag:s10] =	ssyncset.done $0x0  }
0x6d: {  	s21 =	sand.u32 @!p1 $0x380, s21;
	s19 =	sadd.s32 @!p1 s7, s19;
	[sflag:s10] =	ssyncadd.s32 $0xFFFFFF80  }
0x6e: {  	[spmem:s1] =	stream.indirect.scatter.add.f32 [tilespmem:s29], [sflag:$0x4], $0x80, s22, s28, $0xb8;
	[tilespmem:$0x1D880] =	vst v63  }
0x6f: {  	s19 =	sor.u32 @!p1 s21, s19;
	_ =	swait.ge [sflag:s11], $0x3200  }
0x70: {  	s23 =	simm.s32 @!p1 $0x80;
	s19 =	sshrl.u32 @!p1 s19, $0x3;
	[sflag:s11] =	ssyncset.done $0x0  }
0x71: {  	s21 =	simm.s32 @!p1 $0x0;
	s19 =	sadd.s32 @!p1 s4, s19;
	[sflag:s11] =	ssyncadd.s32 $0xFFFFCE00  }
0x72: {  	[tilespmem:s23], [sflag:$0x8] =	stream.linear.gather @!p1 [hbm4b:s19+s21], $0x80, $0x38;
	[tilespmem:$0x1D880] =	vst v63  }
0x73: {  	_ =	swait.ge [sflag:s12], $0x80  }
0x74: {  	s19 =	sand.u32 @!p1 $0xFC00, s9;
	[sflag:s12] =	ssyncset.done $0x0  }
0x75: {  	s23 =	sand.u32 @!p1 $0x380, s9;
	s19 =	sadd.s32 @!p1 s7, s19;
	[sflag:s12] =	ssyncadd.s32 $0xFFFFFF80  }
0x76: {  	[spmem:s1] =	stream.indirect.scatter.add.f32 [tilespmem:s31], [sflag:$0x5], $0x80, s13, s28, $0xb8;
	[tilespmem:$0x1D880] =	vst v63  }
0x77: {  	s19 =	sor.u32 @!p1 s23, s19;
	_ =	swait.ge [sflag:s14], $0x3200  }
0x78: {  	s19 =	sshrl.u32 @!p1 s19, $0x3;
	[sflag:s14] =	ssyncset.done $0x0  }
0x79: {  	s23 =	simm.s32 @!p1 $0x100;
	s19 =	sadd.s32 @!p1 s4, s19;
	[sflag:s14] =	ssyncadd.s32 $0xFFFFCE00  }
0x7a: {  	[tilespmem:s23], [sflag:$0x9] =	stream.linear.gather @!p1 [hbm4b:s19+s21], $0x80, $0x38;
	[tilespmem:$0x1D880] =	vst v63  }
0x7b: {  	_ =	swait.ge [sflag:s15], $0x80  }
0x7c: {  	[sflag:s15] =	ssyncset.done $0x0  }
0x7d: {  	[sflag:s15] =	ssyncadd.s32 $0xFFFFFF80  }
0x7e: {  	[spmem:s1] =	stream.indirect.scatter.add.f32 [tilespmem:s6], [sflag:$0x6], $0x80, s25, s28, $0xb8;
	[tilespmem:$0x1D880] =	vst v63  }
0x7f: {  	_ =	swait.ge [sflag:s16], $0x3200  }
0x80: {  	[sflag:s16] =	ssyncset.done $0x0  }
0x81: {  	s23 =	sadd.s32 s5, s20;
	[sflag:s16] =	ssyncadd.s32 $0xFFFFCE00  }
0x82: {  	[tilespmem:s22], [sflag:$0xA] =	stream.linear.gather [hbm4b:s23+s2], $0x80, $0x38;
	[tilespmem:$0x1D880] =	vst v63  }
0x83: {  	_ =	swait.ge [sflag:s26], $0x80  }
0x84: {  	[sflag:s26] =	ssyncset.done $0x0  }
.Ltmp2:
0x85: {  	[sflag:s26] =	ssyncadd.s32 $0xFFFFFF80;
	(pc) =	sbr.rel @p1 .LBB2_4-.Ltmp2, $4  }
0x86: {  	[tilespmem:s29], [sflag:$0x1] =	stream.indirect.gather [hbm4b:s3+s28], $0x80, s2, s28, $0xb8;
	[tilespmem:$0x1D880] =	vst v63  }
0x87: {  	_ =	swait.ge [sflag:s17], $0x3200  }
0x88: {  	[sflag:s17] =	ssyncset.done $0x0  }
0x89: {  	[sflag:s17] =	ssyncadd.s32 $0xFFFFCE00  }
0x8a: {  	s19 =	sadd.s32 $0xFFFFFF80, s9  }
0x8b: {  	s20 =	sand.u32 $0xFC00, s19  }
0x8c: {  	s19 =	sand.u32 $0x380, s19;
	s20 =	sadd.s32 s7, s20  }
0x8d: {  	s19 =	sor.u32 s19, s20  }
0x8e: {  	s19 =	sshrl.u32 s19, $0x3  }
0x8f: {  	s19 =	sadd.s32 s5, s19  }
0x90: {  	[tilespmem:s13], [sflag:$0xB] =	stream.linear.gather [hbm4b:s19+s2], $0x80, $0x38;
	[tilespmem:$0x1D880] =	vst v63  }
0x91: {  	_ =	swait.ge [sflag:s30], $0x80  }
0x92: {  	s21 =	sand.u32 $0xFC00, s9;
	s23 =	sand.u32 $0x380, s9;
	[sflag:s30] =	ssyncset.done $0x0  }
0x93: {  	s20 =	simm.s32 $0x80;
	s19 =	sadd.s32 s7, s21;
	[sflag:s30] =	ssyncadd.s32 $0xFFFFFF80  }
0x94: {  	[tilespmem:s31], [sflag:$0x2] =	stream.indirect.gather [hbm4b:s3+s28], $0x80, s20, s28, $0xb8;
	[tilespmem:$0x1D880] =	vst v63  }
0x95: {  	s19 =	sor.u32 s23, s19;
	_ =	swait.ge [sflag:s18], $0x3200  }
0x96: {  	s19 =	sshrl.u32 s19, $0x3;
	[sflag:s18] =	ssyncset.done $0x0  }
0x97: {  	s19 =	sadd.s32 s5, s19;
	[sflag:s18] =	ssyncadd.s32 $0xFFFFCE00  }
0x98: {  	[tilespmem:s25], [sflag:$0xC] =	stream.linear.gather [hbm4b:s19+s2], $0x80, $0x38;
	[tilespmem:$0x1D880] =	vst v63  }
.Ltmp3:
0x99: {  	_ = 	snop;
	(pc) =	sbr.rel .LBB2_2-.Ltmp3, $4  }
0x9a: {  	_ =	swait.ge [sflag:s0], $0x80  }
0x9b: {  	[sflag:s0] =	ssyncset.done $0x0  }
0x9c: {  	s9 =	sadd.s32 $0x180, s9;
	[sflag:s0] =	ssyncadd.s32 $0xFFFFFF80  }
0x9d: {  	[tilespmem:s6], [sflag:$0x3] =	stream.indirect.gather [hbm4b:s3+s28], $0x80, s24, s28, $0xb8;
	[tilespmem:$0x1D880] =	vst v63  }
.LBB2_5:
0x9e: {  	_ =	sfence.sel $0x180000  }
0x9f: {  	[bflag:$0x0] =	sbarrier.arrive $0xFFFF  }
0xa0: {  	_ =	strace $0x9000004D  }
0xa1: {  	[bflag:$0x2] =	sbarrier.arrive $0xFFFF  }
0xa2: {  	s0 =	rddreg [dreg:$0x2]  }
0xa3: {  	s0 =	sadd.s32 @!p0 $0x100000, s0  }
0xa4: {  	[sflag:s0] =	ssyncadd.tile.s32 @!p0 $0x1;
	_ =	shalt  }
.Lfunc_end2:
_tile_overlayer_lowered:
.L_overlay_start_2:
0xa5: {  	(tag) =	ssettag $0x2  }
0xa6: {  	s0 =	rddreg [dreg:$0x0];
	s2 =	stileid.u32  }
0xa7: {  	s1 =	rddreg [dreg:$0x1];
	p0 =	sne.s32 s2, $0x0  }
0xa8: {  	s3 =	rddreg [dreg:$0x2];
	[bflag:$0x3] =	sbarrier.arrive $0xFFFF;
	s2 =	simm.s32 @!p0 $0x1C0D  }
0xa9: {  	[timem:s3], [sflag:s2] =	dma.local @!p0 [hbm:s0], s1  }
0xaa: {  	s0 =	simm.s32 @!p0 $0xD  }
0xab: {  	_ =	swait.ge @!p0 [sflag:s0], s1  }
0xac: {  	s1 =	ssub.s32 @!p0 $0x0, s1;
	[sflag:s0] =	ssyncset.done @!p0 $0x0  }
0xad: {  	[sflag:s0] =	ssyncadd.s32 @!p0 s1  }
0xae: {  	[bflag:$0x3] =	sbarrier.arrive $0xFFFF  }
0xaf: {  	_ =	shalt  }

// kernel: kernel.21.cloned.1.call-start
scs
__scs_entry_jumppad:
0x0: {  	(pc) =	sbr.rel $0x88, $3  }
0x1: {  	(tag) =	ssettag $0x0;
	lr =	simm.s32 $0x1  }
0x2: {  	[smem:$0x3F8D] =	sst lr;
	_ =	strace $0xD0000000  }
0x3: {  	_ = 	snop  }
0x4: {  	_ = 	snop  }
0x5: {  	_ = 	snop  }
0x6: {  	_ = 	snop  }
0x7: {  	_ = 	snop  }
__scs_overlays_trampoline_lowered:
0x8: {  	[smem:$0x3F9C] =	sst s0  }
0x9: {  	[smem:$0x3F9D] =	sst s1  }
0xa: {  	[smem:$0x3F9E] =	sst s2  }
0xb: {  	[smem:$0x3F9F] =	sst s3  }
0xc: {  	[smem:$0x3FA0] =	sst s4  }
0xd: {  	[smem:$0x3FA1] =	sst s5  }
0xe: {  	[smem:$0x3FA2] =	sst s6  }
0xf: {  	[smem:$0x3FA3] =	sst s7  }
0x10: {  	[smem:$0x3FA4] =	sst s8  }
0x11: {  	[smem:$0x3FA5] =	sst s9;
	s0 =	simm.s32 @!p0 $0x0  }
0x12: {  	s1 =	sld [smem:$0x3F8B];
	s0 =	simm.s32 @p0 $0x1  }
0x13: {  	[smem:$0x3FA6] =	sst s0;
	s0 =	simm.s32 @!p1 $0x0  }
0x14: {  	s2 =	sld [smem:$0x3F8A];
	s0 =	simm.s32 @p1 $0x1  }
0x15: {  	[smem:$0x3FA7] =	sst s0;
	s0 =	simm.s32 @!p2 $0x0  }
0x16: {  	s3 =	sld [smem:$0x3FDB];
	s0 =	simm.s32 @p2 $0x1  }
0x17: {  	s4 =	simm.s32 $0x1BF5;
	[smem:$0x3FA9] =	sst s0  }
0x18: {  	s0 =	sld [smem:$0x3F8C];
	_ =	swait.ge [sflag:s4], $0x0  }
0x19: {  	s7 =	sld [smem:$0x3F8D]  }
0x1a: {  	s8 =	sadd.s32 $0xFFFFE003, lr  }
0x1b: {  	s9 =	sadd.s32 $0xFFFFFEF7, lr;
	s5 =	simm.s32 $0xFFFFFFFF;
	p2 =	slt.u32 s8, $0xFFFFF086  }
0x1c: {  	p1 =	slt.u32 s9, $0xF7A;
	s5 =	simm.s32 @!p2 $0x0  }
0x1d: {  	s5 =	simm.s32 @p1 $0x1;
	p0 =	seq.s32 s7, s2  }
0x1e: {  	s7 =	smul.u32 @!p0 $0xF7A, s2;
	p2 =	seq.s32 @!p0 s5, $0x0  }
0x1f: {  	s9 =	smul.u32 $0xF7A, s1;
	s8 =	simm.s32 @!p0 $0x1BF5;
	p2 =	por !p2, p0  }
0x20: {  	[sflag:s8] =	ssyncset.s32 @!p0 $0xFFFFF086;
	s6 =	sadd.s32 @!p0 s3, s7;
	s7 =	simm.s32 @!p0 $0x108  }
0x21: {  	s3 =	sadd.s32 s3, s9;
	s6 =	sadd.s32 @!p0 $0x88, s6;
	s7 =	simm.s32 @p2 $0x1082  }
0x22: {  	[simem:s7], [sflag:s8] =	dma.local @!p0 [hbm:s6], $0xF7A  }
0x23: {  	s9 =	sor.u32 $0xD0000000, s2;
	s6 =	simm.s32 $0x108;
	_ =	swait.ge @!p0 [sflag:s8], $0x0  }
0x24: {  	s3 =	sadd.s32 $0x88, s3;
	s6 =	simm.s32 @!p1 $0x1082;
	[sflag:s4] =	ssyncset.s32 $0xFFFFF086  }
0x25: {  	[simem:s6], [sflag:s4] =	dma.local [hbm:s3], $0xF7A  }
0x26: {  	[smem:$0x3F8D] =	sst s1;
	(tag) =	ssettag s2;
	_ =	strace s9  }
0x27: {  	s1 =	sld [smem:$0x3F9D]  }
0x28: {  	s2 =	sld [smem:$0x3F9E]  }
0x29: {  	s4 =	sld [smem:$0x3FA0]  }
0x2a: {  	p0 =	seq.s32 s5, $0x0;
	s5 =	sld [smem:$0x3FA1]  }
0x2b: {  	s6 =	sld [smem:$0x3FA2]  }
0x2c: {  	s7 =	sld [smem:$0x3FA3]  }
0x2d: {  	s3 =	simm.s32 $0x108;
	s8 =	sld [smem:$0x3FA4]  }
0x2e: {  	s3 =	simm.s32 @!p0 $0x1082;
	s9 =	sld [smem:$0x3FA5]  }
0x2f: {  	lr =	sadd.s32 s0, s3;
	s0 =	sld [smem:$0x3F9C]  }
0x30: {  	s3 =	sld [smem:$0x3F9F]  }
0x31: {  	[smem:$0x3FA8] =	sst s10  }
0x32: {  	s10 =	sld [smem:$0x3FA6];
	_ =	sdelay $0x3  }
0x33: {  	p0 =	seq.s32 s10, $0x1;
	s10 =	sld [smem:$0x3FA8];
	_ =	sdelay $0x3  }
0x34: {  	[smem:$0x3FA8] =	sst s10  }
0x35: {  	s10 =	sld [smem:$0x3FA7];
	_ =	sdelay $0x3  }
0x36: {  	p1 =	seq.s32 s10, $0x1;
	s10 =	sld [smem:$0x3FA8];
	_ =	sdelay $0x3  }
0x37: {  	[smem:$0x3FA8] =	sst s10  }
0x38: {  	s10 =	sld [smem:$0x3FA9]  }
0x39: {  	_ = 	snop;
	(pc) =	sbr.ind lr, $3  }
0x3a: {  	_ = 	snop  }
0x3b: {  	_ = 	snop  }
0x3c: {  	p2 =	seq.s32 s10, $0x1;
	s10 =	sld [smem:$0x3FA8]  }
0x3d: {  	_ =	shalt  }
0x3e: {  	_ =	shalt  }
0x3f: {  	_ =	shalt  }
0x40: {  	_ =	shalt  }
0x41: {  	_ =	shalt  }
0x42: {  	_ =	shalt  }
0x43: {  	_ =	shalt  }
0x44: {  	_ =	shalt  }
0x45: {  	_ =	shalt  }
0x46: {  	_ =	shalt  }
0x47: {  	_ =	shalt  }
0x48: {  	_ =	shalt  }
0x49: {  	_ =	shalt  }
0x4a: {  	_ =	shalt  }
0x4b: {  	_ =	shalt  }
0x4c: {  	_ =	shalt  }
0x4d: {  	_ =	shalt  }
0x4e: {  	_ =	shalt  }
0x4f: {  	_ =	shalt  }
0x50: {  	_ =	shalt  }
0x51: {  	_ =	shalt  }
0x52: {  	_ =	shalt  }
0x53: {  	_ =	shalt  }
0x54: {  	_ =	shalt  }
0x55: {  	_ =	shalt  }
0x56: {  	_ =	shalt  }
0x57: {  	_ =	shalt  }
0x58: {  	_ =	shalt  }
0x59: {  	_ =	shalt  }
0x5a: {  	_ =	shalt  }
0x5b: {  	_ =	shalt  }
0x5c: {  	_ =	shalt  }
0x5d: {  	_ =	shalt  }
0x5e: {  	_ =	shalt  }
0x5f: {  	_ =	shalt  }
0x60: {  	_ =	shalt  }
0x61: {  	_ =	shalt  }
0x62: {  	_ =	shalt  }
0x63: {  	_ =	shalt  }
0x64: {  	_ =	shalt  }
0x65: {  	_ =	shalt  }
0x66: {  	_ =	shalt  }
0x67: {  	_ =	shalt  }
0x68: {  	_ =	shalt  }
0x69: {  	_ =	shalt  }
0x6a: {  	_ =	shalt  }
0x6b: {  	_ =	shalt  }
0x6c: {  	_ =	shalt  }
0x6d: {  	_ =	shalt  }
0x6e: {  	_ =	shalt  }
0x6f: {  	_ =	shalt  }
0x70: {  	_ =	shalt  }
0x71: {  	_ =	shalt  }
0x72: {  	_ =	shalt  }
0x73: {  	_ =	shalt  }
0x74: {  	_ =	shalt  }
0x75: {  	_ =	shalt  }
0x76: {  	_ =	shalt  }
0x77: {  	_ =	shalt  }
0x78: {  	_ =	shalt  }
0x79: {  	_ =	shalt  }
0x7a: {  	_ =	shalt  }
0x7b: {  	_ =	shalt  }
0x7c: {  	_ =	shalt  }
0x7d: {  	_ =	shalt  }
0x7e: {  	_ =	shalt  }
0x7f: {  	_ =	shalt  }
0x80: {  	_ =	shalt  }
0x81: {  	_ =	shalt  }
0x82: {  	_ =	shalt  }
0x83: {  	_ =	shalt  }
0x84: {  	_ =	shalt  }
0x85: {  	_ =	shalt  }
0x86: {  	_ =	shalt  }
0x87: {  	_ =	shalt  }
.Lfunc_end0:
.L_simem_size_0:
called_computation.3_lowered:
.L_overlay_start_0:
0x88: {  	s2 =	sld [smem:$0x3FD9]  }
0x89: {  	s3 =	sld [smem:$0x3FFE];
	_ =	sdelay $0x1  }
0x8a: {  	s1 =	srdreg.scid  }
0x8b: {  	s0 =	sand.u32 $0x1, s1  }
0x8c: {  	s16 =	sshll.u32 s0, $0xA;
	s2 =	sadd.s32 s3, s2  }
0x8d: {  	s2 =	sadd.s32 s2, s16  }
0x8e: {  	[smem:$0x3FB4] =	sst s2  }
0x8f: {  	_ = 	snop  }
0x90: {  	(tm) =	ssettm $0x1  }
0x91: {  	s17 =	sld [smem:$0x3FFB];
	_ =	sdelay $0x3  }
0x92: {  	_ =	strace s17  }
0x93: {  	s2 =	sld [smem:$0x3FFC];
	_ =	sdelay $0x3  }
0x94: {  	_ =	strace s2  }
0x95: {  	s2 =	sld [smem:$0x3FFD];
	_ =	sdelay $0x3  }
0x96: {  	_ =	strace s2  }
0x97: {  	_ =	strace $0x8FFFFFFF  }
0x98: {  	s18 =	sld [smem:$0x3FDB];
	_ =	sdelay $0x1  }
0x99: {  	s19 =	simm.s32 $_scs_section_size  }
0x9a: {  	s4 =	simm.s32 $_size__tile_overlayer_lowered;
	s5 =	simm.s32 $_tile_overlayer_lowered  }
0x9b: {  	s22 =	simm.s32 $0x1BFF;
	s21 =	sshll.u32 s5, $0x1;
	s2 =	sadd.s32 s19, s18  }
0x9c: {  	s6 =	simm.s32 $0x0;
	s20 =	sshll.u32 s4, $0x1;
	s4 =	sadd.s32 s21, s2  }
0x9d: {  	[timem:s6], [sflag:s22] =	dma.local [hbm:s4], s20  }
0x9e: {  	_ =	swait.ge [sflag:s22], s20  }
0x9f: {  	s3 =	ssub.s32 $0x0, s20;
	[sflag:s22] =	ssyncset.done $0x0  }
0xa0: {  	[sflag:s22] =	ssyncadd.s32 s3;
	_ =	sdelay $0x1  }
0xa1: {  	s23 =	simm.s32 $0x1B8B  }
0xa2: {  	_ =	swait.ge [sflag:s23], $0x1  }
0xa3: {  	[sflag:s23] =	ssyncset.done $0x0  }
0xa4: {  	s25 =	simm.s32 $0x1B8E;
	s24 =	sld [smem:$0x3FFE];
	[sflag:s23] =	ssyncadd.s32 $0xFFFFFFFF  }
0xa5: {  	s26 =	simm.s32 $execute0_lowered;
	[smem:$0x3FD2] =	sst s25  }
0xa6: {  	s4 =	sshll.u32 s26, $0x1;
	_ =	strace $0x8000004F;
	[dreg:$0x1] =	wrdreg $0xFFFFFFFF  }
0xa7: {  	s28 =	simm.s32 $_size_execute0_lowered;
	s2 =	sadd.s32 s2, s4;
	[dreg:$0x0] =	wrdreg $0x0  }
0xa8: {  	s4 =	sshll.u32 s28, $0x1;
	[dreg:$0x2] =	wrdreg s2  }
0xa9: {  	[dreg:$0x3] =	wrdreg s4  }
0xaa: {  	[dreg:$0x4] =	wrdreg $0xC0  }
0xab: {  	_ =	task [dreg:s6], $0x5FFFF  }
0xac: {  	[dreg:$0x1] =	wrdreg $0xFFFFFFFF  }
0xad: {  	[dreg:$0x0] =	wrdreg $0x60  }
0xae: {  	[dreg:$0x2] =	wrdreg s24  }
0xaf: {  	[dreg:$0x3] =	wrdreg $0xA0000  }
0xb0: {  	[dreg:$0x4] =	wrdreg $0x9  }
0xb1: {  	_ =	task.clear_ibuf [dreg:s6], $0x5FFFF;
	_ =	strace $0x9000004F  }
0xb2: {  	s29 =	simm.s32 $0x9;
	_ =	strace $0x80000051  }
0xb3: {  	_ =	swait.ge [sflag:s29], $0x1  }
0xb4: {  	[sflag:s29] =	ssyncadd.s32 $0xFFFFFFFF  }
0xb5: {  	_ =	strace $0x90000051  }
0xb6: {  	_ =	sfence  }
0xb7: {  	s30 =	sld [smem:$0x0];
	_ =	sdelay $0x2  }
0xb8: {  	s31 =	sshll.u32 s1, $0xD;
	s1 =	sshrl.u32 s1, $0x2  }
0xb9: {  	s3 =	sand.u32 $0x4000, s31;
	s1 =	sadd.s32 s1, s30  }
0xba: {  	s0 =	sor.u32 s3, s0;
	s1 =	sshll.u32 s1, $0x11  }
0xbb: {  	s0 =	sor.u32 s1, s0  }
0xbc: {  	s0 =	sadd.s32 $0x8F2B, s0  }
0xbd: {  	[sflag:s0] =	ssyncadd.remote.s32 $0x1  }
0xbe: {  	_ =	sfence.sel $0xFFFF  }
0xbf: {  	[dreg:$0x0] =	wrdreg $0xFFFFFFFF;
	(pc) =	sbr.abs _section_cstart, $3  }
0xc0: {  	[dreg:$0x1] =	wrdreg $0xFFFFFFFF  }
0xc1: {  	_ =	task.clear_ibuf [dreg:s6], $0x2FFFF;
	_ =	strace $0x9FFFFFFF  }
0xc2: {  	(tm) =	ssettm $0x7FFFFFFF  }
0xc3: {  	_ =	shalt  }
tec
execute0_lowered:
.L_overlay_start_1:
0x0: {  	(tag) =	ssettag $0x1  }
0x1: {  	s0 =	rddreg [dreg:$0x0]  }
0x2: {  	s1 =	rddreg [dreg:$0x1];
	s2 =	simm.s32 $0x0  }
0x3: {  	s6 =	stileid.u32;
	s7 =	srdreg.scid;
	s28 =	simm.s32 $0x64  }
0x4: {  	s29 =	simm.s32 $0x400;
	s30 =	simm.s32 $0x8;
	s31 =	simm.s32 $0x3800  }
0x5: {  	[smem:$0x7FF] =	sst s2;
	s3 =	sadd.s32 $0x20400, s0;
	s8 =	smul.u32 $0x13800, s6  }
0x6: {  	s4 =	sadd.s32 $0x6400, s0;
	s5 =	sadd.s32 $0x13400, s0;
	s25 =	smul.u32 $0x4E000, s6  }
0x7: {  	s9 =	sand.u32 $0x1, s7;
	s14 =	smul.u32 $0x3400, s6;
	s15 =	sadd.s32 $0x6E800, s0  }
0x8: {  	s26 =	sshll.u32 s6, $0x6;
	s16 =	sadd.s32 $0x138000, s1;
	p0 =	sne.s32 s6, $0x0  }
0x9: {  	s6 =	simm.s32 $0x6C00;
	_ =	strace $0x80000050;
	s11 =	ssub.s32 $0x2, s9  }
0xa: {  	s12 =	smul.u32 $0x34000, s9;
	s19 =	sor.u32 $0x1C0D, s26;
	[dreg:$0x6] =	wrdreg s16  }
0xb: {  	s9 =	smul.u32 $0x138800, s9;
	s16 =	simm.s32 $0x4;
	s10 =	sshrl.u32 s8, $0x3  }
0xc: {  	s13 =	sshrl.u32 s11, $0x1;
	s7 =	sshrl.u32 s25, $0x2;
	[dreg:$0x5] =	wrdreg s19  }
0xd: {  	s10 =	sadd.s32 s10, s0;
	s11 =	ssub.s32 s11, s13;
	s7 =	sadd.s32 s7, s1  }
0xe: {  	s0 =	sadd.s32 $0x6E600, s0;
	s8 =	sadd.s32 s8, s9;
	s9 =	sshrl.u32 s9, $0x3  }
0xf: {  	s13 =	simm.s32 $0x280;
	[dreg:$0x3] =	wrdreg s7;
	s7 =	sadd.s32 s14, s12  }
0x10: {  	s10 =	sadd.s32 $0x47600, s10;
	[dreg:$0x7] =	wrdreg s0;
	s23 =	sshrl.u32 s8, $0x3  }
0x11: {  	s24 =	sadd.s32 s15, s9;
	s26 =	smax.u32 s11, $0x1;
	s8 =	simm.s32 $0x1  }
0x12: {  	s11 =	simm.s32 $0x2;
	s12 =	simm.s32 $0xB;
	[dreg:$0x4] =	wrdreg s10  }
0x13: {  	s14 =	sshrl.u32 s7, $0x3;
	s25 =	sadd.s32 $0x27000, s24;
	[dreg:$0x10] =	wrdreg s26  }
0x14: {  	s26 =	simm.s32 $0x7;
	s24 =	simm.s32 $0x100;
	s17 =	sadd.s32 s4, s14  }
0x15: {  	s18 =	sadd.s32 s5, s14;
	s20 =	sor.u32 $0x10, s14;
	[dreg:$0xf] =	wrdreg s25  }
0x16: {  	s22 =	sor.u32 $0x20, s14;
	s25 =	simm.s32 $0x300;
	[dreg:$0x8] =	wrdreg s17  }
0x17: {  	s14 =	simm.s32 $0x3;
	[dreg:$0x9] =	wrdreg s18;
	s21 =	sadd.s32 s4, s20  }
0x18: {  	s0 =	sadd.s32 s5, s20;
	s10 =	sadd.s32 s4, s22;
	[dreg:$0xa] =	wrdreg s21  }
.Ltmp0:
0x19: {  	s17 =	simm.s32 $0x5;
	[dreg:$0xb] =	wrdreg s0;
	(pc) =	sbr.rel .LBB2_1-.Ltmp0, $4  }
0x1a: {  	s18 =	simm.s32 $0x6;
	[dreg:$0xc] =	wrdreg s10;
	s0 =	sadd.s32 s5, s22  }
0x1b: {  	s21 =	simm.s32 $0xD;
	s22 =	simm.s32 $0x200;
	s10 =	simm.s32 $0xA  }
0x1c: {  	[dreg:$0xd] =	wrdreg s0;
	s0 =	sadd.s32 s15, s23;
	s15 =	simm.s32 $0xC  }
0x1d: {  	s23 =	simm.s32 $0x0;
	[dreg:$0xe] =	wrdreg s0;
	s0 =	simm.s32 $0x9  }
.LBB2_4:
0x1e: {  	_ =	swait.ge [sflag:s18], $0x3200  }
0x1f: {  	[sflag:s18] =	ssyncset.done $0x0  }
0x20: {  	[sflag:s18] =	ssyncadd.s32 $0xFFFFCE00  }
0x21: {  	_ =	swait.ge [sflag:s8], $0x3200  }
0x22: {  	[sflag:s8] =	ssyncset.done $0x0  }
0x23: {  	[sflag:s8] =	ssyncadd.s32 $0xFFFFCE00  }
0x24: {  	_ =	swait.ge [sflag:s10], $0x80  }
0x25: {  	[sflag:s10] =	ssyncset.done $0x0  }
0x26: {  	[sflag:s10] =	ssyncadd.s32 $0xFFFFFF80  }
0x27: {  	[spmem:s1] =	stream.indirect.scatter.add.f32 [tilespmem:s29], [sflag:$0x4], $0x80, s22, s28, $0xb8;
	[tilespmem:$0x1D880] =	vst v63  }
0x28: {  	_ =	swait.ge [sflag:s16], $0x3200  }
0x29: {  	[sflag:s16] =	ssyncset.done $0x0  }
0x2a: {  	[sflag:s16] =	ssyncadd.s32 $0xFFFFCE00  }
0x2b: {  	[bflag:$0x0] =	sbarrier.arrive $0xFFFF  }
0x2c: {  	s19 =	rddreg [dreg:$0x5]  }
0x2d: {  	s9 =	rddreg [dreg:$0xe]  }
0x2e: {  	s21 =	simm.s32 $0xD;
	s20 =	rddreg [dreg:$0x12]  }
0x2f: {  	[hbm:s9], [sflag:s19] =	dma.local [spmem:s20], $0x2700  }
0x30: {  	_ =	swait.ge [sflag:s21], $0x2700  }
0x31: {  	[sflag:s21] =	ssyncset.done $0x0;
	s9 =	rddreg [dreg:$0xf]  }
0x32: {  	s20 =	rddreg [dreg:$0x13];
	[sflag:s21] =	ssyncadd.s32 $0xFFFFD900  }
0x33: {  	[hbm:s9], [sflag:s19] =	dma.local @!p0 [spmem:s20], $0x100  }
0x34: {  	s9 =	simm.s32 @!p0 $0xD  }
0x35: {  	_ =	swait.ge @!p0 [sflag:s9], $0x100  }
0x36: {  	s23 =	rddreg [dreg:$0x11]  }
0x37: {  	s20 =	rddreg [dreg:$0x10];
	s23 =	sadd.s32 $0x1, s23  }
0x38: {  	p1 =	sne.s32 s23, s20  }
.Ltmp1:
0x39: {  	_ = 	snop;
	(pc) =	sbr.rel @!p1 .LBB2_5-.Ltmp1, $3  }
0x3a: {  	_ =	sdelay $0x1  }
0x3b: {  	[sflag:s9] =	ssyncset.done @!p0 $0x0  }
0x3c: {  	[sflag:s9] =	ssyncadd.s32 @!p0 $0xFFFFFF00  }
.LBB2_1:
0x3d: {  	[dreg:$0x11] =	wrdreg s23  }
0x3e: {  	s9 =	rddreg [dreg:$0x3]  }
0x3f: {  	s23 =	rddreg [dreg:$0x4];
	s20 =	sshrl.u32 s9, $0x3  }
0x40: {  	[dreg:$0x12] =	wrdreg s20  }
0x41: {  	[spmem:s20], [sflag:s19] =	dma.local [hbm:s23], $0x2700  }
0x42: {  	_ =	swait.ge [sflag:s21], $0x2700  }
0x43: {  	s9 =	rddreg [dreg:$0x6]  }
0x44: {  	[sflag:s21] =	ssyncset.done $0x0;
	s20 =	sshrl.u32 @!p0 s9, $0x3;
	s9 =	rddreg [dreg:$0x7]  }
0x45: {  	[sflag:s21] =	ssyncadd.s32 $0xFFFFD900;
	[dreg:$0x13] =	wrdreg s20  }
0x46: {  	[spmem:s20], [sflag:s19] =	dma.local @!p0 [hbm:s9], $0x100  }
0x47: {  	s9 =	simm.s32 @!p0 $0xD  }
0x48: {  	_ =	swait.ge @!p0 [sflag:s9], $0x100  }
0x49: {  	[sflag:s9] =	ssyncset.done @!p0 $0x0  }
0x4a: {  	[sflag:s9] =	ssyncadd.s32 @!p0 $0xFFFFFF00  }
0x4b: {  	[bflag:$0x0] =	sbarrier.arrive $0xFFFF  }
0x4c: {  	s19 =	rddreg [dreg:$0x8]  }
0x4d: {  	[tilespmem:s2], [sflag:$0x7] =	stream.linear.gather [hbm4b:s19+s2], $0x80, $0x38;
	[tilespmem:$0x1D880] =	vst v63  }
0x4e: {  	s20 =	rddreg [dreg:$0x9]  }
0x4f: {  	[tilespmem:s22], [sflag:$0xA] =	stream.linear.gather [hbm4b:s20+s2], $0x80, $0x38;
	[tilespmem:$0x1D880] =	vst v63  }
0x50: {  	s21 =	rddreg [dreg:$0xa];
	s19 =	simm.s32 $0x80  }
0x51: {  	[tilespmem:s19], [sflag:$0x8] =	stream.linear.gather [hbm4b:s21+s2], $0x80, $0x38;
	[tilespmem:$0x1D880] =	vst v63  }
0x52: {  	s23 =	rddreg [dreg:$0xb]  }
0x53: {  	[tilespmem:s13], [sflag:$0xB] =	stream.linear.gather [hbm4b:s23+s2], $0x80, $0x38;
	[tilespmem:$0x1D880] =	vst v63  }
0x54: {  	s20 =	rddreg [dreg:$0xc];
	s21 =	simm.s32 $0x100  }
0x55: {  	[tilespmem:s21], [sflag:$0x9] =	stream.linear.gather [hbm4b:s20+s2], $0x80, $0x38;
	[tilespmem:$0x1D880] =	vst v63  }
0x56: {  	s23 =	rddreg [dreg:$0xd]  }
0x57: {  	[tilespmem:s25], [sflag:$0xC] =	stream.linear.gather [hbm4b:s23+s2], $0x80, $0x38;
	[tilespmem:$0x1D880] =	vst v63  }
0x58: {  	_ =	swait.ge [sflag:s26], $0x80  }
0x59: {  	[sflag:s26] =	ssyncset.done $0x0  }
0x5a: {  	[sflag:s26] =	ssyncadd.s32 $0xFFFFFF80  }
0x5b: {  	[tilespmem:s29], [sflag:$0x1] =	stream.indirect.gather [hbm4b:s3+s28], $0x80, s2, s28, $0xb8;
	[tilespmem:$0x1D880] =	vst v63  }
0x5c: {  	_ =	swait.ge [sflag:s30], $0x80  }
0x5d: {  	[sflag:s30] =	ssyncset.done $0x0  }
0x5e: {  	[sflag:s30] =	ssyncadd.s32 $0xFFFFFF80  }
0x5f: {  	[tilespmem:s31], [sflag:$0x2] =	stream.indirect.gather [hbm4b:s3+s28], $0x80, s19, s28, $0xb8;
	[tilespmem:$0x1D880] =	vst v63  }
0x60: {  	_ =	swait.ge [sflag:s0], $0x80  }
0x61: {  	[sflag:s0] =	ssyncset.done $0x0  }
0x62: {  	s9 =	simm.s32 $0x280;
	[sflag:s0] =	ssyncadd.s32 $0xFFFFFF80  }
0x63: {  	[tilespmem:s6], [sflag:$0x3] =	stream.indirect.gather [hbm4b:s3+s28], $0x80, s21, s28, $0xb8;
	[tilespmem:$0x1D880] =	vst v63  }
.LBB2_2:
0x64: {  	s20 =	sadd.s32 $0xFFFFFF00, s9  }
0x65: {  	s21 =	sand.u32 $0xFC00, s20  }
0x66: {  	s20 =	sand.u32 $0x380, s20;
	s21 =	sadd.s32 s7, s21  }
0x67: {  	_ =	swait.ge [sflag:s8], $0x3200;
	s20 =	sor.u32 s20, s21  }
0x68: {  	[sflag:s8] =	ssyncset.done $0x0;
	s20 =	sshrl.u32 s20, $0x3  }
0x69: {  	p1 =	seq.s32 s9, $0x3280;
	[sflag:s8] =	ssyncadd.s32 $0xFFFFCE00;
	s19 =	sadd.s32 s4, s20  }
0x6a: {  	[tilespmem:s2], [sflag:$0x7] =	stream.linear.gather [hbm4b:s19+s2], $0x80, $0x38;
	[tilespmem:$0x1D880] =	vst v63  }
0x6b: {  	s21 =	sadd.s32 @!p1 $0xFFFFFF80, s9;
	_ =	swait.ge [sflag:s10], $0x80  }
0x6c: {  	s19 =	sand.u32 @!p1 $0xFC00, s21;
	[sflag:s10] =	ssyncset.done $0x0  }
0x6d: {  	s21 =	sand.u32 @!p1 $0x380, s21;
	s19 =	sadd.s32 @!p1 s7, s19;
	[sflag:s10] =	ssyncadd.s32 $0xFFFFFF80  }
0x6e: {  	[spmem:s1] =	stream.indirect.scatter.add.f32 [tilespmem:s29], [sflag:$0x4], $0x80, s22, s28, $0xb8;
	[tilespmem:$0x1D880] =	vst v63  }
0x6f: {  	s19 =	sor.u32 @!p1 s21, s19;
	_ =	swait.ge [sflag:s11], $0x3200  }
0x70: {  	s23 =	simm.s32 @!p1 $0x80;
	s19 =	sshrl.u32 @!p1 s19, $0x3;
	[sflag:s11] =	ssyncset.done $0x0  }
0x71: {  	s21 =	simm.s32 @!p1 $0x0;
	s19 =	sadd.s32 @!p1 s4, s19;
	[sflag:s11] =	ssyncadd.s32 $0xFFFFCE00  }
0x72: {  	[tilespmem:s23], [sflag:$0x8] =	stream.linear.gather @!p1 [hbm4b:s19+s21], $0x80, $0x38;
	[tilespmem:$0x1D880] =	vst v63  }
0x73: {  	_ =	swait.ge [sflag:s12], $0x80  }
0x74: {  	s19 =	sand.u32 @!p1 $0xFC00, s9;
	[sflag:s12] =	ssyncset.done $0x0  }
0x75: {  	s23 =	sand.u32 @!p1 $0x380, s9;
	s19 =	sadd.s32 @!p1 s7, s19;
	[sflag:s12] =	ssyncadd.s32 $0xFFFFFF80  }
0x76: {  	[spmem:s1] =	stream.indirect.scatter.add.f32 [tilespmem:s31], [sflag:$0x5], $0x80, s13, s28, $0xb8;
	[tilespmem:$0x1D880] =	vst v63  }
0x77: {  	s19 =	sor.u32 @!p1 s23, s19;
	_ =	swait.ge [sflag:s14], $0x3200  }
0x78: {  	s19 =	sshrl.u32 @!p1 s19, $0x3;
	[sflag:s14] =	ssyncset.done $0x0  }
0x79: {  	s23 =	simm.s32 @!p1 $0x100;
	s19 =	sadd.s32 @!p1 s4, s19;
	[sflag:s14] =	ssyncadd.s32 $0xFFFFCE00  }
0x7a: {  	[tilespmem:s23], [sflag:$0x9] =	stream.linear.gather @!p1 [hbm4b:s19+s21], $0x80, $0x38;
	[tilespmem:$0x1D880] =	vst v63  }
0x7b: {  	_ =	swait.ge [sflag:s15], $0x80  }
0x7c: {  	[sflag:s15] =	ssyncset.done $0x0  }
0x7d: {  	[sflag:s15] =	ssyncadd.s32 $0xFFFFFF80  }
0x7e: {  	[spmem:s1] =	stream.indirect.scatter.add.f32 [tilespmem:s6], [sflag:$0x6], $0x80, s25, s28, $0xb8;
	[tilespmem:$0x1D880] =	vst v63  }
0x7f: {  	_ =	swait.ge [sflag:s16], $0x3200  }
0x80: {  	[sflag:s16] =	ssyncset.done $0x0  }
0x81: {  	s23 =	sadd.s32 s5, s20;
	[sflag:s16] =	ssyncadd.s32 $0xFFFFCE00  }
0x82: {  	[tilespmem:s22], [sflag:$0xA] =	stream.linear.gather [hbm4b:s23+s2], $0x80, $0x38;
	[tilespmem:$0x1D880] =	vst v63  }
0x83: {  	_ =	swait.ge [sflag:s26], $0x80  }
0x84: {  	[sflag:s26] =	ssyncset.done $0x0  }
.Ltmp2:
0x85: {  	[sflag:s26] =	ssyncadd.s32 $0xFFFFFF80;
	(pc) =	sbr.rel @p1 .LBB2_4-.Ltmp2, $4  }
0x86: {  	[tilespmem:s29], [sflag:$0x1] =	stream.indirect.gather [hbm4b:s3+s28], $0x80, s2, s28, $0xb8;
	[tilespmem:$0x1D880] =	vst v63  }
0x87: {  	_ =	swait.ge [sflag:s17], $0x3200  }
0x88: {  	[sflag:s17] =	ssyncset.done $0x0  }
0x89: {  	[sflag:s17] =	ssyncadd.s32 $0xFFFFCE00  }
0x8a: {  	s19 =	sadd.s32 $0xFFFFFF80, s9  }
0x8b: {  	s20 =	sand.u32 $0xFC00, s19  }
0x8c: {  	s19 =	sand.u32 $0x380, s19;
	s20 =	sadd.s32 s7, s20  }
0x8d: {  	s19 =	sor.u32 s19, s20  }
0x8e: {  	s19 =	sshrl.u32 s19, $0x3  }
0x8f: {  	s19 =	sadd.s32 s5, s19  }
0x90: {  	[tilespmem:s13], [sflag:$0xB] =	stream.linear.gather [hbm4b:s19+s2], $0x80, $0x38;
	[tilespmem:$0x1D880] =	vst v63  }
0x91: {  	_ =	swait.ge [sflag:s30], $0x80  }
0x92: {  	s21 =	sand.u32 $0xFC00, s9;
	s23 =	sand.u32 $0x380, s9;
	[sflag:s30] =	ssyncset.done $0x0  }
0x93: {  	s20 =	simm.s32 $0x80;
	s19 =	sadd.s32 s7, s21;
	[sflag:s30] =	ssyncadd.s32 $0xFFFFFF80  }
0x94: {  	[tilespmem:s31], [sflag:$0x2] =	stream.indirect.gather [hbm4b:s3+s28], $0x80, s20, s28, $0xb8;
	[tilespmem:$0x1D880] =	vst v63  }
0x95: {  	s19 =	sor.u32 s23, s19;
	_ =	swait.ge [sflag:s18], $0x3200  }
0x96: {  	s19 =	sshrl.u32 s19, $0x3;
	[sflag:s18] =	ssyncset.done $0x0  }
0x97: {  	s19 =	sadd.s32 s5, s19;
	[sflag:s18] =	ssyncadd.s32 $0xFFFFCE00  }
0x98: {  	[tilespmem:s25], [sflag:$0xC] =	stream.linear.gather [hbm4b:s19+s2], $0x80, $0x38;
	[tilespmem:$0x1D880] =	vst v63  }
.Ltmp3:
0x99: {  	_ = 	snop;
	(pc) =	sbr.rel .LBB2_2-.Ltmp3, $4  }
0x9a: {  	_ =	swait.ge [sflag:s0], $0x80  }
0x9b: {  	[sflag:s0] =	ssyncset.done $0x0  }
0x9c: {  	s9 =	sadd.s32 $0x180, s9;
	[sflag:s0] =	ssyncadd.s32 $0xFFFFFF80  }
0x9d: {  	[tilespmem:s6], [sflag:$0x3] =	stream.indirect.gather [hbm4b:s3+s28], $0x80, s24, s28, $0xb8;
	[tilespmem:$0x1D880] =	vst v63  }
.LBB2_5:
0x9e: {  	_ =	sfence.sel $0x180000  }
0x9f: {  	[bflag:$0x0] =	sbarrier.arrive $0xFFFF  }
0xa0: {  	_ =	strace $0x90000050  }
0xa1: {  	[bflag:$0x2] =	sbarrier.arrive $0xFFFF  }
0xa2: {  	s0 =	rddreg [dreg:$0x2]  }
0xa3: {  	s0 =	sadd.s32 @!p0 $0x100000, s0  }
0xa4: {  	[sflag:s0] =	ssyncadd.tile.s32 @!p0 $0x1;
	_ =	shalt  }
.Lfunc_end2:
_tile_overlayer_lowered:
.L_overlay_start_2:
0xa5: {  	(tag) =	ssettag $0x2  }
0xa6: {  	s0 =	rddreg [dreg:$0x0];
	s2 =	stileid.u32  }
0xa7: {  	s1 =	rddreg [dreg:$0x1];
	p0 =	sne.s32 s2, $0x0  }
0xa8: {  	s3 =	rddreg [dreg:$0x2];
	[bflag:$0x3] =	sbarrier.arrive $0xFFFF;
	s2 =	simm.s32 @!p0 $0x1C0D  }
0xa9: {  	[timem:s3], [sflag:s2] =	dma.local @!p0 [hbm:s0], s1  }
0xaa: {  	s0 =	simm.s32 @!p0 $0xD  }
0xab: {  	_ =	swait.ge @!p0 [sflag:s0], s1  }
0xac: {  	s1 =	ssub.s32 @!p0 $0x0, s1;
	[sflag:s0] =	ssyncset.done @!p0 $0x0  }
0xad: {  	[sflag:s0] =	ssyncadd.s32 @!p0 s1  }
0xae: {  	[bflag:$0x3] =	sbarrier.arrive $0xFFFF  }
0xaf: {  	_ =	shalt  }

</sc_bundles>
